<compile_context>
chip_gen: v7x
topology: tpu7x:2x2x1
jax: 0.10.2.dev20260603
libtpu: 0.0.44.dev20260713+nightly
codegen_flags: <defaults>
</compile_context>

<pallas_src>
import functools

import jax
import jax.numpy as jnp
from jax import lax
from jax.experimental import pallas as pl
from jax.experimental.pallas import tpu as pltpu
from jax.experimental.pallas import tpu_sc as plsc

_B = 16384
_D = 32
_NC = 2
_NS = 16
_NW = _NC * _NS
_BPW = _B // _NW
_CH = 16
_NCHK = _BPW // _CH
_NBUF = 2


def _sc_body(uidx_hbm, iidx_hbm, emb_u_hbm, emb_i_hbm, out_hbm,
             uidx_v, iidx_v, slab_u, slab_i, dot_v, sems_u, sems_i):
    c = lax.axis_index("c")
    s = lax.axis_index("s")
    wid = s * _NC + c
    base = wid * _BPW
    pltpu.sync_copy(uidx_hbm.at[pl.ds(base, _BPW)], uidx_v)
    pltpu.sync_copy(iidx_hbm.at[pl.ds(base, _BPW)], iidx_v)

    lanes = lax.iota(jnp.int32, 16)

    def fire(k, b):
        tu = uidx_v[pl.ds(k * _CH, 16)]
        ti = iidx_v[pl.ds(k * _CH, 16)]
        for i in range(_CH):
            pltpu.async_copy(emb_u_hbm.at[tu[i]],
                             slab_u.at[b, i], sems_u[b])
            pltpu.async_copy(emb_i_hbm.at[ti[i]],
                             slab_i.at[b, i], sems_i[b])

    def drain(b):
        pltpu.make_async_copy(emb_u_hbm.at[pl.ds(0, _CH)],
                              slab_u.at[b], sems_u[b]).wait()
        pltpu.make_async_copy(emb_i_hbm.at[pl.ds(0, _CH)],
                              slab_i.at[b], sems_i[b]).wait()

    def compute(k, b):
        bv = jnp.full((16,), b, jnp.int32)
        zv = jnp.zeros((16,), jnp.int32)
        acc = jnp.zeros((16,), jnp.float32)
        for d in range(_D):
            dv = jnp.full((16,), d, jnp.int32)
            uv = plsc.load_gather(slab_u, [bv, lanes, zv, dv])
            iv = plsc.load_gather(slab_i, [bv, lanes, zv, dv])
            acc = acc + uv * iv
        dot_v[pl.ds(k * _CH, 16)] = acc

    fire(0, 0)

    def loop_body(k2, _):
        for half in range(_NBUF):
            k = k2 * _NBUF + half

            @pl.when(k + 1 < _NCHK)
            def _(k=k, half=half):
                fire(k + 1, (half + 1) % _NBUF)

            drain(half)
            compute(k, half)
        return ()

    lax.fori_loop(0, _NCHK // _NBUF, loop_body, ())
    pltpu.sync_copy(dot_v, out_hbm.at[pl.ds(base, _BPW)])


@functools.partial(
    pl.kernel,
    out_type=jax.ShapeDtypeStruct((_B,), jnp.float32),
    mesh=plsc.VectorSubcoreMesh(core_axis_name="c", subcore_axis_name="s",
                                num_cores=_NC, num_subcores=_NS),
    compiler_params=pltpu.CompilerParams(needs_layout_passes=False),
    scratch_types=[
        pltpu.VMEM((_BPW,), jnp.int32),
        pltpu.VMEM((_BPW,), jnp.int32),
        pltpu.VMEM((_NBUF, _CH, 1, _D), jnp.float32),
        pltpu.VMEM((_NBUF, _CH, 1, _D), jnp.float32),
        pltpu.VMEM((_BPW,), jnp.float32),
        [pltpu.SemaphoreType.DMA for _ in range(_NBUF)],
        [pltpu.SemaphoreType.DMA for _ in range(_NBUF)],
    ],
)
def _sc_dot(uidx_hbm, iidx_hbm, emb_u_hbm, emb_i_hbm, out_hbm,
            uidx_v, iidx_v, slab_u, slab_i, dot_v, sems_u, sems_i):
    _sc_body(uidx_hbm, iidx_hbm, emb_u_hbm, emb_i_hbm, out_hbm,
             uidx_v, iidx_v, slab_u, slab_i, dot_v, sems_u, sems_i)


def _tc_body(dot_ref, labels_ref, rating_ref, loss_ref):
    x = dot_ref[...]
    r = jax.nn.sigmoid(x)
    rating_ref[...] = r
    y = labels_ref[...]
    t = jnp.maximum(r, 0.0) - r * y + jnp.log1p(jnp.exp(-jnp.abs(r)))
    loss_ref[0, 0] = jnp.sum(t) / _B


def kernel(user_indices, item_indices, labels, emb_user, emb_item):
    emb_u3 = emb_user.reshape(1000000, 1, _D)
    emb_i3 = emb_item.reshape(1000000, 1, _D)
    dot = _sc_dot(user_indices, item_indices, emb_u3, emb_i3)

    rating2d, loss11 = pl.pallas_call(
        _tc_body,
        out_shape=[
            jax.ShapeDtypeStruct((_B // 128, 128), jnp.float32),
            jax.ShapeDtypeStruct((1, 1), jnp.float32),
        ],
        out_specs=[
            pl.BlockSpec(memory_space=pltpu.VMEM),
            pl.BlockSpec(memory_space=pltpu.SMEM),
        ],
    )(dot.reshape(_B // 128, 128), labels.reshape(_B // 128, 128))

    rating = rating2d.reshape(_B)
    loss = loss11.reshape(())
    return (loss, loss, rating, labels)

# --- scband reference (transcript-rebuilt; emitter-appended) ---
"""Pipeline reference for scband-mf-55929064129246 (READ-ONLY COPY).

The authoritative reference and input builder live on the scoring server;
editing this copy changes nothing except your own understanding.
"""

import jax, jax.numpy as jnp
import numpy as np

USER_NUM = 1000000
ITEM_NUM = 1000000
LATENT_DIM = 32
BATCH = 16384


def setup_inputs(seed: int = 0) -> dict:
    key = jax.random.key(seed)
    k1, k2, k3, k4, k5 = jax.random.split(key, 5)
    user_indices = jax.random.randint(k1, (BATCH,), 0, USER_NUM, dtype=jnp.int64 if jax.config.jax_enable_x64 else jnp.int32).astype(jnp.int32)
    item_indices = jax.random.randint(k2, (BATCH,), 0, ITEM_NUM, dtype=jnp.int32)
    labels = jax.random.uniform(k3, (BATCH,), dtype=jnp.float32)
    emb_user = jax.random.normal(k4, (USER_NUM, LATENT_DIM), dtype=jnp.float32) * 0.01
    emb_item = jax.random.normal(k5, (ITEM_NUM, LATENT_DIM), dtype=jnp.float32) * 0.01
    return {"user_indices": user_indices, "item_indices": item_indices, "labels": labels, "emb_user": emb_user, "emb_item": emb_item}


def _bce_with_logits(x, y):
    # numerically stable BCEWithLogitsLoss, mean reduction
    return jnp.mean(jnp.maximum(x, 0.0) - x * y + jnp.log1p(jnp.exp(-jnp.abs(x))))


def reference(user_indices, item_indices, labels, emb_user, emb_item):
    # embedding lookups (gather)
    user_embedding = jnp.take(emb_user, user_indices, axis=0)
    item_embedding = jnp.take(emb_item, item_indices, axis=0)
    # mode='base' (not in special modes) -> else branch of original forward
    predict_rating = jax.nn.sigmoid(jnp.sum(user_embedding * item_embedding, axis=1))
    # NOTE: original code (faithfully) applies BCEWithLogitsLoss to the
    # already-sigmoided rating, treating it as logits.
    loss = _bce_with_logits(predict_rating, labels)
    # dict -> tuple: (loss, original_loss, rating, labels)
    return (loss, loss, predict_rating, labels)

if __name__ == "__main__":
    import jax
    _d = setup_inputs()
    print(jax.jit(kernel)(*tuple(_d.values())))

</pallas_src>

<mosaic_0001>
#map = affine_map<(d0, d1) -> (0)>
#map1 = affine_map<(d0, d1) -> (0, 0, 0)>
module attributes {stable_mosaic.version = 14 : i64} {
  func.func @_sc_dot(%arg0: i32, %arg1: i32, %arg2: memref<16384xi32, #tpu.memory_space<hbm>>, %arg3: memref<16384xi32, #tpu.memory_space<hbm>>, %arg4: memref<1000000x1x32xf32, #tpu.memory_space<hbm>>, %arg5: memref<1000000x1x32xf32, #tpu.memory_space<hbm>>, %arg6: memref<16384xf32, #tpu.memory_space<hbm>>, %arg7: memref<512xi32, #tpu.memory_space<vmem>>, %arg8: memref<512xi32, #tpu.memory_space<vmem>>, %arg9: memref<2x16x1x32xf32, #tpu.memory_space<vmem>>, %arg10: memref<2x16x1x32xf32, #tpu.memory_space<vmem>>, %arg11: memref<512xf32, #tpu.memory_space<vmem>>, %arg12: memref<!tpu.dma_semaphore, #tpu.memory_space<semaphore_mem>>, %arg13: memref<!tpu.dma_semaphore, #tpu.memory_space<semaphore_mem>>, %arg14: memref<!tpu.dma_semaphore, #tpu.memory_space<semaphore_mem>>, %arg15: memref<!tpu.dma_semaphore, #tpu.memory_space<semaphore_mem>>) attributes {dimension_semantics = [#tpu.dimension_semantics<core_parallel>, #tpu.dimension_semantics<subcore_parallel>], iteration_bounds = array<i64: 2, 16>, scalar_prefetch = 0 : i64, scratch_operands = 9 : i64, tpu.core_type = #tpu.core_type<sc_vector_subcore>, window_params = [{transform_indices = #map}, {transform_indices = #map}, {transform_indices = #map1}, {transform_indices = #map1}, {transform_indices = #map}]} {
    %mul3A = arith.constant 2 : i32
    %mul3A_0 = arith.muli %arg1, %mul3A : i32
    %add3A = arith.addi %mul3A_0, %arg0 : i32
    %mul3A_1 = arith.constant 512 : i32
    %mul3A_2 = arith.muli %add3A, %mul3A_1 : i32
    "tpu.region"() ({
      %run_scoped3A = tpu.sem_alloc : memref<!tpu.dma_semaphore, #tpu.memory_space<semaphore_mem>>
      %dma_start3A_647 = tpu.memref_slice %arg2[%mul3A_2] : memref<16384xi32, #tpu.memory_space<hbm>> -> memref<512xi32, #tpu.memory_space<hbm>>
      %dma_start3A_648 = tpu.memref_slice %arg2[%mul3A_2] : memref<16384xi32, #tpu.memory_space<hbm>> -> memref<512xi32, #tpu.memory_space<hbm>>
      tpu.enqueue_dma source(%dma_start3A_648 : memref<512xi32, #tpu.memory_space<hbm>>) target(%arg7 : memref<512xi32, #tpu.memory_space<vmem>>) target_semaphore(%run_scoped3A : memref<!tpu.dma_semaphore, #tpu.memory_space<semaphore_mem>>)
      %dma_wait3A = tpu.memref_slice %arg2[%mul3A_2] : memref<16384xi32, #tpu.memory_space<hbm>> -> memref<512xi32, #tpu.memory_space<hbm>>
      %dma_wait3A_649 = tpu.memref_slice %arg2[%mul3A_2] : memref<16384xi32, #tpu.memory_space<hbm>> -> memref<512xi32, #tpu.memory_space<hbm>>
      tpu.wait_dma2 semaphore(%run_scoped3A : memref<!tpu.dma_semaphore, #tpu.memory_space<semaphore_mem>>) src(%dma_wait3A_649 : memref<512xi32, #tpu.memory_space<hbm>>) dst(%arg7 : memref<512xi32, #tpu.memory_space<vmem>>)
      tpu.yield
    }) : () -> ()
    "tpu.region"() ({
      %run_scoped3A = tpu.sem_alloc : memref<!tpu.dma_semaphore, #tpu.memory_space<semaphore_mem>>
      %dma_start3A_647 = tpu.memref_slice %arg3[%mul3A_2] : memref<16384xi32, #tpu.memory_space<hbm>> -> memref<512xi32, #tpu.memory_space<hbm>>
      %dma_start3A_648 = tpu.memref_slice %arg3[%mul3A_2] : memref<16384xi32, #tpu.memory_space<hbm>> -> memref<512xi32, #tpu.memory_space<hbm>>
      tpu.enqueue_dma source(%dma_start3A_648 : memref<512xi32, #tpu.memory_space<hbm>>) target(%arg8 : memref<512xi32, #tpu.memory_space<vmem>>) target_semaphore(%run_scoped3A : memref<!tpu.dma_semaphore, #tpu.memory_space<semaphore_mem>>)
      %dma_wait3A = tpu.memref_slice %arg3[%mul3A_2] : memref<16384xi32, #tpu.memory_space<hbm>> -> memref<512xi32, #tpu.memory_space<hbm>>
      %dma_wait3A_649 = tpu.memref_slice %arg3[%mul3A_2] : memref<16384xi32, #tpu.memory_space<hbm>> -> memref<512xi32, #tpu.memory_space<hbm>>
      tpu.wait_dma2 semaphore(%run_scoped3A : memref<!tpu.dma_semaphore, #tpu.memory_space<semaphore_mem>>) src(%dma_wait3A_649 : memref<512xi32, #tpu.memory_space<hbm>>) dst(%arg8 : memref<512xi32, #tpu.memory_space<vmem>>)
      tpu.yield
    }) : () -> ()
    %iota3A = tpu.iota {dimensions = array<i32: 0>} : vector<16xi32>
    %get3A = arith.constant 0 : index
    %get3A_3 = tpu.vector_load %arg7[%get3A] {strides = array<i32>} : memref<512xi32, #tpu.memory_space<vmem>>, vector<16xi32>,
    %get3A_4 = arith.constant 0 : index
    %get3A_5 = tpu.vector_load %arg8[%get3A_4] {strides = array<i32>} : memref<512xi32, #tpu.memory_space<vmem>>, vector<16xi32>,
    %slice3A = vector.extract_strided_slice %get3A_3 {offsets = [0], sizes = [1], strides = [1]} : vector<16xi32> to vector<1xi32>
    %squeeze3A = vector.extract %slice3A[0] : i32 from vector<1xi32>
    %dma_start3A = arith.constant 0 : i32
    %dma_start3A_6 = arith.constant 0 : i32
    %dma_start3A_7 = arith.constant 0 : i32
    %dma_start3A_8 = arith.constant 0 : i32
    %dma_start3A_9 = tpu.memref_slice %arg9[%dma_start3A, %dma_start3A_6, %dma_start3A_7, %dma_start3A_8] : memref<2x16x1x32xf32, #tpu.memory_space<vmem>> -> memref<1x1x1x32xf32, #tpu.memory_space<vmem>>
    %dma_start3A_10 = tpu.memref_squeeze %dma_start3A_9 : memref<1x1x1x32xf32, #tpu.memory_space<vmem>> -> memref<1x32xf32, #tpu.memory_space<vmem>>
    %dma_start3A_11 = arith.constant 0 : i32
    %dma_start3A_12 = arith.constant 0 : i32
    %dma_start3A_13 = tpu.memref_slice %arg4[%squeeze3A, %dma_start3A_11, %dma_start3A_12] : memref<1000000x1x32xf32, #tpu.memory_space<hbm>> -> memref<1x1x32xf32, #tpu.memory_space<hbm>>
    %dma_start3A_14 = tpu.memref_squeeze %dma_start3A_13 : memref<1x1x32xf32, #tpu.memory_space<hbm>> -> memref<1x32xf32, #tpu.memory_space<hbm>>
    %dma_start3A_15 = arith.constant 0 : i32
    %dma_start3A_16 = arith.constant 0 : i32
    %dma_start3A_17 = tpu.memref_slice %arg9[%dma_start3A, %dma_start3A_6, %dma_start3A_15, %dma_start3A_16] : memref<2x16x1x32xf32, #tpu.memory_space<vmem>> -> memref<1x1x1x32xf32, #tpu.memory_space<vmem>>
    %dma_start3A_18 = tpu.memref_squeeze %dma_start3A_17 : memref<1x1x1x32xf32, #tpu.memory_space<vmem>> -> memref<1x32xf32, #tpu.memory_space<vmem>>
    %dma_start3A_19 = arith.constant 0 : i32
    %dma_start3A_20 = arith.constant 0 : i32
    %dma_start3A_21 = tpu.memref_slice %arg4[%squeeze3A, %dma_start3A_19, %dma_start3A_20] : memref<1000000x1x32xf32, #tpu.memory_space<hbm>> -> memref<1x1x32xf32, #tpu.memory_space<hbm>>
    %dma_start3A_22 = tpu.memref_squeeze %dma_start3A_21 : memref<1x1x32xf32, #tpu.memory_space<hbm>> -> memref<1x32xf32, #tpu.memory_space<hbm>>
    tpu.enqueue_dma source(%dma_start3A_22 : memref<1x32xf32, #tpu.memory_space<hbm>>) target(%dma_start3A_18 : memref<1x32xf32, #tpu.memory_space<vmem>>) target_semaphore(%arg12 : memref<!tpu.dma_semaphore, #tpu.memory_space<semaphore_mem>>)
    %slice3A_23 = vector.extract_strided_slice %get3A_5 {offsets = [0], sizes = [1], strides = [1]} : vector<16xi32> to vector<1xi32>
    %squeeze3A_24 = vector.extract %slice3A_23[0] : i32 from vector<1xi32>
    %dma_start3A_25 = arith.constant 0 : i32
    %dma_start3A_26 = arith.constant 0 : i32
    %dma_start3A_27 = arith.constant 0 : i32
    %dma_start3A_28 = arith.constant 0 : i32
    %dma_start3A_29 = tpu.memref_slice %arg10[%dma_start3A_25, %dma_start3A_26, %dma_start3A_27, %dma_start3A_28] : memref<2x16x1x32xf32, #tpu.memory_space<vmem>> -> memref<1x1x1x32xf32, #tpu.memory_space<vmem>>
    %dma_start3A_30 = tpu.memref_squeeze %dma_start3A_29 : memref<1x1x1x32xf32, #tpu.memory_space<vmem>> -> memref<1x32xf32, #tpu.memory_space<vmem>>
    %dma_start3A_31 = arith.constant 0 : i32
    %dma_start3A_32 = arith.constant 0 : i32
    %dma_start3A_33 = tpu.memref_slice %arg5[%squeeze3A_24, %dma_start3A_31, %dma_start3A_32] : memref<1000000x1x32xf32, #tpu.memory_space<hbm>> -> memref<1x1x32xf32, #tpu.memory_space<hbm>>
    %dma_start3A_34 = tpu.memref_squeeze %dma_start3A_33 : memref<1x1x32xf32, #tpu.memory_space<hbm>> -> memref<1x32xf32, #tpu.memory_space<hbm>>
    %dma_start3A_35 = arith.constant 0 : i32
    %dma_start3A_36 = arith.constant 0 : i32
    %dma_start3A_37 = tpu.memref_slice %arg10[%dma_start3A_25, %dma_start3A_26, %dma_start3A_35, %dma_start3A_36] : memref<2x16x1x32xf32, #tpu.memory_space<vmem>> -> memref<1x1x1x32xf32, #tpu.memory_space<vmem>>
    %dma_start3A_38 = tpu.memref_squeeze %dma_start3A_37 : memref<1x1x1x32xf32, #tpu.memory_space<vmem>> -> memref<1x32xf32, #tpu.memory_space<vmem>>
    %dma_start3A_39 = arith.constant 0 : i32
    %dma_start3A_40 = arith.constant 0 : i32
    %dma_start3A_41 = tpu.memref_slice %arg5[%squeeze3A_24, %dma_start3A_39, %dma_start3A_40] : memref<1000000x1x32xf32, #tpu.memory_space<hbm>> -> memref<1x1x32xf32, #tpu.memory_space<hbm>>
    %dma_start3A_42 = tpu.memref_squeeze %dma_start3A_41 : memref<1x1x32xf32, #tpu.memory_space<hbm>> -> memref<1x32xf32, #tpu.memory_space<hbm>>
    tpu.enqueue_dma source(%dma_start3A_42 : memref<1x32xf32, #tpu.memory_space<hbm>>) target(%dma_start3A_38 : memref<1x32xf32, #tpu.memory_space<vmem>>) target_semaphore(%arg14 : memref<!tpu.dma_semaphore, #tpu.memory_space<semaphore_mem>>)
    %slice3A_43 = vector.extract_strided_slice %get3A_3 {offsets = [1], sizes = [1], strides = [1]} : vector<16xi32> to vector<1xi32>
    %squeeze3A_44 = vector.extract %slice3A_43[0] : i32 from vector<1xi32>
    %dma_start3A_45 = arith.constant 0 : i32
    %dma_start3A_46 = arith.constant 1 : i32
    %dma_start3A_47 = arith.constant 0 : i32
    %dma_start3A_48 = arith.constant 0 : i32
    %dma_start3A_49 = tpu.memref_slice %arg9[%dma_start3A_45, %dma_start3A_46, %dma_start3A_47, %dma_start3A_48] : memref<2x16x1x32xf32, #tpu.memory_space<vmem>> -> memref<1x1x1x32xf32, #tpu.memory_space<vmem>>
    %dma_start3A_50 = tpu.memref_squeeze %dma_start3A_49 : memref<1x1x1x32xf32, #tpu.memory_space<vmem>> -> memref<1x32xf32, #tpu.memory_space<vmem>>
    %dma_start3A_51 = arith.constant 0 : i32
    %dma_start3A_52 = arith.constant 0 : i32
    %dma_start3A_53 = tpu.memref_slice %arg4[%squeeze3A_44, %dma_start3A_51, %dma_start3A_52] : memref<1000000x1x32xf32, #tpu.memory_space<hbm>> -> memref<1x1x32xf32, #tpu.memory_space<hbm>>
    %dma_start3A_54 = tpu.memref_squeeze %dma_start3A_53 : memref<1x1x32xf32, #tpu.memory_space<hbm>> -> memref<1x32xf32, #tpu.memory_space<hbm>>
    %dma_start3A_55 = arith.constant 0 : i32
    %dma_start3A_56 = arith.constant 0 : i32
    %dma_start3A_57 = tpu.memref_slice %arg9[%dma_start3A_45, %dma_start3A_46, %dma_start3A_55, %dma_start3A_56] : memref<2x16x1x32xf32, #tpu.memory_space<vmem>> -> memref<1x1x1x32xf32, #tpu.memory_space<vmem>>
    %dma_start3A_58 = tpu.memref_squeeze %dma_start3A_57 : memref<1x1x1x32xf32, #tpu.memory_space<vmem>> -> memref<1x32xf32, #tpu.memory_space<vmem>>
    %dma_start3A_59 = arith.constant 0 : i32
    %dma_start3A_60 = arith.constant 0 : i32
    %dma_start3A_61 = tpu.memref_slice %arg4[%squeeze3A_44, %dma_start3A_59, %dma_start3A_60] : memref<1000000x1x32xf32, #tpu.memory_space<hbm>> -> memref<1x1x32xf32, #tpu.memory_space<hbm>>
    %dma_start3A_62 = tpu.memref_squeeze %dma_start3A_61 : memref<1x1x32xf32, #tpu.memory_space<hbm>> -> memref<1x32xf32, #tpu.memory_space<hbm>>
    tpu.enqueue_dma source(%dma_start3A_62 : memref<1x32xf32, #tpu.memory_space<hbm>>) target(%dma_start3A_58 : memref<1x32xf32, #tpu.memory_space<vmem>>) target_semaphore(%arg12 : memref<!tpu.dma_semaphore, #tpu.memory_space<semaphore_mem>>)
    %slice3A_63 = vector.extract_strided_slice %get3A_5 {offsets = [1], sizes = [1], strides = [1]} : vector<16xi32> to vector<1xi32>
    %squeeze3A_64 = vector.extract %slice3A_63[0] : i32 from vector<1xi32>
    %dma_start3A_65 = arith.constant 0 : i32
    %dma_start3A_66 = arith.constant 1 : i32
    %dma_start3A_67 = arith.constant 0 : i32
    %dma_start3A_68 = arith.constant 0 : i32
    %dma_start3A_69 = tpu.memref_slice %arg10[%dma_start3A_65, %dma_start3A_66, %dma_start3A_67, %dma_start3A_68] : memref<2x16x1x32xf32, #tpu.memory_space<vmem>> -> memref<1x1x1x32xf32, #tpu.memory_space<vmem>>
    %dma_start3A_70 = tpu.memref_squeeze %dma_start3A_69 : memref<1x1x1x32xf32, #tpu.memory_space<vmem>> -> memref<1x32xf32, #tpu.memory_space<vmem>>
    %dma_start3A_71 = arith.constant 0 : i32
    %dma_start3A_72 = arith.constant 0 : i32
    %dma_start3A_73 = tpu.memref_slice %arg5[%squeeze3A_64, %dma_start3A_71, %dma_start3A_72] : memref<1000000x1x32xf32, #tpu.memory_space<hbm>> -> memref<1x1x32xf32, #tpu.memory_space<hbm>>
    %dma_start3A_74 = tpu.memref_squeeze %dma_start3A_73 : memref<1x1x32xf32, #tpu.memory_space<hbm>> -> memref<1x32xf32, #tpu.memory_space<hbm>>
    %dma_start3A_75 = arith.constant 0 : i32
    %dma_start3A_76 = arith.constant 0 : i32
    %dma_start3A_77 = tpu.memref_slice %arg10[%dma_start3A_65, %dma_start3A_66, %dma_start3A_75, %dma_start3A_76] : memref<2x16x1x32xf32, #tpu.memory_space<vmem>> -> memref<1x1x1x32xf32, #tpu.memory_space<vmem>>
    %dma_start3A_78 = tpu.memref_squeeze %dma_start3A_77 : memref<1x1x1x32xf32, #tpu.memory_space<vmem>> -> memref<1x32xf32, #tpu.memory_space<vmem>>
    %dma_start3A_79 = arith.constant 0 : i32
    %dma_start3A_80 = arith.constant 0 : i32
    %dma_start3A_81 = tpu.memref_slice %arg5[%squeeze3A_64, %dma_start3A_79, %dma_start3A_80] : memref<1000000x1x32xf32, #tpu.memory_space<hbm>> -> memref<1x1x32xf32, #tpu.memory_space<hbm>>
    %dma_start3A_82 = tpu.memref_squeeze %dma_start3A_81 : memref<1x1x32xf32, #tpu.memory_space<hbm>> -> memref<1x32xf32, #tpu.memory_space<hbm>>
    tpu.enqueue_dma source(%dma_start3A_82 : memref<1x32xf32, #tpu.memory_space<hbm>>) target(%dma_start3A_78 : memref<1x32xf32, #tpu.memory_space<vmem>>) target_semaphore(%arg14 : memref<!tpu.dma_semaphore, #tpu.memory_space<semaphore_mem>>)
    %slice3A_83 = vector.extract_strided_slice %get3A_3 {offsets = [2], sizes = [1], strides = [1]} : vector<16xi32> to vector<1xi32>
    %squeeze3A_84 = vector.extract %slice3A_83[0] : i32 from vector<1xi32>
    %dma_start3A_85 = arith.constant 0 : i32
    %dma_start3A_86 = arith.constant 2 : i32
    %dma_start3A_87 = arith.constant 0 : i32
    %dma_start3A_88 = arith.constant 0 : i32
    %dma_start3A_89 = tpu.memref_slice %arg9[%dma_start3A_85, %dma_start3A_86, %dma_start3A_87, %dma_start3A_88] : memref<2x16x1x32xf32, #tpu.memory_space<vmem>> -> memref<1x1x1x32xf32, #tpu.memory_space<vmem>>
    %dma_start3A_90 = tpu.memref_squeeze %dma_start3A_89 : memref<1x1x1x32xf32, #tpu.memory_space<vmem>> -> memref<1x32xf32, #tpu.memory_space<vmem>>
    %dma_start3A_91 = arith.constant 0 : i32
    %dma_start3A_92 = arith.constant 0 : i32
    %dma_start3A_93 = tpu.memref_slice %arg4[%squeeze3A_84, %dma_start3A_91, %dma_start3A_92] : memref<1000000x1x32xf32, #tpu.memory_space<hbm>> -> memref<1x1x32xf32, #tpu.memory_space<hbm>>
    %dma_start3A_94 = tpu.memref_squeeze %dma_start3A_93 : memref<1x1x32xf32, #tpu.memory_space<hbm>> -> memref<1x32xf32, #tpu.memory_space<hbm>>
    %dma_start3A_95 = arith.constant 0 : i32
    %dma_start3A_96 = arith.constant 0 : i32
    %dma_start3A_97 = tpu.memref_slice %arg9[%dma_start3A_85, %dma_start3A_86, %dma_start3A_95, %dma_start3A_96] : memref<2x16x1x32xf32, #tpu.memory_space<vmem>> -> memref<1x1x1x32xf32, #tpu.memory_space<vmem>>
    %dma_start3A_98 = tpu.memref_squeeze %dma_start3A_97 : memref<1x1x1x32xf32, #tpu.memory_space<vmem>> -> memref<1x32xf32, #tpu.memory_space<vmem>>
    %dma_start3A_99 = arith.constant 0 : i32
    %dma_start3A_100 = arith.constant 0 : i32
    %dma_start3A_101 = tpu.memref_slice %arg4[%squeeze3A_84, %dma_start3A_99, %dma_start3A_100] : memref<1000000x1x32xf32, #tpu.memory_space<hbm>> -> memref<1x1x32xf32, #tpu.memory_space<hbm>>
    %dma_start3A_102 = tpu.memref_squeeze %dma_start3A_101 : memref<1x1x32xf32, #tpu.memory_space<hbm>> -> memref<1x32xf32, #tpu.memory_space<hbm>>
    tpu.enqueue_dma source(%dma_start3A_102 : memref<1x32xf32, #tpu.memory_space<hbm>>) target(%dma_start3A_98 : memref<1x32xf32, #tpu.memory_space<vmem>>) target_semaphore(%arg12 : memref<!tpu.dma_semaphore, #tpu.memory_space<semaphore_mem>>)
    %slice3A_103 = vector.extract_strided_slice %get3A_5 {offsets = [2], sizes = [1], strides = [1]} : vector<16xi32> to vector<1xi32>
    %squeeze3A_104 = vector.extract %slice3A_103[0] : i32 from vector<1xi32>
    %dma_start3A_105 = arith.constant 0 : i32
    %dma_start3A_106 = arith.constant 2 : i32
    %dma_start3A_107 = arith.constant 0 : i32
    %dma_start3A_108 = arith.constant 0 : i32
    %dma_start3A_109 = tpu.memref_slice %arg10[%dma_start3A_105, %dma_start3A_106, %dma_start3A_107, %dma_start3A_108] : memref<2x16x1x32xf32, #tpu.memory_space<vmem>> -> memref<1x1x1x32xf32, #tpu.memory_space<vmem>>
    %dma_start3A_110 = tpu.memref_squeeze %dma_start3A_109 : memref<1x1x1x32xf32, #tpu.memory_space<vmem>> -> memref<1x32xf32, #tpu.memory_space<vmem>>
    %dma_start3A_111 = arith.constant 0 : i32
    %dma_start3A_112 = arith.constant 0 : i32
    %dma_start3A_113 = tpu.memref_slice %arg5[%squeeze3A_104, %dma_start3A_111, %dma_start3A_112] : memref<1000000x1x32xf32, #tpu.memory_space<hbm>> -> memref<1x1x32xf32, #tpu.memory_space<hbm>>
    %dma_start3A_114 = tpu.memref_squeeze %dma_start3A_113 : memref<1x1x32xf32, #tpu.memory_space<hbm>> -> memref<1x32xf32, #tpu.memory_space<hbm>>
    %dma_start3A_115 = arith.constant 0 : i32
    %dma_start3A_116 = arith.constant 0 : i32
    %dma_start3A_117 = tpu.memref_slice %arg10[%dma_start3A_105, %dma_start3A_106, %dma_start3A_115, %dma_start3A_116] : memref<2x16x1x32xf32, #tpu.memory_space<vmem>> -> memref<1x1x1x32xf32, #tpu.memory_space<vmem>>
    %dma_start3A_118 = tpu.memref_squeeze %dma_start3A_117 : memref<1x1x1x32xf32, #tpu.memory_space<vmem>> -> memref<1x32xf32, #tpu.memory_space<vmem>>
    %dma_start3A_119 = arith.constant 0 : i32
    %dma_start3A_120 = arith.constant 0 : i32
    %dma_start3A_121 = tpu.memref_slice %arg5[%squeeze3A_104, %dma_start3A_119, %dma_start3A_120] : memref<1000000x1x32xf32, #tpu.memory_space<hbm>> -> memref<1x1x32xf32, #tpu.memory_space<hbm>>
    %dma_start3A_122 = tpu.memref_squeeze %dma_start3A_121 : memref<1x1x32xf32, #tpu.memory_space<hbm>> -> memref<1x32xf32, #tpu.memory_space<hbm>>
    tpu.enqueue_dma source(%dma_start3A_122 : memref<1x32xf32, #tpu.memory_space<hbm>>) target(%dma_start3A_118 : memref<1x32xf32, #tpu.memory_space<vmem>>) target_semaphore(%arg14 : memref<!tpu.dma_semaphore, #tpu.memory_space<semaphore_mem>>)
    %slice3A_123 = vector.extract_strided_slice %get3A_3 {offsets = [3], sizes = [1], strides = [1]} : vector<16xi32> to vector<1xi32>
    %squeeze3A_124 = vector.extract %slice3A_123[0] : i32 from vector<1xi32>
    %dma_start3A_125 = arith.constant 0 : i32
    %dma_start3A_126 = arith.constant 3 : i32
    %dma_start3A_127 = arith.constant 0 : i32
    %dma_start3A_128 = arith.constant 0 : i32
    %dma_start3A_129 = tpu.memref_slice %arg9[%dma_start3A_125, %dma_start3A_126, %dma_start3A_127, %dma_start3A_128] : memref<2x16x1x32xf32, #tpu.memory_space<vmem>> -> memref<1x1x1x32xf32, #tpu.memory_space<vmem>>
    %dma_start3A_130 = tpu.memref_squeeze %dma_start3A_129 : memref<1x1x1x32xf32, #tpu.memory_space<vmem>> -> memref<1x32xf32, #tpu.memory_space<vmem>>
    %dma_start3A_131 = arith.constant 0 : i32
    %dma_start3A_132 = arith.constant 0 : i32
    %dma_start3A_133 = tpu.memref_slice %arg4[%squeeze3A_124, %dma_start3A_131, %dma_start3A_132] : memref<1000000x1x32xf32, #tpu.memory_space<hbm>> -> memref<1x1x32xf32, #tpu.memory_space<hbm>>
    %dma_start3A_134 = tpu.memref_squeeze %dma_start3A_133 : memref<1x1x32xf32, #tpu.memory_space<hbm>> -> memref<1x32xf32, #tpu.memory_space<hbm>>
    %dma_start3A_135 = arith.constant 0 : i32
    %dma_start3A_136 = arith.constant 0 : i32
    %dma_start3A_137 = tpu.memref_slice %arg9[%dma_start3A_125, %dma_start3A_126, %dma_start3A_135, %dma_start3A_136] : memref<2x16x1x32xf32, #tpu.memory_space<vmem>> -> memref<1x1x1x32xf32, #tpu.memory_space<vmem>>
    %dma_start3A_138 = tpu.memref_squeeze %dma_start3A_137 : memref<1x1x1x32xf32, #tpu.memory_space<vmem>> -> memref<1x32xf32, #tpu.memory_space<vmem>>
    %dma_start3A_139 = arith.constant 0 : i32
    %dma_start3A_140 = arith.constant 0 : i32
    %dma_start3A_141 = tpu.memref_slice %arg4[%squeeze3A_124, %dma_start3A_139, %dma_start3A_140] : memref<1000000x1x32xf32, #tpu.memory_space<hbm>> -> memref<1x1x32xf32, #tpu.memory_space<hbm>>
    %dma_start3A_142 = tpu.memref_squeeze %dma_start3A_141 : memref<1x1x32xf32, #tpu.memory_space<hbm>> -> memref<1x32xf32, #tpu.memory_space<hbm>>
    tpu.enqueue_dma source(%dma_start3A_142 : memref<1x32xf32, #tpu.memory_space<hbm>>) target(%dma_start3A_138 : memref<1x32xf32, #tpu.memory_space<vmem>>) target_semaphore(%arg12 : memref<!tpu.dma_semaphore, #tpu.memory_space<semaphore_mem>>)
    %slice3A_143 = vector.extract_strided_slice %get3A_5 {offsets = [3], sizes = [1], strides = [1]} : vector<16xi32> to vector<1xi32>
    %squeeze3A_144 = vector.extract %slice3A_143[0] : i32 from vector<1xi32>
    %dma_start3A_145 = arith.constant 0 : i32
    %dma_start3A_146 = arith.constant 3 : i32
    %dma_start3A_147 = arith.constant 0 : i32
    %dma_start3A_148 = arith.constant 0 : i32
    %dma_start3A_149 = tpu.memref_slice %arg10[%dma_start3A_145, %dma_start3A_146, %dma_start3A_147, %dma_start3A_148] : memref<2x16x1x32xf32, #tpu.memory_space<vmem>> -> memref<1x1x1x32xf32, #tpu.memory_space<vmem>>
    %dma_start3A_150 = tpu.memref_squeeze %dma_start3A_149 : memref<1x1x1x32xf32, #tpu.memory_space<vmem>> -> memref<1x32xf32, #tpu.memory_space<vmem>>
    %dma_start3A_151 = arith.constant 0 : i32
    %dma_start3A_152 = arith.constant 0 : i32
    %dma_start3A_153 = tpu.memref_slice %arg5[%squeeze3A_144, %dma_start3A_151, %dma_start3A_152] : memref<1000000x1x32xf32, #tpu.memory_space<hbm>> -> memref<1x1x32xf32, #tpu.memory_space<hbm>>
    %dma_start3A_154 = tpu.memref_squeeze %dma_start3A_153 : memref<1x1x32xf32, #tpu.memory_space<hbm>> -> memref<1x32xf32, #tpu.memory_space<hbm>>
    %dma_start3A_155 = arith.constant 0 : i32
    %dma_start3A_156 = arith.constant 0 : i32
    %dma_start3A_157 = tpu.memref_slice %arg10[%dma_start3A_145, %dma_start3A_146, %dma_start3A_155, %dma_start3A_156] : memref<2x16x1x32xf32, #tpu.memory_space<vmem>> -> memref<1x1x1x32xf32, #tpu.memory_space<vmem>>
    %dma_start3A_158 = tpu.memref_squeeze %dma_start3A_157 : memref<1x1x1x32xf32, #tpu.memory_space<vmem>> -> memref<1x32xf32, #tpu.memory_space<vmem>>
    %dma_start3A_159 = arith.constant 0 : i32
    %dma_start3A_160 = arith.constant 0 : i32
    %dma_start3A_161 = tpu.memref_slice %arg5[%squeeze3A_144, %dma_start3A_159, %dma_start3A_160] : memref<1000000x1x32xf32, #tpu.memory_space<hbm>> -> memref<1x1x32xf32, #tpu.memory_space<hbm>>
    %dma_start3A_162 = tpu.memref_squeeze %dma_start3A_161 : memref<1x1x32xf32, #tpu.memory_space<hbm>> -> memref<1x32xf32, #tpu.memory_space<hbm>>
    tpu.enqueue_dma source(%dma_start3A_162 : memref<1x32xf32, #tpu.memory_space<hbm>>) target(%dma_start3A_158 : memref<1x32xf32, #tpu.memory_space<vmem>>) target_semaphore(%arg14 : memref<!tpu.dma_semaphore, #tpu.memory_space<semaphore_mem>>)
    %slice3A_163 = vector.extract_strided_slice %get3A_3 {offsets = [4], sizes = [1], strides = [1]} : vector<16xi32> to vector<1xi32>
    %squeeze3A_164 = vector.extract %slice3A_163[0] : i32 from vector<1xi32>
    %dma_start3A_165 = arith.constant 0 : i32
    %dma_start3A_166 = arith.constant 4 : i32
    %dma_start3A_167 = arith.constant 0 : i32
    %dma_start3A_168 = arith.constant 0 : i32
    %dma_start3A_169 = tpu.memref_slice %arg9[%dma_start3A_165, %dma_start3A_166, %dma_start3A_167, %dma_start3A_168] : memref<2x16x1x32xf32, #tpu.memory_space<vmem>> -> memref<1x1x1x32xf32, #tpu.memory_space<vmem>>
    %dma_start3A_170 = tpu.memref_squeeze %dma_start3A_169 : memref<1x1x1x32xf32, #tpu.memory_space<vmem>> -> memref<1x32xf32, #tpu.memory_space<vmem>>
    %dma_start3A_171 = arith.constant 0 : i32
    %dma_start3A_172 = arith.constant 0 : i32
    %dma_start3A_173 = tpu.memref_slice %arg4[%squeeze3A_164, %dma_start3A_171, %dma_start3A_172] : memref<1000000x1x32xf32, #tpu.memory_space<hbm>> -> memref<1x1x32xf32, #tpu.memory_space<hbm>>
    %dma_start3A_174 = tpu.memref_squeeze %dma_start3A_173 : memref<1x1x32xf32, #tpu.memory_space<hbm>> -> memref<1x32xf32, #tpu.memory_space<hbm>>
    %dma_start3A_175 = arith.constant 0 : i32
    %dma_start3A_176 = arith.constant 0 : i32
    %dma_start3A_177 = tpu.memref_slice %arg9[%dma_start3A_165, %dma_start3A_166, %dma_start3A_175, %dma_start3A_176] : memref<2x16x1x32xf32, #tpu.memory_space<vmem>> -> memref<1x1x1x32xf32, #tpu.memory_space<vmem>>
    %dma_start3A_178 = tpu.memref_squeeze %dma_start3A_177 : memref<1x1x1x32xf32, #tpu.memory_space<vmem>> -> memref<1x32xf32, #tpu.memory_space<vmem>>
    %dma_start3A_179 = arith.constant 0 : i32
    %dma_start3A_180 = arith.constant 0 : i32
    %dma_start3A_181 = tpu.memref_slice %arg4[%squeeze3A_164, %dma_start3A_179, %dma_start3A_180] : memref<1000000x1x32xf32, #tpu.memory_space<hbm>> -> memref<1x1x32xf32, #tpu.memory_space<hbm>>
    %dma_start3A_182 = tpu.memref_squeeze %dma_start3A_181 : memref<1x1x32xf32, #tpu.memory_space<hbm>> -> memref<1x32xf32, #tpu.memory_space<hbm>>
    tpu.enqueue_dma source(%dma_start3A_182 : memref<1x32xf32, #tpu.memory_space<hbm>>) target(%dma_start3A_178 : memref<1x32xf32, #tpu.memory_space<vmem>>) target_semaphore(%arg12 : memref<!tpu.dma_semaphore, #tpu.memory_space<semaphore_mem>>)
    %slice3A_183 = vector.extract_strided_slice %get3A_5 {offsets = [4], sizes = [1], strides = [1]} : vector<16xi32> to vector<1xi32>
    %squeeze3A_184 = vector.extract %slice3A_183[0] : i32 from vector<1xi32>
    %dma_start3A_185 = arith.constant 0 : i32
    %dma_start3A_186 = arith.constant 4 : i32
    %dma_start3A_187 = arith.constant 0 : i32
    %dma_start3A_188 = arith.constant 0 : i32
    %dma_start3A_189 = tpu.memref_slice %arg10[%dma_start3A_185, %dma_start3A_186, %dma_start3A_187, %dma_start3A_188] : memref<2x16x1x32xf32, #tpu.memory_space<vmem>> -> memref<1x1x1x32xf32, #tpu.memory_space<vmem>>
    %dma_start3A_190 = tpu.memref_squeeze %dma_start3A_189 : memref<1x1x1x32xf32, #tpu.memory_space<vmem>> -> memref<1x32xf32, #tpu.memory_space<vmem>>
    %dma_start3A_191 = arith.constant 0 : i32
    %dma_start3A_192 = arith.constant 0 : i32
    %dma_start3A_193 = tpu.memref_slice %arg5[%squeeze3A_184, %dma_start3A_191, %dma_start3A_192] : memref<1000000x1x32xf32, #tpu.memory_space<hbm>> -> memref<1x1x32xf32, #tpu.memory_space<hbm>>
    %dma_start3A_194 = tpu.memref_squeeze %dma_start3A_193 : memref<1x1x32xf32, #tpu.memory_space<hbm>> -> memref<1x32xf32, #tpu.memory_space<hbm>>
    %dma_start3A_195 = arith.constant 0 : i32
    %dma_start3A_196 = arith.constant 0 : i32
    %dma_start3A_197 = tpu.memref_slice %arg10[%dma_start3A_185, %dma_start3A_186, %dma_start3A_195, %dma_start3A_196] : memref<2x16x1x32xf32, #tpu.memory_space<vmem>> -> memref<1x1x1x32xf32, #tpu.memory_space<vmem>>
    %dma_start3A_198 = tpu.memref_squeeze %dma_start3A_197 : memref<1x1x1x32xf32, #tpu.memory_space<vmem>> -> memref<1x32xf32, #tpu.memory_space<vmem>>
    %dma_start3A_199 = arith.constant 0 : i32
    %dma_start3A_200 = arith.constant 0 : i32
    %dma_start3A_201 = tpu.memref_slice %arg5[%squeeze3A_184, %dma_start3A_199, %dma_start3A_200] : memref<1000000x1x32xf32, #tpu.memory_space<hbm>> -> memref<1x1x32xf32, #tpu.memory_space<hbm>>
    %dma_start3A_202 = tpu.memref_squeeze %dma_start3A_201 : memref<1x1x32xf32, #tpu.memory_space<hbm>> -> memref<1x32xf32, #tpu.memory_space<hbm>>
    tpu.enqueue_dma source(%dma_start3A_202 : memref<1x32xf32, #tpu.memory_space<hbm>>) target(%dma_start3A_198 : memref<1x32xf32, #tpu.memory_space<vmem>>) target_semaphore(%arg14 : memref<!tpu.dma_semaphore, #tpu.memory_space<semaphore_mem>>)
    %slice3A_203 = vector.extract_strided_slice %get3A_3 {offsets = [5], sizes = [1], strides = [1]} : vector<16xi32> to vector<1xi32>
    %squeeze3A_204 = vector.extract %slice3A_203[0] : i32 from vector<1xi32>
    %dma_start3A_205 = arith.constant 0 : i32
    %dma_start3A_206 = arith.constant 5 : i32
    %dma_start3A_207 = arith.constant 0 : i32
    %dma_start3A_208 = arith.constant 0 : i32
    %dma_start3A_209 = tpu.memref_slice %arg9[%dma_start3A_205, %dma_start3A_206, %dma_start3A_207, %dma_start3A_208] : memref<2x16x1x32xf32, #tpu.memory_space<vmem>> -> memref<1x1x1x32xf32, #tpu.memory_space<vmem>>
    %dma_start3A_210 = tpu.memref_squeeze %dma_start3A_209 : memref<1x1x1x32xf32, #tpu.memory_space<vmem>> -> memref<1x32xf32, #tpu.memory_space<vmem>>
    %dma_start3A_211 = arith.constant 0 : i32
    %dma_start3A_212 = arith.constant 0 : i32
    %dma_start3A_213 = tpu.memref_slice %arg4[%squeeze3A_204, %dma_start3A_211, %dma_start3A_212] : memref<1000000x1x32xf32, #tpu.memory_space<hbm>> -> memref<1x1x32xf32, #tpu.memory_space<hbm>>
    %dma_start3A_214 = tpu.memref_squeeze %dma_start3A_213 : memref<1x1x32xf32, #tpu.memory_space<hbm>> -> memref<1x32xf32, #tpu.memory_space<hbm>>
    %dma_start3A_215 = arith.constant 0 : i32
    %dma_start3A_216 = arith.constant 0 : i32
    %dma_start3A_217 = tpu.memref_slice %arg9[%dma_start3A_205, %dma_start3A_206, %dma_start3A_215, %dma_start3A_216] : memref<2x16x1x32xf32, #tpu.memory_space<vmem>> -> memref<1x1x1x32xf32, #tpu.memory_space<vmem>>
    %dma_start3A_218 = tpu.memref_squeeze %dma_start3A_217 : memref<1x1x1x32xf32, #tpu.memory_space<vmem>> -> memref<1x32xf32, #tpu.memory_space<vmem>>
    %dma_start3A_219 = arith.constant 0 : i32
    %dma_start3A_220 = arith.constant 0 : i32
    %dma_start3A_221 = tpu.memref_slice %arg4[%squeeze3A_204, %dma_start3A_219, %dma_start3A_220] : memref<1000000x1x32xf32, #tpu.memory_space<hbm>> -> memref<1x1x32xf32, #tpu.memory_space<hbm>>
    %dma_start3A_222 = tpu.memref_squeeze %dma_start3A_221 : memref<1x1x32xf32, #tpu.memory_space<hbm>> -> memref<1x32xf32, #tpu.memory_space<hbm>>
    tpu.enqueue_dma source(%dma_start3A_222 : memref<1x32xf32, #tpu.memory_space<hbm>>) target(%dma_start3A_218 : memref<1x32xf32, #tpu.memory_space<vmem>>) target_semaphore(%arg12 : memref<!tpu.dma_semaphore, #tpu.memory_space<semaphore_mem>>)
    %slice3A_223 = vector.extract_strided_slice %get3A_5 {offsets = [5], sizes = [1], strides = [1]} : vector<16xi32> to vector<1xi32>
    %squeeze3A_224 = vector.extract %slice3A_223[0] : i32 from vector<1xi32>
    %dma_start3A_225 = arith.constant 0 : i32
    %dma_start3A_226 = arith.constant 5 : i32
    %dma_start3A_227 = arith.constant 0 : i32
    %dma_start3A_228 = arith.constant 0 : i32
    %dma_start3A_229 = tpu.memref_slice %arg10[%dma_start3A_225, %dma_start3A_226, %dma_start3A_227, %dma_start3A_228] : memref<2x16x1x32xf32, #tpu.memory_space<vmem>> -> memref<1x1x1x32xf32, #tpu.memory_space<vmem>>
    %dma_start3A_230 = tpu.memref_squeeze %dma_start3A_229 : memref<1x1x1x32xf32, #tpu.memory_space<vmem>> -> memref<1x32xf32, #tpu.memory_space<vmem>>
    %dma_start3A_231 = arith.constant 0 : i32
    %dma_start3A_232 = arith.constant 0 : i32
    %dma_start3A_233 = tpu.memref_slice %arg5[%squeeze3A_224, %dma_start3A_231, %dma_start3A_232] : memref<1000000x1x32xf32, #tpu.memory_space<hbm>> -> memref<1x1x32xf32, #tpu.memory_space<hbm>>
    %dma_start3A_234 = tpu.memref_squeeze %dma_start3A_233 : memref<1x1x32xf32, #tpu.memory_space<hbm>> -> memref<1x32xf32, #tpu.memory_space<hbm>>
    %dma_start3A_235 = arith.constant 0 : i32
    %dma_start3A_236 = arith.constant 0 : i32
    %dma_start3A_237 = tpu.memref_slice %arg10[%dma_start3A_225, %dma_start3A_226, %dma_start3A_235, %dma_start3A_236] : memref<2x16x1x32xf32, #tpu.memory_space<vmem>> -> memref<1x1x1x32xf32, #tpu.memory_space<vmem>>
    %dma_start3A_238 = tpu.memref_squeeze %dma_start3A_237 : memref<1x1x1x32xf32, #tpu.memory_space<vmem>> -> memref<1x32xf32, #tpu.memory_space<vmem>>
    %dma_start3A_239 = arith.constant 0 : i32
    %dma_start3A_240 = arith.constant 0 : i32
    %dma_start3A_241 = tpu.memref_slice %arg5[%squeeze3A_224, %dma_start3A_239, %dma_start3A_240] : memref<1000000x1x32xf32, #tpu.memory_space<hbm>> -> memref<1x1x32xf32, #tpu.memory_space<hbm>>
    %dma_start3A_242 = tpu.memref_squeeze %dma_start3A_241 : memref<1x1x32xf32, #tpu.memory_space<hbm>> -> memref<1x32xf32, #tpu.memory_space<hbm>>
    tpu.enqueue_dma source(%dma_start3A_242 : memref<1x32xf32, #tpu.memory_space<hbm>>) target(%dma_start3A_238 : memref<1x32xf32, #tpu.memory_space<vmem>>) target_semaphore(%arg14 : memref<!tpu.dma_semaphore, #tpu.memory_space<semaphore_mem>>)
    %slice3A_243 = vector.extract_strided_slice %get3A_3 {offsets = [6], sizes = [1], strides = [1]} : vector<16xi32> to vector<1xi32>
    %squeeze3A_244 = vector.extract %slice3A_243[0] : i32 from vector<1xi32>
    %dma_start3A_245 = arith.constant 0 : i32
    %dma_start3A_246 = arith.constant 6 : i32
    %dma_start3A_247 = arith.constant 0 : i32
    %dma_start3A_248 = arith.constant 0 : i32
    %dma_start3A_249 = tpu.memref_slice %arg9[%dma_start3A_245, %dma_start3A_246, %dma_start3A_247, %dma_start3A_248] : memref<2x16x1x32xf32, #tpu.memory_space<vmem>> -> memref<1x1x1x32xf32, #tpu.memory_space<vmem>>
    %dma_start3A_250 = tpu.memref_squeeze %dma_start3A_249 : memref<1x1x1x32xf32, #tpu.memory_space<vmem>> -> memref<1x32xf32, #tpu.memory_space<vmem>>
    %dma_start3A_251 = arith.constant 0 : i32
    %dma_start3A_252 = arith.constant 0 : i32
    %dma_start3A_253 = tpu.memref_slice %arg4[%squeeze3A_244, %dma_start3A_251, %dma_start3A_252] : memref<1000000x1x32xf32, #tpu.memory_space<hbm>> -> memref<1x1x32xf32, #tpu.memory_space<hbm>>
    %dma_start3A_254 = tpu.memref_squeeze %dma_start3A_253 : memref<1x1x32xf32, #tpu.memory_space<hbm>> -> memref<1x32xf32, #tpu.memory_space<hbm>>
    %dma_start3A_255 = arith.constant 0 : i32
    %dma_start3A_256 = arith.constant 0 : i32
    %dma_start3A_257 = tpu.memref_slice %arg9[%dma_start3A_245, %dma_start3A_246, %dma_start3A_255, %dma_start3A_256] : memref<2x16x1x32xf32, #tpu.memory_space<vmem>> -> memref<1x1x1x32xf32, #tpu.memory_space<vmem>>
    %dma_start3A_258 = tpu.memref_squeeze %dma_start3A_257 : memref<1x1x1x32xf32, #tpu.memory_space<vmem>> -> memref<1x32xf32, #tpu.memory_space<vmem>>
    %dma_start3A_259 = arith.constant 0 : i32
    %dma_start3A_260 = arith.constant 0 : i32
    %dma_start3A_261 = tpu.memref_slice %arg4[%squeeze3A_244, %dma_start3A_259, %dma_start3A_260] : memref<1000000x1x32xf32, #tpu.memory_space<hbm>> -> memref<1x1x32xf32, #tpu.memory_space<hbm>>
    %dma_start3A_262 = tpu.memref_squeeze %dma_start3A_261 : memref<1x1x32xf32, #tpu.memory_space<hbm>> -> memref<1x32xf32, #tpu.memory_space<hbm>>
    tpu.enqueue_dma source(%dma_start3A_262 : memref<1x32xf32, #tpu.memory_space<hbm>>) target(%dma_start3A_258 : memref<1x32xf32, #tpu.memory_space<vmem>>) target_semaphore(%arg12 : memref<!tpu.dma_semaphore, #tpu.memory_space<semaphore_mem>>)
    %slice3A_263 = vector.extract_strided_slice %get3A_5 {offsets = [6], sizes = [1], strides = [1]} : vector<16xi32> to vector<1xi32>
    %squeeze3A_264 = vector.extract %slice3A_263[0] : i32 from vector<1xi32>
    %dma_start3A_265 = arith.constant 0 : i32
    %dma_start3A_266 = arith.constant 6 : i32
    %dma_start3A_267 = arith.constant 0 : i32
    %dma_start3A_268 = arith.constant 0 : i32
    %dma_start3A_269 = tpu.memref_slice %arg10[%dma_start3A_265, %dma_start3A_266, %dma_start3A_267, %dma_start3A_268] : memref<2x16x1x32xf32, #tpu.memory_space<vmem>> -> memref<1x1x1x32xf32, #tpu.memory_space<vmem>>
    %dma_start3A_270 = tpu.memref_squeeze %dma_start3A_269 : memref<1x1x1x32xf32, #tpu.memory_space<vmem>> -> memref<1x32xf32, #tpu.memory_space<vmem>>
    %dma_start3A_271 = arith.constant 0 : i32
    %dma_start3A_272 = arith.constant 0 : i32
    %dma_start3A_273 = tpu.memref_slice %arg5[%squeeze3A_264, %dma_start3A_271, %dma_start3A_272] : memref<1000000x1x32xf32, #tpu.memory_space<hbm>> -> memref<1x1x32xf32, #tpu.memory_space<hbm>>
    %dma_start3A_274 = tpu.memref_squeeze %dma_start3A_273 : memref<1x1x32xf32, #tpu.memory_space<hbm>> -> memref<1x32xf32, #tpu.memory_space<hbm>>
    %dma_start3A_275 = arith.constant 0 : i32
    %dma_start3A_276 = arith.constant 0 : i32
    %dma_start3A_277 = tpu.memref_slice %arg10[%dma_start3A_265, %dma_start3A_266, %dma_start3A_275, %dma_start3A_276] : memref<2x16x1x32xf32, #tpu.memory_space<vmem>> -> memref<1x1x1x32xf32, #tpu.memory_space<vmem>>
    %dma_start3A_278 = tpu.memref_squeeze %dma_start3A_277 : memref<1x1x1x32xf32, #tpu.memory_space<vmem>> -> memref<1x32xf32, #tpu.memory_space<vmem>>
    %dma_start3A_279 = arith.constant 0 : i32
    %dma_start3A_280 = arith.constant 0 : i32
    %dma_start3A_281 = tpu.memref_slice %arg5[%squeeze3A_264, %dma_start3A_279, %dma_start3A_280] : memref<1000000x1x32xf32, #tpu.memory_space<hbm>> -> memref<1x1x32xf32, #tpu.memory_space<hbm>>
    %dma_start3A_282 = tpu.memref_squeeze %dma_start3A_281 : memref<1x1x32xf32, #tpu.memory_space<hbm>> -> memref<1x32xf32, #tpu.memory_space<hbm>>
    tpu.enqueue_dma source(%dma_start3A_282 : memref<1x32xf32, #tpu.memory_space<hbm>>) target(%dma_start3A_278 : memref<1x32xf32, #tpu.memory_space<vmem>>) target_semaphore(%arg14 : memref<!tpu.dma_semaphore, #tpu.memory_space<semaphore_mem>>)
    %slice3A_283 = vector.extract_strided_slice %get3A_3 {offsets = [7], sizes = [1], strides = [1]} : vector<16xi32> to vector<1xi32>
    %squeeze3A_284 = vector.extract %slice3A_283[0] : i32 from vector<1xi32>
    %dma_start3A_285 = arith.constant 0 : i32
    %dma_start3A_286 = arith.constant 7 : i32
    %dma_start3A_287 = arith.constant 0 : i32
    %dma_start3A_288 = arith.constant 0 : i32
    %dma_start3A_289 = tpu.memref_slice %arg9[%dma_start3A_285, %dma_start3A_286, %dma_start3A_287, %dma_start3A_288] : memref<2x16x1x32xf32, #tpu.memory_space<vmem>> -> memref<1x1x1x32xf32, #tpu.memory_space<vmem>>
    %dma_start3A_290 = tpu.memref_squeeze %dma_start3A_289 : memref<1x1x1x32xf32, #tpu.memory_space<vmem>> -> memref<1x32xf32, #tpu.memory_space<vmem>>
    %dma_start3A_291 = arith.constant 0 : i32
    %dma_start3A_292 = arith.constant 0 : i32
    %dma_start3A_293 = tpu.memref_slice %arg4[%squeeze3A_284, %dma_start3A_291, %dma_start3A_292] : memref<1000000x1x32xf32, #tpu.memory_space<hbm>> -> memref<1x1x32xf32, #tpu.memory_space<hbm>>
    %dma_start3A_294 = tpu.memref_squeeze %dma_start3A_293 : memref<1x1x32xf32, #tpu.memory_space<hbm>> -> memref<1x32xf32, #tpu.memory_space<hbm>>
    %dma_start3A_295 = arith.constant 0 : i32
    %dma_start3A_296 = arith.constant 0 : i32
    %dma_start3A_297 = tpu.memref_slice %arg9[%dma_start3A_285, %dma_start3A_286, %dma_start3A_295, %dma_start3A_296] : memref<2x16x1x32xf32, #tpu.memory_space<vmem>> -> memref<1x1x1x32xf32, #tpu.memory_space<vmem>>
    %dma_start3A_298 = tpu.memref_squeeze %dma_start3A_297 : memref<1x1x1x32xf32, #tpu.memory_space<vmem>> -> memref<1x32xf32, #tpu.memory_space<vmem>>
    %dma_start3A_299 = arith.constant 0 : i32
    %dma_start3A_300 = arith.constant 0 : i32
    %dma_start3A_301 = tpu.memref_slice %arg4[%squeeze3A_284, %dma_start3A_299, %dma_start3A_300] : memref<1000000x1x32xf32, #tpu.memory_space<hbm>> -> memref<1x1x32xf32, #tpu.memory_space<hbm>>
    %dma_start3A_302 = tpu.memref_squeeze %dma_start3A_301 : memref<1x1x32xf32, #tpu.memory_space<hbm>> -> memref<1x32xf32, #tpu.memory_space<hbm>>
    tpu.enqueue_dma source(%dma_start3A_302 : memref<1x32xf32, #tpu.memory_space<hbm>>) target(%dma_start3A_298 : memref<1x32xf32, #tpu.memory_space<vmem>>) target_semaphore(%arg12 : memref<!tpu.dma_semaphore, #tpu.memory_space<semaphore_mem>>)
    %slice3A_303 = vector.extract_strided_slice %get3A_5 {offsets = [7], sizes = [1], strides = [1]} : vector<16xi32> to vector<1xi32>
    %squeeze3A_304 = vector.extract %slice3A_303[0] : i32 from vector<1xi32>
    %dma_start3A_305 = arith.constant 0 : i32
    %dma_start3A_306 = arith.constant 7 : i32
    %dma_start3A_307 = arith.constant 0 : i32
    %dma_start3A_308 = arith.constant 0 : i32
    %dma_start3A_309 = tpu.memref_slice %arg10[%dma_start3A_305, %dma_start3A_306, %dma_start3A_307, %dma_start3A_308] : memref<2x16x1x32xf32, #tpu.memory_space<vmem>> -> memref<1x1x1x32xf32, #tpu.memory_space<vmem>>
    %dma_start3A_310 = tpu.memref_squeeze %dma_start3A_309 : memref<1x1x1x32xf32, #tpu.memory_space<vmem>> -> memref<1x32xf32, #tpu.memory_space<vmem>>
    %dma_start3A_311 = arith.constant 0 : i32
    %dma_start3A_312 = arith.constant 0 : i32
    %dma_start3A_313 = tpu.memref_slice %arg5[%squeeze3A_304, %dma_start3A_311, %dma_start3A_312] : memref<1000000x1x32xf32, #tpu.memory_space<hbm>> -> memref<1x1x32xf32, #tpu.memory_space<hbm>>
    %dma_start3A_314 = tpu.memref_squeeze %dma_start3A_313 : memref<1x1x32xf32, #tpu.memory_space<hbm>> -> memref<1x32xf32, #tpu.memory_space<hbm>>
    %dma_start3A_315 = arith.constant 0 : i32
    %dma_start3A_316 = arith.constant 0 : i32
    %dma_start3A_317 = tpu.memref_slice %arg10[%dma_start3A_305, %dma_start3A_306, %dma_start3A_315, %dma_start3A_316] : memref<2x16x1x32xf32, #tpu.memory_space<vmem>> -> memref<1x1x1x32xf32, #tpu.memory_space<vmem>>
    %dma_start3A_318 = tpu.memref_squeeze %dma_start3A_317 : memref<1x1x1x32xf32, #tpu.memory_space<vmem>> -> memref<1x32xf32, #tpu.memory_space<vmem>>
    %dma_start3A_319 = arith.constant 0 : i32
    %dma_start3A_320 = arith.constant 0 : i32
    %dma_start3A_321 = tpu.memref_slice %arg5[%squeeze3A_304, %dma_start3A_319, %dma_start3A_320] : memref<1000000x1x32xf32, #tpu.memory_space<hbm>> -> memref<1x1x32xf32, #tpu.memory_space<hbm>>
    %dma_start3A_322 = tpu.memref_squeeze %dma_start3A_321 : memref<1x1x32xf32, #tpu.memory_space<hbm>> -> memref<1x32xf32, #tpu.memory_space<hbm>>
    tpu.enqueue_dma source(%dma_start3A_322 : memref<1x32xf32, #tpu.memory_space<hbm>>) target(%dma_start3A_318 : memref<1x32xf32, #tpu.memory_space<vmem>>) target_semaphore(%arg14 : memref<!tpu.dma_semaphore, #tpu.memory_space<semaphore_mem>>)
    %slice3A_323 = vector.extract_strided_slice %get3A_3 {offsets = [8], sizes = [1], strides = [1]} : vector<16xi32> to vector<1xi32>
    %squeeze3A_324 = vector.extract %slice3A_323[0] : i32 from vector<1xi32>
    %dma_start3A_325 = arith.constant 0 : i32
    %dma_start3A_326 = arith.constant 8 : i32
    %dma_start3A_327 = arith.constant 0 : i32
    %dma_start3A_328 = arith.constant 0 : i32
    %dma_start3A_329 = tpu.memref_slice %arg9[%dma_start3A_325, %dma_start3A_326, %dma_start3A_327, %dma_start3A_328] : memref<2x16x1x32xf32, #tpu.memory_space<vmem>> -> memref<1x1x1x32xf32, #tpu.memory_space<vmem>>
    %dma_start3A_330 = tpu.memref_squeeze %dma_start3A_329 : memref<1x1x1x32xf32, #tpu.memory_space<vmem>> -> memref<1x32xf32, #tpu.memory_space<vmem>>
    %dma_start3A_331 = arith.constant 0 : i32
    %dma_start3A_332 = arith.constant 0 : i32
    %dma_start3A_333 = tpu.memref_slice %arg4[%squeeze3A_324, %dma_start3A_331, %dma_start3A_332] : memref<1000000x1x32xf32, #tpu.memory_space<hbm>> -> memref<1x1x32xf32, #tpu.memory_space<hbm>>
    %dma_start3A_334 = tpu.memref_squeeze %dma_start3A_333 : memref<1x1x32xf32, #tpu.memory_space<hbm>> -> memref<1x32xf32, #tpu.memory_space<hbm>>
    %dma_start3A_335 = arith.constant 0 : i32
    %dma_start3A_336 = arith.constant 0 : i32
    %dma_start3A_337 = tpu.memref_slice %arg9[%dma_start3A_325, %dma_start3A_326, %dma_start3A_335, %dma_start3A_336] : memref<2x16x1x32xf32, #tpu.memory_space<vmem>> -> memref<1x1x1x32xf32, #tpu.memory_space<vmem>>
    %dma_start3A_338 = tpu.memref_squeeze %dma_start3A_337 : memref<1x1x1x32xf32, #tpu.memory_space<vmem>> -> memref<1x32xf32, #tpu.memory_space<vmem>>
    %dma_start3A_339 = arith.constant 0 : i32
    %dma_start3A_340 = arith.constant 0 : i32
    %dma_start3A_341 = tpu.memref_slice %arg4[%squeeze3A_324, %dma_start3A_339, %dma_start3A_340] : memref<1000000x1x32xf32, #tpu.memory_space<hbm>> -> memref<1x1x32xf32, #tpu.memory_space<hbm>>
    %dma_start3A_342 = tpu.memref_squeeze %dma_start3A_341 : memref<1x1x32xf32, #tpu.memory_space<hbm>> -> memref<1x32xf32, #tpu.memory_space<hbm>>
    tpu.enqueue_dma source(%dma_start3A_342 : memref<1x32xf32, #tpu.memory_space<hbm>>) target(%dma_start3A_338 : memref<1x32xf32, #tpu.memory_space<vmem>>) target_semaphore(%arg12 : memref<!tpu.dma_semaphore, #tpu.memory_space<semaphore_mem>>)
    %slice3A_343 = vector.extract_strided_slice %get3A_5 {offsets = [8], sizes = [1], strides = [1]} : vector<16xi32> to vector<1xi32>
    %squeeze3A_344 = vector.extract %slice3A_343[0] : i32 from vector<1xi32>
    %dma_start3A_345 = arith.constant 0 : i32
    %dma_start3A_346 = arith.constant 8 : i32
    %dma_start3A_347 = arith.constant 0 : i32
    %dma_start3A_348 = arith.constant 0 : i32
    %dma_start3A_349 = tpu.memref_slice %arg10[%dma_start3A_345, %dma_start3A_346, %dma_start3A_347, %dma_start3A_348] : memref<2x16x1x32xf32, #tpu.memory_space<vmem>> -> memref<1x1x1x32xf32, #tpu.memory_space<vmem>>
    %dma_start3A_350 = tpu.memref_squeeze %dma_start3A_349 : memref<1x1x1x32xf32, #tpu.memory_space<vmem>> -> memref<1x32xf32, #tpu.memory_space<vmem>>
    %dma_start3A_351 = arith.constant 0 : i32
    %dma_start3A_352 = arith.constant 0 : i32
    %dma_start3A_353 = tpu.memref_slice %arg5[%squeeze3A_344, %dma_start3A_351, %dma_start3A_352] : memref<1000000x1x32xf32, #tpu.memory_space<hbm>> -> memref<1x1x32xf32, #tpu.memory_space<hbm>>
    %dma_start3A_354 = tpu.memref_squeeze %dma_start3A_353 : memref<1x1x32xf32, #tpu.memory_space<hbm>> -> memref<1x32xf32, #tpu.memory_space<hbm>>
    %dma_start3A_355 = arith.constant 0 : i32
    %dma_start3A_356 = arith.constant 0 : i32
    %dma_start3A_357 = tpu.memref_slice %arg10[%dma_start3A_345, %dma_start3A_346, %dma_start3A_355, %dma_start3A_356] : memref<2x16x1x32xf32, #tpu.memory_space<vmem>> -> memref<1x1x1x32xf32, #tpu.memory_space<vmem>>
    %dma_start3A_358 = tpu.memref_squeeze %dma_start3A_357 : memref<1x1x1x32xf32, #tpu.memory_space<vmem>> -> memref<1x32xf32, #tpu.memory_space<vmem>>
    %dma_start3A_359 = arith.constant 0 : i32
    %dma_start3A_360 = arith.constant 0 : i32
    %dma_start3A_361 = tpu.memref_slice %arg5[%squeeze3A_344, %dma_start3A_359, %dma_start3A_360] : memref<1000000x1x32xf32, #tpu.memory_space<hbm>> -> memref<1x1x32xf32, #tpu.memory_space<hbm>>
    %dma_start3A_362 = tpu.memref_squeeze %dma_start3A_361 : memref<1x1x32xf32, #tpu.memory_space<hbm>> -> memref<1x32xf32, #tpu.memory_space<hbm>>
    tpu.enqueue_dma source(%dma_start3A_362 : memref<1x32xf32, #tpu.memory_space<hbm>>) target(%dma_start3A_358 : memref<1x32xf32, #tpu.memory_space<vmem>>) target_semaphore(%arg14 : memref<!tpu.dma_semaphore, #tpu.memory_space<semaphore_mem>>)
    %slice3A_363 = vector.extract_strided_slice %get3A_3 {offsets = [9], sizes = [1], strides = [1]} : vector<16xi32> to vector<1xi32>
    %squeeze3A_364 = vector.extract %slice3A_363[0] : i32 from vector<1xi32>
    %dma_start3A_365 = arith.constant 0 : i32
    %dma_start3A_366 = arith.constant 9 : i32
    %dma_start3A_367 = arith.constant 0 : i32
    %dma_start3A_368 = arith.constant 0 : i32
    %dma_start3A_369 = tpu.memref_slice %arg9[%dma_start3A_365, %dma_start3A_366, %dma_start3A_367, %dma_start3A_368] : memref<2x16x1x32xf32, #tpu.memory_space<vmem>> -> memref<1x1x1x32xf32, #tpu.memory_space<vmem>>
    %dma_start3A_370 = tpu.memref_squeeze %dma_start3A_369 : memref<1x1x1x32xf32, #tpu.memory_space<vmem>> -> memref<1x32xf32, #tpu.memory_space<vmem>>
    %dma_start3A_371 = arith.constant 0 : i32
    %dma_start3A_372 = arith.constant 0 : i32
    %dma_start3A_373 = tpu.memref_slice %arg4[%squeeze3A_364, %dma_start3A_371, %dma_start3A_372] : memref<1000000x1x32xf32, #tpu.memory_space<hbm>> -> memref<1x1x32xf32, #tpu.memory_space<hbm>>
    %dma_start3A_374 = tpu.memref_squeeze %dma_start3A_373 : memref<1x1x32xf32, #tpu.memory_space<hbm>> -> memref<1x32xf32, #tpu.memory_space<hbm>>
    %dma_start3A_375 = arith.constant 0 : i32
    %dma_start3A_376 = arith.constant 0 : i32
    %dma_start3A_377 = tpu.memref_slice %arg9[%dma_start3A_365, %dma_start3A_366, %dma_start3A_375, %dma_start3A_376] : memref<2x16x1x32xf32, #tpu.memory_space<vmem>> -> memref<1x1x1x32xf32, #tpu.memory_space<vmem>>
    %dma_start3A_378 = tpu.memref_squeeze %dma_start3A_377 : memref<1x1x1x32xf32, #tpu.memory_space<vmem>> -> memref<1x32xf32, #tpu.memory_space<vmem>>
    %dma_start3A_379 = arith.constant 0 : i32
    %dma_start3A_380 = arith.constant 0 : i32
    %dma_start3A_381 = tpu.memref_slice %arg4[%squeeze3A_364, %dma_start3A_379, %dma_start3A_380] : memref<1000000x1x32xf32, #tpu.memory_space<hbm>> -> memref<1x1x32xf32, #tpu.memory_space<hbm>>
    %dma_start3A_382 = tpu.memref_squeeze %dma_start3A_381 : memref<1x1x32xf32, #tpu.memory_space<hbm>> -> memref<1x32xf32, #tpu.memory_space<hbm>>
    tpu.enqueue_dma source(%dma_start3A_382 : memref<1x32xf32, #tpu.memory_space<hbm>>) target(%dma_start3A_378 : memref<1x32xf32, #tpu.memory_space<vmem>>) target_semaphore(%arg12 : memref<!tpu.dma_semaphore, #tpu.memory_space<semaphore_mem>>)
    %slice3A_383 = vector.extract_strided_slice %get3A_5 {offsets = [9], sizes = [1], strides = [1]} : vector<16xi32> to vector<1xi32>
    %squeeze3A_384 = vector.extract %slice3A_383[0] : i32 from vector<1xi32>
    %dma_start3A_385 = arith.constant 0 : i32
    %dma_start3A_386 = arith.constant 9 : i32
    %dma_start3A_387 = arith.constant 0 : i32
    %dma_start3A_388 = arith.constant 0 : i32
    %dma_start3A_389 = tpu.memref_slice %arg10[%dma_start3A_385, %dma_start3A_386, %dma_start3A_387, %dma_start3A_388] : memref<2x16x1x32xf32, #tpu.memory_space<vmem>> -> memref<1x1x1x32xf32, #tpu.memory_space<vmem>>
    %dma_start3A_390 = tpu.memref_squeeze %dma_start3A_389 : memref<1x1x1x32xf32, #tpu.memory_space<vmem>> -> memref<1x32xf32, #tpu.memory_space<vmem>>
    %dma_start3A_391 = arith.constant 0 : i32
    %dma_start3A_392 = arith.constant 0 : i32
    %dma_start3A_393 = tpu.memref_slice %arg5[%squeeze3A_384, %dma_start3A_391, %dma_start3A_392] : memref<1000000x1x32xf32, #tpu.memory_space<hbm>> -> memref<1x1x32xf32, #tpu.memory_space<hbm>>
    %dma_start3A_394 = tpu.memref_squeeze %dma_start3A_393 : memref<1x1x32xf32, #tpu.memory_space<hbm>> -> memref<1x32xf32, #tpu.memory_space<hbm>>
    %dma_start3A_395 = arith.constant 0 : i32
    %dma_start3A_396 = arith.constant 0 : i32
    %dma_start3A_397 = tpu.memref_slice %arg10[%dma_start3A_385, %dma_start3A_386, %dma_start3A_395, %dma_start3A_396] : memref<2x16x1x32xf32, #tpu.memory_space<vmem>> -> memref<1x1x1x32xf32, #tpu.memory_space<vmem>>
    %dma_start3A_398 = tpu.memref_squeeze %dma_start3A_397 : memref<1x1x1x32xf32, #tpu.memory_space<vmem>> -> memref<1x32xf32, #tpu.memory_space<vmem>>
    %dma_start3A_399 = arith.constant 0 : i32
    %dma_start3A_400 = arith.constant 0 : i32
    %dma_start3A_401 = tpu.memref_slice %arg5[%squeeze3A_384, %dma_start3A_399, %dma_start3A_400] : memref<1000000x1x32xf32, #tpu.memory_space<hbm>> -> memref<1x1x32xf32, #tpu.memory_space<hbm>>
    %dma_start3A_402 = tpu.memref_squeeze %dma_start3A_401 : memref<1x1x32xf32, #tpu.memory_space<hbm>> -> memref<1x32xf32, #tpu.memory_space<hbm>>
    tpu.enqueue_dma source(%dma_start3A_402 : memref<1x32xf32, #tpu.memory_space<hbm>>) target(%dma_start3A_398 : memref<1x32xf32, #tpu.memory_space<vmem>>) target_semaphore(%arg14 : memref<!tpu.dma_semaphore, #tpu.memory_space<semaphore_mem>>)
    %slice3A_403 = vector.extract_strided_slice %get3A_3 {offsets = [10], sizes = [1], strides = [1]} : vector<16xi32> to vector<1xi32>
    %squeeze3A_404 = vector.extract %slice3A_403[0] : i32 from vector<1xi32>
    %dma_start3A_405 = arith.constant 0 : i32
    %dma_start3A_406 = arith.constant 10 : i32
    %dma_start3A_407 = arith.constant 0 : i32
    %dma_start3A_408 = arith.constant 0 : i32
    %dma_start3A_409 = tpu.memref_slice %arg9[%dma_start3A_405, %dma_start3A_406, %dma_start3A_407, %dma_start3A_408] : memref<2x16x1x32xf32, #tpu.memory_space<vmem>> -> memref<1x1x1x32xf32, #tpu.memory_space<vmem>>
    %dma_start3A_410 = tpu.memref_squeeze %dma_start3A_409 : memref<1x1x1x32xf32, #tpu.memory_space<vmem>> -> memref<1x32xf32, #tpu.memory_space<vmem>>
    %dma_start3A_411 = arith.constant 0 : i32
    %dma_start3A_412 = arith.constant 0 : i32
    %dma_start3A_413 = tpu.memref_slice %arg4[%squeeze3A_404, %dma_start3A_411, %dma_start3A_412] : memref<1000000x1x32xf32, #tpu.memory_space<hbm>> -> memref<1x1x32xf32, #tpu.memory_space<hbm>>
    %dma_start3A_414 = tpu.memref_squeeze %dma_start3A_413 : memref<1x1x32xf32, #tpu.memory_space<hbm>> -> memref<1x32xf32, #tpu.memory_space<hbm>>
    %dma_start3A_415 = arith.constant 0 : i32
    %dma_start3A_416 = arith.constant 0 : i32
    %dma_start3A_417 = tpu.memref_slice %arg9[%dma_start3A_405, %dma_start3A_406, %dma_start3A_415, %dma_start3A_416] : memref<2x16x1x32xf32, #tpu.memory_space<vmem>> -> memref<1x1x1x32xf32, #tpu.memory_space<vmem>>
    %dma_start3A_418 = tpu.memref_squeeze %dma_start3A_417 : memref<1x1x1x32xf32, #tpu.memory_space<vmem>> -> memref<1x32xf32, #tpu.memory_space<vmem>>
    %dma_start3A_419 = arith.constant 0 : i32
    %dma_start3A_420 = arith.constant 0 : i32
    %dma_start3A_421 = tpu.memref_slice %arg4[%squeeze3A_404, %dma_start3A_419, %dma_start3A_420] : memref<1000000x1x32xf32, #tpu.memory_space<hbm>> -> memref<1x1x32xf32, #tpu.memory_space<hbm>>
    %dma_start3A_422 = tpu.memref_squeeze %dma_start3A_421 : memref<1x1x32xf32, #tpu.memory_space<hbm>> -> memref<1x32xf32, #tpu.memory_space<hbm>>
    tpu.enqueue_dma source(%dma_start3A_422 : memref<1x32xf32, #tpu.memory_space<hbm>>) target(%dma_start3A_418 : memref<1x32xf32, #tpu.memory_space<vmem>>) target_semaphore(%arg12 : memref<!tpu.dma_semaphore, #tpu.memory_space<semaphore_mem>>)
    %slice3A_423 = vector.extract_strided_slice %get3A_5 {offsets = [10], sizes = [1], strides = [1]} : vector<16xi32> to vector<1xi32>
    %squeeze3A_424 = vector.extract %slice3A_423[0] : i32 from vector<1xi32>
    %dma_start3A_425 = arith.constant 0 : i32
    %dma_start3A_426 = arith.constant 10 : i32
    %dma_start3A_427 = arith.constant 0 : i32
    %dma_start3A_428 = arith.constant 0 : i32
    %dma_start3A_429 = tpu.memref_slice %arg10[%dma_start3A_425, %dma_start3A_426, %dma_start3A_427, %dma_start3A_428] : memref<2x16x1x32xf32, #tpu.memory_space<vmem>> -> memref<1x1x1x32xf32, #tpu.memory_space<vmem>>
    %dma_start3A_430 = tpu.memref_squeeze %dma_start3A_429 : memref<1x1x1x32xf32, #tpu.memory_space<vmem>> -> memref<1x32xf32, #tpu.memory_space<vmem>>
    %dma_start3A_431 = arith.constant 0 : i32
    %dma_start3A_432 = arith.constant 0 : i32
    %dma_start3A_433 = tpu.memref_slice %arg5[%squeeze3A_424, %dma_start3A_431, %dma_start3A_432] : memref<1000000x1x32xf32, #tpu.memory_space<hbm>> -> memref<1x1x32xf32, #tpu.memory_space<hbm>>
    %dma_start3A_434 = tpu.memref_squeeze %dma_start3A_433 : memref<1x1x32xf32, #tpu.memory_space<hbm>> -> memref<1x32xf32, #tpu.memory_space<hbm>>
    %dma_start3A_435 = arith.constant 0 : i32
    %dma_start3A_436 = arith.constant 0 : i32
    %dma_start3A_437 = tpu.memref_slice %arg10[%dma_start3A_425, %dma_start3A_426, %dma_start3A_435, %dma_start3A_436] : memref<2x16x1x32xf32, #tpu.memory_space<vmem>> -> memref<1x1x1x32xf32, #tpu.memory_space<vmem>>
    %dma_start3A_438 = tpu.memref_squeeze %dma_start3A_437 : memref<1x1x1x32xf32, #tpu.memory_space<vmem>> -> memref<1x32xf32, #tpu.memory_space<vmem>>
    %dma_start3A_439 = arith.constant 0 : i32
    %dma_start3A_440 = arith.constant 0 : i32
    %dma_start3A_441 = tpu.memref_slice %arg5[%squeeze3A_424, %dma_start3A_439, %dma_start3A_440] : memref<1000000x1x32xf32, #tpu.memory_space<hbm>> -> memref<1x1x32xf32, #tpu.memory_space<hbm>>
    %dma_start3A_442 = tpu.memref_squeeze %dma_start3A_441 : memref<1x1x32xf32, #tpu.memory_space<hbm>> -> memref<1x32xf32, #tpu.memory_space<hbm>>
    tpu.enqueue_dma source(%dma_start3A_442 : memref<1x32xf32, #tpu.memory_space<hbm>>) target(%dma_start3A_438 : memref<1x32xf32, #tpu.memory_space<vmem>>) target_semaphore(%arg14 : memref<!tpu.dma_semaphore, #tpu.memory_space<semaphore_mem>>)
    %slice3A_443 = vector.extract_strided_slice %get3A_3 {offsets = [11], sizes = [1], strides = [1]} : vector<16xi32> to vector<1xi32>
    %squeeze3A_444 = vector.extract %slice3A_443[0] : i32 from vector<1xi32>
    %dma_start3A_445 = arith.constant 0 : i32
    %dma_start3A_446 = arith.constant 11 : i32
    %dma_start3A_447 = arith.constant 0 : i32
    %dma_start3A_448 = arith.constant 0 : i32
    %dma_start3A_449 = tpu.memref_slice %arg9[%dma_start3A_445, %dma_start3A_446, %dma_start3A_447, %dma_start3A_448] : memref<2x16x1x32xf32, #tpu.memory_space<vmem>> -> memref<1x1x1x32xf32, #tpu.memory_space<vmem>>
    %dma_start3A_450 = tpu.memref_squeeze %dma_start3A_449 : memref<1x1x1x32xf32, #tpu.memory_space<vmem>> -> memref<1x32xf32, #tpu.memory_space<vmem>>
    %dma_start3A_451 = arith.constant 0 : i32
    %dma_start3A_452 = arith.constant 0 : i32
    %dma_start3A_453 = tpu.memref_slice %arg4[%squeeze3A_444, %dma_start3A_451, %dma_start3A_452] : memref<1000000x1x32xf32, #tpu.memory_space<hbm>> -> memref<1x1x32xf32, #tpu.memory_space<hbm>>
    %dma_start3A_454 = tpu.memref_squeeze %dma_start3A_453 : memref<1x1x32xf32, #tpu.memory_space<hbm>> -> memref<1x32xf32, #tpu.memory_space<hbm>>
    %dma_start3A_455 = arith.constant 0 : i32
    %dma_start3A_456 = arith.constant 0 : i32
    %dma_start3A_457 = tpu.memref_slice %arg9[%dma_start3A_445, %dma_start3A_446, %dma_start3A_455, %dma_start3A_456] : memref<2x16x1x32xf32, #tpu.memory_space<vmem>> -> memref<1x1x1x32xf32, #tpu.memory_space<vmem>>
    %dma_start3A_458 = tpu.memref_squeeze %dma_start3A_457 : memref<1x1x1x32xf32, #tpu.memory_space<vmem>> -> memref<1x32xf32, #tpu.memory_space<vmem>>
    %dma_start3A_459 = arith.constant 0 : i32
    %dma_start3A_460 = arith.constant 0 : i32
    %dma_start3A_461 = tpu.memref_slice %arg4[%squeeze3A_444, %dma_start3A_459, %dma_start3A_460] : memref<1000000x1x32xf32, #tpu.memory_space<hbm>> -> memref<1x1x32xf32, #tpu.memory_space<hbm>>
    %dma_start3A_462 = tpu.memref_squeeze %dma_start3A_461 : memref<1x1x32xf32, #tpu.memory_space<hbm>> -> memref<1x32xf32, #tpu.memory_space<hbm>>
    tpu.enqueue_dma source(%dma_start3A_462 : memref<1x32xf32, #tpu.memory_space<hbm>>) target(%dma_start3A_458 : memref<1x32xf32, #tpu.memory_space<vmem>>) target_semaphore(%arg12 : memref<!tpu.dma_semaphore, #tpu.memory_space<semaphore_mem>>)
    %slice3A_463 = vector.extract_strided_slice %get3A_5 {offsets = [11], sizes = [1], strides = [1]} : vector<16xi32> to vector<1xi32>
    %squeeze3A_464 = vector.extract %slice3A_463[0] : i32 from vector<1xi32>
    %dma_start3A_465 = arith.constant 0 : i32
    %dma_start3A_466 = arith.constant 11 : i32
    %dma_start3A_467 = arith.constant 0 : i32
    %dma_start3A_468 = arith.constant 0 : i32
    %dma_start3A_469 = tpu.memref_slice %arg10[%dma_start3A_465, %dma_start3A_466, %dma_start3A_467, %dma_start3A_468] : memref<2x16x1x32xf32, #tpu.memory_space<vmem>> -> memref<1x1x1x32xf32, #tpu.memory_space<vmem>>
    %dma_start3A_470 = tpu.memref_squeeze %dma_start3A_469 : memref<1x1x1x32xf32, #tpu.memory_space<vmem>> -> memref<1x32xf32, #tpu.memory_space<vmem>>
    %dma_start3A_471 = arith.constant 0 : i32
    %dma_start3A_472 = arith.constant 0 : i32
    %dma_start3A_473 = tpu.memref_slice %arg5[%squeeze3A_464, %dma_start3A_471, %dma_start3A_472] : memref<1000000x1x32xf32, #tpu.memory_space<hbm>> -> memref<1x1x32xf32, #tpu.memory_space<hbm>>
    %dma_start3A_474 = tpu.memref_squeeze %dma_start3A_473 : memref<1x1x32xf32, #tpu.memory_space<hbm>> -> memref<1x32xf32, #tpu.memory_space<hbm>>
    %dma_start3A_475 = arith.constant 0 : i32
    %dma_start3A_476 = arith.constant 0 : i32
    %dma_start3A_477 = tpu.memref_slice %arg10[%dma_start3A_465, %dma_start3A_466, %dma_start3A_475, %dma_start3A_476] : memref<2x16x1x32xf32, #tpu.memory_space<vmem>> -> memref<1x1x1x32xf32, #tpu.memory_space<vmem>>
    %dma_start3A_478 = tpu.memref_squeeze %dma_start3A_477 : memref<1x1x1x32xf32, #tpu.memory_space<vmem>> -> memref<1x32xf32, #tpu.memory_space<vmem>>
    %dma_start3A_479 = arith.constant 0 : i32
    %dma_start3A_480 = arith.constant 0 : i32
    %dma_start3A_481 = tpu.memref_slice %arg5[%squeeze3A_464, %dma_start3A_479, %dma_start3A_480] : memref<1000000x1x32xf32, #tpu.memory_space<hbm>> -> memref<1x1x32xf32, #tpu.memory_space<hbm>>
    %dma_start3A_482 = tpu.memref_squeeze %dma_start3A_481 : memref<1x1x32xf32, #tpu.memory_space<hbm>> -> memref<1x32xf32, #tpu.memory_space<hbm>>
    tpu.enqueue_dma source(%dma_start3A_482 : memref<1x32xf32, #tpu.memory_space<hbm>>) target(%dma_start3A_478 : memref<1x32xf32, #tpu.memory_space<vmem>>) target_semaphore(%arg14 : memref<!tpu.dma_semaphore, #tpu.memory_space<semaphore_mem>>)
    %slice3A_483 = vector.extract_strided_slice %get3A_3 {offsets = [12], sizes = [1], strides = [1]} : vector<16xi32> to vector<1xi32>
    %squeeze3A_484 = vector.extract %slice3A_483[0] : i32 from vector<1xi32>
    %dma_start3A_485 = arith.constant 0 : i32
    %dma_start3A_486 = arith.constant 12 : i32
    %dma_start3A_487 = arith.constant 0 : i32
    %dma_start3A_488 = arith.constant 0 : i32
    %dma_start3A_489 = tpu.memref_slice %arg9[%dma_start3A_485, %dma_start3A_486, %dma_start3A_487, %dma_start3A_488] : memref<2x16x1x32xf32, #tpu.memory_space<vmem>> -> memref<1x1x1x32xf32, #tpu.memory_space<vmem>>
    %dma_start3A_490 = tpu.memref_squeeze %dma_start3A_489 : memref<1x1x1x32xf32, #tpu.memory_space<vmem>> -> memref<1x32xf32, #tpu.memory_space<vmem>>
    %dma_start3A_491 = arith.constant 0 : i32
    %dma_start3A_492 = arith.constant 0 : i32
    %dma_start3A_493 = tpu.memref_slice %arg4[%squeeze3A_484, %dma_start3A_491, %dma_start3A_492] : memref<1000000x1x32xf32, #tpu.memory_space<hbm>> -> memref<1x1x32xf32, #tpu.memory_space<hbm>>
    %dma_start3A_494 = tpu.memref_squeeze %dma_start3A_493 : memref<1x1x32xf32, #tpu.memory_space<hbm>> -> memref<1x32xf32, #tpu.memory_space<hbm>>
    %dma_start3A_495 = arith.constant 0 : i32
    %dma_start3A_496 = arith.constant 0 : i32
    %dma_start3A_497 = tpu.memref_slice %arg9[%dma_start3A_485, %dma_start3A_486, %dma_start3A_495, %dma_start3A_496] : memref<2x16x1x32xf32, #tpu.memory_space<vmem>> -> memref<1x1x1x32xf32, #tpu.memory_space<vmem>>
    %dma_start3A_498 = tpu.memref_squeeze %dma_start3A_497 : memref<1x1x1x32xf32, #tpu.memory_space<vmem>> -> memref<1x32xf32, #tpu.memory_space<vmem>>
    %dma_start3A_499 = arith.constant 0 : i32
    %dma_start3A_500 = arith.constant 0 : i32
    %dma_start3A_501 = tpu.memref_slice %arg4[%squeeze3A_484, %dma_start3A_499, %dma_start3A_500] : memref<1000000x1x32xf32, #tpu.memory_space<hbm>> -> memref<1x1x32xf32, #tpu.memory_space<hbm>>
    %dma_start3A_502 = tpu.memref_squeeze %dma_start3A_501 : memref<1x1x32xf32, #tpu.memory_space<hbm>> -> memref<1x32xf32, #tpu.memory_space<hbm>>
    tpu.enqueue_dma source(%dma_start3A_502 : memref<1x32xf32, #tpu.memory_space<hbm>>) target(%dma_start3A_498 : memref<1x32xf32, #tpu.memory_space<vmem>>) target_semaphore(%arg12 : memref<!tpu.dma_semaphore, #tpu.memory_space<semaphore_mem>>)
    %slice3A_503 = vector.extract_strided_slice %get3A_5 {offsets = [12], sizes = [1], strides = [1]} : vector<16xi32> to vector<1xi32>
    %squeeze3A_504 = vector.extract %slice3A_503[0] : i32 from vector<1xi32>
    %dma_start3A_505 = arith.constant 0 : i32
    %dma_start3A_506 = arith.constant 12 : i32
    %dma_start3A_507 = arith.constant 0 : i32
    %dma_start3A_508 = arith.constant 0 : i32
    %dma_start3A_509 = tpu.memref_slice %arg10[%dma_start3A_505, %dma_start3A_506, %dma_start3A_507, %dma_start3A_508] : memref<2x16x1x32xf32, #tpu.memory_space<vmem>> -> memref<1x1x1x32xf32, #tpu.memory_space<vmem>>
    %dma_start3A_510 = tpu.memref_squeeze %dma_start3A_509 : memref<1x1x1x32xf32, #tpu.memory_space<vmem>> -> memref<1x32xf32, #tpu.memory_space<vmem>>
    %dma_start3A_511 = arith.constant 0 : i32
    %dma_start3A_512 = arith.constant 0 : i32
    %dma_start3A_513 = tpu.memref_slice %arg5[%squeeze3A_504, %dma_start3A_511, %dma_start3A_512] : memref<1000000x1x32xf32, #tpu.memory_space<hbm>> -> memref<1x1x32xf32, #tpu.memory_space<hbm>>
    %dma_start3A_514 = tpu.memref_squeeze %dma_start3A_513 : memref<1x1x32xf32, #tpu.memory_space<hbm>> -> memref<1x32xf32, #tpu.memory_space<hbm>>
    %dma_start3A_515 = arith.constant 0 : i32
    %dma_start3A_516 = arith.constant 0 : i32
    %dma_start3A_517 = tpu.memref_slice %arg10[%dma_start3A_505, %dma_start3A_506, %dma_start3A_515, %dma_start3A_516] : memref<2x16x1x32xf32, #tpu.memory_space<vmem>> -> memref<1x1x1x32xf32, #tpu.memory_space<vmem>>
    %dma_start3A_518 = tpu.memref_squeeze %dma_start3A_517 : memref<1x1x1x32xf32, #tpu.memory_space<vmem>> -> memref<1x32xf32, #tpu.memory_space<vmem>>
    %dma_start3A_519 = arith.constant 0 : i32
    %dma_start3A_520 = arith.constant 0 : i32
    %dma_start3A_521 = tpu.memref_slice %arg5[%squeeze3A_504, %dma_start3A_519, %dma_start3A_520] : memref<1000000x1x32xf32, #tpu.memory_space<hbm>> -> memref<1x1x32xf32, #tpu.memory_space<hbm>>
    %dma_start3A_522 = tpu.memref_squeeze %dma_start3A_521 : memref<1x1x32xf32, #tpu.memory_space<hbm>> -> memref<1x32xf32, #tpu.memory_space<hbm>>
    tpu.enqueue_dma source(%dma_start3A_522 : memref<1x32xf32, #tpu.memory_space<hbm>>) target(%dma_start3A_518 : memref<1x32xf32, #tpu.memory_space<vmem>>) target_semaphore(%arg14 : memref<!tpu.dma_semaphore, #tpu.memory_space<semaphore_mem>>)
    %slice3A_523 = vector.extract_strided_slice %get3A_3 {offsets = [13], sizes = [1], strides = [1]} : vector<16xi32> to vector<1xi32>
    %squeeze3A_524 = vector.extract %slice3A_523[0] : i32 from vector<1xi32>
    %dma_start3A_525 = arith.constant 0 : i32
    %dma_start3A_526 = arith.constant 13 : i32
    %dma_start3A_527 = arith.constant 0 : i32
    %dma_start3A_528 = arith.constant 0 : i32
    %dma_start3A_529 = tpu.memref_slice %arg9[%dma_start3A_525, %dma_start3A_526, %dma_start3A_527, %dma_start3A_528] : memref<2x16x1x32xf32, #tpu.memory_space<vmem>> -> memref<1x1x1x32xf32, #tpu.memory_space<vmem>>
    %dma_start3A_530 = tpu.memref_squeeze %dma_start3A_529 : memref<1x1x1x32xf32, #tpu.memory_space<vmem>> -> memref<1x32xf32, #tpu.memory_space<vmem>>
    %dma_start3A_531 = arith.constant 0 : i32
    %dma_start3A_532 = arith.constant 0 : i32
    %dma_start3A_533 = tpu.memref_slice %arg4[%squeeze3A_524, %dma_start3A_531, %dma_start3A_532] : memref<1000000x1x32xf32, #tpu.memory_space<hbm>> -> memref<1x1x32xf32, #tpu.memory_space<hbm>>
    %dma_start3A_534 = tpu.memref_squeeze %dma_start3A_533 : memref<1x1x32xf32, #tpu.memory_space<hbm>> -> memref<1x32xf32, #tpu.memory_space<hbm>>
    %dma_start3A_535 = arith.constant 0 : i32
    %dma_start3A_536 = arith.constant 0 : i32
    %dma_start3A_537 = tpu.memref_slice %arg9[%dma_start3A_525, %dma_start3A_526, %dma_start3A_535, %dma_start3A_536] : memref<2x16x1x32xf32, #tpu.memory_space<vmem>> -> memref<1x1x1x32xf32, #tpu.memory_space<vmem>>
    %dma_start3A_538 = tpu.memref_squeeze %dma_start3A_537 : memref<1x1x1x32xf32, #tpu.memory_space<vmem>> -> memref<1x32xf32, #tpu.memory_space<vmem>>
    %dma_start3A_539 = arith.constant 0 : i32
    %dma_start3A_540 = arith.constant 0 : i32
    %dma_start3A_541 = tpu.memref_slice %arg4[%squeeze3A_524, %dma_start3A_539, %dma_start3A_540] : memref<1000000x1x32xf32, #tpu.memory_space<hbm>> -> memref<1x1x32xf32, #tpu.memory_space<hbm>>
    %dma_start3A_542 = tpu.memref_squeeze %dma_start3A_541 : memref<1x1x32xf32, #tpu.memory_space<hbm>> -> memref<1x32xf32, #tpu.memory_space<hbm>>
    tpu.enqueue_dma source(%dma_start3A_542 : memref<1x32xf32, #tpu.memory_space<hbm>>) target(%dma_start3A_538 : memref<1x32xf32, #tpu.memory_space<vmem>>) target_semaphore(%arg12 : memref<!tpu.dma_semaphore, #tpu.memory_space<semaphore_mem>>)
    %slice3A_543 = vector.extract_strided_slice %get3A_5 {offsets = [13], sizes = [1], strides = [1]} : vector<16xi32> to vector<1xi32>
    %squeeze3A_544 = vector.extract %slice3A_543[0] : i32 from vector<1xi32>
    %dma_start3A_545 = arith.constant 0 : i32
    %dma_start3A_546 = arith.constant 13 : i32
    %dma_start3A_547 = arith.constant 0 : i32
    %dma_start3A_548 = arith.constant 0 : i32
    %dma_start3A_549 = tpu.memref_slice %arg10[%dma_start3A_545, %dma_start3A_546, %dma_start3A_547, %dma_start3A_548] : memref<2x16x1x32xf32, #tpu.memory_space<vmem>> -> memref<1x1x1x32xf32, #tpu.memory_space<vmem>>
    %dma_start3A_550 = tpu.memref_squeeze %dma_start3A_549 : memref<1x1x1x32xf32, #tpu.memory_space<vmem>> -> memref<1x32xf32, #tpu.memory_space<vmem>>
    %dma_start3A_551 = arith.constant 0 : i32
    %dma_start3A_552 = arith.constant 0 : i32
    %dma_start3A_553 = tpu.memref_slice %arg5[%squeeze3A_544, %dma_start3A_551, %dma_start3A_552] : memref<1000000x1x32xf32, #tpu.memory_space<hbm>> -> memref<1x1x32xf32, #tpu.memory_space<hbm>>
    %dma_start3A_554 = tpu.memref_squeeze %dma_start3A_553 : memref<1x1x32xf32, #tpu.memory_space<hbm>> -> memref<1x32xf32, #tpu.memory_space<hbm>>
    %dma_start3A_555 = arith.constant 0 : i32
    %dma_start3A_556 = arith.constant 0 : i32
    %dma_start3A_557 = tpu.memref_slice %arg10[%dma_start3A_545, %dma_start3A_546, %dma_start3A_555, %dma_start3A_556] : memref<2x16x1x32xf32, #tpu.memory_space<vmem>> -> memref<1x1x1x32xf32, #tpu.memory_space<vmem>>
    %dma_start3A_558 = tpu.memref_squeeze %dma_start3A_557 : memref<1x1x1x32xf32, #tpu.memory_space<vmem>> -> memref<1x32xf32, #tpu.memory_space<vmem>>
    %dma_start3A_559 = arith.constant 0 : i32
    %dma_start3A_560 = arith.constant 0 : i32
    %dma_start3A_561 = tpu.memref_slice %arg5[%squeeze3A_544, %dma_start3A_559, %dma_start3A_560] : memref<1000000x1x32xf32, #tpu.memory_space<hbm>> -> memref<1x1x32xf32, #tpu.memory_space<hbm>>
    %dma_start3A_562 = tpu.memref_squeeze %dma_start3A_561 : memref<1x1x32xf32, #tpu.memory_space<hbm>> -> memref<1x32xf32, #tpu.memory_space<hbm>>
    tpu.enqueue_dma source(%dma_start3A_562 : memref<1x32xf32, #tpu.memory_space<hbm>>) target(%dma_start3A_558 : memref<1x32xf32, #tpu.memory_space<vmem>>) target_semaphore(%arg14 : memref<!tpu.dma_semaphore, #tpu.memory_space<semaphore_mem>>)
    %slice3A_563 = vector.extract_strided_slice %get3A_3 {offsets = [14], sizes = [1], strides = [1]} : vector<16xi32> to vector<1xi32>
    %squeeze3A_564 = vector.extract %slice3A_563[0] : i32 from vector<1xi32>
    %dma_start3A_565 = arith.constant 0 : i32
    %dma_start3A_566 = arith.constant 14 : i32
    %dma_start3A_567 = arith.constant 0 : i32
    %dma_start3A_568 = arith.constant 0 : i32
    %dma_start3A_569 = tpu.memref_slice %arg9[%dma_start3A_565, %dma_start3A_566, %dma_start3A_567, %dma_start3A_568] : memref<2x16x1x32xf32, #tpu.memory_space<vmem>> -> memref<1x1x1x32xf32, #tpu.memory_space<vmem>>
    %dma_start3A_570 = tpu.memref_squeeze %dma_start3A_569 : memref<1x1x1x32xf32, #tpu.memory_space<vmem>> -> memref<1x32xf32, #tpu.memory_space<vmem>>
    %dma_start3A_571 = arith.constant 0 : i32
    %dma_start3A_572 = arith.constant 0 : i32
    %dma_start3A_573 = tpu.memref_slice %arg4[%squeeze3A_564, %dma_start3A_571, %dma_start3A_572] : memref<1000000x1x32xf32, #tpu.memory_space<hbm>> -> memref<1x1x32xf32, #tpu.memory_space<hbm>>
    %dma_start3A_574 = tpu.memref_squeeze %dma_start3A_573 : memref<1x1x32xf32, #tpu.memory_space<hbm>> -> memref<1x32xf32, #tpu.memory_space<hbm>>
    %dma_start3A_575 = arith.constant 0 : i32
    %dma_start3A_576 = arith.constant 0 : i32
    %dma_start3A_577 = tpu.memref_slice %arg9[%dma_start3A_565, %dma_start3A_566, %dma_start3A_575, %dma_start3A_576] : memref<2x16x1x32xf32, #tpu.memory_space<vmem>> -> memref<1x1x1x32xf32, #tpu.memory_space<vmem>>
    %dma_start3A_578 = tpu.memref_squeeze %dma_start3A_577 : memref<1x1x1x32xf32, #tpu.memory_space<vmem>> -> memref<1x32xf32, #tpu.memory_space<vmem>>
    %dma_start3A_579 = arith.constant 0 : i32
    %dma_start3A_580 = arith.constant 0 : i32
    %dma_start3A_581 = tpu.memref_slice %arg4[%squeeze3A_564, %dma_start3A_579, %dma_start3A_580] : memref<1000000x1x32xf32, #tpu.memory_space<hbm>> -> memref<1x1x32xf32, #tpu.memory_space<hbm>>
    %dma_start3A_582 = tpu.memref_squeeze %dma_start3A_581 : memref<1x1x32xf32, #tpu.memory_space<hbm>> -> memref<1x32xf32, #tpu.memory_space<hbm>>
    tpu.enqueue_dma source(%dma_start3A_582 : memref<1x32xf32, #tpu.memory_space<hbm>>) target(%dma_start3A_578 : memref<1x32xf32, #tpu.memory_space<vmem>>) target_semaphore(%arg12 : memref<!tpu.dma_semaphore, #tpu.memory_space<semaphore_mem>>)
    %slice3A_583 = vector.extract_strided_slice %get3A_5 {offsets = [14], sizes = [1], strides = [1]} : vector<16xi32> to vector<1xi32>
    %squeeze3A_584 = vector.extract %slice3A_583[0] : i32 from vector<1xi32>
    %dma_start3A_585 = arith.constant 0 : i32
    %dma_start3A_586 = arith.constant 14 : i32
    %dma_start3A_587 = arith.constant 0 : i32
    %dma_start3A_588 = arith.constant 0 : i32
    %dma_start3A_589 = tpu.memref_slice %arg10[%dma_start3A_585, %dma_start3A_586, %dma_start3A_587, %dma_start3A_588] : memref<2x16x1x32xf32, #tpu.memory_space<vmem>> -> memref<1x1x1x32xf32, #tpu.memory_space<vmem>>
    %dma_start3A_590 = tpu.memref_squeeze %dma_start3A_589 : memref<1x1x1x32xf32, #tpu.memory_space<vmem>> -> memref<1x32xf32, #tpu.memory_space<vmem>>
    %dma_start3A_591 = arith.constant 0 : i32
    %dma_start3A_592 = arith.constant 0 : i32
    %dma_start3A_593 = tpu.memref_slice %arg5[%squeeze3A_584, %dma_start3A_591, %dma_start3A_592] : memref<1000000x1x32xf32, #tpu.memory_space<hbm>> -> memref<1x1x32xf32, #tpu.memory_space<hbm>>
    %dma_start3A_594 = tpu.memref_squeeze %dma_start3A_593 : memref<1x1x32xf32, #tpu.memory_space<hbm>> -> memref<1x32xf32, #tpu.memory_space<hbm>>
    %dma_start3A_595 = arith.constant 0 : i32
    %dma_start3A_596 = arith.constant 0 : i32
    %dma_start3A_597 = tpu.memref_slice %arg10[%dma_start3A_585, %dma_start3A_586, %dma_start3A_595, %dma_start3A_596] : memref<2x16x1x32xf32, #tpu.memory_space<vmem>> -> memref<1x1x1x32xf32, #tpu.memory_space<vmem>>
    %dma_start3A_598 = tpu.memref_squeeze %dma_start3A_597 : memref<1x1x1x32xf32, #tpu.memory_space<vmem>> -> memref<1x32xf32, #tpu.memory_space<vmem>>
    %dma_start3A_599 = arith.constant 0 : i32
    %dma_start3A_600 = arith.constant 0 : i32
    %dma_start3A_601 = tpu.memref_slice %arg5[%squeeze3A_584, %dma_start3A_599, %dma_start3A_600] : memref<1000000x1x32xf32, #tpu.memory_space<hbm>> -> memref<1x1x32xf32, #tpu.memory_space<hbm>>
    %dma_start3A_602 = tpu.memref_squeeze %dma_start3A_601 : memref<1x1x32xf32, #tpu.memory_space<hbm>> -> memref<1x32xf32, #tpu.memory_space<hbm>>
    tpu.enqueue_dma source(%dma_start3A_602 : memref<1x32xf32, #tpu.memory_space<hbm>>) target(%dma_start3A_598 : memref<1x32xf32, #tpu.memory_space<vmem>>) target_semaphore(%arg14 : memref<!tpu.dma_semaphore, #tpu.memory_space<semaphore_mem>>)
    %slice3A_603 = vector.extract_strided_slice %get3A_3 {offsets = [15], sizes = [1], strides = [1]} : vector<16xi32> to vector<1xi32>
    %squeeze3A_604 = vector.extract %slice3A_603[0] : i32 from vector<1xi32>
    %dma_start3A_605 = arith.constant 0 : i32
    %dma_start3A_606 = arith.constant 15 : i32
    %dma_start3A_607 = arith.constant 0 : i32
    %dma_start3A_608 = arith.constant 0 : i32
    %dma_start3A_609 = tpu.memref_slice %arg9[%dma_start3A_605, %dma_start3A_606, %dma_start3A_607, %dma_start3A_608] : memref<2x16x1x32xf32, #tpu.memory_space<vmem>> -> memref<1x1x1x32xf32, #tpu.memory_space<vmem>>
    %dma_start3A_610 = tpu.memref_squeeze %dma_start3A_609 : memref<1x1x1x32xf32, #tpu.memory_space<vmem>> -> memref<1x32xf32, #tpu.memory_space<vmem>>
    %dma_start3A_611 = arith.constant 0 : i32
    %dma_start3A_612 = arith.constant 0 : i32
    %dma_start3A_613 = tpu.memref_slice %arg4[%squeeze3A_604, %dma_start3A_611, %dma_start3A_612] : memref<1000000x1x32xf32, #tpu.memory_space<hbm>> -> memref<1x1x32xf32, #tpu.memory_space<hbm>>
    %dma_start3A_614 = tpu.memref_squeeze %dma_start3A_613 : memref<1x1x32xf32, #tpu.memory_space<hbm>> -> memref<1x32xf32, #tpu.memory_space<hbm>>
    %dma_start3A_615 = arith.constant 0 : i32
    %dma_start3A_616 = arith.constant 0 : i32
    %dma_start3A_617 = tpu.memref_slice %arg9[%dma_start3A_605, %dma_start3A_606, %dma_start3A_615, %dma_start3A_616] : memref<2x16x1x32xf32, #tpu.memory_space<vmem>> -> memref<1x1x1x32xf32, #tpu.memory_space<vmem>>
    %dma_start3A_618 = tpu.memref_squeeze %dma_start3A_617 : memref<1x1x1x32xf32, #tpu.memory_space<vmem>> -> memref<1x32xf32, #tpu.memory_space<vmem>>
    %dma_start3A_619 = arith.constant 0 : i32
    %dma_start3A_620 = arith.constant 0 : i32
    %dma_start3A_621 = tpu.memref_slice %arg4[%squeeze3A_604, %dma_start3A_619, %dma_start3A_620] : memref<1000000x1x32xf32, #tpu.memory_space<hbm>> -> memref<1x1x32xf32, #tpu.memory_space<hbm>>
    %dma_start3A_622 = tpu.memref_squeeze %dma_start3A_621 : memref<1x1x32xf32, #tpu.memory_space<hbm>> -> memref<1x32xf32, #tpu.memory_space<hbm>>
    tpu.enqueue_dma source(%dma_start3A_622 : memref<1x32xf32, #tpu.memory_space<hbm>>) target(%dma_start3A_618 : memref<1x32xf32, #tpu.memory_space<vmem>>) target_semaphore(%arg12 : memref<!tpu.dma_semaphore, #tpu.memory_space<semaphore_mem>>)
    %slice3A_623 = vector.extract_strided_slice %get3A_5 {offsets = [15], sizes = [1], strides = [1]} : vector<16xi32> to vector<1xi32>
    %squeeze3A_624 = vector.extract %slice3A_623[0] : i32 from vector<1xi32>
    %dma_start3A_625 = arith.constant 0 : i32
    %dma_start3A_626 = arith.constant 15 : i32
    %dma_start3A_627 = arith.constant 0 : i32
    %dma_start3A_628 = arith.constant 0 : i32
    %dma_start3A_629 = tpu.memref_slice %arg10[%dma_start3A_625, %dma_start3A_626, %dma_start3A_627, %dma_start3A_628] : memref<2x16x1x32xf32, #tpu.memory_space<vmem>> -> memref<1x1x1x32xf32, #tpu.memory_space<vmem>>
    %dma_start3A_630 = tpu.memref_squeeze %dma_start3A_629 : memref<1x1x1x32xf32, #tpu.memory_space<vmem>> -> memref<1x32xf32, #tpu.memory_space<vmem>>
    %dma_start3A_631 = arith.constant 0 : i32
    %dma_start3A_632 = arith.constant 0 : i32
    %dma_start3A_633 = tpu.memref_slice %arg5[%squeeze3A_624, %dma_start3A_631, %dma_start3A_632] : memref<1000000x1x32xf32, #tpu.memory_space<hbm>> -> memref<1x1x32xf32, #tpu.memory_space<hbm>>
    %dma_start3A_634 = tpu.memref_squeeze %dma_start3A_633 : memref<1x1x32xf32, #tpu.memory_space<hbm>> -> memref<1x32xf32, #tpu.memory_space<hbm>>
    %dma_start3A_635 = arith.constant 0 : i32
    %dma_start3A_636 = arith.constant 0 : i32
    %dma_start3A_637 = tpu.memref_slice %arg10[%dma_start3A_625, %dma_start3A_626, %dma_start3A_635, %dma_start3A_636] : memref<2x16x1x32xf32, #tpu.memory_space<vmem>> -> memref<1x1x1x32xf32, #tpu.memory_space<vmem>>
    %dma_start3A_638 = tpu.memref_squeeze %dma_start3A_637 : memref<1x1x1x32xf32, #tpu.memory_space<vmem>> -> memref<1x32xf32, #tpu.memory_space<vmem>>
    %dma_start3A_639 = arith.constant 0 : i32
    %dma_start3A_640 = arith.constant 0 : i32
    %dma_start3A_641 = tpu.memref_slice %arg5[%squeeze3A_624, %dma_start3A_639, %dma_start3A_640] : memref<1000000x1x32xf32, #tpu.memory_space<hbm>> -> memref<1x1x32xf32, #tpu.memory_space<hbm>>
    %dma_start3A_642 = tpu.memref_squeeze %dma_start3A_641 : memref<1x1x32xf32, #tpu.memory_space<hbm>> -> memref<1x32xf32, #tpu.memory_space<hbm>>
    tpu.enqueue_dma source(%dma_start3A_642 : memref<1x32xf32, #tpu.memory_space<hbm>>) target(%dma_start3A_638 : memref<1x32xf32, #tpu.memory_space<vmem>>) target_semaphore(%arg14 : memref<!tpu.dma_semaphore, #tpu.memory_space<semaphore_mem>>)
    %scan3A = arith.constant 0 : i32
    %scan3A_643 = arith.constant 16 : i32
    %scan3A_644 = arith.addi %scan3A, %scan3A_643 : i32
    %scan3A_645 = arith.constant 1 : i32
    scf.for %scan3A_647 = %scan3A to %scan3A_644 step %scan3A_645  : i32 {
      %mul3A_648 = arith.constant 2 : i32
      %mul3A_649 = arith.muli %scan3A_647, %mul3A_648 : i32
      %add3A_650 = arith.constant 0 : i32
      %add3A_651 = arith.addi %mul3A_649, %add3A_650 : i32
      %add3A_652 = arith.constant 1 : i32
      %add3A_653 = arith.addi %add3A_651, %add3A_652 : i32
      %lt3A = arith.constant 32 : i32
      %lt3A_654 = arith.cmpi slt, %add3A_653, %lt3A : i32
      %convert_element_type3A = arith.extui %lt3A_654 : i1 to i32
      %cond3A = arith.constant 0 : i32
      %cond3A_655 = arith.cmpi ne, %convert_element_type3A, %cond3A : i32
      scf.if %cond3A_655 {
        %add3A_1143 = arith.constant 1 : i32
        %add3A_1144 = arith.addi %add3A_651, %add3A_1143 : i32
        %mul3A_1145 = arith.constant 16 : i32
        %mul3A_1146 = arith.muli %add3A_1144, %mul3A_1145 : i32
        %get3A_1147 = arith.index_cast %mul3A_1146 : i32 to index
        %get3A_1148 = tpu.vector_load %arg7[%get3A_1147] {strides = array<i32>} : memref<512xi32, #tpu.memory_space<vmem>>, vector<16xi32>,
        %mul3A_1149 = arith.constant 16 : i32
        %mul3A_1150 = arith.muli %add3A_1144, %mul3A_1149 : i32
        %get3A_1151 = arith.index_cast %mul3A_1150 : i32 to index
        %get3A_1152 = tpu.vector_load %arg8[%get3A_1151] {strides = array<i32>} : memref<512xi32, #tpu.memory_space<vmem>>, vector<16xi32>,
        %slice3A_1153 = vector.extract_strided_slice %get3A_1148 {offsets = [0], sizes = [1], strides = [1]} : vector<16xi32> to vector<1xi32>
        %squeeze3A_1154 = vector.extract %slice3A_1153[0] : i32 from vector<1xi32>
        %dma_start3A_1155 = arith.constant 1 : i32
        %dma_start3A_1156 = arith.constant 0 : i32
        %dma_start3A_1157 = arith.constant 0 : i32
        %dma_start3A_1158 = arith.constant 0 : i32
        %dma_start3A_1159 = tpu.memref_slice %arg9[%dma_start3A_1155, %dma_start3A_1156, %dma_start3A_1157, %dma_start3A_1158] : memref<2x16x1x32xf32, #tpu.memory_space<vmem>> -> memref<1x1x1x32xf32, #tpu.memory_space<vmem>>
        %dma_start3A_1160 = tpu.memref_squeeze %dma_start3A_1159 : memref<1x1x1x32xf32, #tpu.memory_space<vmem>> -> memref<1x32xf32, #tpu.memory_space<vmem>>
        %dma_start3A_1161 = arith.constant 0 : i32
        %dma_start3A_1162 = arith.constant 0 : i32
        %dma_start3A_1163 = tpu.memref_slice %arg4[%squeeze3A_1154, %dma_start3A_1161, %dma_start3A_1162] : memref<1000000x1x32xf32, #tpu.memory_space<hbm>> -> memref<1x1x32xf32, #tpu.memory_space<hbm>>
        %dma_start3A_1164 = tpu.memref_squeeze %dma_start3A_1163 : memref<1x1x32xf32, #tpu.memory_space<hbm>> -> memref<1x32xf32, #tpu.memory_space<hbm>>
        %dma_start3A_1165 = arith.constant 0 : i32
        %dma_start3A_1166 = arith.constant 0 : i32
        %dma_start3A_1167 = tpu.memref_slice %arg9[%dma_start3A_1155, %dma_start3A_1156, %dma_start3A_1165, %dma_start3A_1166] : memref<2x16x1x32xf32, #tpu.memory_space<vmem>> -> memref<1x1x1x32xf32, #tpu.memory_space<vmem>>
        %dma_start3A_1168 = tpu.memref_squeeze %dma_start3A_1167 : memref<1x1x1x32xf32, #tpu.memory_space<vmem>> -> memref<1x32xf32, #tpu.memory_space<vmem>>
        %dma_start3A_1169 = arith.constant 0 : i32
        %dma_start3A_1170 = arith.constant 0 : i32
        %dma_start3A_1171 = tpu.memref_slice %arg4[%squeeze3A_1154, %dma_start3A_1169, %dma_start3A_1170] : memref<1000000x1x32xf32, #tpu.memory_space<hbm>> -> memref<1x1x32xf32, #tpu.memory_space<hbm>>
        %dma_start3A_1172 = tpu.memref_squeeze %dma_start3A_1171 : memref<1x1x32xf32, #tpu.memory_space<hbm>> -> memref<1x32xf32, #tpu.memory_space<hbm>>
        tpu.enqueue_dma source(%dma_start3A_1172 : memref<1x32xf32, #tpu.memory_space<hbm>>) target(%dma_start3A_1168 : memref<1x32xf32, #tpu.memory_space<vmem>>) target_semaphore(%arg13 : memref<!tpu.dma_semaphore, #tpu.memory_space<semaphore_mem>>)
        %slice3A_1173 = vector.extract_strided_slice %get3A_1152 {offsets = [0], sizes = [1], strides = [1]} : vector<16xi32> to vector<1xi32>
        %squeeze3A_1174 = vector.extract %slice3A_1173[0] : i32 from vector<1xi32>
        %dma_start3A_1175 = arith.constant 1 : i32
        %dma_start3A_1176 = arith.constant 0 : i32
        %dma_start3A_1177 = arith.constant 0 : i32
        %dma_start3A_1178 = arith.constant 0 : i32
        %dma_start3A_1179 = tpu.memref_slice %arg10[%dma_start3A_1175, %dma_start3A_1176, %dma_start3A_1177, %dma_start3A_1178] : memref<2x16x1x32xf32, #tpu.memory_space<vmem>> -> memref<1x1x1x32xf32, #tpu.memory_space<vmem>>
        %dma_start3A_1180 = tpu.memref_squeeze %dma_start3A_1179 : memref<1x1x1x32xf32, #tpu.memory_space<vmem>> -> memref<1x32xf32, #tpu.memory_space<vmem>>
        %dma_start3A_1181 = arith.constant 0 : i32
        %dma_start3A_1182 = arith.constant 0 : i32
        %dma_start3A_1183 = tpu.memref_slice %arg5[%squeeze3A_1174, %dma_start3A_1181, %dma_start3A_1182] : memref<1000000x1x32xf32, #tpu.memory_space<hbm>> -> memref<1x1x32xf32, #tpu.memory_space<hbm>>
        %dma_start3A_1184 = tpu.memref_squeeze %dma_start3A_1183 : memref<1x1x32xf32, #tpu.memory_space<hbm>> -> memref<1x32xf32, #tpu.memory_space<hbm>>
        %dma_start3A_1185 = arith.constant 0 : i32
        %dma_start3A_1186 = arith.constant 0 : i32
        %dma_start3A_1187 = tpu.memref_slice %arg10[%dma_start3A_1175, %dma_start3A_1176, %dma_start3A_1185, %dma_start3A_1186] : memref<2x16x1x32xf32, #tpu.memory_space<vmem>> -> memref<1x1x1x32xf32, #tpu.memory_space<vmem>>
        %dma_start3A_1188 = tpu.memref_squeeze %dma_start3A_1187 : memref<1x1x1x32xf32, #tpu.memory_space<vmem>> -> memref<1x32xf32, #tpu.memory_space<vmem>>
        %dma_start3A_1189 = arith.constant 0 : i32
        %dma_start3A_1190 = arith.constant 0 : i32
        %dma_start3A_1191 = tpu.memref_slice %arg5[%squeeze3A_1174, %dma_start3A_1189, %dma_start3A_1190] : memref<1000000x1x32xf32, #tpu.memory_space<hbm>> -> memref<1x1x32xf32, #tpu.memory_space<hbm>>
        %dma_start3A_1192 = tpu.memref_squeeze %dma_start3A_1191 : memref<1x1x32xf32, #tpu.memory_space<hbm>> -> memref<1x32xf32, #tpu.memory_space<hbm>>
        tpu.enqueue_dma source(%dma_start3A_1192 : memref<1x32xf32, #tpu.memory_space<hbm>>) target(%dma_start3A_1188 : memref<1x32xf32, #tpu.memory_space<vmem>>) target_semaphore(%arg15 : memref<!tpu.dma_semaphore, #tpu.memory_space<semaphore_mem>>)
        %slice3A_1193 = vector.extract_strided_slice %get3A_1148 {offsets = [1], sizes = [1], strides = [1]} : vector<16xi32> to vector<1xi32>
        %squeeze3A_1194 = vector.extract %slice3A_1193[0] : i32 from vector<1xi32>
        %dma_start3A_1195 = arith.constant 1 : i32
        %dma_start3A_1196 = arith.constant 1 : i32
        %dma_start3A_1197 = arith.constant 0 : i32
        %dma_start3A_1198 = arith.constant 0 : i32
        %dma_start3A_1199 = tpu.memref_slice %arg9[%dma_start3A_1195, %dma_start3A_1196, %dma_start3A_1197, %dma_start3A_1198] : memref<2x16x1x32xf32, #tpu.memory_space<vmem>> -> memref<1x1x1x32xf32, #tpu.memory_space<vmem>>
        %dma_start3A_1200 = tpu.memref_squeeze %dma_start3A_1199 : memref<1x1x1x32xf32, #tpu.memory_space<vmem>> -> memref<1x32xf32, #tpu.memory_space<vmem>>
        %dma_start3A_1201 = arith.constant 0 : i32
        %dma_start3A_1202 = arith.constant 0 : i32
        %dma_start3A_1203 = tpu.memref_slice %arg4[%squeeze3A_1194, %dma_start3A_1201, %dma_start3A_1202] : memref<1000000x1x32xf32, #tpu.memory_space<hbm>> -> memref<1x1x32xf32, #tpu.memory_space<hbm>>
        %dma_start3A_1204 = tpu.memref_squeeze %dma_start3A_1203 : memref<1x1x32xf32, #tpu.memory_space<hbm>> -> memref<1x32xf32, #tpu.memory_space<hbm>>
        %dma_start3A_1205 = arith.constant 0 : i32
        %dma_start3A_1206 = arith.constant 0 : i32
        %dma_start3A_1207 = tpu.memref_slice %arg9[%dma_start3A_1195, %dma_start3A_1196, %dma_start3A_1205, %dma_start3A_1206] : memref<2x16x1x32xf32, #tpu.memory_space<vmem>> -> memref<1x1x1x32xf32, #tpu.memory_space<vmem>>
        %dma_start3A_1208 = tpu.memref_squeeze %dma_start3A_1207 : memref<1x1x1x32xf32, #tpu.memory_space<vmem>> -> memref<1x32xf32, #tpu.memory_space<vmem>>
        %dma_start3A_1209 = arith.constant 0 : i32
        %dma_start3A_1210 = arith.constant 0 : i32
        %dma_start3A_1211 = tpu.memref_slice %arg4[%squeeze3A_1194, %dma_start3A_1209, %dma_start3A_1210] : memref<1000000x1x32xf32, #tpu.memory_space<hbm>> -> memref<1x1x32xf32, #tpu.memory_space<hbm>>
        %dma_start3A_1212 = tpu.memref_squeeze %dma_start3A_1211 : memref<1x1x32xf32, #tpu.memory_space<hbm>> -> memref<1x32xf32, #tpu.memory_space<hbm>>
        tpu.enqueue_dma source(%dma_start3A_1212 : memref<1x32xf32, #tpu.memory_space<hbm>>) target(%dma_start3A_1208 : memref<1x32xf32, #tpu.memory_space<vmem>>) target_semaphore(%arg13 : memref<!tpu.dma_semaphore, #tpu.memory_space<semaphore_mem>>)
        %slice3A_1213 = vector.extract_strided_slice %get3A_1152 {offsets = [1], sizes = [1], strides = [1]} : vector<16xi32> to vector<1xi32>
        %squeeze3A_1214 = vector.extract %slice3A_1213[0] : i32 from vector<1xi32>
        %dma_start3A_1215 = arith.constant 1 : i32
        %dma_start3A_1216 = arith.constant 1 : i32
        %dma_start3A_1217 = arith.constant 0 : i32
        %dma_start3A_1218 = arith.constant 0 : i32
        %dma_start3A_1219 = tpu.memref_slice %arg10[%dma_start3A_1215, %dma_start3A_1216, %dma_start3A_1217, %dma_start3A_1218] : memref<2x16x1x32xf32, #tpu.memory_space<vmem>> -> memref<1x1x1x32xf32, #tpu.memory_space<vmem>>
        %dma_start3A_1220 = tpu.memref_squeeze %dma_start3A_1219 : memref<1x1x1x32xf32, #tpu.memory_space<vmem>> -> memref<1x32xf32, #tpu.memory_space<vmem>>
        %dma_start3A_1221 = arith.constant 0 : i32
        %dma_start3A_1222 = arith.constant 0 : i32
        %dma_start3A_1223 = tpu.memref_slice %arg5[%squeeze3A_1214, %dma_start3A_1221, %dma_start3A_1222] : memref<1000000x1x32xf32, #tpu.memory_space<hbm>> -> memref<1x1x32xf32, #tpu.memory_space<hbm>>
        %dma_start3A_1224 = tpu.memref_squeeze %dma_start3A_1223 : memref<1x1x32xf32, #tpu.memory_space<hbm>> -> memref<1x32xf32, #tpu.memory_space<hbm>>
        %dma_start3A_1225 = arith.constant 0 : i32
        %dma_start3A_1226 = arith.constant 0 : i32
        %dma_start3A_1227 = tpu.memref_slice %arg10[%dma_start3A_1215, %dma_start3A_1216, %dma_start3A_1225, %dma_start3A_1226] : memref<2x16x1x32xf32, #tpu.memory_space<vmem>> -> memref<1x1x1x32xf32, #tpu.memory_space<vmem>>
        %dma_start3A_1228 = tpu.memref_squeeze %dma_start3A_1227 : memref<1x1x1x32xf32, #tpu.memory_space<vmem>> -> memref<1x32xf32, #tpu.memory_space<vmem>>
        %dma_start3A_1229 = arith.constant 0 : i32
        %dma_start3A_1230 = arith.constant 0 : i32
        %dma_start3A_1231 = tpu.memref_slice %arg5[%squeeze3A_1214, %dma_start3A_1229, %dma_start3A_1230] : memref<1000000x1x32xf32, #tpu.memory_space<hbm>> -> memref<1x1x32xf32, #tpu.memory_space<hbm>>
        %dma_start3A_1232 = tpu.memref_squeeze %dma_start3A_1231 : memref<1x1x32xf32, #tpu.memory_space<hbm>> -> memref<1x32xf32, #tpu.memory_space<hbm>>
        tpu.enqueue_dma source(%dma_start3A_1232 : memref<1x32xf32, #tpu.memory_space<hbm>>) target(%dma_start3A_1228 : memref<1x32xf32, #tpu.memory_space<vmem>>) target_semaphore(%arg15 : memref<!tpu.dma_semaphore, #tpu.memory_space<semaphore_mem>>)
        %slice3A_1233 = vector.extract_strided_slice %get3A_1148 {offsets = [2], sizes = [1], strides = [1]} : vector<16xi32> to vector<1xi32>
        %squeeze3A_1234 = vector.extract %slice3A_1233[0] : i32 from vector<1xi32>
        %dma_start3A_1235 = arith.constant 1 : i32
        %dma_start3A_1236 = arith.constant 2 : i32
        %dma_start3A_1237 = arith.constant 0 : i32
        %dma_start3A_1238 = arith.constant 0 : i32
        %dma_start3A_1239 = tpu.memref_slice %arg9[%dma_start3A_1235, %dma_start3A_1236, %dma_start3A_1237, %dma_start3A_1238] : memref<2x16x1x32xf32, #tpu.memory_space<vmem>> -> memref<1x1x1x32xf32, #tpu.memory_space<vmem>>
        %dma_start3A_1240 = tpu.memref_squeeze %dma_start3A_1239 : memref<1x1x1x32xf32, #tpu.memory_space<vmem>> -> memref<1x32xf32, #tpu.memory_space<vmem>>
        %dma_start3A_1241 = arith.constant 0 : i32
        %dma_start3A_1242 = arith.constant 0 : i32
        %dma_start3A_1243 = tpu.memref_slice %arg4[%squeeze3A_1234, %dma_start3A_1241, %dma_start3A_1242] : memref<1000000x1x32xf32, #tpu.memory_space<hbm>> -> memref<1x1x32xf32, #tpu.memory_space<hbm>>
        %dma_start3A_1244 = tpu.memref_squeeze %dma_start3A_1243 : memref<1x1x32xf32, #tpu.memory_space<hbm>> -> memref<1x32xf32, #tpu.memory_space<hbm>>
        %dma_start3A_1245 = arith.constant 0 : i32
        %dma_start3A_1246 = arith.constant 0 : i32
        %dma_start3A_1247 = tpu.memref_slice %arg9[%dma_start3A_1235, %dma_start3A_1236, %dma_start3A_1245, %dma_start3A_1246] : memref<2x16x1x32xf32, #tpu.memory_space<vmem>> -> memref<1x1x1x32xf32, #tpu.memory_space<vmem>>
        %dma_start3A_1248 = tpu.memref_squeeze %dma_start3A_1247 : memref<1x1x1x32xf32, #tpu.memory_space<vmem>> -> memref<1x32xf32, #tpu.memory_space<vmem>>
        %dma_start3A_1249 = arith.constant 0 : i32
        %dma_start3A_1250 = arith.constant 0 : i32
        %dma_start3A_1251 = tpu.memref_slice %arg4[%squeeze3A_1234, %dma_start3A_1249, %dma_start3A_1250] : memref<1000000x1x32xf32, #tpu.memory_space<hbm>> -> memref<1x1x32xf32, #tpu.memory_space<hbm>>
        %dma_start3A_1252 = tpu.memref_squeeze %dma_start3A_1251 : memref<1x1x32xf32, #tpu.memory_space<hbm>> -> memref<1x32xf32, #tpu.memory_space<hbm>>
        tpu.enqueue_dma source(%dma_start3A_1252 : memref<1x32xf32, #tpu.memory_space<hbm>>) target(%dma_start3A_1248 : memref<1x32xf32, #tpu.memory_space<vmem>>) target_semaphore(%arg13 : memref<!tpu.dma_semaphore, #tpu.memory_space<semaphore_mem>>)
        %slice3A_1253 = vector.extract_strided_slice %get3A_1152 {offsets = [2], sizes = [1], strides = [1]} : vector<16xi32> to vector<1xi32>
        %squeeze3A_1254 = vector.extract %slice3A_1253[0] : i32 from vector<1xi32>
        %dma_start3A_1255 = arith.constant 1 : i32
        %dma_start3A_1256 = arith.constant 2 : i32
        %dma_start3A_1257 = arith.constant 0 : i32
        %dma_start3A_1258 = arith.constant 0 : i32
        %dma_start3A_1259 = tpu.memref_slice %arg10[%dma_start3A_1255, %dma_start3A_1256, %dma_start3A_1257, %dma_start3A_1258] : memref<2x16x1x32xf32, #tpu.memory_space<vmem>> -> memref<1x1x1x32xf32, #tpu.memory_space<vmem>>
        %dma_start3A_1260 = tpu.memref_squeeze %dma_start3A_1259 : memref<1x1x1x32xf32, #tpu.memory_space<vmem>> -> memref<1x32xf32, #tpu.memory_space<vmem>>
        %dma_start3A_1261 = arith.constant 0 : i32
        %dma_start3A_1262 = arith.constant 0 : i32
        %dma_start3A_1263 = tpu.memref_slice %arg5[%squeeze3A_1254, %dma_start3A_1261, %dma_start3A_1262] : memref<1000000x1x32xf32, #tpu.memory_space<hbm>> -> memref<1x1x32xf32, #tpu.memory_space<hbm>>
        %dma_start3A_1264 = tpu.memref_squeeze %dma_start3A_1263 : memref<1x1x32xf32, #tpu.memory_space<hbm>> -> memref<1x32xf32, #tpu.memory_space<hbm>>
        %dma_start3A_1265 = arith.constant 0 : i32
        %dma_start3A_1266 = arith.constant 0 : i32
        %dma_start3A_1267 = tpu.memref_slice %arg10[%dma_start3A_1255, %dma_start3A_1256, %dma_start3A_1265, %dma_start3A_1266] : memref<2x16x1x32xf32, #tpu.memory_space<vmem>> -> memref<1x1x1x32xf32, #tpu.memory_space<vmem>>
        %dma_start3A_1268 = tpu.memref_squeeze %dma_start3A_1267 : memref<1x1x1x32xf32, #tpu.memory_space<vmem>> -> memref<1x32xf32, #tpu.memory_space<vmem>>
        %dma_start3A_1269 = arith.constant 0 : i32
        %dma_start3A_1270 = arith.constant 0 : i32
        %dma_start3A_1271 = tpu.memref_slice %arg5[%squeeze3A_1254, %dma_start3A_1269, %dma_start3A_1270] : memref<1000000x1x32xf32, #tpu.memory_space<hbm>> -> memref<1x1x32xf32, #tpu.memory_space<hbm>>
        %dma_start3A_1272 = tpu.memref_squeeze %dma_start3A_1271 : memref<1x1x32xf32, #tpu.memory_space<hbm>> -> memref<1x32xf32, #tpu.memory_space<hbm>>
        tpu.enqueue_dma source(%dma_start3A_1272 : memref<1x32xf32, #tpu.memory_space<hbm>>) target(%dma_start3A_1268 : memref<1x32xf32, #tpu.memory_space<vmem>>) target_semaphore(%arg15 : memref<!tpu.dma_semaphore, #tpu.memory_space<semaphore_mem>>)
        %slice3A_1273 = vector.extract_strided_slice %get3A_1148 {offsets = [3], sizes = [1], strides = [1]} : vector<16xi32> to vector<1xi32>
        %squeeze3A_1274 = vector.extract %slice3A_1273[0] : i32 from vector<1xi32>
        %dma_start3A_1275 = arith.constant 1 : i32
        %dma_start3A_1276 = arith.constant 3 : i32
        %dma_start3A_1277 = arith.constant 0 : i32
        %dma_start3A_1278 = arith.constant 0 : i32
        %dma_start3A_1279 = tpu.memref_slice %arg9[%dma_start3A_1275, %dma_start3A_1276, %dma_start3A_1277, %dma_start3A_1278] : memref<2x16x1x32xf32, #tpu.memory_space<vmem>> -> memref<1x1x1x32xf32, #tpu.memory_space<vmem>>
        %dma_start3A_1280 = tpu.memref_squeeze %dma_start3A_1279 : memref<1x1x1x32xf32, #tpu.memory_space<vmem>> -> memref<1x32xf32, #tpu.memory_space<vmem>>
        %dma_start3A_1281 = arith.constant 0 : i32
        %dma_start3A_1282 = arith.constant 0 : i32
        %dma_start3A_1283 = tpu.memref_slice %arg4[%squeeze3A_1274, %dma_start3A_1281, %dma_start3A_1282] : memref<1000000x1x32xf32, #tpu.memory_space<hbm>> -> memref<1x1x32xf32, #tpu.memory_space<hbm>>
        %dma_start3A_1284 = tpu.memref_squeeze %dma_start3A_1283 : memref<1x1x32xf32, #tpu.memory_space<hbm>> -> memref<1x32xf32, #tpu.memory_space<hbm>>
        %dma_start3A_1285 = arith.constant 0 : i32
        %dma_start3A_1286 = arith.constant 0 : i32
        %dma_start3A_1287 = tpu.memref_slice %arg9[%dma_start3A_1275, %dma_start3A_1276, %dma_start3A_1285, %dma_start3A_1286] : memref<2x16x1x32xf32, #tpu.memory_space<vmem>> -> memref<1x1x1x32xf32, #tpu.memory_space<vmem>>
        %dma_start3A_1288 = tpu.memref_squeeze %dma_start3A_1287 : memref<1x1x1x32xf32, #tpu.memory_space<vmem>> -> memref<1x32xf32, #tpu.memory_space<vmem>>
        %dma_start3A_1289 = arith.constant 0 : i32
        %dma_start3A_1290 = arith.constant 0 : i32
        %dma_start3A_1291 = tpu.memref_slice %arg4[%squeeze3A_1274, %dma_start3A_1289, %dma_start3A_1290] : memref<1000000x1x32xf32, #tpu.memory_space<hbm>> -> memref<1x1x32xf32, #tpu.memory_space<hbm>>
        %dma_start3A_1292 = tpu.memref_squeeze %dma_start3A_1291 : memref<1x1x32xf32, #tpu.memory_space<hbm>> -> memref<1x32xf32, #tpu.memory_space<hbm>>
        tpu.enqueue_dma source(%dma_start3A_1292 : memref<1x32xf32, #tpu.memory_space<hbm>>) target(%dma_start3A_1288 : memref<1x32xf32, #tpu.memory_space<vmem>>) target_semaphore(%arg13 : memref<!tpu.dma_semaphore, #tpu.memory_space<semaphore_mem>>)
        %slice3A_1293 = vector.extract_strided_slice %get3A_1152 {offsets = [3], sizes = [1], strides = [1]} : vector<16xi32> to vector<1xi32>
        %squeeze3A_1294 = vector.extract %slice3A_1293[0] : i32 from vector<1xi32>
        %dma_start3A_1295 = arith.constant 1 : i32
        %dma_start3A_1296 = arith.constant 3 : i32
        %dma_start3A_1297 = arith.constant 0 : i32
        %dma_start3A_1298 = arith.constant 0 : i32
        %dma_start3A_1299 = tpu.memref_slice %arg10[%dma_start3A_1295, %dma_start3A_1296, %dma_start3A_1297, %dma_start3A_1298] : memref<2x16x1x32xf32, #tpu.memory_space<vmem>> -> memref<1x1x1x32xf32, #tpu.memory_space<vmem>>
        %dma_start3A_1300 = tpu.memref_squeeze %dma_start3A_1299 : memref<1x1x1x32xf32, #tpu.memory_space<vmem>> -> memref<1x32xf32, #tpu.memory_space<vmem>>
        %dma_start3A_1301 = arith.constant 0 : i32
        %dma_start3A_1302 = arith.constant 0 : i32
        %dma_start3A_1303 = tpu.memref_slice %arg5[%squeeze3A_1294, %dma_start3A_1301, %dma_start3A_1302] : memref<1000000x1x32xf32, #tpu.memory_space<hbm>> -> memref<1x1x32xf32, #tpu.memory_space<hbm>>
        %dma_start3A_1304 = tpu.memref_squeeze %dma_start3A_1303 : memref<1x1x32xf32, #tpu.memory_space<hbm>> -> memref<1x32xf32, #tpu.memory_space<hbm>>
        %dma_start3A_1305 = arith.constant 0 : i32
        %dma_start3A_1306 = arith.constant 0 : i32
        %dma_start3A_1307 = tpu.memref_slice %arg10[%dma_start3A_1295, %dma_start3A_1296, %dma_start3A_1305, %dma_start3A_1306] : memref<2x16x1x32xf32, #tpu.memory_space<vmem>> -> memref<1x1x1x32xf32, #tpu.memory_space<vmem>>
        %dma_start3A_1308 = tpu.memref_squeeze %dma_start3A_1307 : memref<1x1x1x32xf32, #tpu.memory_space<vmem>> -> memref<1x32xf32, #tpu.memory_space<vmem>>
        %dma_start3A_1309 = arith.constant 0 : i32
        %dma_start3A_1310 = arith.constant 0 : i32
        %dma_start3A_1311 = tpu.memref_slice %arg5[%squeeze3A_1294, %dma_start3A_1309, %dma_start3A_1310] : memref<1000000x1x32xf32, #tpu.memory_space<hbm>> -> memref<1x1x32xf32, #tpu.memory_space<hbm>>
        %dma_start3A_1312 = tpu.memref_squeeze %dma_start3A_1311 : memref<1x1x32xf32, #tpu.memory_space<hbm>> -> memref<1x32xf32, #tpu.memory_space<hbm>>
        tpu.enqueue_dma source(%dma_start3A_1312 : memref<1x32xf32, #tpu.memory_space<hbm>>) target(%dma_start3A_1308 : memref<1x32xf32, #tpu.memory_space<vmem>>) target_semaphore(%arg15 : memref<!tpu.dma_semaphore, #tpu.memory_space<semaphore_mem>>)
        %slice3A_1313 = vector.extract_strided_slice %get3A_1148 {offsets = [4], sizes = [1], strides = [1]} : vector<16xi32> to vector<1xi32>
        %squeeze3A_1314 = vector.extract %slice3A_1313[0] : i32 from vector<1xi32>
        %dma_start3A_1315 = arith.constant 1 : i32
        %dma_start3A_1316 = arith.constant 4 : i32
        %dma_start3A_1317 = arith.constant 0 : i32
        %dma_start3A_1318 = arith.constant 0 : i32
        %dma_start3A_1319 = tpu.memref_slice %arg9[%dma_start3A_1315, %dma_start3A_1316, %dma_start3A_1317, %dma_start3A_1318] : memref<2x16x1x32xf32, #tpu.memory_space<vmem>> -> memref<1x1x1x32xf32, #tpu.memory_space<vmem>>
        %dma_start3A_1320 = tpu.memref_squeeze %dma_start3A_1319 : memref<1x1x1x32xf32, #tpu.memory_space<vmem>> -> memref<1x32xf32, #tpu.memory_space<vmem>>
        %dma_start3A_1321 = arith.constant 0 : i32
        %dma_start3A_1322 = arith.constant 0 : i32
        %dma_start3A_1323 = tpu.memref_slice %arg4[%squeeze3A_1314, %dma_start3A_1321, %dma_start3A_1322] : memref<1000000x1x32xf32, #tpu.memory_space<hbm>> -> memref<1x1x32xf32, #tpu.memory_space<hbm>>
        %dma_start3A_1324 = tpu.memref_squeeze %dma_start3A_1323 : memref<1x1x32xf32, #tpu.memory_space<hbm>> -> memref<1x32xf32, #tpu.memory_space<hbm>>
        %dma_start3A_1325 = arith.constant 0 : i32
        %dma_start3A_1326 = arith.constant 0 : i32
        %dma_start3A_1327 = tpu.memref_slice %arg9[%dma_start3A_1315, %dma_start3A_1316, %dma_start3A_1325, %dma_start3A_1326] : memref<2x16x1x32xf32, #tpu.memory_space<vmem>> -> memref<1x1x1x32xf32, #tpu.memory_space<vmem>>
        %dma_start3A_1328 = tpu.memref_squeeze %dma_start3A_1327 : memref<1x1x1x32xf32, #tpu.memory_space<vmem>> -> memref<1x32xf32, #tpu.memory_space<vmem>>
        %dma_start3A_1329 = arith.constant 0 : i32
        %dma_start3A_1330 = arith.constant 0 : i32
        %dma_start3A_1331 = tpu.memref_slice %arg4[%squeeze3A_1314, %dma_start3A_1329, %dma_start3A_1330] : memref<1000000x1x32xf32, #tpu.memory_space<hbm>> -> memref<1x1x32xf32, #tpu.memory_space<hbm>>
        %dma_start3A_1332 = tpu.memref_squeeze %dma_start3A_1331 : memref<1x1x32xf32, #tpu.memory_space<hbm>> -> memref<1x32xf32, #tpu.memory_space<hbm>>
        tpu.enqueue_dma source(%dma_start3A_1332 : memref<1x32xf32, #tpu.memory_space<hbm>>) target(%dma_start3A_1328 : memref<1x32xf32, #tpu.memory_space<vmem>>) target_semaphore(%arg13 : memref<!tpu.dma_semaphore, #tpu.memory_space<semaphore_mem>>)
        %slice3A_1333 = vector.extract_strided_slice %get3A_1152 {offsets = [4], sizes = [1], strides = [1]} : vector<16xi32> to vector<1xi32>
        %squeeze3A_1334 = vector.extract %slice3A_1333[0] : i32 from vector<1xi32>
        %dma_start3A_1335 = arith.constant 1 : i32
        %dma_start3A_1336 = arith.constant 4 : i32
        %dma_start3A_1337 = arith.constant 0 : i32
        %dma_start3A_1338 = arith.constant 0 : i32
        %dma_start3A_1339 = tpu.memref_slice %arg10[%dma_start3A_1335, %dma_start3A_1336, %dma_start3A_1337, %dma_start3A_1338] : memref<2x16x1x32xf32, #tpu.memory_space<vmem>> -> memref<1x1x1x32xf32, #tpu.memory_space<vmem>>
        %dma_start3A_1340 = tpu.memref_squeeze %dma_start3A_1339 : memref<1x1x1x32xf32, #tpu.memory_space<vmem>> -> memref<1x32xf32, #tpu.memory_space<vmem>>
        %dma_start3A_1341 = arith.constant 0 : i32
        %dma_start3A_1342 = arith.constant 0 : i32
        %dma_start3A_1343 = tpu.memref_slice %arg5[%squeeze3A_1334, %dma_start3A_1341, %dma_start3A_1342] : memref<1000000x1x32xf32, #tpu.memory_space<hbm>> -> memref<1x1x32xf32, #tpu.memory_space<hbm>>
        %dma_start3A_1344 = tpu.memref_squeeze %dma_start3A_1343 : memref<1x1x32xf32, #tpu.memory_space<hbm>> -> memref<1x32xf32, #tpu.memory_space<hbm>>
        %dma_start3A_1345 = arith.constant 0 : i32
        %dma_start3A_1346 = arith.constant 0 : i32
        %dma_start3A_1347 = tpu.memref_slice %arg10[%dma_start3A_1335, %dma_start3A_1336, %dma_start3A_1345, %dma_start3A_1346] : memref<2x16x1x32xf32, #tpu.memory_space<vmem>> -> memref<1x1x1x32xf32, #tpu.memory_space<vmem>>
        %dma_start3A_1348 = tpu.memref_squeeze %dma_start3A_1347 : memref<1x1x1x32xf32, #tpu.memory_space<vmem>> -> memref<1x32xf32, #tpu.memory_space<vmem>>
        %dma_start3A_1349 = arith.constant 0 : i32
        %dma_start3A_1350 = arith.constant 0 : i32
        %dma_start3A_1351 = tpu.memref_slice %arg5[%squeeze3A_1334, %dma_start3A_1349, %dma_start3A_1350] : memref<1000000x1x32xf32, #tpu.memory_space<hbm>> -> memref<1x1x32xf32, #tpu.memory_space<hbm>>
        %dma_start3A_1352 = tpu.memref_squeeze %dma_start3A_1351 : memref<1x1x32xf32, #tpu.memory_space<hbm>> -> memref<1x32xf32, #tpu.memory_space<hbm>>
        tpu.enqueue_dma source(%dma_start3A_1352 : memref<1x32xf32, #tpu.memory_space<hbm>>) target(%dma_start3A_1348 : memref<1x32xf32, #tpu.memory_space<vmem>>) target_semaphore(%arg15 : memref<!tpu.dma_semaphore, #tpu.memory_space<semaphore_mem>>)
        %slice3A_1353 = vector.extract_strided_slice %get3A_1148 {offsets = [5], sizes = [1], strides = [1]} : vector<16xi32> to vector<1xi32>
        %squeeze3A_1354 = vector.extract %slice3A_1353[0] : i32 from vector<1xi32>
        %dma_start3A_1355 = arith.constant 1 : i32
        %dma_start3A_1356 = arith.constant 5 : i32
        %dma_start3A_1357 = arith.constant 0 : i32
        %dma_start3A_1358 = arith.constant 0 : i32
        %dma_start3A_1359 = tpu.memref_slice %arg9[%dma_start3A_1355, %dma_start3A_1356, %dma_start3A_1357, %dma_start3A_1358] : memref<2x16x1x32xf32, #tpu.memory_space<vmem>> -> memref<1x1x1x32xf32, #tpu.memory_space<vmem>>
        %dma_start3A_1360 = tpu.memref_squeeze %dma_start3A_1359 : memref<1x1x1x32xf32, #tpu.memory_space<vmem>> -> memref<1x32xf32, #tpu.memory_space<vmem>>
        %dma_start3A_1361 = arith.constant 0 : i32
        %dma_start3A_1362 = arith.constant 0 : i32
        %dma_start3A_1363 = tpu.memref_slice %arg4[%squeeze3A_1354, %dma_start3A_1361, %dma_start3A_1362] : memref<1000000x1x32xf32, #tpu.memory_space<hbm>> -> memref<1x1x32xf32, #tpu.memory_space<hbm>>
        %dma_start3A_1364 = tpu.memref_squeeze %dma_start3A_1363 : memref<1x1x32xf32, #tpu.memory_space<hbm>> -> memref<1x32xf32, #tpu.memory_space<hbm>>
        %dma_start3A_1365 = arith.constant 0 : i32
        %dma_start3A_1366 = arith.constant 0 : i32
        %dma_start3A_1367 = tpu.memref_slice %arg9[%dma_start3A_1355, %dma_start3A_1356, %dma_start3A_1365, %dma_start3A_1366] : memref<2x16x1x32xf32, #tpu.memory_space<vmem>> -> memref<1x1x1x32xf32, #tpu.memory_space<vmem>>
        %dma_start3A_1368 = tpu.memref_squeeze %dma_start3A_1367 : memref<1x1x1x32xf32, #tpu.memory_space<vmem>> -> memref<1x32xf32, #tpu.memory_space<vmem>>
        %dma_start3A_1369 = arith.constant 0 : i32
        %dma_start3A_1370 = arith.constant 0 : i32
        %dma_start3A_1371 = tpu.memref_slice %arg4[%squeeze3A_1354, %dma_start3A_1369, %dma_start3A_1370] : memref<1000000x1x32xf32, #tpu.memory_space<hbm>> -> memref<1x1x32xf32, #tpu.memory_space<hbm>>
        %dma_start3A_1372 = tpu.memref_squeeze %dma_start3A_1371 : memref<1x1x32xf32, #tpu.memory_space<hbm>> -> memref<1x32xf32, #tpu.memory_space<hbm>>
        tpu.enqueue_dma source(%dma_start3A_1372 : memref<1x32xf32, #tpu.memory_space<hbm>>) target(%dma_start3A_1368 : memref<1x32xf32, #tpu.memory_space<vmem>>) target_semaphore(%arg13 : memref<!tpu.dma_semaphore, #tpu.memory_space<semaphore_mem>>)
        %slice3A_1373 = vector.extract_strided_slice %get3A_1152 {offsets = [5], sizes = [1], strides = [1]} : vector<16xi32> to vector<1xi32>
        %squeeze3A_1374 = vector.extract %slice3A_1373[0] : i32 from vector<1xi32>
        %dma_start3A_1375 = arith.constant 1 : i32
        %dma_start3A_1376 = arith.constant 5 : i32
        %dma_start3A_1377 = arith.constant 0 : i32
        %dma_start3A_1378 = arith.constant 0 : i32
        %dma_start3A_1379 = tpu.memref_slice %arg10[%dma_start3A_1375, %dma_start3A_1376, %dma_start3A_1377, %dma_start3A_1378] : memref<2x16x1x32xf32, #tpu.memory_space<vmem>> -> memref<1x1x1x32xf32, #tpu.memory_space<vmem>>
        %dma_start3A_1380 = tpu.memref_squeeze %dma_start3A_1379 : memref<1x1x1x32xf32, #tpu.memory_space<vmem>> -> memref<1x32xf32, #tpu.memory_space<vmem>>
        %dma_start3A_1381 = arith.constant 0 : i32
        %dma_start3A_1382 = arith.constant 0 : i32
        %dma_start3A_1383 = tpu.memref_slice %arg5[%squeeze3A_1374, %dma_start3A_1381, %dma_start3A_1382] : memref<1000000x1x32xf32, #tpu.memory_space<hbm>> -> memref<1x1x32xf32, #tpu.memory_space<hbm>>
        %dma_start3A_1384 = tpu.memref_squeeze %dma_start3A_1383 : memref<1x1x32xf32, #tpu.memory_space<hbm>> -> memref<1x32xf32, #tpu.memory_space<hbm>>
        %dma_start3A_1385 = arith.constant 0 : i32
        %dma_start3A_1386 = arith.constant 0 : i32
        %dma_start3A_1387 = tpu.memref_slice %arg10[%dma_start3A_1375, %dma_start3A_1376, %dma_start3A_1385, %dma_start3A_1386] : memref<2x16x1x32xf32, #tpu.memory_space<vmem>> -> memref<1x1x1x32xf32, #tpu.memory_space<vmem>>
        %dma_start3A_1388 = tpu.memref_squeeze %dma_start3A_1387 : memref<1x1x1x32xf32, #tpu.memory_space<vmem>> -> memref<1x32xf32, #tpu.memory_space<vmem>>
        %dma_start3A_1389 = arith.constant 0 : i32
        %dma_start3A_1390 = arith.constant 0 : i32
        %dma_start3A_1391 = tpu.memref_slice %arg5[%squeeze3A_1374, %dma_start3A_1389, %dma_start3A_1390] : memref<1000000x1x32xf32, #tpu.memory_space<hbm>> -> memref<1x1x32xf32, #tpu.memory_space<hbm>>
        %dma_start3A_1392 = tpu.memref_squeeze %dma_start3A_1391 : memref<1x1x32xf32, #tpu.memory_space<hbm>> -> memref<1x32xf32, #tpu.memory_space<hbm>>
        tpu.enqueue_dma source(%dma_start3A_1392 : memref<1x32xf32, #tpu.memory_space<hbm>>) target(%dma_start3A_1388 : memref<1x32xf32, #tpu.memory_space<vmem>>) target_semaphore(%arg15 : memref<!tpu.dma_semaphore, #tpu.memory_space<semaphore_mem>>)
        %slice3A_1393 = vector.extract_strided_slice %get3A_1148 {offsets = [6], sizes = [1], strides = [1]} : vector<16xi32> to vector<1xi32>
        %squeeze3A_1394 = vector.extract %slice3A_1393[0] : i32 from vector<1xi32>
        %dma_start3A_1395 = arith.constant 1 : i32
        %dma_start3A_1396 = arith.constant 6 : i32
        %dma_start3A_1397 = arith.constant 0 : i32
        %dma_start3A_1398 = arith.constant 0 : i32
        %dma_start3A_1399 = tpu.memref_slice %arg9[%dma_start3A_1395, %dma_start3A_1396, %dma_start3A_1397, %dma_start3A_1398] : memref<2x16x1x32xf32, #tpu.memory_space<vmem>> -> memref<1x1x1x32xf32, #tpu.memory_space<vmem>>
        %dma_start3A_1400 = tpu.memref_squeeze %dma_start3A_1399 : memref<1x1x1x32xf32, #tpu.memory_space<vmem>> -> memref<1x32xf32, #tpu.memory_space<vmem>>
        %dma_start3A_1401 = arith.constant 0 : i32
        %dma_start3A_1402 = arith.constant 0 : i32
        %dma_start3A_1403 = tpu.memref_slice %arg4[%squeeze3A_1394, %dma_start3A_1401, %dma_start3A_1402] : memref<1000000x1x32xf32, #tpu.memory_space<hbm>> -> memref<1x1x32xf32, #tpu.memory_space<hbm>>
        %dma_start3A_1404 = tpu.memref_squeeze %dma_start3A_1403 : memref<1x1x32xf32, #tpu.memory_space<hbm>> -> memref<1x32xf32, #tpu.memory_space<hbm>>
        %dma_start3A_1405 = arith.constant 0 : i32
        %dma_start3A_1406 = arith.constant 0 : i32
        %dma_start3A_1407 = tpu.memref_slice %arg9[%dma_start3A_1395, %dma_start3A_1396, %dma_start3A_1405, %dma_start3A_1406] : memref<2x16x1x32xf32, #tpu.memory_space<vmem>> -> memref<1x1x1x32xf32, #tpu.memory_space<vmem>>
        %dma_start3A_1408 = tpu.memref_squeeze %dma_start3A_1407 : memref<1x1x1x32xf32, #tpu.memory_space<vmem>> -> memref<1x32xf32, #tpu.memory_space<vmem>>
        %dma_start3A_1409 = arith.constant 0 : i32
        %dma_start3A_1410 = arith.constant 0 : i32
        %dma_start3A_1411 = tpu.memref_slice %arg4[%squeeze3A_1394, %dma_start3A_1409, %dma_start3A_1410] : memref<1000000x1x32xf32, #tpu.memory_space<hbm>> -> memref<1x1x32xf32, #tpu.memory_space<hbm>>
        %dma_start3A_1412 = tpu.memref_squeeze %dma_start3A_1411 : memref<1x1x32xf32, #tpu.memory_space<hbm>> -> memref<1x32xf32, #tpu.memory_space<hbm>>
        tpu.enqueue_dma source(%dma_start3A_1412 : memref<1x32xf32, #tpu.memory_space<hbm>>) target(%dma_start3A_1408 : memref<1x32xf32, #tpu.memory_space<vmem>>) target_semaphore(%arg13 : memref<!tpu.dma_semaphore, #tpu.memory_space<semaphore_mem>>)
        %slice3A_1413 = vector.extract_strided_slice %get3A_1152 {offsets = [6], sizes = [1], strides = [1]} : vector<16xi32> to vector<1xi32>
        %squeeze3A_1414 = vector.extract %slice3A_1413[0] : i32 from vector<1xi32>
        %dma_start3A_1415 = arith.constant 1 : i32
        %dma_start3A_1416 = arith.constant 6 : i32
        %dma_start3A_1417 = arith.constant 0 : i32
        %dma_start3A_1418 = arith.constant 0 : i32
        %dma_start3A_1419 = tpu.memref_slice %arg10[%dma_start3A_1415, %dma_start3A_1416, %dma_start3A_1417, %dma_start3A_1418] : memref<2x16x1x32xf32, #tpu.memory_space<vmem>> -> memref<1x1x1x32xf32, #tpu.memory_space<vmem>>
        %dma_start3A_1420 = tpu.memref_squeeze %dma_start3A_1419 : memref<1x1x1x32xf32, #tpu.memory_space<vmem>> -> memref<1x32xf32, #tpu.memory_space<vmem>>
        %dma_start3A_1421 = arith.constant 0 : i32
        %dma_start3A_1422 = arith.constant 0 : i32
        %dma_start3A_1423 = tpu.memref_slice %arg5[%squeeze3A_1414, %dma_start3A_1421, %dma_start3A_1422] : memref<1000000x1x32xf32, #tpu.memory_space<hbm>> -> memref<1x1x32xf32, #tpu.memory_space<hbm>>
        %dma_start3A_1424 = tpu.memref_squeeze %dma_start3A_1423 : memref<1x1x32xf32, #tpu.memory_space<hbm>> -> memref<1x32xf32, #tpu.memory_space<hbm>>
        %dma_start3A_1425 = arith.constant 0 : i32
        %dma_start3A_1426 = arith.constant 0 : i32
        %dma_start3A_1427 = tpu.memref_slice %arg10[%dma_start3A_1415, %dma_start3A_1416, %dma_start3A_1425, %dma_start3A_1426] : memref<2x16x1x32xf32, #tpu.memory_space<vmem>> -> memref<1x1x1x32xf32, #tpu.memory_space<vmem>>
        %dma_start3A_1428 = tpu.memref_squeeze %dma_start3A_1427 : memref<1x1x1x32xf32, #tpu.memory_space<vmem>> -> memref<1x32xf32, #tpu.memory_space<vmem>>
        %dma_start3A_1429 = arith.constant 0 : i32
        %dma_start3A_1430 = arith.constant 0 : i32
        %dma_start3A_1431 = tpu.memref_slice %arg5[%squeeze3A_1414, %dma_start3A_1429, %dma_start3A_1430] : memref<1000000x1x32xf32, #tpu.memory_space<hbm>> -> memref<1x1x32xf32, #tpu.memory_space<hbm>>
        %dma_start3A_1432 = tpu.memref_squeeze %dma_start3A_1431 : memref<1x1x32xf32, #tpu.memory_space<hbm>> -> memref<1x32xf32, #tpu.memory_space<hbm>>
        tpu.enqueue_dma source(%dma_start3A_1432 : memref<1x32xf32, #tpu.memory_space<hbm>>) target(%dma_start3A_1428 : memref<1x32xf32, #tpu.memory_space<vmem>>) target_semaphore(%arg15 : memref<!tpu.dma_semaphore, #tpu.memory_space<semaphore_mem>>)
        %slice3A_1433 = vector.extract_strided_slice %get3A_1148 {offsets = [7], sizes = [1], strides = [1]} : vector<16xi32> to vector<1xi32>
        %squeeze3A_1434 = vector.extract %slice3A_1433[0] : i32 from vector<1xi32>
        %dma_start3A_1435 = arith.constant 1 : i32
        %dma_start3A_1436 = arith.constant 7 : i32
        %dma_start3A_1437 = arith.constant 0 : i32
        %dma_start3A_1438 = arith.constant 0 : i32
        %dma_start3A_1439 = tpu.memref_slice %arg9[%dma_start3A_1435, %dma_start3A_1436, %dma_start3A_1437, %dma_start3A_1438] : memref<2x16x1x32xf32, #tpu.memory_space<vmem>> -> memref<1x1x1x32xf32, #tpu.memory_space<vmem>>
        %dma_start3A_1440 = tpu.memref_squeeze %dma_start3A_1439 : memref<1x1x1x32xf32, #tpu.memory_space<vmem>> -> memref<1x32xf32, #tpu.memory_space<vmem>>
        %dma_start3A_1441 = arith.constant 0 : i32
        %dma_start3A_1442 = arith.constant 0 : i32
        %dma_start3A_1443 = tpu.memref_slice %arg4[%squeeze3A_1434, %dma_start3A_1441, %dma_start3A_1442] : memref<1000000x1x32xf32, #tpu.memory_space<hbm>> -> memref<1x1x32xf32, #tpu.memory_space<hbm>>
        %dma_start3A_1444 = tpu.memref_squeeze %dma_start3A_1443 : memref<1x1x32xf32, #tpu.memory_space<hbm>> -> memref<1x32xf32, #tpu.memory_space<hbm>>
        %dma_start3A_1445 = arith.constant 0 : i32
        %dma_start3A_1446 = arith.constant 0 : i32
        %dma_start3A_1447 = tpu.memref_slice %arg9[%dma_start3A_1435, %dma_start3A_1436, %dma_start3A_1445, %dma_start3A_1446] : memref<2x16x1x32xf32, #tpu.memory_space<vmem>> -> memref<1x1x1x32xf32, #tpu.memory_space<vmem>>
        %dma_start3A_1448 = tpu.memref_squeeze %dma_start3A_1447 : memref<1x1x1x32xf32, #tpu.memory_space<vmem>> -> memref<1x32xf32, #tpu.memory_space<vmem>>
        %dma_start3A_1449 = arith.constant 0 : i32
        %dma_start3A_1450 = arith.constant 0 : i32
        %dma_start3A_1451 = tpu.memref_slice %arg4[%squeeze3A_1434, %dma_start3A_1449, %dma_start3A_1450] : memref<1000000x1x32xf32, #tpu.memory_space<hbm>> -> memref<1x1x32xf32, #tpu.memory_space<hbm>>
        %dma_start3A_1452 = tpu.memref_squeeze %dma_start3A_1451 : memref<1x1x32xf32, #tpu.memory_space<hbm>> -> memref<1x32xf32, #tpu.memory_space<hbm>>
        tpu.enqueue_dma source(%dma_start3A_1452 : memref<1x32xf32, #tpu.memory_space<hbm>>) target(%dma_start3A_1448 : memref<1x32xf32, #tpu.memory_space<vmem>>) target_semaphore(%arg13 : memref<!tpu.dma_semaphore, #tpu.memory_space<semaphore_mem>>)
        %slice3A_1453 = vector.extract_strided_slice %get3A_1152 {offsets = [7], sizes = [1], strides = [1]} : vector<16xi32> to vector<1xi32>
        %squeeze3A_1454 = vector.extract %slice3A_1453[0] : i32 from vector<1xi32>
        %dma_start3A_1455 = arith.constant 1 : i32
        %dma_start3A_1456 = arith.constant 7 : i32
        %dma_start3A_1457 = arith.constant 0 : i32
        %dma_start3A_1458 = arith.constant 0 : i32
        %dma_start3A_1459 = tpu.memref_slice %arg10[%dma_start3A_1455, %dma_start3A_1456, %dma_start3A_1457, %dma_start3A_1458] : memref<2x16x1x32xf32, #tpu.memory_space<vmem>> -> memref<1x1x1x32xf32, #tpu.memory_space<vmem>>
        %dma_start3A_1460 = tpu.memref_squeeze %dma_start3A_1459 : memref<1x1x1x32xf32, #tpu.memory_space<vmem>> -> memref<1x32xf32, #tpu.memory_space<vmem>>
        %dma_start3A_1461 = arith.constant 0 : i32
        %dma_start3A_1462 = arith.constant 0 : i32
        %dma_start3A_1463 = tpu.memref_slice %arg5[%squeeze3A_1454, %dma_start3A_1461, %dma_start3A_1462] : memref<1000000x1x32xf32, #tpu.memory_space<hbm>> -> memref<1x1x32xf32, #tpu.memory_space<hbm>>
        %dma_start3A_1464 = tpu.memref_squeeze %dma_start3A_1463 : memref<1x1x32xf32, #tpu.memory_space<hbm>> -> memref<1x32xf32, #tpu.memory_space<hbm>>
        %dma_start3A_1465 = arith.constant 0 : i32
        %dma_start3A_1466 = arith.constant 0 : i32
        %dma_start3A_1467 = tpu.memref_slice %arg10[%dma_start3A_1455, %dma_start3A_1456, %dma_start3A_1465, %dma_start3A_1466] : memref<2x16x1x32xf32, #tpu.memory_space<vmem>> -> memref<1x1x1x32xf32, #tpu.memory_space<vmem>>
        %dma_start3A_1468 = tpu.memref_squeeze %dma_start3A_1467 : memref<1x1x1x32xf32, #tpu.memory_space<vmem>> -> memref<1x32xf32, #tpu.memory_space<vmem>>
        %dma_start3A_1469 = arith.constant 0 : i32
        %dma_start3A_1470 = arith.constant 0 : i32
        %dma_start3A_1471 = tpu.memref_slice %arg5[%squeeze3A_1454, %dma_start3A_1469, %dma_start3A_1470] : memref<1000000x1x32xf32, #tpu.memory_space<hbm>> -> memref<1x1x32xf32, #tpu.memory_space<hbm>>
        %dma_start3A_1472 = tpu.memref_squeeze %dma_start3A_1471 : memref<1x1x32xf32, #tpu.memory_space<hbm>> -> memref<1x32xf32, #tpu.memory_space<hbm>>
        tpu.enqueue_dma source(%dma_start3A_1472 : memref<1x32xf32, #tpu.memory_space<hbm>>) target(%dma_start3A_1468 : memref<1x32xf32, #tpu.memory_space<vmem>>) target_semaphore(%arg15 : memref<!tpu.dma_semaphore, #tpu.memory_space<semaphore_mem>>)
        %slice3A_1473 = vector.extract_strided_slice %get3A_1148 {offsets = [8], sizes = [1], strides = [1]} : vector<16xi32> to vector<1xi32>
        %squeeze3A_1474 = vector.extract %slice3A_1473[0] : i32 from vector<1xi32>
        %dma_start3A_1475 = arith.constant 1 : i32
        %dma_start3A_1476 = arith.constant 8 : i32
        %dma_start3A_1477 = arith.constant 0 : i32
        %dma_start3A_1478 = arith.constant 0 : i32
        %dma_start3A_1479 = tpu.memref_slice %arg9[%dma_start3A_1475, %dma_start3A_1476, %dma_start3A_1477, %dma_start3A_1478] : memref<2x16x1x32xf32, #tpu.memory_space<vmem>> -> memref<1x1x1x32xf32, #tpu.memory_space<vmem>>
        %dma_start3A_1480 = tpu.memref_squeeze %dma_start3A_1479 : memref<1x1x1x32xf32, #tpu.memory_space<vmem>> -> memref<1x32xf32, #tpu.memory_space<vmem>>
        %dma_start3A_1481 = arith.constant 0 : i32
        %dma_start3A_1482 = arith.constant 0 : i32
        %dma_start3A_1483 = tpu.memref_slice %arg4[%squeeze3A_1474, %dma_start3A_1481, %dma_start3A_1482] : memref<1000000x1x32xf32, #tpu.memory_space<hbm>> -> memref<1x1x32xf32, #tpu.memory_space<hbm>>
        %dma_start3A_1484 = tpu.memref_squeeze %dma_start3A_1483 : memref<1x1x32xf32, #tpu.memory_space<hbm>> -> memref<1x32xf32, #tpu.memory_space<hbm>>
        %dma_start3A_1485 = arith.constant 0 : i32
        %dma_start3A_1486 = arith.constant 0 : i32
        %dma_start3A_1487 = tpu.memref_slice %arg9[%dma_start3A_1475, %dma_start3A_1476, %dma_start3A_1485, %dma_start3A_1486] : memref<2x16x1x32xf32, #tpu.memory_space<vmem>> -> memref<1x1x1x32xf32, #tpu.memory_space<vmem>>
        %dma_start3A_1488 = tpu.memref_squeeze %dma_start3A_1487 : memref<1x1x1x32xf32, #tpu.memory_space<vmem>> -> memref<1x32xf32, #tpu.memory_space<vmem>>
        %dma_start3A_1489 = arith.constant 0 : i32
        %dma_start3A_1490 = arith.constant 0 : i32
        %dma_start3A_1491 = tpu.memref_slice %arg4[%squeeze3A_1474, %dma_start3A_1489, %dma_start3A_1490] : memref<1000000x1x32xf32, #tpu.memory_space<hbm>> -> memref<1x1x32xf32, #tpu.memory_space<hbm>>
        %dma_start3A_1492 = tpu.memref_squeeze %dma_start3A_1491 : memref<1x1x32xf32, #tpu.memory_space<hbm>> -> memref<1x32xf32, #tpu.memory_space<hbm>>
        tpu.enqueue_dma source(%dma_start3A_1492 : memref<1x32xf32, #tpu.memory_space<hbm>>) target(%dma_start3A_1488 : memref<1x32xf32, #tpu.memory_space<vmem>>) target_semaphore(%arg13 : memref<!tpu.dma_semaphore, #tpu.memory_space<semaphore_mem>>)
        %slice3A_1493 = vector.extract_strided_slice %get3A_1152 {offsets = [8], sizes = [1], strides = [1]} : vector<16xi32> to vector<1xi32>
        %squeeze3A_1494 = vector.extract %slice3A_1493[0] : i32 from vector<1xi32>
        %dma_start3A_1495 = arith.constant 1 : i32
        %dma_start3A_1496 = arith.constant 8 : i32
        %dma_start3A_1497 = arith.constant 0 : i32
        %dma_start3A_1498 = arith.constant 0 : i32
        %dma_start3A_1499 = tpu.memref_slice %arg10[%dma_start3A_1495, %dma_start3A_1496, %dma_start3A_1497, %dma_start3A_1498] : memref<2x16x1x32xf32, #tpu.memory_space<vmem>> -> memref<1x1x1x32xf32, #tpu.memory_space<vmem>>
        %dma_start3A_1500 = tpu.memref_squeeze %dma_start3A_1499 : memref<1x1x1x32xf32, #tpu.memory_space<vmem>> -> memref<1x32xf32, #tpu.memory_space<vmem>>
        %dma_start3A_1501 = arith.constant 0 : i32
        %dma_start3A_1502 = arith.constant 0 : i32
        %dma_start3A_1503 = tpu.memref_slice %arg5[%squeeze3A_1494, %dma_start3A_1501, %dma_start3A_1502] : memref<1000000x1x32xf32, #tpu.memory_space<hbm>> -> memref<1x1x32xf32, #tpu.memory_space<hbm>>
        %dma_start3A_1504 = tpu.memref_squeeze %dma_start3A_1503 : memref<1x1x32xf32, #tpu.memory_space<hbm>> -> memref<1x32xf32, #tpu.memory_space<hbm>>
        %dma_start3A_1505 = arith.constant 0 : i32
        %dma_start3A_1506 = arith.constant 0 : i32
        %dma_start3A_1507 = tpu.memref_slice %arg10[%dma_start3A_1495, %dma_start3A_1496, %dma_start3A_1505, %dma_start3A_1506] : memref<2x16x1x32xf32, #tpu.memory_space<vmem>> -> memref<1x1x1x32xf32, #tpu.memory_space<vmem>>
        %dma_start3A_1508 = tpu.memref_squeeze %dma_start3A_1507 : memref<1x1x1x32xf32, #tpu.memory_space<vmem>> -> memref<1x32xf32, #tpu.memory_space<vmem>>
        %dma_start3A_1509 = arith.constant 0 : i32
        %dma_start3A_1510 = arith.constant 0 : i32
        %dma_start3A_1511 = tpu.memref_slice %arg5[%squeeze3A_1494, %dma_start3A_1509, %dma_start3A_1510] : memref<1000000x1x32xf32, #tpu.memory_space<hbm>> -> memref<1x1x32xf32, #tpu.memory_space<hbm>>
        %dma_start3A_1512 = tpu.memref_squeeze %dma_start3A_1511 : memref<1x1x32xf32, #tpu.memory_space<hbm>> -> memref<1x32xf32, #tpu.memory_space<hbm>>
        tpu.enqueue_dma source(%dma_start3A_1512 : memref<1x32xf32, #tpu.memory_space<hbm>>) target(%dma_start3A_1508 : memref<1x32xf32, #tpu.memory_space<vmem>>) target_semaphore(%arg15 : memref<!tpu.dma_semaphore, #tpu.memory_space<semaphore_mem>>)
        %slice3A_1513 = vector.extract_strided_slice %get3A_1148 {offsets = [9], sizes = [1], strides = [1]} : vector<16xi32> to vector<1xi32>
        %squeeze3A_1514 = vector.extract %slice3A_1513[0] : i32 from vector<1xi32>
        %dma_start3A_1515 = arith.constant 1 : i32
        %dma_start3A_1516 = arith.constant 9 : i32
        %dma_start3A_1517 = arith.constant 0 : i32
        %dma_start3A_1518 = arith.constant 0 : i32
        %dma_start3A_1519 = tpu.memref_slice %arg9[%dma_start3A_1515, %dma_start3A_1516, %dma_start3A_1517, %dma_start3A_1518] : memref<2x16x1x32xf32, #tpu.memory_space<vmem>> -> memref<1x1x1x32xf32, #tpu.memory_space<vmem>>
        %dma_start3A_1520 = tpu.memref_squeeze %dma_start3A_1519 : memref<1x1x1x32xf32, #tpu.memory_space<vmem>> -> memref<1x32xf32, #tpu.memory_space<vmem>>
        %dma_start3A_1521 = arith.constant 0 : i32
        %dma_start3A_1522 = arith.constant 0 : i32
        %dma_start3A_1523 = tpu.memref_slice %arg4[%squeeze3A_1514, %dma_start3A_1521, %dma_start3A_1522] : memref<1000000x1x32xf32, #tpu.memory_space<hbm>> -> memref<1x1x32xf32, #tpu.memory_space<hbm>>
        %dma_start3A_1524 = tpu.memref_squeeze %dma_start3A_1523 : memref<1x1x32xf32, #tpu.memory_space<hbm>> -> memref<1x32xf32, #tpu.memory_space<hbm>>
        %dma_start3A_1525 = arith.constant 0 : i32
        %dma_start3A_1526 = arith.constant 0 : i32
        %dma_start3A_1527 = tpu.memref_slice %arg9[%dma_start3A_1515, %dma_start3A_1516, %dma_start3A_1525, %dma_start3A_1526] : memref<2x16x1x32xf32, #tpu.memory_space<vmem>> -> memref<1x1x1x32xf32, #tpu.memory_space<vmem>>
        %dma_start3A_1528 = tpu.memref_squeeze %dma_start3A_1527 : memref<1x1x1x32xf32, #tpu.memory_space<vmem>> -> memref<1x32xf32, #tpu.memory_space<vmem>>
        %dma_start3A_1529 = arith.constant 0 : i32
        %dma_start3A_1530 = arith.constant 0 : i32
        %dma_start3A_1531 = tpu.memref_slice %arg4[%squeeze3A_1514, %dma_start3A_1529, %dma_start3A_1530] : memref<1000000x1x32xf32, #tpu.memory_space<hbm>> -> memref<1x1x32xf32, #tpu.memory_space<hbm>>
        %dma_start3A_1532 = tpu.memref_squeeze %dma_start3A_1531 : memref<1x1x32xf32, #tpu.memory_space<hbm>> -> memref<1x32xf32, #tpu.memory_space<hbm>>
        tpu.enqueue_dma source(%dma_start3A_1532 : memref<1x32xf32, #tpu.memory_space<hbm>>) target(%dma_start3A_1528 : memref<1x32xf32, #tpu.memory_space<vmem>>) target_semaphore(%arg13 : memref<!tpu.dma_semaphore, #tpu.memory_space<semaphore_mem>>)
        %slice3A_1533 = vector.extract_strided_slice %get3A_1152 {offsets = [9], sizes = [1], strides = [1]} : vector<16xi32> to vector<1xi32>
        %squeeze3A_1534 = vector.extract %slice3A_1533[0] : i32 from vector<1xi32>
        %dma_start3A_1535 = arith.constant 1 : i32
        %dma_start3A_1536 = arith.constant 9 : i32
        %dma_start3A_1537 = arith.constant 0 : i32
        %dma_start3A_1538 = arith.constant 0 : i32
        %dma_start3A_1539 = tpu.memref_slice %arg10[%dma_start3A_1535, %dma_start3A_1536, %dma_start3A_1537, %dma_start3A_1538] : memref<2x16x1x32xf32, #tpu.memory_space<vmem>> -> memref<1x1x1x32xf32, #tpu.memory_space<vmem>>
        %dma_start3A_1540 = tpu.memref_squeeze %dma_start3A_1539 : memref<1x1x1x32xf32, #tpu.memory_space<vmem>> -> memref<1x32xf32, #tpu.memory_space<vmem>>
        %dma_start3A_1541 = arith.constant 0 : i32
        %dma_start3A_1542 = arith.constant 0 : i32
        %dma_start3A_1543 = tpu.memref_slice %arg5[%squeeze3A_1534, %dma_start3A_1541, %dma_start3A_1542] : memref<1000000x1x32xf32, #tpu.memory_space<hbm>> -> memref<1x1x32xf32, #tpu.memory_space<hbm>>
        %dma_start3A_1544 = tpu.memref_squeeze %dma_start3A_1543 : memref<1x1x32xf32, #tpu.memory_space<hbm>> -> memref<1x32xf32, #tpu.memory_space<hbm>>
        %dma_start3A_1545 = arith.constant 0 : i32
        %dma_start3A_1546 = arith.constant 0 : i32
        %dma_start3A_1547 = tpu.memref_slice %arg10[%dma_start3A_1535, %dma_start3A_1536, %dma_start3A_1545, %dma_start3A_1546] : memref<2x16x1x32xf32, #tpu.memory_space<vmem>> -> memref<1x1x1x32xf32, #tpu.memory_space<vmem>>
        %dma_start3A_1548 = tpu.memref_squeeze %dma_start3A_1547 : memref<1x1x1x32xf32, #tpu.memory_space<vmem>> -> memref<1x32xf32, #tpu.memory_space<vmem>>
        %dma_start3A_1549 = arith.constant 0 : i32
        %dma_start3A_1550 = arith.constant 0 : i32
        %dma_start3A_1551 = tpu.memref_slice %arg5[%squeeze3A_1534, %dma_start3A_1549, %dma_start3A_1550] : memref<1000000x1x32xf32, #tpu.memory_space<hbm>> -> memref<1x1x32xf32, #tpu.memory_space<hbm>>
        %dma_start3A_1552 = tpu.memref_squeeze %dma_start3A_1551 : memref<1x1x32xf32, #tpu.memory_space<hbm>> -> memref<1x32xf32, #tpu.memory_space<hbm>>
        tpu.enqueue_dma source(%dma_start3A_1552 : memref<1x32xf32, #tpu.memory_space<hbm>>) target(%dma_start3A_1548 : memref<1x32xf32, #tpu.memory_space<vmem>>) target_semaphore(%arg15 : memref<!tpu.dma_semaphore, #tpu.memory_space<semaphore_mem>>)
        %slice3A_1553 = vector.extract_strided_slice %get3A_1148 {offsets = [10], sizes = [1], strides = [1]} : vector<16xi32> to vector<1xi32>
        %squeeze3A_1554 = vector.extract %slice3A_1553[0] : i32 from vector<1xi32>
        %dma_start3A_1555 = arith.constant 1 : i32
        %dma_start3A_1556 = arith.constant 10 : i32
        %dma_start3A_1557 = arith.constant 0 : i32
        %dma_start3A_1558 = arith.constant 0 : i32
        %dma_start3A_1559 = tpu.memref_slice %arg9[%dma_start3A_1555, %dma_start3A_1556, %dma_start3A_1557, %dma_start3A_1558] : memref<2x16x1x32xf32, #tpu.memory_space<vmem>> -> memref<1x1x1x32xf32, #tpu.memory_space<vmem>>
        %dma_start3A_1560 = tpu.memref_squeeze %dma_start3A_1559 : memref<1x1x1x32xf32, #tpu.memory_space<vmem>> -> memref<1x32xf32, #tpu.memory_space<vmem>>
        %dma_start3A_1561 = arith.constant 0 : i32
        %dma_start3A_1562 = arith.constant 0 : i32
        %dma_start3A_1563 = tpu.memref_slice %arg4[%squeeze3A_1554, %dma_start3A_1561, %dma_start3A_1562] : memref<1000000x1x32xf32, #tpu.memory_space<hbm>> -> memref<1x1x32xf32, #tpu.memory_space<hbm>>
        %dma_start3A_1564 = tpu.memref_squeeze %dma_start3A_1563 : memref<1x1x32xf32, #tpu.memory_space<hbm>> -> memref<1x32xf32, #tpu.memory_space<hbm>>
        %dma_start3A_1565 = arith.constant 0 : i32
        %dma_start3A_1566 = arith.constant 0 : i32
        %dma_start3A_1567 = tpu.memref_slice %arg9[%dma_start3A_1555, %dma_start3A_1556, %dma_start3A_1565, %dma_start3A_1566] : memref<2x16x1x32xf32, #tpu.memory_space<vmem>> -> memref<1x1x1x32xf32, #tpu.memory_space<vmem>>
        %dma_start3A_1568 = tpu.memref_squeeze %dma_start3A_1567 : memref<1x1x1x32xf32, #tpu.memory_space<vmem>> -> memref<1x32xf32, #tpu.memory_space<vmem>>
        %dma_start3A_1569 = arith.constant 0 : i32
        %dma_start3A_1570 = arith.constant 0 : i32
        %dma_start3A_1571 = tpu.memref_slice %arg4[%squeeze3A_1554, %dma_start3A_1569, %dma_start3A_1570] : memref<1000000x1x32xf32, #tpu.memory_space<hbm>> -> memref<1x1x32xf32, #tpu.memory_space<hbm>>
        %dma_start3A_1572 = tpu.memref_squeeze %dma_start3A_1571 : memref<1x1x32xf32, #tpu.memory_space<hbm>> -> memref<1x32xf32, #tpu.memory_space<hbm>>
        tpu.enqueue_dma source(%dma_start3A_1572 : memref<1x32xf32, #tpu.memory_space<hbm>>) target(%dma_start3A_1568 : memref<1x32xf32, #tpu.memory_space<vmem>>) target_semaphore(%arg13 : memref<!tpu.dma_semaphore, #tpu.memory_space<semaphore_mem>>)
        %slice3A_1573 = vector.extract_strided_slice %get3A_1152 {offsets = [10], sizes = [1], strides = [1]} : vector<16xi32> to vector<1xi32>
        %squeeze3A_1574 = vector.extract %slice3A_1573[0] : i32 from vector<1xi32>
        %dma_start3A_1575 = arith.constant 1 : i32
        %dma_start3A_1576 = arith.constant 10 : i32
        %dma_start3A_1577 = arith.constant 0 : i32
        %dma_start3A_1578 = arith.constant 0 : i32
        %dma_start3A_1579 = tpu.memref_slice %arg10[%dma_start3A_1575, %dma_start3A_1576, %dma_start3A_1577, %dma_start3A_1578] : memref<2x16x1x32xf32, #tpu.memory_space<vmem>> -> memref<1x1x1x32xf32, #tpu.memory_space<vmem>>
        %dma_start3A_1580 = tpu.memref_squeeze %dma_start3A_1579 : memref<1x1x1x32xf32, #tpu.memory_space<vmem>> -> memref<1x32xf32, #tpu.memory_space<vmem>>
        %dma_start3A_1581 = arith.constant 0 : i32
        %dma_start3A_1582 = arith.constant 0 : i32
        %dma_start3A_1583 = tpu.memref_slice %arg5[%squeeze3A_1574, %dma_start3A_1581, %dma_start3A_1582] : memref<1000000x1x32xf32, #tpu.memory_space<hbm>> -> memref<1x1x32xf32, #tpu.memory_space<hbm>>
        %dma_start3A_1584 = tpu.memref_squeeze %dma_start3A_1583 : memref<1x1x32xf32, #tpu.memory_space<hbm>> -> memref<1x32xf32, #tpu.memory_space<hbm>>
        %dma_start3A_1585 = arith.constant 0 : i32
        %dma_start3A_1586 = arith.constant 0 : i32
        %dma_start3A_1587 = tpu.memref_slice %arg10[%dma_start3A_1575, %dma_start3A_1576, %dma_start3A_1585, %dma_start3A_1586] : memref<2x16x1x32xf32, #tpu.memory_space<vmem>> -> memref<1x1x1x32xf32, #tpu.memory_space<vmem>>
        %dma_start3A_1588 = tpu.memref_squeeze %dma_start3A_1587 : memref<1x1x1x32xf32, #tpu.memory_space<vmem>> -> memref<1x32xf32, #tpu.memory_space<vmem>>
        %dma_start3A_1589 = arith.constant 0 : i32
        %dma_start3A_1590 = arith.constant 0 : i32
        %dma_start3A_1591 = tpu.memref_slice %arg5[%squeeze3A_1574, %dma_start3A_1589, %dma_start3A_1590] : memref<1000000x1x32xf32, #tpu.memory_space<hbm>> -> memref<1x1x32xf32, #tpu.memory_space<hbm>>
        %dma_start3A_1592 = tpu.memref_squeeze %dma_start3A_1591 : memref<1x1x32xf32, #tpu.memory_space<hbm>> -> memref<1x32xf32, #tpu.memory_space<hbm>>
        tpu.enqueue_dma source(%dma_start3A_1592 : memref<1x32xf32, #tpu.memory_space<hbm>>) target(%dma_start3A_1588 : memref<1x32xf32, #tpu.memory_space<vmem>>) target_semaphore(%arg15 : memref<!tpu.dma_semaphore, #tpu.memory_space<semaphore_mem>>)
        %slice3A_1593 = vector.extract_strided_slice %get3A_1148 {offsets = [11], sizes = [1], strides = [1]} : vector<16xi32> to vector<1xi32>
        %squeeze3A_1594 = vector.extract %slice3A_1593[0] : i32 from vector<1xi32>
        %dma_start3A_1595 = arith.constant 1 : i32
        %dma_start3A_1596 = arith.constant 11 : i32
        %dma_start3A_1597 = arith.constant 0 : i32
        %dma_start3A_1598 = arith.constant 0 : i32
        %dma_start3A_1599 = tpu.memref_slice %arg9[%dma_start3A_1595, %dma_start3A_1596, %dma_start3A_1597, %dma_start3A_1598] : memref<2x16x1x32xf32, #tpu.memory_space<vmem>> -> memref<1x1x1x32xf32, #tpu.memory_space<vmem>>
        %dma_start3A_1600 = tpu.memref_squeeze %dma_start3A_1599 : memref<1x1x1x32xf32, #tpu.memory_space<vmem>> -> memref<1x32xf32, #tpu.memory_space<vmem>>
        %dma_start3A_1601 = arith.constant 0 : i32
        %dma_start3A_1602 = arith.constant 0 : i32
        %dma_start3A_1603 = tpu.memref_slice %arg4[%squeeze3A_1594, %dma_start3A_1601, %dma_start3A_1602] : memref<1000000x1x32xf32, #tpu.memory_space<hbm>> -> memref<1x1x32xf32, #tpu.memory_space<hbm>>
        %dma_start3A_1604 = tpu.memref_squeeze %dma_start3A_1603 : memref<1x1x32xf32, #tpu.memory_space<hbm>> -> memref<1x32xf32, #tpu.memory_space<hbm>>
        %dma_start3A_1605 = arith.constant 0 : i32
        %dma_start3A_1606 = arith.constant 0 : i32
        %dma_start3A_1607 = tpu.memref_slice %arg9[%dma_start3A_1595, %dma_start3A_1596, %dma_start3A_1605, %dma_start3A_1606] : memref<2x16x1x32xf32, #tpu.memory_space<vmem>> -> memref<1x1x1x32xf32, #tpu.memory_space<vmem>>
        %dma_start3A_1608 = tpu.memref_squeeze %dma_start3A_1607 : memref<1x1x1x32xf32, #tpu.memory_space<vmem>> -> memref<1x32xf32, #tpu.memory_space<vmem>>
        %dma_start3A_1609 = arith.constant 0 : i32
        %dma_start3A_1610 = arith.constant 0 : i32
        %dma_start3A_1611 = tpu.memref_slice %arg4[%squeeze3A_1594, %dma_start3A_1609, %dma_start3A_1610] : memref<1000000x1x32xf32, #tpu.memory_space<hbm>> -> memref<1x1x32xf32, #tpu.memory_space<hbm>>
        %dma_start3A_1612 = tpu.memref_squeeze %dma_start3A_1611 : memref<1x1x32xf32, #tpu.memory_space<hbm>> -> memref<1x32xf32, #tpu.memory_space<hbm>>
        tpu.enqueue_dma source(%dma_start3A_1612 : memref<1x32xf32, #tpu.memory_space<hbm>>) target(%dma_start3A_1608 : memref<1x32xf32, #tpu.memory_space<vmem>>) target_semaphore(%arg13 : memref<!tpu.dma_semaphore, #tpu.memory_space<semaphore_mem>>)
        %slice3A_1613 = vector.extract_strided_slice %get3A_1152 {offsets = [11], sizes = [1], strides = [1]} : vector<16xi32> to vector<1xi32>
        %squeeze3A_1614 = vector.extract %slice3A_1613[0] : i32 from vector<1xi32>
        %dma_start3A_1615 = arith.constant 1 : i32
        %dma_start3A_1616 = arith.constant 11 : i32
        %dma_start3A_1617 = arith.constant 0 : i32
        %dma_start3A_1618 = arith.constant 0 : i32
        %dma_start3A_1619 = tpu.memref_slice %arg10[%dma_start3A_1615, %dma_start3A_1616, %dma_start3A_1617, %dma_start3A_1618] : memref<2x16x1x32xf32, #tpu.memory_space<vmem>> -> memref<1x1x1x32xf32, #tpu.memory_space<vmem>>
        %dma_start3A_1620 = tpu.memref_squeeze %dma_start3A_1619 : memref<1x1x1x32xf32, #tpu.memory_space<vmem>> -> memref<1x32xf32, #tpu.memory_space<vmem>>
        %dma_start3A_1621 = arith.constant 0 : i32
        %dma_start3A_1622 = arith.constant 0 : i32
        %dma_start3A_1623 = tpu.memref_slice %arg5[%squeeze3A_1614, %dma_start3A_1621, %dma_start3A_1622] : memref<1000000x1x32xf32, #tpu.memory_space<hbm>> -> memref<1x1x32xf32, #tpu.memory_space<hbm>>
        %dma_start3A_1624 = tpu.memref_squeeze %dma_start3A_1623 : memref<1x1x32xf32, #tpu.memory_space<hbm>> -> memref<1x32xf32, #tpu.memory_space<hbm>>
        %dma_start3A_1625 = arith.constant 0 : i32
        %dma_start3A_1626 = arith.constant 0 : i32
        %dma_start3A_1627 = tpu.memref_slice %arg10[%dma_start3A_1615, %dma_start3A_1616, %dma_start3A_1625, %dma_start3A_1626] : memref<2x16x1x32xf32, #tpu.memory_space<vmem>> -> memref<1x1x1x32xf32, #tpu.memory_space<vmem>>
        %dma_start3A_1628 = tpu.memref_squeeze %dma_start3A_1627 : memref<1x1x1x32xf32, #tpu.memory_space<vmem>> -> memref<1x32xf32, #tpu.memory_space<vmem>>
        %dma_start3A_1629 = arith.constant 0 : i32
        %dma_start3A_1630 = arith.constant 0 : i32
        %dma_start3A_1631 = tpu.memref_slice %arg5[%squeeze3A_1614, %dma_start3A_1629, %dma_start3A_1630] : memref<1000000x1x32xf32, #tpu.memory_space<hbm>> -> memref<1x1x32xf32, #tpu.memory_space<hbm>>
        %dma_start3A_1632 = tpu.memref_squeeze %dma_start3A_1631 : memref<1x1x32xf32, #tpu.memory_space<hbm>> -> memref<1x32xf32, #tpu.memory_space<hbm>>
        tpu.enqueue_dma source(%dma_start3A_1632 : memref<1x32xf32, #tpu.memory_space<hbm>>) target(%dma_start3A_1628 : memref<1x32xf32, #tpu.memory_space<vmem>>) target_semaphore(%arg15 : memref<!tpu.dma_semaphore, #tpu.memory_space<semaphore_mem>>)
        %slice3A_1633 = vector.extract_strided_slice %get3A_1148 {offsets = [12], sizes = [1], strides = [1]} : vector<16xi32> to vector<1xi32>
        %squeeze3A_1634 = vector.extract %slice3A_1633[0] : i32 from vector<1xi32>
        %dma_start3A_1635 = arith.constant 1 : i32
        %dma_start3A_1636 = arith.constant 12 : i32
        %dma_start3A_1637 = arith.constant 0 : i32
        %dma_start3A_1638 = arith.constant 0 : i32
        %dma_start3A_1639 = tpu.memref_slice %arg9[%dma_start3A_1635, %dma_start3A_1636, %dma_start3A_1637, %dma_start3A_1638] : memref<2x16x1x32xf32, #tpu.memory_space<vmem>> -> memref<1x1x1x32xf32, #tpu.memory_space<vmem>>
        %dma_start3A_1640 = tpu.memref_squeeze %dma_start3A_1639 : memref<1x1x1x32xf32, #tpu.memory_space<vmem>> -> memref<1x32xf32, #tpu.memory_space<vmem>>
        %dma_start3A_1641 = arith.constant 0 : i32
        %dma_start3A_1642 = arith.constant 0 : i32
        %dma_start3A_1643 = tpu.memref_slice %arg4[%squeeze3A_1634, %dma_start3A_1641, %dma_start3A_1642] : memref<1000000x1x32xf32, #tpu.memory_space<hbm>> -> memref<1x1x32xf32, #tpu.memory_space<hbm>>
        %dma_start3A_1644 = tpu.memref_squeeze %dma_start3A_1643 : memref<1x1x32xf32, #tpu.memory_space<hbm>> -> memref<1x32xf32, #tpu.memory_space<hbm>>
        %dma_start3A_1645 = arith.constant 0 : i32
        %dma_start3A_1646 = arith.constant 0 : i32
        %dma_start3A_1647 = tpu.memref_slice %arg9[%dma_start3A_1635, %dma_start3A_1636, %dma_start3A_1645, %dma_start3A_1646] : memref<2x16x1x32xf32, #tpu.memory_space<vmem>> -> memref<1x1x1x32xf32, #tpu.memory_space<vmem>>
        %dma_start3A_1648 = tpu.memref_squeeze %dma_start3A_1647 : memref<1x1x1x32xf32, #tpu.memory_space<vmem>> -> memref<1x32xf32, #tpu.memory_space<vmem>>
        %dma_start3A_1649 = arith.constant 0 : i32
        %dma_start3A_1650 = arith.constant 0 : i32
        %dma_start3A_1651 = tpu.memref_slice %arg4[%squeeze3A_1634, %dma_start3A_1649, %dma_start3A_1650] : memref<1000000x1x32xf32, #tpu.memory_space<hbm>> -> memref<1x1x32xf32, #tpu.memory_space<hbm>>
        %dma_start3A_1652 = tpu.memref_squeeze %dma_start3A_1651 : memref<1x1x32xf32, #tpu.memory_space<hbm>> -> memref<1x32xf32, #tpu.memory_space<hbm>>
        tpu.enqueue_dma source(%dma_start3A_1652 : memref<1x32xf32, #tpu.memory_space<hbm>>) target(%dma_start3A_1648 : memref<1x32xf32, #tpu.memory_space<vmem>>) target_semaphore(%arg13 : memref<!tpu.dma_semaphore, #tpu.memory_space<semaphore_mem>>)
        %slice3A_1653 = vector.extract_strided_slice %get3A_1152 {offsets = [12], sizes = [1], strides = [1]} : vector<16xi32> to vector<1xi32>
        %squeeze3A_1654 = vector.extract %slice3A_1653[0] : i32 from vector<1xi32>
        %dma_start3A_1655 = arith.constant 1 : i32
        %dma_start3A_1656 = arith.constant 12 : i32
        %dma_start3A_1657 = arith.constant 0 : i32
        %dma_start3A_1658 = arith.constant 0 : i32
        %dma_start3A_1659 = tpu.memref_slice %arg10[%dma_start3A_1655, %dma_start3A_1656, %dma_start3A_1657, %dma_start3A_1658] : memref<2x16x1x32xf32, #tpu.memory_space<vmem>> -> memref<1x1x1x32xf32, #tpu.memory_space<vmem>>
        %dma_start3A_1660 = tpu.memref_squeeze %dma_start3A_1659 : memref<1x1x1x32xf32, #tpu.memory_space<vmem>> -> memref<1x32xf32, #tpu.memory_space<vmem>>
        %dma_start3A_1661 = arith.constant 0 : i32
        %dma_start3A_1662 = arith.constant 0 : i32
        %dma_start3A_1663 = tpu.memref_slice %arg5[%squeeze3A_1654, %dma_start3A_1661, %dma_start3A_1662] : memref<1000000x1x32xf32, #tpu.memory_space<hbm>> -> memref<1x1x32xf32, #tpu.memory_space<hbm>>
        %dma_start3A_1664 = tpu.memref_squeeze %dma_start3A_1663 : memref<1x1x32xf32, #tpu.memory_space<hbm>> -> memref<1x32xf32, #tpu.memory_space<hbm>>
        %dma_start3A_1665 = arith.constant 0 : i32
        %dma_start3A_1666 = arith.constant 0 : i32
        %dma_start3A_1667 = tpu.memref_slice %arg10[%dma_start3A_1655, %dma_start3A_1656, %dma_start3A_1665, %dma_start3A_1666] : memref<2x16x1x32xf32, #tpu.memory_space<vmem>> -> memref<1x1x1x32xf32, #tpu.memory_space<vmem>>
        %dma_start3A_1668 = tpu.memref_squeeze %dma_start3A_1667 : memref<1x1x1x32xf32, #tpu.memory_space<vmem>> -> memref<1x32xf32, #tpu.memory_space<vmem>>
        %dma_start3A_1669 = arith.constant 0 : i32
        %dma_start3A_1670 = arith.constant 0 : i32
        %dma_start3A_1671 = tpu.memref_slice %arg5[%squeeze3A_1654, %dma_start3A_1669, %dma_start3A_1670] : memref<1000000x1x32xf32, #tpu.memory_space<hbm>> -> memref<1x1x32xf32, #tpu.memory_space<hbm>>
        %dma_start3A_1672 = tpu.memref_squeeze %dma_start3A_1671 : memref<1x1x32xf32, #tpu.memory_space<hbm>> -> memref<1x32xf32, #tpu.memory_space<hbm>>
        tpu.enqueue_dma source(%dma_start3A_1672 : memref<1x32xf32, #tpu.memory_space<hbm>>) target(%dma_start3A_1668 : memref<1x32xf32, #tpu.memory_space<vmem>>) target_semaphore(%arg15 : memref<!tpu.dma_semaphore, #tpu.memory_space<semaphore_mem>>)
        %slice3A_1673 = vector.extract_strided_slice %get3A_1148 {offsets = [13], sizes = [1], strides = [1]} : vector<16xi32> to vector<1xi32>
        %squeeze3A_1674 = vector.extract %slice3A_1673[0] : i32 from vector<1xi32>
        %dma_start3A_1675 = arith.constant 1 : i32
        %dma_start3A_1676 = arith.constant 13 : i32
        %dma_start3A_1677 = arith.constant 0 : i32
        %dma_start3A_1678 = arith.constant 0 : i32
        %dma_start3A_1679 = tpu.memref_slice %arg9[%dma_start3A_1675, %dma_start3A_1676, %dma_start3A_1677, %dma_start3A_1678] : memref<2x16x1x32xf32, #tpu.memory_space<vmem>> -> memref<1x1x1x32xf32, #tpu.memory_space<vmem>>
        %dma_start3A_1680 = tpu.memref_squeeze %dma_start3A_1679 : memref<1x1x1x32xf32, #tpu.memory_space<vmem>> -> memref<1x32xf32, #tpu.memory_space<vmem>>
        %dma_start3A_1681 = arith.constant 0 : i32
        %dma_start3A_1682 = arith.constant 0 : i32
        %dma_start3A_1683 = tpu.memref_slice %arg4[%squeeze3A_1674, %dma_start3A_1681, %dma_start3A_1682] : memref<1000000x1x32xf32, #tpu.memory_space<hbm>> -> memref<1x1x32xf32, #tpu.memory_space<hbm>>
        %dma_start3A_1684 = tpu.memref_squeeze %dma_start3A_1683 : memref<1x1x32xf32, #tpu.memory_space<hbm>> -> memref<1x32xf32, #tpu.memory_space<hbm>>
        %dma_start3A_1685 = arith.constant 0 : i32
        %dma_start3A_1686 = arith.constant 0 : i32
        %dma_start3A_1687 = tpu.memref_slice %arg9[%dma_start3A_1675, %dma_start3A_1676, %dma_start3A_1685, %dma_start3A_1686] : memref<2x16x1x32xf32, #tpu.memory_space<vmem>> -> memref<1x1x1x32xf32, #tpu.memory_space<vmem>>
        %dma_start3A_1688 = tpu.memref_squeeze %dma_start3A_1687 : memref<1x1x1x32xf32, #tpu.memory_space<vmem>> -> memref<1x32xf32, #tpu.memory_space<vmem>>
        %dma_start3A_1689 = arith.constant 0 : i32
        %dma_start3A_1690 = arith.constant 0 : i32
        %dma_start3A_1691 = tpu.memref_slice %arg4[%squeeze3A_1674, %dma_start3A_1689, %dma_start3A_1690] : memref<1000000x1x32xf32, #tpu.memory_space<hbm>> -> memref<1x1x32xf32, #tpu.memory_space<hbm>>
        %dma_start3A_1692 = tpu.memref_squeeze %dma_start3A_1691 : memref<1x1x32xf32, #tpu.memory_space<hbm>> -> memref<1x32xf32, #tpu.memory_space<hbm>>
        tpu.enqueue_dma source(%dma_start3A_1692 : memref<1x32xf32, #tpu.memory_space<hbm>>) target(%dma_start3A_1688 : memref<1x32xf32, #tpu.memory_space<vmem>>) target_semaphore(%arg13 : memref<!tpu.dma_semaphore, #tpu.memory_space<semaphore_mem>>)
        %slice3A_1693 = vector.extract_strided_slice %get3A_1152 {offsets = [13], sizes = [1], strides = [1]} : vector<16xi32> to vector<1xi32>
        %squeeze3A_1694 = vector.extract %slice3A_1693[0] : i32 from vector<1xi32>
        %dma_start3A_1695 = arith.constant 1 : i32
        %dma_start3A_1696 = arith.constant 13 : i32
        %dma_start3A_1697 = arith.constant 0 : i32
        %dma_start3A_1698 = arith.constant 0 : i32
        %dma_start3A_1699 = tpu.memref_slice %arg10[%dma_start3A_1695, %dma_start3A_1696, %dma_start3A_1697, %dma_start3A_1698] : memref<2x16x1x32xf32, #tpu.memory_space<vmem>> -> memref<1x1x1x32xf32, #tpu.memory_space<vmem>>
        %dma_start3A_1700 = tpu.memref_squeeze %dma_start3A_1699 : memref<1x1x1x32xf32, #tpu.memory_space<vmem>> -> memref<1x32xf32, #tpu.memory_space<vmem>>
        %dma_start3A_1701 = arith.constant 0 : i32
        %dma_start3A_1702 = arith.constant 0 : i32
        %dma_start3A_1703 = tpu.memref_slice %arg5[%squeeze3A_1694, %dma_start3A_1701, %dma_start3A_1702] : memref<1000000x1x32xf32, #tpu.memory_space<hbm>> -> memref<1x1x32xf32, #tpu.memory_space<hbm>>
        %dma_start3A_1704 = tpu.memref_squeeze %dma_start3A_1703 : memref<1x1x32xf32, #tpu.memory_space<hbm>> -> memref<1x32xf32, #tpu.memory_space<hbm>>
        %dma_start3A_1705 = arith.constant 0 : i32
        %dma_start3A_1706 = arith.constant 0 : i32
        %dma_start3A_1707 = tpu.memref_slice %arg10[%dma_start3A_1695, %dma_start3A_1696, %dma_start3A_1705, %dma_start3A_1706] : memref<2x16x1x32xf32, #tpu.memory_space<vmem>> -> memref<1x1x1x32xf32, #tpu.memory_space<vmem>>
        %dma_start3A_1708 = tpu.memref_squeeze %dma_start3A_1707 : memref<1x1x1x32xf32, #tpu.memory_space<vmem>> -> memref<1x32xf32, #tpu.memory_space<vmem>>
        %dma_start3A_1709 = arith.constant 0 : i32
        %dma_start3A_1710 = arith.constant 0 : i32
        %dma_start3A_1711 = tpu.memref_slice %arg5[%squeeze3A_1694, %dma_start3A_1709, %dma_start3A_1710] : memref<1000000x1x32xf32, #tpu.memory_space<hbm>> -> memref<1x1x32xf32, #tpu.memory_space<hbm>>
        %dma_start3A_1712 = tpu.memref_squeeze %dma_start3A_1711 : memref<1x1x32xf32, #tpu.memory_space<hbm>> -> memref<1x32xf32, #tpu.memory_space<hbm>>
        tpu.enqueue_dma source(%dma_start3A_1712 : memref<1x32xf32, #tpu.memory_space<hbm>>) target(%dma_start3A_1708 : memref<1x32xf32, #tpu.memory_space<vmem>>) target_semaphore(%arg15 : memref<!tpu.dma_semaphore, #tpu.memory_space<semaphore_mem>>)
        %slice3A_1713 = vector.extract_strided_slice %get3A_1148 {offsets = [14], sizes = [1], strides = [1]} : vector<16xi32> to vector<1xi32>
        %squeeze3A_1714 = vector.extract %slice3A_1713[0] : i32 from vector<1xi32>
        %dma_start3A_1715 = arith.constant 1 : i32
        %dma_start3A_1716 = arith.constant 14 : i32
        %dma_start3A_1717 = arith.constant 0 : i32
        %dma_start3A_1718 = arith.constant 0 : i32
        %dma_start3A_1719 = tpu.memref_slice %arg9[%dma_start3A_1715, %dma_start3A_1716, %dma_start3A_1717, %dma_start3A_1718] : memref<2x16x1x32xf32, #tpu.memory_space<vmem>> -> memref<1x1x1x32xf32, #tpu.memory_space<vmem>>
        %dma_start3A_1720 = tpu.memref_squeeze %dma_start3A_1719 : memref<1x1x1x32xf32, #tpu.memory_space<vmem>> -> memref<1x32xf32, #tpu.memory_space<vmem>>
        %dma_start3A_1721 = arith.constant 0 : i32
        %dma_start3A_1722 = arith.constant 0 : i32
        %dma_start3A_1723 = tpu.memref_slice %arg4[%squeeze3A_1714, %dma_start3A_1721, %dma_start3A_1722] : memref<1000000x1x32xf32, #tpu.memory_space<hbm>> -> memref<1x1x32xf32, #tpu.memory_space<hbm>>
        %dma_start3A_1724 = tpu.memref_squeeze %dma_start3A_1723 : memref<1x1x32xf32, #tpu.memory_space<hbm>> -> memref<1x32xf32, #tpu.memory_space<hbm>>
        %dma_start3A_1725 = arith.constant 0 : i32
        %dma_start3A_1726 = arith.constant 0 : i32
        %dma_start3A_1727 = tpu.memref_slice %arg9[%dma_start3A_1715, %dma_start3A_1716, %dma_start3A_1725, %dma_start3A_1726] : memref<2x16x1x32xf32, #tpu.memory_space<vmem>> -> memref<1x1x1x32xf32, #tpu.memory_space<vmem>>
        %dma_start3A_1728 = tpu.memref_squeeze %dma_start3A_1727 : memref<1x1x1x32xf32, #tpu.memory_space<vmem>> -> memref<1x32xf32, #tpu.memory_space<vmem>>
        %dma_start3A_1729 = arith.constant 0 : i32
        %dma_start3A_1730 = arith.constant 0 : i32
        %dma_start3A_1731 = tpu.memref_slice %arg4[%squeeze3A_1714, %dma_start3A_1729, %dma_start3A_1730] : memref<1000000x1x32xf32, #tpu.memory_space<hbm>> -> memref<1x1x32xf32, #tpu.memory_space<hbm>>
        %dma_start3A_1732 = tpu.memref_squeeze %dma_start3A_1731 : memref<1x1x32xf32, #tpu.memory_space<hbm>> -> memref<1x32xf32, #tpu.memory_space<hbm>>
        tpu.enqueue_dma source(%dma_start3A_1732 : memref<1x32xf32, #tpu.memory_space<hbm>>) target(%dma_start3A_1728 : memref<1x32xf32, #tpu.memory_space<vmem>>) target_semaphore(%arg13 : memref<!tpu.dma_semaphore, #tpu.memory_space<semaphore_mem>>)
        %slice3A_1733 = vector.extract_strided_slice %get3A_1152 {offsets = [14], sizes = [1], strides = [1]} : vector<16xi32> to vector<1xi32>
        %squeeze3A_1734 = vector.extract %slice3A_1733[0] : i32 from vector<1xi32>
        %dma_start3A_1735 = arith.constant 1 : i32
        %dma_start3A_1736 = arith.constant 14 : i32
        %dma_start3A_1737 = arith.constant 0 : i32
        %dma_start3A_1738 = arith.constant 0 : i32
        %dma_start3A_1739 = tpu.memref_slice %arg10[%dma_start3A_1735, %dma_start3A_1736, %dma_start3A_1737, %dma_start3A_1738] : memref<2x16x1x32xf32, #tpu.memory_space<vmem>> -> memref<1x1x1x32xf32, #tpu.memory_space<vmem>>
        %dma_start3A_1740 = tpu.memref_squeeze %dma_start3A_1739 : memref<1x1x1x32xf32, #tpu.memory_space<vmem>> -> memref<1x32xf32, #tpu.memory_space<vmem>>
        %dma_start3A_1741 = arith.constant 0 : i32
        %dma_start3A_1742 = arith.constant 0 : i32
        %dma_start3A_1743 = tpu.memref_slice %arg5[%squeeze3A_1734, %dma_start3A_1741, %dma_start3A_1742] : memref<1000000x1x32xf32, #tpu.memory_space<hbm>> -> memref<1x1x32xf32, #tpu.memory_space<hbm>>
        %dma_start3A_1744 = tpu.memref_squeeze %dma_start3A_1743 : memref<1x1x32xf32, #tpu.memory_space<hbm>> -> memref<1x32xf32, #tpu.memory_space<hbm>>
        %dma_start3A_1745 = arith.constant 0 : i32
        %dma_start3A_1746 = arith.constant 0 : i32
        %dma_start3A_1747 = tpu.memref_slice %arg10[%dma_start3A_1735, %dma_start3A_1736, %dma_start3A_1745, %dma_start3A_1746] : memref<2x16x1x32xf32, #tpu.memory_space<vmem>> -> memref<1x1x1x32xf32, #tpu.memory_space<vmem>>
        %dma_start3A_1748 = tpu.memref_squeeze %dma_start3A_1747 : memref<1x1x1x32xf32, #tpu.memory_space<vmem>> -> memref<1x32xf32, #tpu.memory_space<vmem>>
        %dma_start3A_1749 = arith.constant 0 : i32
        %dma_start3A_1750 = arith.constant 0 : i32
        %dma_start3A_1751 = tpu.memref_slice %arg5[%squeeze3A_1734, %dma_start3A_1749, %dma_start3A_1750] : memref<1000000x1x32xf32, #tpu.memory_space<hbm>> -> memref<1x1x32xf32, #tpu.memory_space<hbm>>
        %dma_start3A_1752 = tpu.memref_squeeze %dma_start3A_1751 : memref<1x1x32xf32, #tpu.memory_space<hbm>> -> memref<1x32xf32, #tpu.memory_space<hbm>>
        tpu.enqueue_dma source(%dma_start3A_1752 : memref<1x32xf32, #tpu.memory_space<hbm>>) target(%dma_start3A_1748 : memref<1x32xf32, #tpu.memory_space<vmem>>) target_semaphore(%arg15 : memref<!tpu.dma_semaphore, #tpu.memory_space<semaphore_mem>>)
        %slice3A_1753 = vector.extract_strided_slice %get3A_1148 {offsets = [15], sizes = [1], strides = [1]} : vector<16xi32> to vector<1xi32>
        %squeeze3A_1754 = vector.extract %slice3A_1753[0] : i32 from vector<1xi32>
        %dma_start3A_1755 = arith.constant 1 : i32
        %dma_start3A_1756 = arith.constant 15 : i32
        %dma_start3A_1757 = arith.constant 0 : i32
        %dma_start3A_1758 = arith.constant 0 : i32
        %dma_start3A_1759 = tpu.memref_slice %arg9[%dma_start3A_1755, %dma_start3A_1756, %dma_start3A_1757, %dma_start3A_1758] : memref<2x16x1x32xf32, #tpu.memory_space<vmem>> -> memref<1x1x1x32xf32, #tpu.memory_space<vmem>>
        %dma_start3A_1760 = tpu.memref_squeeze %dma_start3A_1759 : memref<1x1x1x32xf32, #tpu.memory_space<vmem>> -> memref<1x32xf32, #tpu.memory_space<vmem>>
        %dma_start3A_1761 = arith.constant 0 : i32
        %dma_start3A_1762 = arith.constant 0 : i32
        %dma_start3A_1763 = tpu.memref_slice %arg4[%squeeze3A_1754, %dma_start3A_1761, %dma_start3A_1762] : memref<1000000x1x32xf32, #tpu.memory_space<hbm>> -> memref<1x1x32xf32, #tpu.memory_space<hbm>>
        %dma_start3A_1764 = tpu.memref_squeeze %dma_start3A_1763 : memref<1x1x32xf32, #tpu.memory_space<hbm>> -> memref<1x32xf32, #tpu.memory_space<hbm>>
        %dma_start3A_1765 = arith.constant 0 : i32
        %dma_start3A_1766 = arith.constant 0 : i32
        %dma_start3A_1767 = tpu.memref_slice %arg9[%dma_start3A_1755, %dma_start3A_1756, %dma_start3A_1765, %dma_start3A_1766] : memref<2x16x1x32xf32, #tpu.memory_space<vmem>> -> memref<1x1x1x32xf32, #tpu.memory_space<vmem>>
        %dma_start3A_1768 = tpu.memref_squeeze %dma_start3A_1767 : memref<1x1x1x32xf32, #tpu.memory_space<vmem>> -> memref<1x32xf32, #tpu.memory_space<vmem>>
        %dma_start3A_1769 = arith.constant 0 : i32
        %dma_start3A_1770 = arith.constant 0 : i32
        %dma_start3A_1771 = tpu.memref_slice %arg4[%squeeze3A_1754, %dma_start3A_1769, %dma_start3A_1770] : memref<1000000x1x32xf32, #tpu.memory_space<hbm>> -> memref<1x1x32xf32, #tpu.memory_space<hbm>>
        %dma_start3A_1772 = tpu.memref_squeeze %dma_start3A_1771 : memref<1x1x32xf32, #tpu.memory_space<hbm>> -> memref<1x32xf32, #tpu.memory_space<hbm>>
        tpu.enqueue_dma source(%dma_start3A_1772 : memref<1x32xf32, #tpu.memory_space<hbm>>) target(%dma_start3A_1768 : memref<1x32xf32, #tpu.memory_space<vmem>>) target_semaphore(%arg13 : memref<!tpu.dma_semaphore, #tpu.memory_space<semaphore_mem>>)
        %slice3A_1773 = vector.extract_strided_slice %get3A_1152 {offsets = [15], sizes = [1], strides = [1]} : vector<16xi32> to vector<1xi32>
        %squeeze3A_1774 = vector.extract %slice3A_1773[0] : i32 from vector<1xi32>
        %dma_start3A_1775 = arith.constant 1 : i32
        %dma_start3A_1776 = arith.constant 15 : i32
        %dma_start3A_1777 = arith.constant 0 : i32
        %dma_start3A_1778 = arith.constant 0 : i32
        %dma_start3A_1779 = tpu.memref_slice %arg10[%dma_start3A_1775, %dma_start3A_1776, %dma_start3A_1777, %dma_start3A_1778] : memref<2x16x1x32xf32, #tpu.memory_space<vmem>> -> memref<1x1x1x32xf32, #tpu.memory_space<vmem>>
        %dma_start3A_1780 = tpu.memref_squeeze %dma_start3A_1779 : memref<1x1x1x32xf32, #tpu.memory_space<vmem>> -> memref<1x32xf32, #tpu.memory_space<vmem>>
        %dma_start3A_1781 = arith.constant 0 : i32
        %dma_start3A_1782 = arith.constant 0 : i32
        %dma_start3A_1783 = tpu.memref_slice %arg5[%squeeze3A_1774, %dma_start3A_1781, %dma_start3A_1782] : memref<1000000x1x32xf32, #tpu.memory_space<hbm>> -> memref<1x1x32xf32, #tpu.memory_space<hbm>>
        %dma_start3A_1784 = tpu.memref_squeeze %dma_start3A_1783 : memref<1x1x32xf32, #tpu.memory_space<hbm>> -> memref<1x32xf32, #tpu.memory_space<hbm>>
        %dma_start3A_1785 = arith.constant 0 : i32
        %dma_start3A_1786 = arith.constant 0 : i32
        %dma_start3A_1787 = tpu.memref_slice %arg10[%dma_start3A_1775, %dma_start3A_1776, %dma_start3A_1785, %dma_start3A_1786] : memref<2x16x1x32xf32, #tpu.memory_space<vmem>> -> memref<1x1x1x32xf32, #tpu.memory_space<vmem>>
        %dma_start3A_1788 = tpu.memref_squeeze %dma_start3A_1787 : memref<1x1x1x32xf32, #tpu.memory_space<vmem>> -> memref<1x32xf32, #tpu.memory_space<vmem>>
        %dma_start3A_1789 = arith.constant 0 : i32
        %dma_start3A_1790 = arith.constant 0 : i32
        %dma_start3A_1791 = tpu.memref_slice %arg5[%squeeze3A_1774, %dma_start3A_1789, %dma_start3A_1790] : memref<1000000x1x32xf32, #tpu.memory_space<hbm>> -> memref<1x1x32xf32, #tpu.memory_space<hbm>>
        %dma_start3A_1792 = tpu.memref_squeeze %dma_start3A_1791 : memref<1x1x32xf32, #tpu.memory_space<hbm>> -> memref<1x32xf32, #tpu.memory_space<hbm>>
        tpu.enqueue_dma source(%dma_start3A_1792 : memref<1x32xf32, #tpu.memory_space<hbm>>) target(%dma_start3A_1788 : memref<1x32xf32, #tpu.memory_space<vmem>>) target_semaphore(%arg15 : memref<!tpu.dma_semaphore, #tpu.memory_space<semaphore_mem>>)
      } else {
      }
      %dma_wait3A = arith.constant 0 : i32
      %dma_wait3A_656 = arith.constant 0 : i32
      %dma_wait3A_657 = arith.constant 0 : i32
      %dma_wait3A_658 = arith.constant 0 : i32
      %dma_wait3A_659 = tpu.memref_slice %arg9[%dma_wait3A, %dma_wait3A_656, %dma_wait3A_657, %dma_wait3A_658] : memref<2x16x1x32xf32, #tpu.memory_space<vmem>> -> memref<1x16x1x32xf32, #tpu.memory_space<vmem>>
      %dma_wait3A_660 = tpu.memref_squeeze %dma_wait3A_659 : memref<1x16x1x32xf32, #tpu.memory_space<vmem>> -> memref<16x1x32xf32, #tpu.memory_space<vmem>>
      %dma_wait3A_661 = arith.constant 0 : i32
      %dma_wait3A_662 = arith.constant 0 : i32
      %dma_wait3A_663 = arith.constant 0 : i32
      %dma_wait3A_664 = tpu.memref_slice %arg4[%dma_wait3A_661, %dma_wait3A_662, %dma_wait3A_663] : memref<1000000x1x32xf32, #tpu.memory_space<hbm>> -> memref<16x1x32xf32, #tpu.memory_space<hbm>>
      %dma_wait3A_665 = arith.constant 0 : i32
      %dma_wait3A_666 = arith.constant 0 : i32
      %dma_wait3A_667 = arith.constant 0 : i32
      %dma_wait3A_668 = tpu.memref_slice %arg9[%dma_wait3A, %dma_wait3A_665, %dma_wait3A_666, %dma_wait3A_667] : memref<2x16x1x32xf32, #tpu.memory_space<vmem>> -> memref<1x16x1x32xf32, #tpu.memory_space<vmem>>
      %dma_wait3A_669 = tpu.memref_squeeze %dma_wait3A_668 : memref<1x16x1x32xf32, #tpu.memory_space<vmem>> -> memref<16x1x32xf32, #tpu.memory_space<vmem>>
      %dma_wait3A_670 = arith.constant 0 : i32
      %dma_wait3A_671 = arith.constant 0 : i32
      %dma_wait3A_672 = arith.constant 0 : i32
      %dma_wait3A_673 = tpu.memref_slice %arg4[%dma_wait3A_670, %dma_wait3A_671, %dma_wait3A_672] : memref<1000000x1x32xf32, #tpu.memory_space<hbm>> -> memref<16x1x32xf32, #tpu.memory_space<hbm>>
      tpu.wait_dma2 semaphore(%arg12 : memref<!tpu.dma_semaphore, #tpu.memory_space<semaphore_mem>>) src(%dma_wait3A_673 : memref<16x1x32xf32, #tpu.memory_space<hbm>>) dst(%dma_wait3A_669 : memref<16x1x32xf32, #tpu.memory_space<vmem>>)
      %dma_wait3A_674 = arith.constant 0 : i32
      %dma_wait3A_675 = arith.constant 0 : i32
      %dma_wait3A_676 = arith.constant 0 : i32
      %dma_wait3A_677 = arith.constant 0 : i32
      %dma_wait3A_678 = tpu.memref_slice %arg10[%dma_wait3A_674, %dma_wait3A_675, %dma_wait3A_676, %dma_wait3A_677] : memref<2x16x1x32xf32, #tpu.memory_space<vmem>> -> memref<1x16x1x32xf32, #tpu.memory_space<vmem>>
      %dma_wait3A_679 = tpu.memref_squeeze %dma_wait3A_678 : memref<1x16x1x32xf32, #tpu.memory_space<vmem>> -> memref<16x1x32xf32, #tpu.memory_space<vmem>>
      %dma_wait3A_680 = arith.constant 0 : i32
      %dma_wait3A_681 = arith.constant 0 : i32
      %dma_wait3A_682 = arith.constant 0 : i32
      %dma_wait3A_683 = tpu.memref_slice %arg5[%dma_wait3A_680, %dma_wait3A_681, %dma_wait3A_682] : memref<1000000x1x32xf32, #tpu.memory_space<hbm>> -> memref<16x1x32xf32, #tpu.memory_space<hbm>>
      %dma_wait3A_684 = arith.constant 0 : i32
      %dma_wait3A_685 = arith.constant 0 : i32
      %dma_wait3A_686 = arith.constant 0 : i32
      %dma_wait3A_687 = tpu.memref_slice %arg10[%dma_wait3A_674, %dma_wait3A_684, %dma_wait3A_685, %dma_wait3A_686] : memref<2x16x1x32xf32, #tpu.memory_space<vmem>> -> memref<1x16x1x32xf32, #tpu.memory_space<vmem>>
      %dma_wait3A_688 = tpu.memref_squeeze %dma_wait3A_687 : memref<1x16x1x32xf32, #tpu.memory_space<vmem>> -> memref<16x1x32xf32, #tpu.memory_space<vmem>>
      %dma_wait3A_689 = arith.constant 0 : i32
      %dma_wait3A_690 = arith.constant 0 : i32
      %dma_wait3A_691 = arith.constant 0 : i32
      %dma_wait3A_692 = tpu.memref_slice %arg5[%dma_wait3A_689, %dma_wait3A_690, %dma_wait3A_691] : memref<1000000x1x32xf32, #tpu.memory_space<hbm>> -> memref<16x1x32xf32, #tpu.memory_space<hbm>>
      tpu.wait_dma2 semaphore(%arg14 : memref<!tpu.dma_semaphore, #tpu.memory_space<semaphore_mem>>) src(%dma_wait3A_692 : memref<16x1x32xf32, #tpu.memory_space<hbm>>) dst(%dma_wait3A_688 : memref<16x1x32xf32, #tpu.memory_space<vmem>>)
      %broadcast_in_dim3A = arith.constant 0 : i32
      %broadcast_in_dim3A_693 = vector.broadcast %broadcast_in_dim3A : i32 to vector<16xi32>
      %broadcast_in_dim3A_694 = arith.constant 0 : i32
      %broadcast_in_dim3A_695 = vector.broadcast %broadcast_in_dim3A_694 : i32 to vector<16xi32>
      %broadcast_in_dim3A_696 = arith.constant 0.000000e+00 : f32
      %broadcast_in_dim3A_697 = vector.broadcast %broadcast_in_dim3A_696 : f32 to vector<16xf32>
      %broadcast_in_dim3A_698 = arith.constant 0 : i32
      %broadcast_in_dim3A_699 = vector.broadcast %broadcast_in_dim3A_698 : i32 to vector<16xi32>
      %gather3A = tpu.vector_load_idx %arg9[%broadcast_in_dim3A_693, %iota3A, %broadcast_in_dim3A_695, %broadcast_in_dim3A_699] : memref<2x16x1x32xf32, #tpu.memory_space<vmem>>[vector<16xi32>, vector<16xi32>, vector<16xi32>, vector<16xi32>], vector<16xf32>,
      %gather3A_700 = tpu.vector_load_idx %arg10[%broadcast_in_dim3A_693, %iota3A, %broadcast_in_dim3A_695, %broadcast_in_dim3A_699] : memref<2x16x1x32xf32, #tpu.memory_space<vmem>>[vector<16xi32>, vector<16xi32>, vector<16xi32>, vector<16xi32>], vector<16xf32>,
      %mul3A_701 = arith.mulf %gather3A, %gather3A_700 : vector<16xf32>
      %add3A_702 = arith.addf %broadcast_in_dim3A_697, %mul3A_701 : vector<16xf32>
      %broadcast_in_dim3A_703 = arith.constant 1 : i32
      %broadcast_in_dim3A_704 = vector.broadcast %broadcast_in_dim3A_703 : i32 to vector<16xi32>
      %gather3A_705 = tpu.vector_load_idx %arg9[%broadcast_in_dim3A_693, %iota3A, %broadcast_in_dim3A_695, %broadcast_in_dim3A_704] : memref<2x16x1x32xf32, #tpu.memory_space<vmem>>[vector<16xi32>, vector<16xi32>, vector<16xi32>, vector<16xi32>], vector<16xf32>,
      %gather3A_706 = tpu.vector_load_idx %arg10[%broadcast_in_dim3A_693, %iota3A, %broadcast_in_dim3A_695, %broadcast_in_dim3A_704] : memref<2x16x1x32xf32, #tpu.memory_space<vmem>>[vector<16xi32>, vector<16xi32>, vector<16xi32>, vector<16xi32>], vector<16xf32>,
      %mul3A_707 = arith.mulf %gather3A_705, %gather3A_706 : vector<16xf32>
      %add3A_708 = arith.addf %add3A_702, %mul3A_707 : vector<16xf32>
      %broadcast_in_dim3A_709 = arith.constant 2 : i32
      %broadcast_in_dim3A_710 = vector.broadcast %broadcast_in_dim3A_709 : i32 to vector<16xi32>
      %gather3A_711 = tpu.vector_load_idx %arg9[%broadcast_in_dim3A_693, %iota3A, %broadcast_in_dim3A_695, %broadcast_in_dim3A_710] : memref<2x16x1x32xf32, #tpu.memory_space<vmem>>[vector<16xi32>, vector<16xi32>, vector<16xi32>, vector<16xi32>], vector<16xf32>,
      %gather3A_712 = tpu.vector_load_idx %arg10[%broadcast_in_dim3A_693, %iota3A, %broadcast_in_dim3A_695, %broadcast_in_dim3A_710] : memref<2x16x1x32xf32, #tpu.memory_space<vmem>>[vector<16xi32>, vector<16xi32>, vector<16xi32>, vector<16xi32>], vector<16xf32>,
      %mul3A_713 = arith.mulf %gather3A_711, %gather3A_712 : vector<16xf32>
      %add3A_714 = arith.addf %add3A_708, %mul3A_713 : vector<16xf32>
      %broadcast_in_dim3A_715 = arith.constant 3 : i32
      %broadcast_in_dim3A_716 = vector.broadcast %broadcast_in_dim3A_715 : i32 to vector<16xi32>
      %gather3A_717 = tpu.vector_load_idx %arg9[%broadcast_in_dim3A_693, %iota3A, %broadcast_in_dim3A_695, %broadcast_in_dim3A_716] : memref<2x16x1x32xf32, #tpu.memory_space<vmem>>[vector<16xi32>, vector<16xi32>, vector<16xi32>, vector<16xi32>], vector<16xf32>,
      %gather3A_718 = tpu.vector_load_idx %arg10[%broadcast_in_dim3A_693, %iota3A, %broadcast_in_dim3A_695, %broadcast_in_dim3A_716] : memref<2x16x1x32xf32, #tpu.memory_space<vmem>>[vector<16xi32>, vector<16xi32>, vector<16xi32>, vector<16xi32>], vector<16xf32>,
      %mul3A_719 = arith.mulf %gather3A_717, %gather3A_718 : vector<16xf32>
      %add3A_720 = arith.addf %add3A_714, %mul3A_719 : vector<16xf32>
      %broadcast_in_dim3A_721 = arith.constant 4 : i32
      %broadcast_in_dim3A_722 = vector.broadcast %broadcast_in_dim3A_721 : i32 to vector<16xi32>
      %gather3A_723 = tpu.vector_load_idx %arg9[%broadcast_in_dim3A_693, %iota3A, %broadcast_in_dim3A_695, %broadcast_in_dim3A_722] : memref<2x16x1x32xf32, #tpu.memory_space<vmem>>[vector<16xi32>, vector<16xi32>, vector<16xi32>, vector<16xi32>], vector<16xf32>,
      %gather3A_724 = tpu.vector_load_idx %arg10[%broadcast_in_dim3A_693, %iota3A, %broadcast_in_dim3A_695, %broadcast_in_dim3A_722] : memref<2x16x1x32xf32, #tpu.memory_space<vmem>>[vector<16xi32>, vector<16xi32>, vector<16xi32>, vector<16xi32>], vector<16xf32>,
      %mul3A_725 = arith.mulf %gather3A_723, %gather3A_724 : vector<16xf32>
      %add3A_726 = arith.addf %add3A_720, %mul3A_725 : vector<16xf32>
      %broadcast_in_dim3A_727 = arith.constant 5 : i32
      %broadcast_in_dim3A_728 = vector.broadcast %broadcast_in_dim3A_727 : i32 to vector<16xi32>
      %gather3A_729 = tpu.vector_load_idx %arg9[%broadcast_in_dim3A_693, %iota3A, %broadcast_in_dim3A_695, %broadcast_in_dim3A_728] : memref<2x16x1x32xf32, #tpu.memory_space<vmem>>[vector<16xi32>, vector<16xi32>, vector<16xi32>, vector<16xi32>], vector<16xf32>,
      %gather3A_730 = tpu.vector_load_idx %arg10[%broadcast_in_dim3A_693, %iota3A, %broadcast_in_dim3A_695, %broadcast_in_dim3A_728] : memref<2x16x1x32xf32, #tpu.memory_space<vmem>>[vector<16xi32>, vector<16xi32>, vector<16xi32>, vector<16xi32>], vector<16xf32>,
      %mul3A_731 = arith.mulf %gather3A_729, %gather3A_730 : vector<16xf32>
      %add3A_732 = arith.addf %add3A_726, %mul3A_731 : vector<16xf32>
      %broadcast_in_dim3A_733 = arith.constant 6 : i32
      %broadcast_in_dim3A_734 = vector.broadcast %broadcast_in_dim3A_733 : i32 to vector<16xi32>
      %gather3A_735 = tpu.vector_load_idx %arg9[%broadcast_in_dim3A_693, %iota3A, %broadcast_in_dim3A_695, %broadcast_in_dim3A_734] : memref<2x16x1x32xf32, #tpu.memory_space<vmem>>[vector<16xi32>, vector<16xi32>, vector<16xi32>, vector<16xi32>], vector<16xf32>,
      %gather3A_736 = tpu.vector_load_idx %arg10[%broadcast_in_dim3A_693, %iota3A, %broadcast_in_dim3A_695, %broadcast_in_dim3A_734] : memref<2x16x1x32xf32, #tpu.memory_space<vmem>>[vector<16xi32>, vector<16xi32>, vector<16xi32>, vector<16xi32>], vector<16xf32>,
      %mul3A_737 = arith.mulf %gather3A_735, %gather3A_736 : vector<16xf32>
      %add3A_738 = arith.addf %add3A_732, %mul3A_737 : vector<16xf32>
      %broadcast_in_dim3A_739 = arith.constant 7 : i32
      %broadcast_in_dim3A_740 = vector.broadcast %broadcast_in_dim3A_739 : i32 to vector<16xi32>
      %gather3A_741 = tpu.vector_load_idx %arg9[%broadcast_in_dim3A_693, %iota3A, %broadcast_in_dim3A_695, %broadcast_in_dim3A_740] : memref<2x16x1x32xf32, #tpu.memory_space<vmem>>[vector<16xi32>, vector<16xi32>, vector<16xi32>, vector<16xi32>], vector<16xf32>,
      %gather3A_742 = tpu.vector_load_idx %arg10[%broadcast_in_dim3A_693, %iota3A, %broadcast_in_dim3A_695, %broadcast_in_dim3A_740] : memref<2x16x1x32xf32, #tpu.memory_space<vmem>>[vector<16xi32>, vector<16xi32>, vector<16xi32>, vector<16xi32>], vector<16xf32>,
      %mul3A_743 = arith.mulf %gather3A_741, %gather3A_742 : vector<16xf32>
      %add3A_744 = arith.addf %add3A_738, %mul3A_743 : vector<16xf32>
      %broadcast_in_dim3A_745 = arith.constant 8 : i32
      %broadcast_in_dim3A_746 = vector.broadcast %broadcast_in_dim3A_745 : i32 to vector<16xi32>
      %gather3A_747 = tpu.vector_load_idx %arg9[%broadcast_in_dim3A_693, %iota3A, %broadcast_in_dim3A_695, %broadcast_in_dim3A_746] : memref<2x16x1x32xf32, #tpu.memory_space<vmem>>[vector<16xi32>, vector<16xi32>, vector<16xi32>, vector<16xi32>], vector<16xf32>,
      %gather3A_748 = tpu.vector_load_idx %arg10[%broadcast_in_dim3A_693, %iota3A, %broadcast_in_dim3A_695, %broadcast_in_dim3A_746] : memref<2x16x1x32xf32, #tpu.memory_space<vmem>>[vector<16xi32>, vector<16xi32>, vector<16xi32>, vector<16xi32>], vector<16xf32>,
      %mul3A_749 = arith.mulf %gather3A_747, %gather3A_748 : vector<16xf32>
      %add3A_750 = arith.addf %add3A_744, %mul3A_749 : vector<16xf32>
      %broadcast_in_dim3A_751 = arith.constant 9 : i32
      %broadcast_in_dim3A_752 = vector.broadcast %broadcast_in_dim3A_751 : i32 to vector<16xi32>
      %gather3A_753 = tpu.vector_load_idx %arg9[%broadcast_in_dim3A_693, %iota3A, %broadcast_in_dim3A_695, %broadcast_in_dim3A_752] : memref<2x16x1x32xf32, #tpu.memory_space<vmem>>[vector<16xi32>, vector<16xi32>, vector<16xi32>, vector<16xi32>], vector<16xf32>,
      %gather3A_754 = tpu.vector_load_idx %arg10[%broadcast_in_dim3A_693, %iota3A, %broadcast_in_dim3A_695, %broadcast_in_dim3A_752] : memref<2x16x1x32xf32, #tpu.memory_space<vmem>>[vector<16xi32>, vector<16xi32>, vector<16xi32>, vector<16xi32>], vector<16xf32>,
      %mul3A_755 = arith.mulf %gather3A_753, %gather3A_754 : vector<16xf32>
      %add3A_756 = arith.addf %add3A_750, %mul3A_755 : vector<16xf32>
      %broadcast_in_dim3A_757 = arith.constant 10 : i32
      %broadcast_in_dim3A_758 = vector.broadcast %broadcast_in_dim3A_757 : i32 to vector<16xi32>
      %gather3A_759 = tpu.vector_load_idx %arg9[%broadcast_in_dim3A_693, %iota3A, %broadcast_in_dim3A_695, %broadcast_in_dim3A_758] : memref<2x16x1x32xf32, #tpu.memory_space<vmem>>[vector<16xi32>, vector<16xi32>, vector<16xi32>, vector<16xi32>], vector<16xf32>,
      %gather3A_760 = tpu.vector_load_idx %arg10[%broadcast_in_dim3A_693, %iota3A, %broadcast_in_dim3A_695, %broadcast_in_dim3A_758] : memref<2x16x1x32xf32, #tpu.memory_space<vmem>>[vector<16xi32>, vector<16xi32>, vector<16xi32>, vector<16xi32>], vector<16xf32>,
      %mul3A_761 = arith.mulf %gather3A_759, %gather3A_760 : vector<16xf32>
      %add3A_762 = arith.addf %add3A_756, %mul3A_761 : vector<16xf32>
      %broadcast_in_dim3A_763 = arith.constant 11 : i32
      %broadcast_in_dim3A_764 = vector.broadcast %broadcast_in_dim3A_763 : i32 to vector<16xi32>
      %gather3A_765 = tpu.vector_load_idx %arg9[%broadcast_in_dim3A_693, %iota3A, %broadcast_in_dim3A_695, %broadcast_in_dim3A_764] : memref<2x16x1x32xf32, #tpu.memory_space<vmem>>[vector<16xi32>, vector<16xi32>, vector<16xi32>, vector<16xi32>], vector<16xf32>,
      %gather3A_766 = tpu.vector_load_idx %arg10[%broadcast_in_dim3A_693, %iota3A, %broadcast_in_dim3A_695, %broadcast_in_dim3A_764] : memref<2x16x1x32xf32, #tpu.memory_space<vmem>>[vector<16xi32>, vector<16xi32>, vector<16xi32>, vector<16xi32>], vector<16xf32>,
      %mul3A_767 = arith.mulf %gather3A_765, %gather3A_766 : vector<16xf32>
      %add3A_768 = arith.addf %add3A_762, %mul3A_767 : vector<16xf32>
      %broadcast_in_dim3A_769 = arith.constant 12 : i32
      %broadcast_in_dim3A_770 = vector.broadcast %broadcast_in_dim3A_769 : i32 to vector<16xi32>
      %gather3A_771 = tpu.vector_load_idx %arg9[%broadcast_in_dim3A_693, %iota3A, %broadcast_in_dim3A_695, %broadcast_in_dim3A_770] : memref<2x16x1x32xf32, #tpu.memory_space<vmem>>[vector<16xi32>, vector<16xi32>, vector<16xi32>, vector<16xi32>], vector<16xf32>,
      %gather3A_772 = tpu.vector_load_idx %arg10[%broadcast_in_dim3A_693, %iota3A, %broadcast_in_dim3A_695, %broadcast_in_dim3A_770] : memref<2x16x1x32xf32, #tpu.memory_space<vmem>>[vector<16xi32>, vector<16xi32>, vector<16xi32>, vector<16xi32>], vector<16xf32>,
      %mul3A_773 = arith.mulf %gather3A_771, %gather3A_772 : vector<16xf32>
      %add3A_774 = arith.addf %add3A_768, %mul3A_773 : vector<16xf32>
      %broadcast_in_dim3A_775 = arith.constant 13 : i32
      %broadcast_in_dim3A_776 = vector.broadcast %broadcast_in_dim3A_775 : i32 to vector<16xi32>
      %gather3A_777 = tpu.vector_load_idx %arg9[%broadcast_in_dim3A_693, %iota3A, %broadcast_in_dim3A_695, %broadcast_in_dim3A_776] : memref<2x16x1x32xf32, #tpu.memory_space<vmem>>[vector<16xi32>, vector<16xi32>, vector<16xi32>, vector<16xi32>], vector<16xf32>,
      %gather3A_778 = tpu.vector_load_idx %arg10[%broadcast_in_dim3A_693, %iota3A, %broadcast_in_dim3A_695, %broadcast_in_dim3A_776] : memref<2x16x1x32xf32, #tpu.memory_space<vmem>>[vector<16xi32>, vector<16xi32>, vector<16xi32>, vector<16xi32>], vector<16xf32>,
      %mul3A_779 = arith.mulf %gather3A_777, %gather3A_778 : vector<16xf32>
      %add3A_780 = arith.addf %add3A_774, %mul3A_779 : vector<16xf32>
      %broadcast_in_dim3A_781 = arith.constant 14 : i32
      %broadcast_in_dim3A_782 = vector.broadcast %broadcast_in_dim3A_781 : i32 to vector<16xi32>
      %gather3A_783 = tpu.vector_load_idx %arg9[%broadcast_in_dim3A_693, %iota3A, %broadcast_in_dim3A_695, %broadcast_in_dim3A_782] : memref<2x16x1x32xf32, #tpu.memory_space<vmem>>[vector<16xi32>, vector<16xi32>, vector<16xi32>, vector<16xi32>], vector<16xf32>,
      %gather3A_784 = tpu.vector_load_idx %arg10[%broadcast_in_dim3A_693, %iota3A, %broadcast_in_dim3A_695, %broadcast_in_dim3A_782] : memref<2x16x1x32xf32, #tpu.memory_space<vmem>>[vector<16xi32>, vector<16xi32>, vector<16xi32>, vector<16xi32>], vector<16xf32>,
      %mul3A_785 = arith.mulf %gather3A_783, %gather3A_784 : vector<16xf32>
      %add3A_786 = arith.addf %add3A_780, %mul3A_785 : vector<16xf32>
      %broadcast_in_dim3A_787 = arith.constant 15 : i32
      %broadcast_in_dim3A_788 = vector.broadcast %broadcast_in_dim3A_787 : i32 to vector<16xi32>
      %gather3A_789 = tpu.vector_load_idx %arg9[%broadcast_in_dim3A_693, %iota3A, %broadcast_in_dim3A_695, %broadcast_in_dim3A_788] : memref<2x16x1x32xf32, #tpu.memory_space<vmem>>[vector<16xi32>, vector<16xi32>, vector<16xi32>, vector<16xi32>], vector<16xf32>,
      %gather3A_790 = tpu.vector_load_idx %arg10[%broadcast_in_dim3A_693, %iota3A, %broadcast_in_dim3A_695, %broadcast_in_dim3A_788] : memref<2x16x1x32xf32, #tpu.memory_space<vmem>>[vector<16xi32>, vector<16xi32>, vector<16xi32>, vector<16xi32>], vector<16xf32>,
      %mul3A_791 = arith.mulf %gather3A_789, %gather3A_790 : vector<16xf32>
      %add3A_792 = arith.addf %add3A_786, %mul3A_791 : vector<16xf32>
      %broadcast_in_dim3A_793 = arith.constant 16 : i32
      %broadcast_in_dim3A_794 = vector.broadcast %broadcast_in_dim3A_793 : i32 to vector<16xi32>
      %gather3A_795 = tpu.vector_load_idx %arg9[%broadcast_in_dim3A_693, %iota3A, %broadcast_in_dim3A_695, %broadcast_in_dim3A_794] : memref<2x16x1x32xf32, #tpu.memory_space<vmem>>[vector<16xi32>, vector<16xi32>, vector<16xi32>, vector<16xi32>], vector<16xf32>,
      %gather3A_796 = tpu.vector_load_idx %arg10[%broadcast_in_dim3A_693, %iota3A, %broadcast_in_dim3A_695, %broadcast_in_dim3A_794] : memref<2x16x1x32xf32, #tpu.memory_space<vmem>>[vector<16xi32>, vector<16xi32>, vector<16xi32>, vector<16xi32>], vector<16xf32>,
      %mul3A_797 = arith.mulf %gather3A_795, %gather3A_796 : vector<16xf32>
      %add3A_798 = arith.addf %add3A_792, %mul3A_797 : vector<16xf32>
      %broadcast_in_dim3A_799 = arith.constant 17 : i32
      %broadcast_in_dim3A_800 = vector.broadcast %broadcast_in_dim3A_799 : i32 to vector<16xi32>
      %gather3A_801 = tpu.vector_load_idx %arg9[%broadcast_in_dim3A_693, %iota3A, %broadcast_in_dim3A_695, %broadcast_in_dim3A_800] : memref<2x16x1x32xf32, #tpu.memory_space<vmem>>[vector<16xi32>, vector<16xi32>, vector<16xi32>, vector<16xi32>], vector<16xf32>,
      %gather3A_802 = tpu.vector_load_idx %arg10[%broadcast_in_dim3A_693, %iota3A, %broadcast_in_dim3A_695, %broadcast_in_dim3A_800] : memref<2x16x1x32xf32, #tpu.memory_space<vmem>>[vector<16xi32>, vector<16xi32>, vector<16xi32>, vector<16xi32>], vector<16xf32>,
      %mul3A_803 = arith.mulf %gather3A_801, %gather3A_802 : vector<16xf32>
      %add3A_804 = arith.addf %add3A_798, %mul3A_803 : vector<16xf32>
      %broadcast_in_dim3A_805 = arith.constant 18 : i32
      %broadcast_in_dim3A_806 = vector.broadcast %broadcast_in_dim3A_805 : i32 to vector<16xi32>
      %gather3A_807 = tpu.vector_load_idx %arg9[%broadcast_in_dim3A_693, %iota3A, %broadcast_in_dim3A_695, %broadcast_in_dim3A_806] : memref<2x16x1x32xf32, #tpu.memory_space<vmem>>[vector<16xi32>, vector<16xi32>, vector<16xi32>, vector<16xi32>], vector<16xf32>,
      %gather3A_808 = tpu.vector_load_idx %arg10[%broadcast_in_dim3A_693, %iota3A, %broadcast_in_dim3A_695, %broadcast_in_dim3A_806] : memref<2x16x1x32xf32, #tpu.memory_space<vmem>>[vector<16xi32>, vector<16xi32>, vector<16xi32>, vector<16xi32>], vector<16xf32>,
      %mul3A_809 = arith.mulf %gather3A_807, %gather3A_808 : vector<16xf32>
      %add3A_810 = arith.addf %add3A_804, %mul3A_809 : vector<16xf32>
      %broadcast_in_dim3A_811 = arith.constant 19 : i32
      %broadcast_in_dim3A_812 = vector.broadcast %broadcast_in_dim3A_811 : i32 to vector<16xi32>
      %gather3A_813 = tpu.vector_load_idx %arg9[%broadcast_in_dim3A_693, %iota3A, %broadcast_in_dim3A_695, %broadcast_in_dim3A_812] : memref<2x16x1x32xf32, #tpu.memory_space<vmem>>[vector<16xi32>, vector<16xi32>, vector<16xi32>, vector<16xi32>], vector<16xf32>,
      %gather3A_814 = tpu.vector_load_idx %arg10[%broadcast_in_dim3A_693, %iota3A, %broadcast_in_dim3A_695, %broadcast_in_dim3A_812] : memref<2x16x1x32xf32, #tpu.memory_space<vmem>>[vector<16xi32>, vector<16xi32>, vector<16xi32>, vector<16xi32>], vector<16xf32>,
      %mul3A_815 = arith.mulf %gather3A_813, %gather3A_814 : vector<16xf32>
      %add3A_816 = arith.addf %add3A_810, %mul3A_815 : vector<16xf32>
      %broadcast_in_dim3A_817 = arith.constant 20 : i32
      %broadcast_in_dim3A_818 = vector.broadcast %broadcast_in_dim3A_817 : i32 to vector<16xi32>
      %gather3A_819 = tpu.vector_load_idx %arg9[%broadcast_in_dim3A_693, %iota3A, %broadcast_in_dim3A_695, %broadcast_in_dim3A_818] : memref<2x16x1x32xf32, #tpu.memory_space<vmem>>[vector<16xi32>, vector<16xi32>, vector<16xi32>, vector<16xi32>], vector<16xf32>,
      %gather3A_820 = tpu.vector_load_idx %arg10[%broadcast_in_dim3A_693, %iota3A, %broadcast_in_dim3A_695, %broadcast_in_dim3A_818] : memref<2x16x1x32xf32, #tpu.memory_space<vmem>>[vector<16xi32>, vector<16xi32>, vector<16xi32>, vector<16xi32>], vector<16xf32>,
      %mul3A_821 = arith.mulf %gather3A_819, %gather3A_820 : vector<16xf32>
      %add3A_822 = arith.addf %add3A_816, %mul3A_821 : vector<16xf32>
      %broadcast_in_dim3A_823 = arith.constant 21 : i32
      %broadcast_in_dim3A_824 = vector.broadcast %broadcast_in_dim3A_823 : i32 to vector<16xi32>
      %gather3A_825 = tpu.vector_load_idx %arg9[%broadcast_in_dim3A_693, %iota3A, %broadcast_in_dim3A_695, %broadcast_in_dim3A_824] : memref<2x16x1x32xf32, #tpu.memory_space<vmem>>[vector<16xi32>, vector<16xi32>, vector<16xi32>, vector<16xi32>], vector<16xf32>,
      %gather3A_826 = tpu.vector_load_idx %arg10[%broadcast_in_dim3A_693, %iota3A, %broadcast_in_dim3A_695, %broadcast_in_dim3A_824] : memref<2x16x1x32xf32, #tpu.memory_space<vmem>>[vector<16xi32>, vector<16xi32>, vector<16xi32>, vector<16xi32>], vector<16xf32>,
      %mul3A_827 = arith.mulf %gather3A_825, %gather3A_826 : vector<16xf32>
      %add3A_828 = arith.addf %add3A_822, %mul3A_827 : vector<16xf32>
      %broadcast_in_dim3A_829 = arith.constant 22 : i32
      %broadcast_in_dim3A_830 = vector.broadcast %broadcast_in_dim3A_829 : i32 to vector<16xi32>
      %gather3A_831 = tpu.vector_load_idx %arg9[%broadcast_in_dim3A_693, %iota3A, %broadcast_in_dim3A_695, %broadcast_in_dim3A_830] : memref<2x16x1x32xf32, #tpu.memory_space<vmem>>[vector<16xi32>, vector<16xi32>, vector<16xi32>, vector<16xi32>], vector<16xf32>,
      %gather3A_832 = tpu.vector_load_idx %arg10[%broadcast_in_dim3A_693, %iota3A, %broadcast_in_dim3A_695, %broadcast_in_dim3A_830] : memref<2x16x1x32xf32, #tpu.memory_space<vmem>>[vector<16xi32>, vector<16xi32>, vector<16xi32>, vector<16xi32>], vector<16xf32>,
      %mul3A_833 = arith.mulf %gather3A_831, %gather3A_832 : vector<16xf32>
      %add3A_834 = arith.addf %add3A_828, %mul3A_833 : vector<16xf32>
      %broadcast_in_dim3A_835 = arith.constant 23 : i32
      %broadcast_in_dim3A_836 = vector.broadcast %broadcast_in_dim3A_835 : i32 to vector<16xi32>
      %gather3A_837 = tpu.vector_load_idx %arg9[%broadcast_in_dim3A_693, %iota3A, %broadcast_in_dim3A_695, %broadcast_in_dim3A_836] : memref<2x16x1x32xf32, #tpu.memory_space<vmem>>[vector<16xi32>, vector<16xi32>, vector<16xi32>, vector<16xi32>], vector<16xf32>,
      %gather3A_838 = tpu.vector_load_idx %arg10[%broadcast_in_dim3A_693, %iota3A, %broadcast_in_dim3A_695, %broadcast_in_dim3A_836] : memref<2x16x1x32xf32, #tpu.memory_space<vmem>>[vector<16xi32>, vector<16xi32>, vector<16xi32>, vector<16xi32>], vector<16xf32>,
      %mul3A_839 = arith.mulf %gather3A_837, %gather3A_838 : vector<16xf32>
      %add3A_840 = arith.addf %add3A_834, %mul3A_839 : vector<16xf32>
      %broadcast_in_dim3A_841 = arith.constant 24 : i32
      %broadcast_in_dim3A_842 = vector.broadcast %broadcast_in_dim3A_841 : i32 to vector<16xi32>
      %gather3A_843 = tpu.vector_load_idx %arg9[%broadcast_in_dim3A_693, %iota3A, %broadcast_in_dim3A_695, %broadcast_in_dim3A_842] : memref<2x16x1x32xf32, #tpu.memory_space<vmem>>[vector<16xi32>, vector<16xi32>, vector<16xi32>, vector<16xi32>], vector<16xf32>,
      %gather3A_844 = tpu.vector_load_idx %arg10[%broadcast_in_dim3A_693, %iota3A, %broadcast_in_dim3A_695, %broadcast_in_dim3A_842] : memref<2x16x1x32xf32, #tpu.memory_space<vmem>>[vector<16xi32>, vector<16xi32>, vector<16xi32>, vector<16xi32>], vector<16xf32>,
      %mul3A_845 = arith.mulf %gather3A_843, %gather3A_844 : vector<16xf32>
      %add3A_846 = arith.addf %add3A_840, %mul3A_845 : vector<16xf32>
      %broadcast_in_dim3A_847 = arith.constant 25 : i32
      %broadcast_in_dim3A_848 = vector.broadcast %broadcast_in_dim3A_847 : i32 to vector<16xi32>
      %gather3A_849 = tpu.vector_load_idx %arg9[%broadcast_in_dim3A_693, %iota3A, %broadcast_in_dim3A_695, %broadcast_in_dim3A_848] : memref<2x16x1x32xf32, #tpu.memory_space<vmem>>[vector<16xi32>, vector<16xi32>, vector<16xi32>, vector<16xi32>], vector<16xf32>,
      %gather3A_850 = tpu.vector_load_idx %arg10[%broadcast_in_dim3A_693, %iota3A, %broadcast_in_dim3A_695, %broadcast_in_dim3A_848] : memref<2x16x1x32xf32, #tpu.memory_space<vmem>>[vector<16xi32>, vector<16xi32>, vector<16xi32>, vector<16xi32>], vector<16xf32>,
      %mul3A_851 = arith.mulf %gather3A_849, %gather3A_850 : vector<16xf32>
      %add3A_852 = arith.addf %add3A_846, %mul3A_851 : vector<16xf32>
      %broadcast_in_dim3A_853 = arith.constant 26 : i32
      %broadcast_in_dim3A_854 = vector.broadcast %broadcast_in_dim3A_853 : i32 to vector<16xi32>
      %gather3A_855 = tpu.vector_load_idx %arg9[%broadcast_in_dim3A_693, %iota3A, %broadcast_in_dim3A_695, %broadcast_in_dim3A_854] : memref<2x16x1x32xf32, #tpu.memory_space<vmem>>[vector<16xi32>, vector<16xi32>, vector<16xi32>, vector<16xi32>], vector<16xf32>,
      %gather3A_856 = tpu.vector_load_idx %arg10[%broadcast_in_dim3A_693, %iota3A, %broadcast_in_dim3A_695, %broadcast_in_dim3A_854] : memref<2x16x1x32xf32, #tpu.memory_space<vmem>>[vector<16xi32>, vector<16xi32>, vector<16xi32>, vector<16xi32>], vector<16xf32>,
      %mul3A_857 = arith.mulf %gather3A_855, %gather3A_856 : vector<16xf32>
      %add3A_858 = arith.addf %add3A_852, %mul3A_857 : vector<16xf32>
      %broadcast_in_dim3A_859 = arith.constant 27 : i32
      %broadcast_in_dim3A_860 = vector.broadcast %broadcast_in_dim3A_859 : i32 to vector<16xi32>
      %gather3A_861 = tpu.vector_load_idx %arg9[%broadcast_in_dim3A_693, %iota3A, %broadcast_in_dim3A_695, %broadcast_in_dim3A_860] : memref<2x16x1x32xf32, #tpu.memory_space<vmem>>[vector<16xi32>, vector<16xi32>, vector<16xi32>, vector<16xi32>], vector<16xf32>,
      %gather3A_862 = tpu.vector_load_idx %arg10[%broadcast_in_dim3A_693, %iota3A, %broadcast_in_dim3A_695, %broadcast_in_dim3A_860] : memref<2x16x1x32xf32, #tpu.memory_space<vmem>>[vector<16xi32>, vector<16xi32>, vector<16xi32>, vector<16xi32>], vector<16xf32>,
      %mul3A_863 = arith.mulf %gather3A_861, %gather3A_862 : vector<16xf32>
      %add3A_864 = arith.addf %add3A_858, %mul3A_863 : vector<16xf32>
      %broadcast_in_dim3A_865 = arith.constant 28 : i32
      %broadcast_in_dim3A_866 = vector.broadcast %broadcast_in_dim3A_865 : i32 to vector<16xi32>
      %gather3A_867 = tpu.vector_load_idx %arg9[%broadcast_in_dim3A_693, %iota3A, %broadcast_in_dim3A_695, %broadcast_in_dim3A_866] : memref<2x16x1x32xf32, #tpu.memory_space<vmem>>[vector<16xi32>, vector<16xi32>, vector<16xi32>, vector<16xi32>], vector<16xf32>,
      %gather3A_868 = tpu.vector_load_idx %arg10[%broadcast_in_dim3A_693, %iota3A, %broadcast_in_dim3A_695, %broadcast_in_dim3A_866] : memref<2x16x1x32xf32, #tpu.memory_space<vmem>>[vector<16xi32>, vector<16xi32>, vector<16xi32>, vector<16xi32>], vector<16xf32>,
      %mul3A_869 = arith.mulf %gather3A_867, %gather3A_868 : vector<16xf32>
      %add3A_870 = arith.addf %add3A_864, %mul3A_869 : vector<16xf32>
      %broadcast_in_dim3A_871 = arith.constant 29 : i32
      %broadcast_in_dim3A_872 = vector.broadcast %broadcast_in_dim3A_871 : i32 to vector<16xi32>
      %gather3A_873 = tpu.vector_load_idx %arg9[%broadcast_in_dim3A_693, %iota3A, %broadcast_in_dim3A_695, %broadcast_in_dim3A_872] : memref<2x16x1x32xf32, #tpu.memory_space<vmem>>[vector<16xi32>, vector<16xi32>, vector<16xi32>, vector<16xi32>], vector<16xf32>,
      %gather3A_874 = tpu.vector_load_idx %arg10[%broadcast_in_dim3A_693, %iota3A, %broadcast_in_dim3A_695, %broadcast_in_dim3A_872] : memref<2x16x1x32xf32, #tpu.memory_space<vmem>>[vector<16xi32>, vector<16xi32>, vector<16xi32>, vector<16xi32>], vector<16xf32>,
      %mul3A_875 = arith.mulf %gather3A_873, %gather3A_874 : vector<16xf32>
      %add3A_876 = arith.addf %add3A_870, %mul3A_875 : vector<16xf32>
      %broadcast_in_dim3A_877 = arith.constant 30 : i32
      %broadcast_in_dim3A_878 = vector.broadcast %broadcast_in_dim3A_877 : i32 to vector<16xi32>
      %gather3A_879 = tpu.vector_load_idx %arg9[%broadcast_in_dim3A_693, %iota3A, %broadcast_in_dim3A_695, %broadcast_in_dim3A_878] : memref<2x16x1x32xf32, #tpu.memory_space<vmem>>[vector<16xi32>, vector<16xi32>, vector<16xi32>, vector<16xi32>], vector<16xf32>,
      %gather3A_880 = tpu.vector_load_idx %arg10[%broadcast_in_dim3A_693, %iota3A, %broadcast_in_dim3A_695, %broadcast_in_dim3A_878] : memref<2x16x1x32xf32, #tpu.memory_space<vmem>>[vector<16xi32>, vector<16xi32>, vector<16xi32>, vector<16xi32>], vector<16xf32>,
      %mul3A_881 = arith.mulf %gather3A_879, %gather3A_880 : vector<16xf32>
      %add3A_882 = arith.addf %add3A_876, %mul3A_881 : vector<16xf32>
      %broadcast_in_dim3A_883 = arith.constant 31 : i32
      %broadcast_in_dim3A_884 = vector.broadcast %broadcast_in_dim3A_883 : i32 to vector<16xi32>
      %gather3A_885 = tpu.vector_load_idx %arg9[%broadcast_in_dim3A_693, %iota3A, %broadcast_in_dim3A_695, %broadcast_in_dim3A_884] : memref<2x16x1x32xf32, #tpu.memory_space<vmem>>[vector<16xi32>, vector<16xi32>, vector<16xi32>, vector<16xi32>], vector<16xf32>,
      %gather3A_886 = tpu.vector_load_idx %arg10[%broadcast_in_dim3A_693, %iota3A, %broadcast_in_dim3A_695, %broadcast_in_dim3A_884] : memref<2x16x1x32xf32, #tpu.memory_space<vmem>>[vector<16xi32>, vector<16xi32>, vector<16xi32>, vector<16xi32>], vector<16xf32>,
      %mul3A_887 = arith.mulf %gather3A_885, %gather3A_886 : vector<16xf32>
      %add3A_888 = arith.addf %add3A_882, %mul3A_887 : vector<16xf32>
      %mul3A_889 = arith.constant 16 : i32
      %mul3A_890 = arith.muli %add3A_651, %mul3A_889 : i32
      %swap3A = arith.index_cast %mul3A_890 : i32 to index
      %swap3A_891 = tpu.vector_load %arg11[%swap3A] {strides = array<i32>} : memref<512xf32, #tpu.memory_space<vmem>>, vector<16xf32>,
      tpu.vector_store %arg11[%swap3A], %add3A_888 {strides = array<i32>} : memref<512xf32, #tpu.memory_space<vmem>>, vector<16xf32>,
      %mul3A_892 = arith.constant 2 : i32
      %mul3A_893 = arith.muli %scan3A_647, %mul3A_892 : i32
      %add3A_894 = arith.constant 1 : i32
      %add3A_895 = arith.addi %mul3A_893, %add3A_894 : i32
      %add3A_896 = arith.constant 1 : i32
      %add3A_897 = arith.addi %add3A_895, %add3A_896 : i32
      %lt3A_898 = arith.constant 32 : i32
      %lt3A_899 = arith.cmpi slt, %add3A_897, %lt3A_898 : i32
      %convert_element_type3A_900 = arith.extui %lt3A_899 : i1 to i32
      %cond3A_901 = arith.constant 0 : i32
      %cond3A_902 = arith.cmpi ne, %convert_element_type3A_900, %cond3A_901 : i32
      scf.if %cond3A_902 {
        %add3A_1143 = arith.constant 1 : i32
        %add3A_1144 = arith.addi %add3A_895, %add3A_1143 : i32
        %mul3A_1145 = arith.constant 16 : i32
        %mul3A_1146 = arith.muli %add3A_1144, %mul3A_1145 : i32
        %get3A_1147 = arith.index_cast %mul3A_1146 : i32 to index
        %get3A_1148 = tpu.vector_load %arg7[%get3A_1147] {strides = array<i32>} : memref<512xi32, #tpu.memory_space<vmem>>, vector<16xi32>,
        %mul3A_1149 = arith.constant 16 : i32
        %mul3A_1150 = arith.muli %add3A_1144, %mul3A_1149 : i32
        %get3A_1151 = arith.index_cast %mul3A_1150 : i32 to index
        %get3A_1152 = tpu.vector_load %arg8[%get3A_1151] {strides = array<i32>} : memref<512xi32, #tpu.memory_space<vmem>>, vector<16xi32>,
        %slice3A_1153 = vector.extract_strided_slice %get3A_1148 {offsets = [0], sizes = [1], strides = [1]} : vector<16xi32> to vector<1xi32>
        %squeeze3A_1154 = vector.extract %slice3A_1153[0] : i32 from vector<1xi32>
        %dma_start3A_1155 = arith.constant 0 : i32
        %dma_start3A_1156 = arith.constant 0 : i32
        %dma_start3A_1157 = arith.constant 0 : i32
        %dma_start3A_1158 = arith.constant 0 : i32
        %dma_start3A_1159 = tpu.memref_slice %arg9[%dma_start3A_1155, %dma_start3A_1156, %dma_start3A_1157, %dma_start3A_1158] : memref<2x16x1x32xf32, #tpu.memory_space<vmem>> -> memref<1x1x1x32xf32, #tpu.memory_space<vmem>>
        %dma_start3A_1160 = tpu.memref_squeeze %dma_start3A_1159 : memref<1x1x1x32xf32, #tpu.memory_space<vmem>> -> memref<1x32xf32, #tpu.memory_space<vmem>>
        %dma_start3A_1161 = arith.constant 0 : i32
        %dma_start3A_1162 = arith.constant 0 : i32
        %dma_start3A_1163 = tpu.memref_slice %arg4[%squeeze3A_1154, %dma_start3A_1161, %dma_start3A_1162] : memref<1000000x1x32xf32, #tpu.memory_space<hbm>> -> memref<1x1x32xf32, #tpu.memory_space<hbm>>
        %dma_start3A_1164 = tpu.memref_squeeze %dma_start3A_1163 : memref<1x1x32xf32, #tpu.memory_space<hbm>> -> memref<1x32xf32, #tpu.memory_space<hbm>>
        %dma_start3A_1165 = arith.constant 0 : i32
        %dma_start3A_1166 = arith.constant 0 : i32
        %dma_start3A_1167 = tpu.memref_slice %arg9[%dma_start3A_1155, %dma_start3A_1156, %dma_start3A_1165, %dma_start3A_1166] : memref<2x16x1x32xf32, #tpu.memory_space<vmem>> -> memref<1x1x1x32xf32, #tpu.memory_space<vmem>>
        %dma_start3A_1168 = tpu.memref_squeeze %dma_start3A_1167 : memref<1x1x1x32xf32, #tpu.memory_space<vmem>> -> memref<1x32xf32, #tpu.memory_space<vmem>>
        %dma_start3A_1169 = arith.constant 0 : i32
        %dma_start3A_1170 = arith.constant 0 : i32
        %dma_start3A_1171 = tpu.memref_slice %arg4[%squeeze3A_1154, %dma_start3A_1169, %dma_start3A_1170] : memref<1000000x1x32xf32, #tpu.memory_space<hbm>> -> memref<1x1x32xf32, #tpu.memory_space<hbm>>
        %dma_start3A_1172 = tpu.memref_squeeze %dma_start3A_1171 : memref<1x1x32xf32, #tpu.memory_space<hbm>> -> memref<1x32xf32, #tpu.memory_space<hbm>>
        tpu.enqueue_dma source(%dma_start3A_1172 : memref<1x32xf32, #tpu.memory_space<hbm>>) target(%dma_start3A_1168 : memref<1x32xf32, #tpu.memory_space<vmem>>) target_semaphore(%arg12 : memref<!tpu.dma_semaphore, #tpu.memory_space<semaphore_mem>>)
        %slice3A_1173 = vector.extract_strided_slice %get3A_1152 {offsets = [0], sizes = [1], strides = [1]} : vector<16xi32> to vector<1xi32>
        %squeeze3A_1174 = vector.extract %slice3A_1173[0] : i32 from vector<1xi32>
        %dma_start3A_1175 = arith.constant 0 : i32
        %dma_start3A_1176 = arith.constant 0 : i32
        %dma_start3A_1177 = arith.constant 0 : i32
        %dma_start3A_1178 = arith.constant 0 : i32
        %dma_start3A_1179 = tpu.memref_slice %arg10[%dma_start3A_1175, %dma_start3A_1176, %dma_start3A_1177, %dma_start3A_1178] : memref<2x16x1x32xf32, #tpu.memory_space<vmem>> -> memref<1x1x1x32xf32, #tpu.memory_space<vmem>>
        %dma_start3A_1180 = tpu.memref_squeeze %dma_start3A_1179 : memref<1x1x1x32xf32, #tpu.memory_space<vmem>> -> memref<1x32xf32, #tpu.memory_space<vmem>>
        %dma_start3A_1181 = arith.constant 0 : i32
        %dma_start3A_1182 = arith.constant 0 : i32
        %dma_start3A_1183 = tpu.memref_slice %arg5[%squeeze3A_1174, %dma_start3A_1181, %dma_start3A_1182] : memref<1000000x1x32xf32, #tpu.memory_space<hbm>> -> memref<1x1x32xf32, #tpu.memory_space<hbm>>
        %dma_start3A_1184 = tpu.memref_squeeze %dma_start3A_1183 : memref<1x1x32xf32, #tpu.memory_space<hbm>> -> memref<1x32xf32, #tpu.memory_space<hbm>>
        %dma_start3A_1185 = arith.constant 0 : i32
        %dma_start3A_1186 = arith.constant 0 : i32
        %dma_start3A_1187 = tpu.memref_slice %arg10[%dma_start3A_1175, %dma_start3A_1176, %dma_start3A_1185, %dma_start3A_1186] : memref<2x16x1x32xf32, #tpu.memory_space<vmem>> -> memref<1x1x1x32xf32, #tpu.memory_space<vmem>>
        %dma_start3A_1188 = tpu.memref_squeeze %dma_start3A_1187 : memref<1x1x1x32xf32, #tpu.memory_space<vmem>> -> memref<1x32xf32, #tpu.memory_space<vmem>>
        %dma_start3A_1189 = arith.constant 0 : i32
        %dma_start3A_1190 = arith.constant 0 : i32
        %dma_start3A_1191 = tpu.memref_slice %arg5[%squeeze3A_1174, %dma_start3A_1189, %dma_start3A_1190] : memref<1000000x1x32xf32, #tpu.memory_space<hbm>> -> memref<1x1x32xf32, #tpu.memory_space<hbm>>
        %dma_start3A_1192 = tpu.memref_squeeze %dma_start3A_1191 : memref<1x1x32xf32, #tpu.memory_space<hbm>> -> memref<1x32xf32, #tpu.memory_space<hbm>>
        tpu.enqueue_dma source(%dma_start3A_1192 : memref<1x32xf32, #tpu.memory_space<hbm>>) target(%dma_start3A_1188 : memref<1x32xf32, #tpu.memory_space<vmem>>) target_semaphore(%arg14 : memref<!tpu.dma_semaphore, #tpu.memory_space<semaphore_mem>>)
        %slice3A_1193 = vector.extract_strided_slice %get3A_1148 {offsets = [1], sizes = [1], strides = [1]} : vector<16xi32> to vector<1xi32>
        %squeeze3A_1194 = vector.extract %slice3A_1193[0] : i32 from vector<1xi32>
        %dma_start3A_1195 = arith.constant 0 : i32
        %dma_start3A_1196 = arith.constant 1 : i32
        %dma_start3A_1197 = arith.constant 0 : i32
        %dma_start3A_1198 = arith.constant 0 : i32
        %dma_start3A_1199 = tpu.memref_slice %arg9[%dma_start3A_1195, %dma_start3A_1196, %dma_start3A_1197, %dma_start3A_1198] : memref<2x16x1x32xf32, #tpu.memory_space<vmem>> -> memref<1x1x1x32xf32, #tpu.memory_space<vmem>>
        %dma_start3A_1200 = tpu.memref_squeeze %dma_start3A_1199 : memref<1x1x1x32xf32, #tpu.memory_space<vmem>> -> memref<1x32xf32, #tpu.memory_space<vmem>>
        %dma_start3A_1201 = arith.constant 0 : i32
        %dma_start3A_1202 = arith.constant 0 : i32
        %dma_start3A_1203 = tpu.memref_slice %arg4[%squeeze3A_1194, %dma_start3A_1201, %dma_start3A_1202] : memref<1000000x1x32xf32, #tpu.memory_space<hbm>> -> memref<1x1x32xf32, #tpu.memory_space<hbm>>
        %dma_start3A_1204 = tpu.memref_squeeze %dma_start3A_1203 : memref<1x1x32xf32, #tpu.memory_space<hbm>> -> memref<1x32xf32, #tpu.memory_space<hbm>>
        %dma_start3A_1205 = arith.constant 0 : i32
        %dma_start3A_1206 = arith.constant 0 : i32
        %dma_start3A_1207 = tpu.memref_slice %arg9[%dma_start3A_1195, %dma_start3A_1196, %dma_start3A_1205, %dma_start3A_1206] : memref<2x16x1x32xf32, #tpu.memory_space<vmem>> -> memref<1x1x1x32xf32, #tpu.memory_space<vmem>>
        %dma_start3A_1208 = tpu.memref_squeeze %dma_start3A_1207 : memref<1x1x1x32xf32, #tpu.memory_space<vmem>> -> memref<1x32xf32, #tpu.memory_space<vmem>>
        %dma_start3A_1209 = arith.constant 0 : i32
        %dma_start3A_1210 = arith.constant 0 : i32
        %dma_start3A_1211 = tpu.memref_slice %arg4[%squeeze3A_1194, %dma_start3A_1209, %dma_start3A_1210] : memref<1000000x1x32xf32, #tpu.memory_space<hbm>> -> memref<1x1x32xf32, #tpu.memory_space<hbm>>
        %dma_start3A_1212 = tpu.memref_squeeze %dma_start3A_1211 : memref<1x1x32xf32, #tpu.memory_space<hbm>> -> memref<1x32xf32, #tpu.memory_space<hbm>>
        tpu.enqueue_dma source(%dma_start3A_1212 : memref<1x32xf32, #tpu.memory_space<hbm>>) target(%dma_start3A_1208 : memref<1x32xf32, #tpu.memory_space<vmem>>) target_semaphore(%arg12 : memref<!tpu.dma_semaphore, #tpu.memory_space<semaphore_mem>>)
        %slice3A_1213 = vector.extract_strided_slice %get3A_1152 {offsets = [1], sizes = [1], strides = [1]} : vector<16xi32> to vector<1xi32>
        %squeeze3A_1214 = vector.extract %slice3A_1213[0] : i32 from vector<1xi32>
        %dma_start3A_1215 = arith.constant 0 : i32
        %dma_start3A_1216 = arith.constant 1 : i32
        %dma_start3A_1217 = arith.constant 0 : i32
        %dma_start3A_1218 = arith.constant 0 : i32
        %dma_start3A_1219 = tpu.memref_slice %arg10[%dma_start3A_1215, %dma_start3A_1216, %dma_start3A_1217, %dma_start3A_1218] : memref<2x16x1x32xf32, #tpu.memory_space<vmem>> -> memref<1x1x1x32xf32, #tpu.memory_space<vmem>>
        %dma_start3A_1220 = tpu.memref_squeeze %dma_start3A_1219 : memref<1x1x1x32xf32, #tpu.memory_space<vmem>> -> memref<1x32xf32, #tpu.memory_space<vmem>>
        %dma_start3A_1221 = arith.constant 0 : i32
        %dma_start3A_1222 = arith.constant 0 : i32
        %dma_start3A_1223 = tpu.memref_slice %arg5[%squeeze3A_1214, %dma_start3A_1221, %dma_start3A_1222] : memref<1000000x1x32xf32, #tpu.memory_space<hbm>> -> memref<1x1x32xf32, #tpu.memory_space<hbm>>
        %dma_start3A_1224 = tpu.memref_squeeze %dma_start3A_1223 : memref<1x1x32xf32, #tpu.memory_space<hbm>> -> memref<1x32xf32, #tpu.memory_space<hbm>>
        %dma_start3A_1225 = arith.constant 0 : i32
        %dma_start3A_1226 = arith.constant 0 : i32
        %dma_start3A_1227 = tpu.memref_slice %arg10[%dma_start3A_1215, %dma_start3A_1216, %dma_start3A_1225, %dma_start3A_1226] : memref<2x16x1x32xf32, #tpu.memory_space<vmem>> -> memref<1x1x1x32xf32, #tpu.memory_space<vmem>>
        %dma_start3A_1228 = tpu.memref_squeeze %dma_start3A_1227 : memref<1x1x1x32xf32, #tpu.memory_space<vmem>> -> memref<1x32xf32, #tpu.memory_space<vmem>>
        %dma_start3A_1229 = arith.constant 0 : i32
        %dma_start3A_1230 = arith.constant 0 : i32
        %dma_start3A_1231 = tpu.memref_slice %arg5[%squeeze3A_1214, %dma_start3A_1229, %dma_start3A_1230] : memref<1000000x1x32xf32, #tpu.memory_space<hbm>> -> memref<1x1x32xf32, #tpu.memory_space<hbm>>
        %dma_start3A_1232 = tpu.memref_squeeze %dma_start3A_1231 : memref<1x1x32xf32, #tpu.memory_space<hbm>> -> memref<1x32xf32, #tpu.memory_space<hbm>>
        tpu.enqueue_dma source(%dma_start3A_1232 : memref<1x32xf32, #tpu.memory_space<hbm>>) target(%dma_start3A_1228 : memref<1x32xf32, #tpu.memory_space<vmem>>) target_semaphore(%arg14 : memref<!tpu.dma_semaphore, #tpu.memory_space<semaphore_mem>>)
        %slice3A_1233 = vector.extract_strided_slice %get3A_1148 {offsets = [2], sizes = [1], strides = [1]} : vector<16xi32> to vector<1xi32>
        %squeeze3A_1234 = vector.extract %slice3A_1233[0] : i32 from vector<1xi32>
        %dma_start3A_1235 = arith.constant 0 : i32
        %dma_start3A_1236 = arith.constant 2 : i32
        %dma_start3A_1237 = arith.constant 0 : i32
        %dma_start3A_1238 = arith.constant 0 : i32
        %dma_start3A_1239 = tpu.memref_slice %arg9[%dma_start3A_1235, %dma_start3A_1236, %dma_start3A_1237, %dma_start3A_1238] : memref<2x16x1x32xf32, #tpu.memory_space<vmem>> -> memref<1x1x1x32xf32, #tpu.memory_space<vmem>>
        %dma_start3A_1240 = tpu.memref_squeeze %dma_start3A_1239 : memref<1x1x1x32xf32, #tpu.memory_space<vmem>> -> memref<1x32xf32, #tpu.memory_space<vmem>>
        %dma_start3A_1241 = arith.constant 0 : i32
        %dma_start3A_1242 = arith.constant 0 : i32
        %dma_start3A_1243 = tpu.memref_slice %arg4[%squeeze3A_1234, %dma_start3A_1241, %dma_start3A_1242] : memref<1000000x1x32xf32, #tpu.memory_space<hbm>> -> memref<1x1x32xf32, #tpu.memory_space<hbm>>
        %dma_start3A_1244 = tpu.memref_squeeze %dma_start3A_1243 : memref<1x1x32xf32, #tpu.memory_space<hbm>> -> memref<1x32xf32, #tpu.memory_space<hbm>>
        %dma_start3A_1245 = arith.constant 0 : i32
        %dma_start3A_1246 = arith.constant 0 : i32
        %dma_start3A_1247 = tpu.memref_slice %arg9[%dma_start3A_1235, %dma_start3A_1236, %dma_start3A_1245, %dma_start3A_1246] : memref<2x16x1x32xf32, #tpu.memory_space<vmem>> -> memref<1x1x1x32xf32, #tpu.memory_space<vmem>>
        %dma_start3A_1248 = tpu.memref_squeeze %dma_start3A_1247 : memref<1x1x1x32xf32, #tpu.memory_space<vmem>> -> memref<1x32xf32, #tpu.memory_space<vmem>>
        %dma_start3A_1249 = arith.constant 0 : i32
        %dma_start3A_1250 = arith.constant 0 : i32
        %dma_start3A_1251 = tpu.memref_slice %arg4[%squeeze3A_1234, %dma_start3A_1249, %dma_start3A_1250] : memref<1000000x1x32xf32, #tpu.memory_space<hbm>> -> memref<1x1x32xf32, #tpu.memory_space<hbm>>
        %dma_start3A_1252 = tpu.memref_squeeze %dma_start3A_1251 : memref<1x1x32xf32, #tpu.memory_space<hbm>> -> memref<1x32xf32, #tpu.memory_space<hbm>>
        tpu.enqueue_dma source(%dma_start3A_1252 : memref<1x32xf32, #tpu.memory_space<hbm>>) target(%dma_start3A_1248 : memref<1x32xf32, #tpu.memory_space<vmem>>) target_semaphore(%arg12 : memref<!tpu.dma_semaphore, #tpu.memory_space<semaphore_mem>>)
        %slice3A_1253 = vector.extract_strided_slice %get3A_1152 {offsets = [2], sizes = [1], strides = [1]} : vector<16xi32> to vector<1xi32>
        %squeeze3A_1254 = vector.extract %slice3A_1253[0] : i32 from vector<1xi32>
        %dma_start3A_1255 = arith.constant 0 : i32
        %dma_start3A_1256 = arith.constant 2 : i32
        %dma_start3A_1257 = arith.constant 0 : i32
        %dma_start3A_1258 = arith.constant 0 : i32
        %dma_start3A_1259 = tpu.memref_slice %arg10[%dma_start3A_1255, %dma_start3A_1256, %dma_start3A_1257, %dma_start3A_1258] : memref<2x16x1x32xf32, #tpu.memory_space<vmem>> -> memref<1x1x1x32xf32, #tpu.memory_space<vmem>>
        %dma_start3A_1260 = tpu.memref_squeeze %dma_start3A_1259 : memref<1x1x1x32xf32, #tpu.memory_space<vmem>> -> memref<1x32xf32, #tpu.memory_space<vmem>>
        %dma_start3A_1261 = arith.constant 0 : i32
        %dma_start3A_1262 = arith.constant 0 : i32
        %dma_start3A_1263 = tpu.memref_slice %arg5[%squeeze3A_1254, %dma_start3A_1261, %dma_start3A_1262] : memref<1000000x1x32xf32, #tpu.memory_space<hbm>> -> memref<1x1x32xf32, #tpu.memory_space<hbm>>
        %dma_start3A_1264 = tpu.memref_squeeze %dma_start3A_1263 : memref<1x1x32xf32, #tpu.memory_space<hbm>> -> memref<1x32xf32, #tpu.memory_space<hbm>>
        %dma_start3A_1265 = arith.constant 0 : i32
        %dma_start3A_1266 = arith.constant 0 : i32
        %dma_start3A_1267 = tpu.memref_slice %arg10[%dma_start3A_1255, %dma_start3A_1256, %dma_start3A_1265, %dma_start3A_1266] : memref<2x16x1x32xf32, #tpu.memory_space<vmem>> -> memref<1x1x1x32xf32, #tpu.memory_space<vmem>>
        %dma_start3A_1268 = tpu.memref_squeeze %dma_start3A_1267 : memref<1x1x1x32xf32, #tpu.memory_space<vmem>> -> memref<1x32xf32, #tpu.memory_space<vmem>>
        %dma_start3A_1269 = arith.constant 0 : i32
        %dma_start3A_1270 = arith.constant 0 : i32
        %dma_start3A_1271 = tpu.memref_slice %arg5[%squeeze3A_1254, %dma_start3A_1269, %dma_start3A_1270] : memref<1000000x1x32xf32, #tpu.memory_space<hbm>> -> memref<1x1x32xf32, #tpu.memory_space<hbm>>
        %dma_start3A_1272 = tpu.memref_squeeze %dma_start3A_1271 : memref<1x1x32xf32, #tpu.memory_space<hbm>> -> memref<1x32xf32, #tpu.memory_space<hbm>>
        tpu.enqueue_dma source(%dma_start3A_1272 : memref<1x32xf32, #tpu.memory_space<hbm>>) target(%dma_start3A_1268 : memref<1x32xf32, #tpu.memory_space<vmem>>) target_semaphore(%arg14 : memref<!tpu.dma_semaphore, #tpu.memory_space<semaphore_mem>>)
        %slice3A_1273 = vector.extract_strided_slice %get3A_1148 {offsets = [3], sizes = [1], strides = [1]} : vector<16xi32> to vector<1xi32>
        %squeeze3A_1274 = vector.extract %slice3A_1273[0] : i32 from vector<1xi32>
        %dma_start3A_1275 = arith.constant 0 : i32
        %dma_start3A_1276 = arith.constant 3 : i32
        %dma_start3A_1277 = arith.constant 0 : i32
        %dma_start3A_1278 = arith.constant 0 : i32
        %dma_start3A_1279 = tpu.memref_slice %arg9[%dma_start3A_1275, %dma_start3A_1276, %dma_start3A_1277, %dma_start3A_1278] : memref<2x16x1x32xf32, #tpu.memory_space<vmem>> -> memref<1x1x1x32xf32, #tpu.memory_space<vmem>>
        %dma_start3A_1280 = tpu.memref_squeeze %dma_start3A_1279 : memref<1x1x1x32xf32, #tpu.memory_space<vmem>> -> memref<1x32xf32, #tpu.memory_space<vmem>>
        %dma_start3A_1281 = arith.constant 0 : i32
        %dma_start3A_1282 = arith.constant 0 : i32
        %dma_start3A_1283 = tpu.memref_slice %arg4[%squeeze3A_1274, %dma_start3A_1281, %dma_start3A_1282] : memref<1000000x1x32xf32, #tpu.memory_space<hbm>> -> memref<1x1x32xf32, #tpu.memory_space<hbm>>
        %dma_start3A_1284 = tpu.memref_squeeze %dma_start3A_1283 : memref<1x1x32xf32, #tpu.memory_space<hbm>> -> memref<1x32xf32, #tpu.memory_space<hbm>>
        %dma_start3A_1285 = arith.constant 0 : i32
        %dma_start3A_1286 = arith.constant 0 : i32
        %dma_start3A_1287 = tpu.memref_slice %arg9[%dma_start3A_1275, %dma_start3A_1276, %dma_start3A_1285, %dma_start3A_1286] : memref<2x16x1x32xf32, #tpu.memory_space<vmem>> -> memref<1x1x1x32xf32, #tpu.memory_space<vmem>>
        %dma_start3A_1288 = tpu.memref_squeeze %dma_start3A_1287 : memref<1x1x1x32xf32, #tpu.memory_space<vmem>> -> memref<1x32xf32, #tpu.memory_space<vmem>>
        %dma_start3A_1289 = arith.constant 0 : i32
        %dma_start3A_1290 = arith.constant 0 : i32
        %dma_start3A_1291 = tpu.memref_slice %arg4[%squeeze3A_1274, %dma_start3A_1289, %dma_start3A_1290] : memref<1000000x1x32xf32, #tpu.memory_space<hbm>> -> memref<1x1x32xf32, #tpu.memory_space<hbm>>
        %dma_start3A_1292 = tpu.memref_squeeze %dma_start3A_1291 : memref<1x1x32xf32, #tpu.memory_space<hbm>> -> memref<1x32xf32, #tpu.memory_space<hbm>>
        tpu.enqueue_dma source(%dma_start3A_1292 : memref<1x32xf32, #tpu.memory_space<hbm>>) target(%dma_start3A_1288 : memref<1x32xf32, #tpu.memory_space<vmem>>) target_semaphore(%arg12 : memref<!tpu.dma_semaphore, #tpu.memory_space<semaphore_mem>>)
        %slice3A_1293 = vector.extract_strided_slice %get3A_1152 {offsets = [3], sizes = [1], strides = [1]} : vector<16xi32> to vector<1xi32>
        %squeeze3A_1294 = vector.extract %slice3A_1293[0] : i32 from vector<1xi32>
        %dma_start3A_1295 = arith.constant 0 : i32
        %dma_start3A_1296 = arith.constant 3 : i32
        %dma_start3A_1297 = arith.constant 0 : i32
        %dma_start3A_1298 = arith.constant 0 : i32
        %dma_start3A_1299 = tpu.memref_slice %arg10[%dma_start3A_1295, %dma_start3A_1296, %dma_start3A_1297, %dma_start3A_1298] : memref<2x16x1x32xf32, #tpu.memory_space<vmem>> -> memref<1x1x1x32xf32, #tpu.memory_space<vmem>>
        %dma_start3A_1300 = tpu.memref_squeeze %dma_start3A_1299 : memref<1x1x1x32xf32, #tpu.memory_space<vmem>> -> memref<1x32xf32, #tpu.memory_space<vmem>>
        %dma_start3A_1301 = arith.constant 0 : i32
        %dma_start3A_1302 = arith.constant 0 : i32
        %dma_start3A_1303 = tpu.memref_slice %arg5[%squeeze3A_1294, %dma_start3A_1301, %dma_start3A_1302] : memref<1000000x1x32xf32, #tpu.memory_space<hbm>> -> memref<1x1x32xf32, #tpu.memory_space<hbm>>
        %dma_start3A_1304 = tpu.memref_squeeze %dma_start3A_1303 : memref<1x1x32xf32, #tpu.memory_space<hbm>> -> memref<1x32xf32, #tpu.memory_space<hbm>>
        %dma_start3A_1305 = arith.constant 0 : i32
        %dma_start3A_1306 = arith.constant 0 : i32
        %dma_start3A_1307 = tpu.memref_slice %arg10[%dma_start3A_1295, %dma_start3A_1296, %dma_start3A_1305, %dma_start3A_1306] : memref<2x16x1x32xf32, #tpu.memory_space<vmem>> -> memref<1x1x1x32xf32, #tpu.memory_space<vmem>>
        %dma_start3A_1308 = tpu.memref_squeeze %dma_start3A_1307 : memref<1x1x1x32xf32, #tpu.memory_space<vmem>> -> memref<1x32xf32, #tpu.memory_space<vmem>>
        %dma_start3A_1309 = arith.constant 0 : i32
        %dma_start3A_1310 = arith.constant 0 : i32
        %dma_start3A_1311 = tpu.memref_slice %arg5[%squeeze3A_1294, %dma_start3A_1309, %dma_start3A_1310] : memref<1000000x1x32xf32, #tpu.memory_space<hbm>> -> memref<1x1x32xf32, #tpu.memory_space<hbm>>
        %dma_start3A_1312 = tpu.memref_squeeze %dma_start3A_1311 : memref<1x1x32xf32, #tpu.memory_space<hbm>> -> memref<1x32xf32, #tpu.memory_space<hbm>>
        tpu.enqueue_dma source(%dma_start3A_1312 : memref<1x32xf32, #tpu.memory_space<hbm>>) target(%dma_start3A_1308 : memref<1x32xf32, #tpu.memory_space<vmem>>) target_semaphore(%arg14 : memref<!tpu.dma_semaphore, #tpu.memory_space<semaphore_mem>>)
        %slice3A_1313 = vector.extract_strided_slice %get3A_1148 {offsets = [4], sizes = [1], strides = [1]} : vector<16xi32> to vector<1xi32>
        %squeeze3A_1314 = vector.extract %slice3A_1313[0] : i32 from vector<1xi32>
        %dma_start3A_1315 = arith.constant 0 : i32
        %dma_start3A_1316 = arith.constant 4 : i32
        %dma_start3A_1317 = arith.constant 0 : i32
        %dma_start3A_1318 = arith.constant 0 : i32
        %dma_start3A_1319 = tpu.memref_slice %arg9[%dma_start3A_1315, %dma_start3A_1316, %dma_start3A_1317, %dma_start3A_1318] : memref<2x16x1x32xf32, #tpu.memory_space<vmem>> -> memref<1x1x1x32xf32, #tpu.memory_space<vmem>>
        %dma_start3A_1320 = tpu.memref_squeeze %dma_start3A_1319 : memref<1x1x1x32xf32, #tpu.memory_space<vmem>> -> memref<1x32xf32, #tpu.memory_space<vmem>>
        %dma_start3A_1321 = arith.constant 0 : i32
        %dma_start3A_1322 = arith.constant 0 : i32
        %dma_start3A_1323 = tpu.memref_slice %arg4[%squeeze3A_1314, %dma_start3A_1321, %dma_start3A_1322] : memref<1000000x1x32xf32, #tpu.memory_space<hbm>> -> memref<1x1x32xf32, #tpu.memory_space<hbm>>
        %dma_start3A_1324 = tpu.memref_squeeze %dma_start3A_1323 : memref<1x1x32xf32, #tpu.memory_space<hbm>> -> memref<1x32xf32, #tpu.memory_space<hbm>>
        %dma_start3A_1325 = arith.constant 0 : i32
        %dma_start3A_1326 = arith.constant 0 : i32
        %dma_start3A_1327 = tpu.memref_slice %arg9[%dma_start3A_1315, %dma_start3A_1316, %dma_start3A_1325, %dma_start3A_1326] : memref<2x16x1x32xf32, #tpu.memory_space<vmem>> -> memref<1x1x1x32xf32, #tpu.memory_space<vmem>>
        %dma_start3A_1328 = tpu.memref_squeeze %dma_start3A_1327 : memref<1x1x1x32xf32, #tpu.memory_space<vmem>> -> memref<1x32xf32, #tpu.memory_space<vmem>>
        %dma_start3A_1329 = arith.constant 0 : i32
        %dma_start3A_1330 = arith.constant 0 : i32
        %dma_start3A_1331 = tpu.memref_slice %arg4[%squeeze3A_1314, %dma_start3A_1329, %dma_start3A_1330] : memref<1000000x1x32xf32, #tpu.memory_space<hbm>> -> memref<1x1x32xf32, #tpu.memory_space<hbm>>
        %dma_start3A_1332 = tpu.memref_squeeze %dma_start3A_1331 : memref<1x1x32xf32, #tpu.memory_space<hbm>> -> memref<1x32xf32, #tpu.memory_space<hbm>>
        tpu.enqueue_dma source(%dma_start3A_1332 : memref<1x32xf32, #tpu.memory_space<hbm>>) target(%dma_start3A_1328 : memref<1x32xf32, #tpu.memory_space<vmem>>) target_semaphore(%arg12 : memref<!tpu.dma_semaphore, #tpu.memory_space<semaphore_mem>>)
        %slice3A_1333 = vector.extract_strided_slice %get3A_1152 {offsets = [4], sizes = [1], strides = [1]} : vector<16xi32> to vector<1xi32>
        %squeeze3A_1334 = vector.extract %slice3A_1333[0] : i32 from vector<1xi32>
        %dma_start3A_1335 = arith.constant 0 : i32
        %dma_start3A_1336 = arith.constant 4 : i32
        %dma_start3A_1337 = arith.constant 0 : i32
        %dma_start3A_1338 = arith.constant 0 : i32
        %dma_start3A_1339 = tpu.memref_slice %arg10[%dma_start3A_1335, %dma_start3A_1336, %dma_start3A_1337, %dma_start3A_1338] : memref<2x16x1x32xf32, #tpu.memory_space<vmem>> -> memref<1x1x1x32xf32, #tpu.memory_space<vmem>>
        %dma_start3A_1340 = tpu.memref_squeeze %dma_start3A_1339 : memref<1x1x1x32xf32, #tpu.memory_space<vmem>> -> memref<1x32xf32, #tpu.memory_space<vmem>>
        %dma_start3A_1341 = arith.constant 0 : i32
        %dma_start3A_1342 = arith.constant 0 : i32
        %dma_start3A_1343 = tpu.memref_slice %arg5[%squeeze3A_1334, %dma_start3A_1341, %dma_start3A_1342] : memref<1000000x1x32xf32, #tpu.memory_space<hbm>> -> memref<1x1x32xf32, #tpu.memory_space<hbm>>
        %dma_start3A_1344 = tpu.memref_squeeze %dma_start3A_1343 : memref<1x1x32xf32, #tpu.memory_space<hbm>> -> memref<1x32xf32, #tpu.memory_space<hbm>>
        %dma_start3A_1345 = arith.constant 0 : i32
        %dma_start3A_1346 = arith.constant 0 : i32
        %dma_start3A_1347 = tpu.memref_slice %arg10[%dma_start3A_1335, %dma_start3A_1336, %dma_start3A_1345, %dma_start3A_1346] : memref<2x16x1x32xf32, #tpu.memory_space<vmem>> -> memref<1x1x1x32xf32, #tpu.memory_space<vmem>>
        %dma_start3A_1348 = tpu.memref_squeeze %dma_start3A_1347 : memref<1x1x1x32xf32, #tpu.memory_space<vmem>> -> memref<1x32xf32, #tpu.memory_space<vmem>>
        %dma_start3A_1349 = arith.constant 0 : i32
        %dma_start3A_1350 = arith.constant 0 : i32
        %dma_start3A_1351 = tpu.memref_slice %arg5[%squeeze3A_1334, %dma_start3A_1349, %dma_start3A_1350] : memref<1000000x1x32xf32, #tpu.memory_space<hbm>> -> memref<1x1x32xf32, #tpu.memory_space<hbm>>
        %dma_start3A_1352 = tpu.memref_squeeze %dma_start3A_1351 : memref<1x1x32xf32, #tpu.memory_space<hbm>> -> memref<1x32xf32, #tpu.memory_space<hbm>>
        tpu.enqueue_dma source(%dma_start3A_1352 : memref<1x32xf32, #tpu.memory_space<hbm>>) target(%dma_start3A_1348 : memref<1x32xf32, #tpu.memory_space<vmem>>) target_semaphore(%arg14 : memref<!tpu.dma_semaphore, #tpu.memory_space<semaphore_mem>>)
        %slice3A_1353 = vector.extract_strided_slice %get3A_1148 {offsets = [5], sizes = [1], strides = [1]} : vector<16xi32> to vector<1xi32>
        %squeeze3A_1354 = vector.extract %slice3A_1353[0] : i32 from vector<1xi32>
        %dma_start3A_1355 = arith.constant 0 : i32
        %dma_start3A_1356 = arith.constant 5 : i32
        %dma_start3A_1357 = arith.constant 0 : i32
        %dma_start3A_1358 = arith.constant 0 : i32
        %dma_start3A_1359 = tpu.memref_slice %arg9[%dma_start3A_1355, %dma_start3A_1356, %dma_start3A_1357, %dma_start3A_1358] : memref<2x16x1x32xf32, #tpu.memory_space<vmem>> -> memref<1x1x1x32xf32, #tpu.memory_space<vmem>>
        %dma_start3A_1360 = tpu.memref_squeeze %dma_start3A_1359 : memref<1x1x1x32xf32, #tpu.memory_space<vmem>> -> memref<1x32xf32, #tpu.memory_space<vmem>>
        %dma_start3A_1361 = arith.constant 0 : i32
        %dma_start3A_1362 = arith.constant 0 : i32
        %dma_start3A_1363 = tpu.memref_slice %arg4[%squeeze3A_1354, %dma_start3A_1361, %dma_start3A_1362] : memref<1000000x1x32xf32, #tpu.memory_space<hbm>> -> memref<1x1x32xf32, #tpu.memory_space<hbm>>
        %dma_start3A_1364 = tpu.memref_squeeze %dma_start3A_1363 : memref<1x1x32xf32, #tpu.memory_space<hbm>> -> memref<1x32xf32, #tpu.memory_space<hbm>>
        %dma_start3A_1365 = arith.constant 0 : i32
        %dma_start3A_1366 = arith.constant 0 : i32
        %dma_start3A_1367 = tpu.memref_slice %arg9[%dma_start3A_1355, %dma_start3A_1356, %dma_start3A_1365, %dma_start3A_1366] : memref<2x16x1x32xf32, #tpu.memory_space<vmem>> -> memref<1x1x1x32xf32, #tpu.memory_space<vmem>>
        %dma_start3A_1368 = tpu.memref_squeeze %dma_start3A_1367 : memref<1x1x1x32xf32, #tpu.memory_space<vmem>> -> memref<1x32xf32, #tpu.memory_space<vmem>>
        %dma_start3A_1369 = arith.constant 0 : i32
        %dma_start3A_1370 = arith.constant 0 : i32
        %dma_start3A_1371 = tpu.memref_slice %arg4[%squeeze3A_1354, %dma_start3A_1369, %dma_start3A_1370] : memref<1000000x1x32xf32, #tpu.memory_space<hbm>> -> memref<1x1x32xf32, #tpu.memory_space<hbm>>
        %dma_start3A_1372 = tpu.memref_squeeze %dma_start3A_1371 : memref<1x1x32xf32, #tpu.memory_space<hbm>> -> memref<1x32xf32, #tpu.memory_space<hbm>>
        tpu.enqueue_dma source(%dma_start3A_1372 : memref<1x32xf32, #tpu.memory_space<hbm>>) target(%dma_start3A_1368 : memref<1x32xf32, #tpu.memory_space<vmem>>) target_semaphore(%arg12 : memref<!tpu.dma_semaphore, #tpu.memory_space<semaphore_mem>>)
        %slice3A_1373 = vector.extract_strided_slice %get3A_1152 {offsets = [5], sizes = [1], strides = [1]} : vector<16xi32> to vector<1xi32>
        %squeeze3A_1374 = vector.extract %slice3A_1373[0] : i32 from vector<1xi32>
        %dma_start3A_1375 = arith.constant 0 : i32
        %dma_start3A_1376 = arith.constant 5 : i32
        %dma_start3A_1377 = arith.constant 0 : i32
        %dma_start3A_1378 = arith.constant 0 : i32
        %dma_start3A_1379 = tpu.memref_slice %arg10[%dma_start3A_1375, %dma_start3A_1376, %dma_start3A_1377, %dma_start3A_1378] : memref<2x16x1x32xf32, #tpu.memory_space<vmem>> -> memref<1x1x1x32xf32, #tpu.memory_space<vmem>>
        %dma_start3A_1380 = tpu.memref_squeeze %dma_start3A_1379 : memref<1x1x1x32xf32, #tpu.memory_space<vmem>> -> memref<1x32xf32, #tpu.memory_space<vmem>>
        %dma_start3A_1381 = arith.constant 0 : i32
        %dma_start3A_1382 = arith.constant 0 : i32
        %dma_start3A_1383 = tpu.memref_slice %arg5[%squeeze3A_1374, %dma_start3A_1381, %dma_start3A_1382] : memref<1000000x1x32xf32, #tpu.memory_space<hbm>> -> memref<1x1x32xf32, #tpu.memory_space<hbm>>
        %dma_start3A_1384 = tpu.memref_squeeze %dma_start3A_1383 : memref<1x1x32xf32, #tpu.memory_space<hbm>> -> memref<1x32xf32, #tpu.memory_space<hbm>>
        %dma_start3A_1385 = arith.constant 0 : i32
        %dma_start3A_1386 = arith.constant 0 : i32
        %dma_start3A_1387 = tpu.memref_slice %arg10[%dma_start3A_1375, %dma_start3A_1376, %dma_start3A_1385, %dma_start3A_1386] : memref<2x16x1x32xf32, #tpu.memory_space<vmem>> -> memref<1x1x1x32xf32, #tpu.memory_space<vmem>>
        %dma_start3A_1388 = tpu.memref_squeeze %dma_start3A_1387 : memref<1x1x1x32xf32, #tpu.memory_space<vmem>> -> memref<1x32xf32, #tpu.memory_space<vmem>>
        %dma_start3A_1389 = arith.constant 0 : i32
        %dma_start3A_1390 = arith.constant 0 : i32
        %dma_start3A_1391 = tpu.memref_slice %arg5[%squeeze3A_1374, %dma_start3A_1389, %dma_start3A_1390] : memref<1000000x1x32xf32, #tpu.memory_space<hbm>> -> memref<1x1x32xf32, #tpu.memory_space<hbm>>
        %dma_start3A_1392 = tpu.memref_squeeze %dma_start3A_1391 : memref<1x1x32xf32, #tpu.memory_space<hbm>> -> memref<1x32xf32, #tpu.memory_space<hbm>>
        tpu.enqueue_dma source(%dma_start3A_1392 : memref<1x32xf32, #tpu.memory_space<hbm>>) target(%dma_start3A_1388 : memref<1x32xf32, #tpu.memory_space<vmem>>) target_semaphore(%arg14 : memref<!tpu.dma_semaphore, #tpu.memory_space<semaphore_mem>>)
        %slice3A_1393 = vector.extract_strided_slice %get3A_1148 {offsets = [6], sizes = [1], strides = [1]} : vector<16xi32> to vector<1xi32>
        %squeeze3A_1394 = vector.extract %slice3A_1393[0] : i32 from vector<1xi32>
        %dma_start3A_1395 = arith.constant 0 : i32
        %dma_start3A_1396 = arith.constant 6 : i32
        %dma_start3A_1397 = arith.constant 0 : i32
        %dma_start3A_1398 = arith.constant 0 : i32
        %dma_start3A_1399 = tpu.memref_slice %arg9[%dma_start3A_1395, %dma_start3A_1396, %dma_start3A_1397, %dma_start3A_1398] : memref<2x16x1x32xf32, #tpu.memory_space<vmem>> -> memref<1x1x1x32xf32, #tpu.memory_space<vmem>>
        %dma_start3A_1400 = tpu.memref_squeeze %dma_start3A_1399 : memref<1x1x1x32xf32, #tpu.memory_space<vmem>> -> memref<1x32xf32, #tpu.memory_space<vmem>>
        %dma_start3A_1401 = arith.constant 0 : i32
        %dma_start3A_1402 = arith.constant 0 : i32
        %dma_start3A_1403 = tpu.memref_slice %arg4[%squeeze3A_1394, %dma_start3A_1401, %dma_start3A_1402] : memref<1000000x1x32xf32, #tpu.memory_space<hbm>> -> memref<1x1x32xf32, #tpu.memory_space<hbm>>
        %dma_start3A_1404 = tpu.memref_squeeze %dma_start3A_1403 : memref<1x1x32xf32, #tpu.memory_space<hbm>> -> memref<1x32xf32, #tpu.memory_space<hbm>>
        %dma_start3A_1405 = arith.constant 0 : i32
        %dma_start3A_1406 = arith.constant 0 : i32
        %dma_start3A_1407 = tpu.memref_slice %arg9[%dma_start3A_1395, %dma_start3A_1396, %dma_start3A_1405, %dma_start3A_1406] : memref<2x16x1x32xf32, #tpu.memory_space<vmem>> -> memref<1x1x1x32xf32, #tpu.memory_space<vmem>>
        %dma_start3A_1408 = tpu.memref_squeeze %dma_start3A_1407 : memref<1x1x1x32xf32, #tpu.memory_space<vmem>> -> memref<1x32xf32, #tpu.memory_space<vmem>>
        %dma_start3A_1409 = arith.constant 0 : i32
        %dma_start3A_1410 = arith.constant 0 : i32
        %dma_start3A_1411 = tpu.memref_slice %arg4[%squeeze3A_1394, %dma_start3A_1409, %dma_start3A_1410] : memref<1000000x1x32xf32, #tpu.memory_space<hbm>> -> memref<1x1x32xf32, #tpu.memory_space<hbm>>
        %dma_start3A_1412 = tpu.memref_squeeze %dma_start3A_1411 : memref<1x1x32xf32, #tpu.memory_space<hbm>> -> memref<1x32xf32, #tpu.memory_space<hbm>>
        tpu.enqueue_dma source(%dma_start3A_1412 : memref<1x32xf32, #tpu.memory_space<hbm>>) target(%dma_start3A_1408 : memref<1x32xf32, #tpu.memory_space<vmem>>) target_semaphore(%arg12 : memref<!tpu.dma_semaphore, #tpu.memory_space<semaphore_mem>>)
        %slice3A_1413 = vector.extract_strided_slice %get3A_1152 {offsets = [6], sizes = [1], strides = [1]} : vector<16xi32> to vector<1xi32>
        %squeeze3A_1414 = vector.extract %slice3A_1413[0] : i32 from vector<1xi32>
        %dma_start3A_1415 = arith.constant 0 : i32
        %dma_start3A_1416 = arith.constant 6 : i32
        %dma_start3A_1417 = arith.constant 0 : i32
        %dma_start3A_1418 = arith.constant 0 : i32
        %dma_start3A_1419 = tpu.memref_slice %arg10[%dma_start3A_1415, %dma_start3A_1416, %dma_start3A_1417, %dma_start3A_1418] : memref<2x16x1x32xf32, #tpu.memory_space<vmem>> -> memref<1x1x1x32xf32, #tpu.memory_space<vmem>>
        %dma_start3A_1420 = tpu.memref_squeeze %dma_start3A_1419 : memref<1x1x1x32xf32, #tpu.memory_space<vmem>> -> memref<1x32xf32, #tpu.memory_space<vmem>>
        %dma_start3A_1421 = arith.constant 0 : i32
        %dma_start3A_1422 = arith.constant 0 : i32
        %dma_start3A_1423 = tpu.memref_slice %arg5[%squeeze3A_1414, %dma_start3A_1421, %dma_start3A_1422] : memref<1000000x1x32xf32, #tpu.memory_space<hbm>> -> memref<1x1x32xf32, #tpu.memory_space<hbm>>
        %dma_start3A_1424 = tpu.memref_squeeze %dma_start3A_1423 : memref<1x1x32xf32, #tpu.memory_space<hbm>> -> memref<1x32xf32, #tpu.memory_space<hbm>>
        %dma_start3A_1425 = arith.constant 0 : i32
        %dma_start3A_1426 = arith.constant 0 : i32
        %dma_start3A_1427 = tpu.memref_slice %arg10[%dma_start3A_1415, %dma_start3A_1416, %dma_start3A_1425, %dma_start3A_1426] : memref<2x16x1x32xf32, #tpu.memory_space<vmem>> -> memref<1x1x1x32xf32, #tpu.memory_space<vmem>>
        %dma_start3A_1428 = tpu.memref_squeeze %dma_start3A_1427 : memref<1x1x1x32xf32, #tpu.memory_space<vmem>> -> memref<1x32xf32, #tpu.memory_space<vmem>>
        %dma_start3A_1429 = arith.constant 0 : i32
        %dma_start3A_1430 = arith.constant 0 : i32
        %dma_start3A_1431 = tpu.memref_slice %arg5[%squeeze3A_1414, %dma_start3A_1429, %dma_start3A_1430] : memref<1000000x1x32xf32, #tpu.memory_space<hbm>> -> memref<1x1x32xf32, #tpu.memory_space<hbm>>
        %dma_start3A_1432 = tpu.memref_squeeze %dma_start3A_1431 : memref<1x1x32xf32, #tpu.memory_space<hbm>> -> memref<1x32xf32, #tpu.memory_space<hbm>>
        tpu.enqueue_dma source(%dma_start3A_1432 : memref<1x32xf32, #tpu.memory_space<hbm>>) target(%dma_start3A_1428 : memref<1x32xf32, #tpu.memory_space<vmem>>) target_semaphore(%arg14 : memref<!tpu.dma_semaphore, #tpu.memory_space<semaphore_mem>>)
        %slice3A_1433 = vector.extract_strided_slice %get3A_1148 {offsets = [7], sizes = [1], strides = [1]} : vector<16xi32> to vector<1xi32>
        %squeeze3A_1434 = vector.extract %slice3A_1433[0] : i32 from vector<1xi32>
        %dma_start3A_1435 = arith.constant 0 : i32
        %dma_start3A_1436 = arith.constant 7 : i32
        %dma_start3A_1437 = arith.constant 0 : i32
        %dma_start3A_1438 = arith.constant 0 : i32
        %dma_start3A_1439 = tpu.memref_slice %arg9[%dma_start3A_1435, %dma_start3A_1436, %dma_start3A_1437, %dma_start3A_1438] : memref<2x16x1x32xf32, #tpu.memory_space<vmem>> -> memref<1x1x1x32xf32, #tpu.memory_space<vmem>>
        %dma_start3A_1440 = tpu.memref_squeeze %dma_start3A_1439 : memref<1x1x1x32xf32, #tpu.memory_space<vmem>> -> memref<1x32xf32, #tpu.memory_space<vmem>>
        %dma_start3A_1441 = arith.constant 0 : i32
        %dma_start3A_1442 = arith.constant 0 : i32
        %dma_start3A_1443 = tpu.memref_slice %arg4[%squeeze3A_1434, %dma_start3A_1441, %dma_start3A_1442] : memref<1000000x1x32xf32, #tpu.memory_space<hbm>> -> memref<1x1x32xf32, #tpu.memory_space<hbm>>
        %dma_start3A_1444 = tpu.memref_squeeze %dma_start3A_1443 : memref<1x1x32xf32, #tpu.memory_space<hbm>> -> memref<1x32xf32, #tpu.memory_space<hbm>>
        %dma_start3A_1445 = arith.constant 0 : i32
        %dma_start3A_1446 = arith.constant 0 : i32
        %dma_start3A_1447 = tpu.memref_slice %arg9[%dma_start3A_1435, %dma_start3A_1436, %dma_start3A_1445, %dma_start3A_1446] : memref<2x16x1x32xf32, #tpu.memory_space<vmem>> -> memref<1x1x1x32xf32, #tpu.memory_space<vmem>>
        %dma_start3A_1448 = tpu.memref_squeeze %dma_start3A_1447 : memref<1x1x1x32xf32, #tpu.memory_space<vmem>> -> memref<1x32xf32, #tpu.memory_space<vmem>>
        %dma_start3A_1449 = arith.constant 0 : i32
        %dma_start3A_1450 = arith.constant 0 : i32
        %dma_start3A_1451 = tpu.memref_slice %arg4[%squeeze3A_1434, %dma_start3A_1449, %dma_start3A_1450] : memref<1000000x1x32xf32, #tpu.memory_space<hbm>> -> memref<1x1x32xf32, #tpu.memory_space<hbm>>
        %dma_start3A_1452 = tpu.memref_squeeze %dma_start3A_1451 : memref<1x1x32xf32, #tpu.memory_space<hbm>> -> memref<1x32xf32, #tpu.memory_space<hbm>>
        tpu.enqueue_dma source(%dma_start3A_1452 : memref<1x32xf32, #tpu.memory_space<hbm>>) target(%dma_start3A_1448 : memref<1x32xf32, #tpu.memory_space<vmem>>) target_semaphore(%arg12 : memref<!tpu.dma_semaphore, #tpu.memory_space<semaphore_mem>>)
        %slice3A_1453 = vector.extract_strided_slice %get3A_1152 {offsets = [7], sizes = [1], strides = [1]} : vector<16xi32> to vector<1xi32>
        %squeeze3A_1454 = vector.extract %slice3A_1453[0] : i32 from vector<1xi32>
        %dma_start3A_1455 = arith.constant 0 : i32
        %dma_start3A_1456 = arith.constant 7 : i32
        %dma_start3A_1457 = arith.constant 0 : i32
        %dma_start3A_1458 = arith.constant 0 : i32
        %dma_start3A_1459 = tpu.memref_slice %arg10[%dma_start3A_1455, %dma_start3A_1456, %dma_start3A_1457, %dma_start3A_1458] : memref<2x16x1x32xf32, #tpu.memory_space<vmem>> -> memref<1x1x1x32xf32, #tpu.memory_space<vmem>>
        %dma_start3A_1460 = tpu.memref_squeeze %dma_start3A_1459 : memref<1x1x1x32xf32, #tpu.memory_space<vmem>> -> memref<1x32xf32, #tpu.memory_space<vmem>>
        %dma_start3A_1461 = arith.constant 0 : i32
        %dma_start3A_1462 = arith.constant 0 : i32
        %dma_start3A_1463 = tpu.memref_slice %arg5[%squeeze3A_1454, %dma_start3A_1461, %dma_start3A_1462] : memref<1000000x1x32xf32, #tpu.memory_space<hbm>> -> memref<1x1x32xf32, #tpu.memory_space<hbm>>
        %dma_start3A_1464 = tpu.memref_squeeze %dma_start3A_1463 : memref<1x1x32xf32, #tpu.memory_space<hbm>> -> memref<1x32xf32, #tpu.memory_space<hbm>>
        %dma_start3A_1465 = arith.constant 0 : i32
        %dma_start3A_1466 = arith.constant 0 : i32
        %dma_start3A_1467 = tpu.memref_slice %arg10[%dma_start3A_1455, %dma_start3A_1456, %dma_start3A_1465, %dma_start3A_1466] : memref<2x16x1x32xf32, #tpu.memory_space<vmem>> -> memref<1x1x1x32xf32, #tpu.memory_space<vmem>>
        %dma_start3A_1468 = tpu.memref_squeeze %dma_start3A_1467 : memref<1x1x1x32xf32, #tpu.memory_space<vmem>> -> memref<1x32xf32, #tpu.memory_space<vmem>>
        %dma_start3A_1469 = arith.constant 0 : i32
        %dma_start3A_1470 = arith.constant 0 : i32
        %dma_start3A_1471 = tpu.memref_slice %arg5[%squeeze3A_1454, %dma_start3A_1469, %dma_start3A_1470] : memref<1000000x1x32xf32, #tpu.memory_space<hbm>> -> memref<1x1x32xf32, #tpu.memory_space<hbm>>
        %dma_start3A_1472 = tpu.memref_squeeze %dma_start3A_1471 : memref<1x1x32xf32, #tpu.memory_space<hbm>> -> memref<1x32xf32, #tpu.memory_space<hbm>>
        tpu.enqueue_dma source(%dma_start3A_1472 : memref<1x32xf32, #tpu.memory_space<hbm>>) target(%dma_start3A_1468 : memref<1x32xf32, #tpu.memory_space<vmem>>) target_semaphore(%arg14 : memref<!tpu.dma_semaphore, #tpu.memory_space<semaphore_mem>>)
        %slice3A_1473 = vector.extract_strided_slice %get3A_1148 {offsets = [8], sizes = [1], strides = [1]} : vector<16xi32> to vector<1xi32>
        %squeeze3A_1474 = vector.extract %slice3A_1473[0] : i32 from vector<1xi32>
        %dma_start3A_1475 = arith.constant 0 : i32
        %dma_start3A_1476 = arith.constant 8 : i32
        %dma_start3A_1477 = arith.constant 0 : i32
        %dma_start3A_1478 = arith.constant 0 : i32
        %dma_start3A_1479 = tpu.memref_slice %arg9[%dma_start3A_1475, %dma_start3A_1476, %dma_start3A_1477, %dma_start3A_1478] : memref<2x16x1x32xf32, #tpu.memory_space<vmem>> -> memref<1x1x1x32xf32, #tpu.memory_space<vmem>>
        %dma_start3A_1480 = tpu.memref_squeeze %dma_start3A_1479 : memref<1x1x1x32xf32, #tpu.memory_space<vmem>> -> memref<1x32xf32, #tpu.memory_space<vmem>>
        %dma_start3A_1481 = arith.constant 0 : i32
        %dma_start3A_1482 = arith.constant 0 : i32
        %dma_start3A_1483 = tpu.memref_slice %arg4[%squeeze3A_1474, %dma_start3A_1481, %dma_start3A_1482] : memref<1000000x1x32xf32, #tpu.memory_space<hbm>> -> memref<1x1x32xf32, #tpu.memory_space<hbm>>
        %dma_start3A_1484 = tpu.memref_squeeze %dma_start3A_1483 : memref<1x1x32xf32, #tpu.memory_space<hbm>> -> memref<1x32xf32, #tpu.memory_space<hbm>>
        %dma_start3A_1485 = arith.constant 0 : i32
        %dma_start3A_1486 = arith.constant 0 : i32
        %dma_start3A_1487 = tpu.memref_slice %arg9[%dma_start3A_1475, %dma_start3A_1476, %dma_start3A_1485, %dma_start3A_1486] : memref<2x16x1x32xf32, #tpu.memory_space<vmem>> -> memref<1x1x1x32xf32, #tpu.memory_space<vmem>>
        %dma_start3A_1488 = tpu.memref_squeeze %dma_start3A_1487 : memref<1x1x1x32xf32, #tpu.memory_space<vmem>> -> memref<1x32xf32, #tpu.memory_space<vmem>>
        %dma_start3A_1489 = arith.constant 0 : i32
        %dma_start3A_1490 = arith.constant 0 : i32
        %dma_start3A_1491 = tpu.memref_slice %arg4[%squeeze3A_1474, %dma_start3A_1489, %dma_start3A_1490] : memref<1000000x1x32xf32, #tpu.memory_space<hbm>> -> memref<1x1x32xf32, #tpu.memory_space<hbm>>
        %dma_start3A_1492 = tpu.memref_squeeze %dma_start3A_1491 : memref<1x1x32xf32, #tpu.memory_space<hbm>> -> memref<1x32xf32, #tpu.memory_space<hbm>>
        tpu.enqueue_dma source(%dma_start3A_1492 : memref<1x32xf32, #tpu.memory_space<hbm>>) target(%dma_start3A_1488 : memref<1x32xf32, #tpu.memory_space<vmem>>) target_semaphore(%arg12 : memref<!tpu.dma_semaphore, #tpu.memory_space<semaphore_mem>>)
        %slice3A_1493 = vector.extract_strided_slice %get3A_1152 {offsets = [8], sizes = [1], strides = [1]} : vector<16xi32> to vector<1xi32>
        %squeeze3A_1494 = vector.extract %slice3A_1493[0] : i32 from vector<1xi32>
        %dma_start3A_1495 = arith.constant 0 : i32
        %dma_start3A_1496 = arith.constant 8 : i32
        %dma_start3A_1497 = arith.constant 0 : i32
        %dma_start3A_1498 = arith.constant 0 : i32
        %dma_start3A_1499 = tpu.memref_slice %arg10[%dma_start3A_1495, %dma_start3A_1496, %dma_start3A_1497, %dma_start3A_1498] : memref<2x16x1x32xf32, #tpu.memory_space<vmem>> -> memref<1x1x1x32xf32, #tpu.memory_space<vmem>>
        %dma_start3A_1500 = tpu.memref_squeeze %dma_start3A_1499 : memref<1x1x1x32xf32, #tpu.memory_space<vmem>> -> memref<1x32xf32, #tpu.memory_space<vmem>>
        %dma_start3A_1501 = arith.constant 0 : i32
        %dma_start3A_1502 = arith.constant 0 : i32
        %dma_start3A_1503 = tpu.memref_slice %arg5[%squeeze3A_1494, %dma_start3A_1501, %dma_start3A_1502] : memref<1000000x1x32xf32, #tpu.memory_space<hbm>> -> memref<1x1x32xf32, #tpu.memory_space<hbm>>
        %dma_start3A_1504 = tpu.memref_squeeze %dma_start3A_1503 : memref<1x1x32xf32, #tpu.memory_space<hbm>> -> memref<1x32xf32, #tpu.memory_space<hbm>>
        %dma_start3A_1505 = arith.constant 0 : i32
        %dma_start3A_1506 = arith.constant 0 : i32
        %dma_start3A_1507 = tpu.memref_slice %arg10[%dma_start3A_1495, %dma_start3A_1496, %dma_start3A_1505, %dma_start3A_1506] : memref<2x16x1x32xf32, #tpu.memory_space<vmem>> -> memref<1x1x1x32xf32, #tpu.memory_space<vmem>>
        %dma_start3A_1508 = tpu.memref_squeeze %dma_start3A_1507 : memref<1x1x1x32xf32, #tpu.memory_space<vmem>> -> memref<1x32xf32, #tpu.memory_space<vmem>>
        %dma_start3A_1509 = arith.constant 0 : i32
        %dma_start3A_1510 = arith.constant 0 : i32
        %dma_start3A_1511 = tpu.memref_slice %arg5[%squeeze3A_1494, %dma_start3A_1509, %dma_start3A_1510] : memref<1000000x1x32xf32, #tpu.memory_space<hbm>> -> memref<1x1x32xf32, #tpu.memory_space<hbm>>
        %dma_start3A_1512 = tpu.memref_squeeze %dma_start3A_1511 : memref<1x1x32xf32, #tpu.memory_space<hbm>> -> memref<1x32xf32, #tpu.memory_space<hbm>>
        tpu.enqueue_dma source(%dma_start3A_1512 : memref<1x32xf32, #tpu.memory_space<hbm>>) target(%dma_start3A_1508 : memref<1x32xf32, #tpu.memory_space<vmem>>) target_semaphore(%arg14 : memref<!tpu.dma_semaphore, #tpu.memory_space<semaphore_mem>>)
        %slice3A_1513 = vector.extract_strided_slice %get3A_1148 {offsets = [9], sizes = [1], strides = [1]} : vector<16xi32> to vector<1xi32>
        %squeeze3A_1514 = vector.extract %slice3A_1513[0] : i32 from vector<1xi32>
        %dma_start3A_1515 = arith.constant 0 : i32
        %dma_start3A_1516 = arith.constant 9 : i32
        %dma_start3A_1517 = arith.constant 0 : i32
        %dma_start3A_1518 = arith.constant 0 : i32
        %dma_start3A_1519 = tpu.memref_slice %arg9[%dma_start3A_1515, %dma_start3A_1516, %dma_start3A_1517, %dma_start3A_1518] : memref<2x16x1x32xf32, #tpu.memory_space<vmem>> -> memref<1x1x1x32xf32, #tpu.memory_space<vmem>>
        %dma_start3A_1520 = tpu.memref_squeeze %dma_start3A_1519 : memref<1x1x1x32xf32, #tpu.memory_space<vmem>> -> memref<1x32xf32, #tpu.memory_space<vmem>>
        %dma_start3A_1521 = arith.constant 0 : i32
        %dma_start3A_1522 = arith.constant 0 : i32
        %dma_start3A_1523 = tpu.memref_slice %arg4[%squeeze3A_1514, %dma_start3A_1521, %dma_start3A_1522] : memref<1000000x1x32xf32, #tpu.memory_space<hbm>> -> memref<1x1x32xf32, #tpu.memory_space<hbm>>
        %dma_start3A_1524 = tpu.memref_squeeze %dma_start3A_1523 : memref<1x1x32xf32, #tpu.memory_space<hbm>> -> memref<1x32xf32, #tpu.memory_space<hbm>>
        %dma_start3A_1525 = arith.constant 0 : i32
        %dma_start3A_1526 = arith.constant 0 : i32
        %dma_start3A_1527 = tpu.memref_slice %arg9[%dma_start3A_1515, %dma_start3A_1516, %dma_start3A_1525, %dma_start3A_1526] : memref<2x16x1x32xf32, #tpu.memory_space<vmem>> -> memref<1x1x1x32xf32, #tpu.memory_space<vmem>>
        %dma_start3A_1528 = tpu.memref_squeeze %dma_start3A_1527 : memref<1x1x1x32xf32, #tpu.memory_space<vmem>> -> memref<1x32xf32, #tpu.memory_space<vmem>>
        %dma_start3A_1529 = arith.constant 0 : i32
        %dma_start3A_1530 = arith.constant 0 : i32
        %dma_start3A_1531 = tpu.memref_slice %arg4[%squeeze3A_1514, %dma_start3A_1529, %dma_start3A_1530] : memref<1000000x1x32xf32, #tpu.memory_space<hbm>> -> memref<1x1x32xf32, #tpu.memory_space<hbm>>
        %dma_start3A_1532 = tpu.memref_squeeze %dma_start3A_1531 : memref<1x1x32xf32, #tpu.memory_space<hbm>> -> memref<1x32xf32, #tpu.memory_space<hbm>>
        tpu.enqueue_dma source(%dma_start3A_1532 : memref<1x32xf32, #tpu.memory_space<hbm>>) target(%dma_start3A_1528 : memref<1x32xf32, #tpu.memory_space<vmem>>) target_semaphore(%arg12 : memref<!tpu.dma_semaphore, #tpu.memory_space<semaphore_mem>>)
        %slice3A_1533 = vector.extract_strided_slice %get3A_1152 {offsets = [9], sizes = [1], strides = [1]} : vector<16xi32> to vector<1xi32>
        %squeeze3A_1534 = vector.extract %slice3A_1533[0] : i32 from vector<1xi32>
        %dma_start3A_1535 = arith.constant 0 : i32
        %dma_start3A_1536 = arith.constant 9 : i32
        %dma_start3A_1537 = arith.constant 0 : i32
        %dma_start3A_1538 = arith.constant 0 : i32
        %dma_start3A_1539 = tpu.memref_slice %arg10[%dma_start3A_1535, %dma_start3A_1536, %dma_start3A_1537, %dma_start3A_1538] : memref<2x16x1x32xf32, #tpu.memory_space<vmem>> -> memref<1x1x1x32xf32, #tpu.memory_space<vmem>>
        %dma_start3A_1540 = tpu.memref_squeeze %dma_start3A_1539 : memref<1x1x1x32xf32, #tpu.memory_space<vmem>> -> memref<1x32xf32, #tpu.memory_space<vmem>>
        %dma_start3A_1541 = arith.constant 0 : i32
        %dma_start3A_1542 = arith.constant 0 : i32
        %dma_start3A_1543 = tpu.memref_slice %arg5[%squeeze3A_1534, %dma_start3A_1541, %dma_start3A_1542] : memref<1000000x1x32xf32, #tpu.memory_space<hbm>> -> memref<1x1x32xf32, #tpu.memory_space<hbm>>
        %dma_start3A_1544 = tpu.memref_squeeze %dma_start3A_1543 : memref<1x1x32xf32, #tpu.memory_space<hbm>> -> memref<1x32xf32, #tpu.memory_space<hbm>>
        %dma_start3A_1545 = arith.constant 0 : i32
        %dma_start3A_1546 = arith.constant 0 : i32
        %dma_start3A_1547 = tpu.memref_slice %arg10[%dma_start3A_1535, %dma_start3A_1536, %dma_start3A_1545, %dma_start3A_1546] : memref<2x16x1x32xf32, #tpu.memory_space<vmem>> -> memref<1x1x1x32xf32, #tpu.memory_space<vmem>>
        %dma_start3A_1548 = tpu.memref_squeeze %dma_start3A_1547 : memref<1x1x1x32xf32, #tpu.memory_space<vmem>> -> memref<1x32xf32, #tpu.memory_space<vmem>>
        %dma_start3A_1549 = arith.constant 0 : i32
        %dma_start3A_1550 = arith.constant 0 : i32
        %dma_start3A_1551 = tpu.memref_slice %arg5[%squeeze3A_1534, %dma_start3A_1549, %dma_start3A_1550] : memref<1000000x1x32xf32, #tpu.memory_space<hbm>> -> memref<1x1x32xf32, #tpu.memory_space<hbm>>
        %dma_start3A_1552 = tpu.memref_squeeze %dma_start3A_1551 : memref<1x1x32xf32, #tpu.memory_space<hbm>> -> memref<1x32xf32, #tpu.memory_space<hbm>>
        tpu.enqueue_dma source(%dma_start3A_1552 : memref<1x32xf32, #tpu.memory_space<hbm>>) target(%dma_start3A_1548 : memref<1x32xf32, #tpu.memory_space<vmem>>) target_semaphore(%arg14 : memref<!tpu.dma_semaphore, #tpu.memory_space<semaphore_mem>>)
        %slice3A_1553 = vector.extract_strided_slice %get3A_1148 {offsets = [10], sizes = [1], strides = [1]} : vector<16xi32> to vector<1xi32>
        %squeeze3A_1554 = vector.extract %slice3A_1553[0] : i32 from vector<1xi32>
        %dma_start3A_1555 = arith.constant 0 : i32
        %dma_start3A_1556 = arith.constant 10 : i32
        %dma_start3A_1557 = arith.constant 0 : i32
        %dma_start3A_1558 = arith.constant 0 : i32
        %dma_start3A_1559 = tpu.memref_slice %arg9[%dma_start3A_1555, %dma_start3A_1556, %dma_start3A_1557, %dma_start3A_1558] : memref<2x16x1x32xf32, #tpu.memory_space<vmem>> -> memref<1x1x1x32xf32, #tpu.memory_space<vmem>>
        %dma_start3A_1560 = tpu.memref_squeeze %dma_start3A_1559 : memref<1x1x1x32xf32, #tpu.memory_space<vmem>> -> memref<1x32xf32, #tpu.memory_space<vmem>>
        %dma_start3A_1561 = arith.constant 0 : i32
        %dma_start3A_1562 = arith.constant 0 : i32
        %dma_start3A_1563 = tpu.memref_slice %arg4[%squeeze3A_1554, %dma_start3A_1561, %dma_start3A_1562] : memref<1000000x1x32xf32, #tpu.memory_space<hbm>> -> memref<1x1x32xf32, #tpu.memory_space<hbm>>
        %dma_start3A_1564 = tpu.memref_squeeze %dma_start3A_1563 : memref<1x1x32xf32, #tpu.memory_space<hbm>> -> memref<1x32xf32, #tpu.memory_space<hbm>>
        %dma_start3A_1565 = arith.constant 0 : i32
        %dma_start3A_1566 = arith.constant 0 : i32
        %dma_start3A_1567 = tpu.memref_slice %arg9[%dma_start3A_1555, %dma_start3A_1556, %dma_start3A_1565, %dma_start3A_1566] : memref<2x16x1x32xf32, #tpu.memory_space<vmem>> -> memref<1x1x1x32xf32, #tpu.memory_space<vmem>>
        %dma_start3A_1568 = tpu.memref_squeeze %dma_start3A_1567 : memref<1x1x1x32xf32, #tpu.memory_space<vmem>> -> memref<1x32xf32, #tpu.memory_space<vmem>>
        %dma_start3A_1569 = arith.constant 0 : i32
        %dma_start3A_1570 = arith.constant 0 : i32
        %dma_start3A_1571 = tpu.memref_slice %arg4[%squeeze3A_1554, %dma_start3A_1569, %dma_start3A_1570] : memref<1000000x1x32xf32, #tpu.memory_space<hbm>> -> memref<1x1x32xf32, #tpu.memory_space<hbm>>
        %dma_start3A_1572 = tpu.memref_squeeze %dma_start3A_1571 : memref<1x1x32xf32, #tpu.memory_space<hbm>> -> memref<1x32xf32, #tpu.memory_space<hbm>>
        tpu.enqueue_dma source(%dma_start3A_1572 : memref<1x32xf32, #tpu.memory_space<hbm>>) target(%dma_start3A_1568 : memref<1x32xf32, #tpu.memory_space<vmem>>) target_semaphore(%arg12 : memref<!tpu.dma_semaphore, #tpu.memory_space<semaphore_mem>>)
        %slice3A_1573 = vector.extract_strided_slice %get3A_1152 {offsets = [10], sizes = [1], strides = [1]} : vector<16xi32> to vector<1xi32>
        %squeeze3A_1574 = vector.extract %slice3A_1573[0] : i32 from vector<1xi32>
        %dma_start3A_1575 = arith.constant 0 : i32
        %dma_start3A_1576 = arith.constant 10 : i32
        %dma_start3A_1577 = arith.constant 0 : i32
        %dma_start3A_1578 = arith.constant 0 : i32
        %dma_start3A_1579 = tpu.memref_slice %arg10[%dma_start3A_1575, %dma_start3A_1576, %dma_start3A_1577, %dma_start3A_1578] : memref<2x16x1x32xf32, #tpu.memory_space<vmem>> -> memref<1x1x1x32xf32, #tpu.memory_space<vmem>>
        %dma_start3A_1580 = tpu.memref_squeeze %dma_start3A_1579 : memref<1x1x1x32xf32, #tpu.memory_space<vmem>> -> memref<1x32xf32, #tpu.memory_space<vmem>>
        %dma_start3A_1581 = arith.constant 0 : i32
        %dma_start3A_1582 = arith.constant 0 : i32
        %dma_start3A_1583 = tpu.memref_slice %arg5[%squeeze3A_1574, %dma_start3A_1581, %dma_start3A_1582] : memref<1000000x1x32xf32, #tpu.memory_space<hbm>> -> memref<1x1x32xf32, #tpu.memory_space<hbm>>
        %dma_start3A_1584 = tpu.memref_squeeze %dma_start3A_1583 : memref<1x1x32xf32, #tpu.memory_space<hbm>> -> memref<1x32xf32, #tpu.memory_space<hbm>>
        %dma_start3A_1585 = arith.constant 0 : i32
        %dma_start3A_1586 = arith.constant 0 : i32
        %dma_start3A_1587 = tpu.memref_slice %arg10[%dma_start3A_1575, %dma_start3A_1576, %dma_start3A_1585, %dma_start3A_1586] : memref<2x16x1x32xf32, #tpu.memory_space<vmem>> -> memref<1x1x1x32xf32, #tpu.memory_space<vmem>>
        %dma_start3A_1588 = tpu.memref_squeeze %dma_start3A_1587 : memref<1x1x1x32xf32, #tpu.memory_space<vmem>> -> memref<1x32xf32, #tpu.memory_space<vmem>>
        %dma_start3A_1589 = arith.constant 0 : i32
        %dma_start3A_1590 = arith.constant 0 : i32
        %dma_start3A_1591 = tpu.memref_slice %arg5[%squeeze3A_1574, %dma_start3A_1589, %dma_start3A_1590] : memref<1000000x1x32xf32, #tpu.memory_space<hbm>> -> memref<1x1x32xf32, #tpu.memory_space<hbm>>
        %dma_start3A_1592 = tpu.memref_squeeze %dma_start3A_1591 : memref<1x1x32xf32, #tpu.memory_space<hbm>> -> memref<1x32xf32, #tpu.memory_space<hbm>>
        tpu.enqueue_dma source(%dma_start3A_1592 : memref<1x32xf32, #tpu.memory_space<hbm>>) target(%dma_start3A_1588 : memref<1x32xf32, #tpu.memory_space<vmem>>) target_semaphore(%arg14 : memref<!tpu.dma_semaphore, #tpu.memory_space<semaphore_mem>>)
        %slice3A_1593 = vector.extract_strided_slice %get3A_1148 {offsets = [11], sizes = [1], strides = [1]} : vector<16xi32> to vector<1xi32>
        %squeeze3A_1594 = vector.extract %slice3A_1593[0] : i32 from vector<1xi32>
        %dma_start3A_1595 = arith.constant 0 : i32
        %dma_start3A_1596 = arith.constant 11 : i32
        %dma_start3A_1597 = arith.constant 0 : i32
        %dma_start3A_1598 = arith.constant 0 : i32
        %dma_start3A_1599 = tpu.memref_slice %arg9[%dma_start3A_1595, %dma_start3A_1596, %dma_start3A_1597, %dma_start3A_1598] : memref<2x16x1x32xf32, #tpu.memory_space<vmem>> -> memref<1x1x1x32xf32, #tpu.memory_space<vmem>>
        %dma_start3A_1600 = tpu.memref_squeeze %dma_start3A_1599 : memref<1x1x1x32xf32, #tpu.memory_space<vmem>> -> memref<1x32xf32, #tpu.memory_space<vmem>>
        %dma_start3A_1601 = arith.constant 0 : i32
        %dma_start3A_1602 = arith.constant 0 : i32
        %dma_start3A_1603 = tpu.memref_slice %arg4[%squeeze3A_1594, %dma_start3A_1601, %dma_start3A_1602] : memref<1000000x1x32xf32, #tpu.memory_space<hbm>> -> memref<1x1x32xf32, #tpu.memory_space<hbm>>
        %dma_start3A_1604 = tpu.memref_squeeze %dma_start3A_1603 : memref<1x1x32xf32, #tpu.memory_space<hbm>> -> memref<1x32xf32, #tpu.memory_space<hbm>>
        %dma_start3A_1605 = arith.constant 0 : i32
        %dma_start3A_1606 = arith.constant 0 : i32
        %dma_start3A_1607 = tpu.memref_slice %arg9[%dma_start3A_1595, %dma_start3A_1596, %dma_start3A_1605, %dma_start3A_1606] : memref<2x16x1x32xf32, #tpu.memory_space<vmem>> -> memref<1x1x1x32xf32, #tpu.memory_space<vmem>>
        %dma_start3A_1608 = tpu.memref_squeeze %dma_start3A_1607 : memref<1x1x1x32xf32, #tpu.memory_space<vmem>> -> memref<1x32xf32, #tpu.memory_space<vmem>>
        %dma_start3A_1609 = arith.constant 0 : i32
        %dma_start3A_1610 = arith.constant 0 : i32
        %dma_start3A_1611 = tpu.memref_slice %arg4[%squeeze3A_1594, %dma_start3A_1609, %dma_start3A_1610] : memref<1000000x1x32xf32, #tpu.memory_space<hbm>> -> memref<1x1x32xf32, #tpu.memory_space<hbm>>
        %dma_start3A_1612 = tpu.memref_squeeze %dma_start3A_1611 : memref<1x1x32xf32, #tpu.memory_space<hbm>> -> memref<1x32xf32, #tpu.memory_space<hbm>>
        tpu.enqueue_dma source(%dma_start3A_1612 : memref<1x32xf32, #tpu.memory_space<hbm>>) target(%dma_start3A_1608 : memref<1x32xf32, #tpu.memory_space<vmem>>) target_semaphore(%arg12 : memref<!tpu.dma_semaphore, #tpu.memory_space<semaphore_mem>>)
        %slice3A_1613 = vector.extract_strided_slice %get3A_1152 {offsets = [11], sizes = [1], strides = [1]} : vector<16xi32> to vector<1xi32>
        %squeeze3A_1614 = vector.extract %slice3A_1613[0] : i32 from vector<1xi32>
        %dma_start3A_1615 = arith.constant 0 : i32
        %dma_start3A_1616 = arith.constant 11 : i32
        %dma_start3A_1617 = arith.constant 0 : i32
        %dma_start3A_1618 = arith.constant 0 : i32
        %dma_start3A_1619 = tpu.memref_slice %arg10[%dma_start3A_1615, %dma_start3A_1616, %dma_start3A_1617, %dma_start3A_1618] : memref<2x16x1x32xf32, #tpu.memory_space<vmem>> -> memref<1x1x1x32xf32, #tpu.memory_space<vmem>>
        %dma_start3A_1620 = tpu.memref_squeeze %dma_start3A_1619 : memref<1x1x1x32xf32, #tpu.memory_space<vmem>> -> memref<1x32xf32, #tpu.memory_space<vmem>>
        %dma_start3A_1621 = arith.constant 0 : i32
        %dma_start3A_1622 = arith.constant 0 : i32
        %dma_start3A_1623 = tpu.memref_slice %arg5[%squeeze3A_1614, %dma_start3A_1621, %dma_start3A_1622] : memref<1000000x1x32xf32, #tpu.memory_space<hbm>> -> memref<1x1x32xf32, #tpu.memory_space<hbm>>
        %dma_start3A_1624 = tpu.memref_squeeze %dma_start3A_1623 : memref<1x1x32xf32, #tpu.memory_space<hbm>> -> memref<1x32xf32, #tpu.memory_space<hbm>>
        %dma_start3A_1625 = arith.constant 0 : i32
        %dma_start3A_1626 = arith.constant 0 : i32
        %dma_start3A_1627 = tpu.memref_slice %arg10[%dma_start3A_1615, %dma_start3A_1616, %dma_start3A_1625, %dma_start3A_1626] : memref<2x16x1x32xf32, #tpu.memory_space<vmem>> -> memref<1x1x1x32xf32, #tpu.memory_space<vmem>>
        %dma_start3A_1628 = tpu.memref_squeeze %dma_start3A_1627 : memref<1x1x1x32xf32, #tpu.memory_space<vmem>> -> memref<1x32xf32, #tpu.memory_space<vmem>>
        %dma_start3A_1629 = arith.constant 0 : i32
        %dma_start3A_1630 = arith.constant 0 : i32
        %dma_start3A_1631 = tpu.memref_slice %arg5[%squeeze3A_1614, %dma_start3A_1629, %dma_start3A_1630] : memref<1000000x1x32xf32, #tpu.memory_space<hbm>> -> memref<1x1x32xf32, #tpu.memory_space<hbm>>
        %dma_start3A_1632 = tpu.memref_squeeze %dma_start3A_1631 : memref<1x1x32xf32, #tpu.memory_space<hbm>> -> memref<1x32xf32, #tpu.memory_space<hbm>>
        tpu.enqueue_dma source(%dma_start3A_1632 : memref<1x32xf32, #tpu.memory_space<hbm>>) target(%dma_start3A_1628 : memref<1x32xf32, #tpu.memory_space<vmem>>) target_semaphore(%arg14 : memref<!tpu.dma_semaphore, #tpu.memory_space<semaphore_mem>>)
        %slice3A_1633 = vector.extract_strided_slice %get3A_1148 {offsets = [12], sizes = [1], strides = [1]} : vector<16xi32> to vector<1xi32>
        %squeeze3A_1634 = vector.extract %slice3A_1633[0] : i32 from vector<1xi32>
        %dma_start3A_1635 = arith.constant 0 : i32
        %dma_start3A_1636 = arith.constant 12 : i32
        %dma_start3A_1637 = arith.constant 0 : i32
        %dma_start3A_1638 = arith.constant 0 : i32
        %dma_start3A_1639 = tpu.memref_slice %arg9[%dma_start3A_1635, %dma_start3A_1636, %dma_start3A_1637, %dma_start3A_1638] : memref<2x16x1x32xf32, #tpu.memory_space<vmem>> -> memref<1x1x1x32xf32, #tpu.memory_space<vmem>>
        %dma_start3A_1640 = tpu.memref_squeeze %dma_start3A_1639 : memref<1x1x1x32xf32, #tpu.memory_space<vmem>> -> memref<1x32xf32, #tpu.memory_space<vmem>>
        %dma_start3A_1641 = arith.constant 0 : i32
        %dma_start3A_1642 = arith.constant 0 : i32
        %dma_start3A_1643 = tpu.memref_slice %arg4[%squeeze3A_1634, %dma_start3A_1641, %dma_start3A_1642] : memref<1000000x1x32xf32, #tpu.memory_space<hbm>> -> memref<1x1x32xf32, #tpu.memory_space<hbm>>
        %dma_start3A_1644 = tpu.memref_squeeze %dma_start3A_1643 : memref<1x1x32xf32, #tpu.memory_space<hbm>> -> memref<1x32xf32, #tpu.memory_space<hbm>>
        %dma_start3A_1645 = arith.constant 0 : i32
        %dma_start3A_1646 = arith.constant 0 : i32
        %dma_start3A_1647 = tpu.memref_slice %arg9[%dma_start3A_1635, %dma_start3A_1636, %dma_start3A_1645, %dma_start3A_1646] : memref<2x16x1x32xf32, #tpu.memory_space<vmem>> -> memref<1x1x1x32xf32, #tpu.memory_space<vmem>>
        %dma_start3A_1648 = tpu.memref_squeeze %dma_start3A_1647 : memref<1x1x1x32xf32, #tpu.memory_space<vmem>> -> memref<1x32xf32, #tpu.memory_space<vmem>>
        %dma_start3A_1649 = arith.constant 0 : i32
        %dma_start3A_1650 = arith.constant 0 : i32
        %dma_start3A_1651 = tpu.memref_slice %arg4[%squeeze3A_1634, %dma_start3A_1649, %dma_start3A_1650] : memref<1000000x1x32xf32, #tpu.memory_space<hbm>> -> memref<1x1x32xf32, #tpu.memory_space<hbm>>
        %dma_start3A_1652 = tpu.memref_squeeze %dma_start3A_1651 : memref<1x1x32xf32, #tpu.memory_space<hbm>> -> memref<1x32xf32, #tpu.memory_space<hbm>>
        tpu.enqueue_dma source(%dma_start3A_1652 : memref<1x32xf32, #tpu.memory_space<hbm>>) target(%dma_start3A_1648 : memref<1x32xf32, #tpu.memory_space<vmem>>) target_semaphore(%arg12 : memref<!tpu.dma_semaphore, #tpu.memory_space<semaphore_mem>>)
        %slice3A_1653 = vector.extract_strided_slice %get3A_1152 {offsets = [12], sizes = [1], strides = [1]} : vector<16xi32> to vector<1xi32>
        %squeeze3A_1654 = vector.extract %slice3A_1653[0] : i32 from vector<1xi32>
        %dma_start3A_1655 = arith.constant 0 : i32
        %dma_start3A_1656 = arith.constant 12 : i32
        %dma_start3A_1657 = arith.constant 0 : i32
        %dma_start3A_1658 = arith.constant 0 : i32
        %dma_start3A_1659 = tpu.memref_slice %arg10[%dma_start3A_1655, %dma_start3A_1656, %dma_start3A_1657, %dma_start3A_1658] : memref<2x16x1x32xf32, #tpu.memory_space<vmem>> -> memref<1x1x1x32xf32, #tpu.memory_space<vmem>>
        %dma_start3A_1660 = tpu.memref_squeeze %dma_start3A_1659 : memref<1x1x1x32xf32, #tpu.memory_space<vmem>> -> memref<1x32xf32, #tpu.memory_space<vmem>>
        %dma_start3A_1661 = arith.constant 0 : i32
        %dma_start3A_1662 = arith.constant 0 : i32
        %dma_start3A_1663 = tpu.memref_slice %arg5[%squeeze3A_1654, %dma_start3A_1661, %dma_start3A_1662] : memref<1000000x1x32xf32, #tpu.memory_space<hbm>> -> memref<1x1x32xf32, #tpu.memory_space<hbm>>
        %dma_start3A_1664 = tpu.memref_squeeze %dma_start3A_1663 : memref<1x1x32xf32, #tpu.memory_space<hbm>> -> memref<1x32xf32, #tpu.memory_space<hbm>>
        %dma_start3A_1665 = arith.constant 0 : i32
        %dma_start3A_1666 = arith.constant 0 : i32
        %dma_start3A_1667 = tpu.memref_slice %arg10[%dma_start3A_1655, %dma_start3A_1656, %dma_start3A_1665, %dma_start3A_1666] : memref<2x16x1x32xf32, #tpu.memory_space<vmem>> -> memref<1x1x1x32xf32, #tpu.memory_space<vmem>>
        %dma_start3A_1668 = tpu.memref_squeeze %dma_start3A_1667 : memref<1x1x1x32xf32, #tpu.memory_space<vmem>> -> memref<1x32xf32, #tpu.memory_space<vmem>>
        %dma_start3A_1669 = arith.constant 0 : i32
        %dma_start3A_1670 = arith.constant 0 : i32
        %dma_start3A_1671 = tpu.memref_slice %arg5[%squeeze3A_1654, %dma_start3A_1669, %dma_start3A_1670] : memref<1000000x1x32xf32, #tpu.memory_space<hbm>> -> memref<1x1x32xf32, #tpu.memory_space<hbm>>
        %dma_start3A_1672 = tpu.memref_squeeze %dma_start3A_1671 : memref<1x1x32xf32, #tpu.memory_space<hbm>> -> memref<1x32xf32, #tpu.memory_space<hbm>>
        tpu.enqueue_dma source(%dma_start3A_1672 : memref<1x32xf32, #tpu.memory_space<hbm>>) target(%dma_start3A_1668 : memref<1x32xf32, #tpu.memory_space<vmem>>) target_semaphore(%arg14 : memref<!tpu.dma_semaphore, #tpu.memory_space<semaphore_mem>>)
        %slice3A_1673 = vector.extract_strided_slice %get3A_1148 {offsets = [13], sizes = [1], strides = [1]} : vector<16xi32> to vector<1xi32>
        %squeeze3A_1674 = vector.extract %slice3A_1673[0] : i32 from vector<1xi32>
        %dma_start3A_1675 = arith.constant 0 : i32
        %dma_start3A_1676 = arith.constant 13 : i32
        %dma_start3A_1677 = arith.constant 0 : i32
        %dma_start3A_1678 = arith.constant 0 : i32
        %dma_start3A_1679 = tpu.memref_slice %arg9[%dma_start3A_1675, %dma_start3A_1676, %dma_start3A_1677, %dma_start3A_1678] : memref<2x16x1x32xf32, #tpu.memory_space<vmem>> -> memref<1x1x1x32xf32, #tpu.memory_space<vmem>>
        %dma_start3A_1680 = tpu.memref_squeeze %dma_start3A_1679 : memref<1x1x1x32xf32, #tpu.memory_space<vmem>> -> memref<1x32xf32, #tpu.memory_space<vmem>>
        %dma_start3A_1681 = arith.constant 0 : i32
        %dma_start3A_1682 = arith.constant 0 : i32
        %dma_start3A_1683 = tpu.memref_slice %arg4[%squeeze3A_1674, %dma_start3A_1681, %dma_start3A_1682] : memref<1000000x1x32xf32, #tpu.memory_space<hbm>> -> memref<1x1x32xf32, #tpu.memory_space<hbm>>
        %dma_start3A_1684 = tpu.memref_squeeze %dma_start3A_1683 : memref<1x1x32xf32, #tpu.memory_space<hbm>> -> memref<1x32xf32, #tpu.memory_space<hbm>>
        %dma_start3A_1685 = arith.constant 0 : i32
        %dma_start3A_1686 = arith.constant 0 : i32
        %dma_start3A_1687 = tpu.memref_slice %arg9[%dma_start3A_1675, %dma_start3A_1676, %dma_start3A_1685, %dma_start3A_1686] : memref<2x16x1x32xf32, #tpu.memory_space<vmem>> -> memref<1x1x1x32xf32, #tpu.memory_space<vmem>>
        %dma_start3A_1688 = tpu.memref_squeeze %dma_start3A_1687 : memref<1x1x1x32xf32, #tpu.memory_space<vmem>> -> memref<1x32xf32, #tpu.memory_space<vmem>>
        %dma_start3A_1689 = arith.constant 0 : i32
        %dma_start3A_1690 = arith.constant 0 : i32
        %dma_start3A_1691 = tpu.memref_slice %arg4[%squeeze3A_1674, %dma_start3A_1689, %dma_start3A_1690] : memref<1000000x1x32xf32, #tpu.memory_space<hbm>> -> memref<1x1x32xf32, #tpu.memory_space<hbm>>
        %dma_start3A_1692 = tpu.memref_squeeze %dma_start3A_1691 : memref<1x1x32xf32, #tpu.memory_space<hbm>> -> memref<1x32xf32, #tpu.memory_space<hbm>>
        tpu.enqueue_dma source(%dma_start3A_1692 : memref<1x32xf32, #tpu.memory_space<hbm>>) target(%dma_start3A_1688 : memref<1x32xf32, #tpu.memory_space<vmem>>) target_semaphore(%arg12 : memref<!tpu.dma_semaphore, #tpu.memory_space<semaphore_mem>>)
        %slice3A_1693 = vector.extract_strided_slice %get3A_1152 {offsets = [13], sizes = [1], strides = [1]} : vector<16xi32> to vector<1xi32>
        %squeeze3A_1694 = vector.extract %slice3A_1693[0] : i32 from vector<1xi32>
        %dma_start3A_1695 = arith.constant 0 : i32
        %dma_start3A_1696 = arith.constant 13 : i32
        %dma_start3A_1697 = arith.constant 0 : i32
        %dma_start3A_1698 = arith.constant 0 : i32
        %dma_start3A_1699 = tpu.memref_slice %arg10[%dma_start3A_1695, %dma_start3A_1696, %dma_start3A_1697, %dma_start3A_1698] : memref<2x16x1x32xf32, #tpu.memory_space<vmem>> -> memref<1x1x1x32xf32, #tpu.memory_space<vmem>>
        %dma_start3A_1700 = tpu.memref_squeeze %dma_start3A_1699 : memref<1x1x1x32xf32, #tpu.memory_space<vmem>> -> memref<1x32xf32, #tpu.memory_space<vmem>>
        %dma_start3A_1701 = arith.constant 0 : i32
        %dma_start3A_1702 = arith.constant 0 : i32
        %dma_start3A_1703 = tpu.memref_slice %arg5[%squeeze3A_1694, %dma_start3A_1701, %dma_start3A_1702] : memref<1000000x1x32xf32, #tpu.memory_space<hbm>> -> memref<1x1x32xf32, #tpu.memory_space<hbm>>
        %dma_start3A_1704 = tpu.memref_squeeze %dma_start3A_1703 : memref<1x1x32xf32, #tpu.memory_space<hbm>> -> memref<1x32xf32, #tpu.memory_space<hbm>>
        %dma_start3A_1705 = arith.constant 0 : i32
        %dma_start3A_1706 = arith.constant 0 : i32
        %dma_start3A_1707 = tpu.memref_slice %arg10[%dma_start3A_1695, %dma_start3A_1696, %dma_start3A_1705, %dma_start3A_1706] : memref<2x16x1x32xf32, #tpu.memory_space<vmem>> -> memref<1x1x1x32xf32, #tpu.memory_space<vmem>>
        %dma_start3A_1708 = tpu.memref_squeeze %dma_start3A_1707 : memref<1x1x1x32xf32, #tpu.memory_space<vmem>> -> memref<1x32xf32, #tpu.memory_space<vmem>>
        %dma_start3A_1709 = arith.constant 0 : i32
        %dma_start3A_1710 = arith.constant 0 : i32
        %dma_start3A_1711 = tpu.memref_slice %arg5[%squeeze3A_1694, %dma_start3A_1709, %dma_start3A_1710] : memref<1000000x1x32xf32, #tpu.memory_space<hbm>> -> memref<1x1x32xf32, #tpu.memory_space<hbm>>
        %dma_start3A_1712 = tpu.memref_squeeze %dma_start3A_1711 : memref<1x1x32xf32, #tpu.memory_space<hbm>> -> memref<1x32xf32, #tpu.memory_space<hbm>>
        tpu.enqueue_dma source(%dma_start3A_1712 : memref<1x32xf32, #tpu.memory_space<hbm>>) target(%dma_start3A_1708 : memref<1x32xf32, #tpu.memory_space<vmem>>) target_semaphore(%arg14 : memref<!tpu.dma_semaphore, #tpu.memory_space<semaphore_mem>>)
        %slice3A_1713 = vector.extract_strided_slice %get3A_1148 {offsets = [14], sizes = [1], strides = [1]} : vector<16xi32> to vector<1xi32>
        %squeeze3A_1714 = vector.extract %slice3A_1713[0] : i32 from vector<1xi32>
        %dma_start3A_1715 = arith.constant 0 : i32
        %dma_start3A_1716 = arith.constant 14 : i32
        %dma_start3A_1717 = arith.constant 0 : i32
        %dma_start3A_1718 = arith.constant 0 : i32
        %dma_start3A_1719 = tpu.memref_slice %arg9[%dma_start3A_1715, %dma_start3A_1716, %dma_start3A_1717, %dma_start3A_1718] : memref<2x16x1x32xf32, #tpu.memory_space<vmem>> -> memref<1x1x1x32xf32, #tpu.memory_space<vmem>>
        %dma_start3A_1720 = tpu.memref_squeeze %dma_start3A_1719 : memref<1x1x1x32xf32, #tpu.memory_space<vmem>> -> memref<1x32xf32, #tpu.memory_space<vmem>>
        %dma_start3A_1721 = arith.constant 0 : i32
        %dma_start3A_1722 = arith.constant 0 : i32
        %dma_start3A_1723 = tpu.memref_slice %arg4[%squeeze3A_1714, %dma_start3A_1721, %dma_start3A_1722] : memref<1000000x1x32xf32, #tpu.memory_space<hbm>> -> memref<1x1x32xf32, #tpu.memory_space<hbm>>
        %dma_start3A_1724 = tpu.memref_squeeze %dma_start3A_1723 : memref<1x1x32xf32, #tpu.memory_space<hbm>> -> memref<1x32xf32, #tpu.memory_space<hbm>>
        %dma_start3A_1725 = arith.constant 0 : i32
        %dma_start3A_1726 = arith.constant 0 : i32
        %dma_start3A_1727 = tpu.memref_slice %arg9[%dma_start3A_1715, %dma_start3A_1716, %dma_start3A_1725, %dma_start3A_1726] : memref<2x16x1x32xf32, #tpu.memory_space<vmem>> -> memref<1x1x1x32xf32, #tpu.memory_space<vmem>>
        %dma_start3A_1728 = tpu.memref_squeeze %dma_start3A_1727 : memref<1x1x1x32xf32, #tpu.memory_space<vmem>> -> memref<1x32xf32, #tpu.memory_space<vmem>>
        %dma_start3A_1729 = arith.constant 0 : i32
        %dma_start3A_1730 = arith.constant 0 : i32
        %dma_start3A_1731 = tpu.memref_slice %arg4[%squeeze3A_1714, %dma_start3A_1729, %dma_start3A_1730] : memref<1000000x1x32xf32, #tpu.memory_space<hbm>> -> memref<1x1x32xf32, #tpu.memory_space<hbm>>
        %dma_start3A_1732 = tpu.memref_squeeze %dma_start3A_1731 : memref<1x1x32xf32, #tpu.memory_space<hbm>> -> memref<1x32xf32, #tpu.memory_space<hbm>>
        tpu.enqueue_dma source(%dma_start3A_1732 : memref<1x32xf32, #tpu.memory_space<hbm>>) target(%dma_start3A_1728 : memref<1x32xf32, #tpu.memory_space<vmem>>) target_semaphore(%arg12 : memref<!tpu.dma_semaphore, #tpu.memory_space<semaphore_mem>>)
        %slice3A_1733 = vector.extract_strided_slice %get3A_1152 {offsets = [14], sizes = [1], strides = [1]} : vector<16xi32> to vector<1xi32>
        %squeeze3A_1734 = vector.extract %slice3A_1733[0] : i32 from vector<1xi32>
        %dma_start3A_1735 = arith.constant 0 : i32
        %dma_start3A_1736 = arith.constant 14 : i32
        %dma_start3A_1737 = arith.constant 0 : i32
        %dma_start3A_1738 = arith.constant 0 : i32
        %dma_start3A_1739 = tpu.memref_slice %arg10[%dma_start3A_1735, %dma_start3A_1736, %dma_start3A_1737, %dma_start3A_1738] : memref<2x16x1x32xf32, #tpu.memory_space<vmem>> -> memref<1x1x1x32xf32, #tpu.memory_space<vmem>>
        %dma_start3A_1740 = tpu.memref_squeeze %dma_start3A_1739 : memref<1x1x1x32xf32, #tpu.memory_space<vmem>> -> memref<1x32xf32, #tpu.memory_space<vmem>>
        %dma_start3A_1741 = arith.constant 0 : i32
        %dma_start3A_1742 = arith.constant 0 : i32
        %dma_start3A_1743 = tpu.memref_slice %arg5[%squeeze3A_1734, %dma_start3A_1741, %dma_start3A_1742] : memref<1000000x1x32xf32, #tpu.memory_space<hbm>> -> memref<1x1x32xf32, #tpu.memory_space<hbm>>
        %dma_start3A_1744 = tpu.memref_squeeze %dma_start3A_1743 : memref<1x1x32xf32, #tpu.memory_space<hbm>> -> memref<1x32xf32, #tpu.memory_space<hbm>>
        %dma_start3A_1745 = arith.constant 0 : i32
        %dma_start3A_1746 = arith.constant 0 : i32
        %dma_start3A_1747 = tpu.memref_slice %arg10[%dma_start3A_1735, %dma_start3A_1736, %dma_start3A_1745, %dma_start3A_1746] : memref<2x16x1x32xf32, #tpu.memory_space<vmem>> -> memref<1x1x1x32xf32, #tpu.memory_space<vmem>>
        %dma_start3A_1748 = tpu.memref_squeeze %dma_start3A_1747 : memref<1x1x1x32xf32, #tpu.memory_space<vmem>> -> memref<1x32xf32, #tpu.memory_space<vmem>>
        %dma_start3A_1749 = arith.constant 0 : i32
        %dma_start3A_1750 = arith.constant 0 : i32
        %dma_start3A_1751 = tpu.memref_slice %arg5[%squeeze3A_1734, %dma_start3A_1749, %dma_start3A_1750] : memref<1000000x1x32xf32, #tpu.memory_space<hbm>> -> memref<1x1x32xf32, #tpu.memory_space<hbm>>
        %dma_start3A_1752 = tpu.memref_squeeze %dma_start3A_1751 : memref<1x1x32xf32, #tpu.memory_space<hbm>> -> memref<1x32xf32, #tpu.memory_space<hbm>>
        tpu.enqueue_dma source(%dma_start3A_1752 : memref<1x32xf32, #tpu.memory_space<hbm>>) target(%dma_start3A_1748 : memref<1x32xf32, #tpu.memory_space<vmem>>) target_semaphore(%arg14 : memref<!tpu.dma_semaphore, #tpu.memory_space<semaphore_mem>>)
        %slice3A_1753 = vector.extract_strided_slice %get3A_1148 {offsets = [15], sizes = [1], strides = [1]} : vector<16xi32> to vector<1xi32>
        %squeeze3A_1754 = vector.extract %slice3A_1753[0] : i32 from vector<1xi32>
        %dma_start3A_1755 = arith.constant 0 : i32
        %dma_start3A_1756 = arith.constant 15 : i32
        %dma_start3A_1757 = arith.constant 0 : i32
        %dma_start3A_1758 = arith.constant 0 : i32
        %dma_start3A_1759 = tpu.memref_slice %arg9[%dma_start3A_1755, %dma_start3A_1756, %dma_start3A_1757, %dma_start3A_1758] : memref<2x16x1x32xf32, #tpu.memory_space<vmem>> -> memref<1x1x1x32xf32, #tpu.memory_space<vmem>>
        %dma_start3A_1760 = tpu.memref_squeeze %dma_start3A_1759 : memref<1x1x1x32xf32, #tpu.memory_space<vmem>> -> memref<1x32xf32, #tpu.memory_space<vmem>>
        %dma_start3A_1761 = arith.constant 0 : i32
        %dma_start3A_1762 = arith.constant 0 : i32
        %dma_start3A_1763 = tpu.memref_slice %arg4[%squeeze3A_1754, %dma_start3A_1761, %dma_start3A_1762] : memref<1000000x1x32xf32, #tpu.memory_space<hbm>> -> memref<1x1x32xf32, #tpu.memory_space<hbm>>
        %dma_start3A_1764 = tpu.memref_squeeze %dma_start3A_1763 : memref<1x1x32xf32, #tpu.memory_space<hbm>> -> memref<1x32xf32, #tpu.memory_space<hbm>>
        %dma_start3A_1765 = arith.constant 0 : i32
        %dma_start3A_1766 = arith.constant 0 : i32
        %dma_start3A_1767 = tpu.memref_slice %arg9[%dma_start3A_1755, %dma_start3A_1756, %dma_start3A_1765, %dma_start3A_1766] : memref<2x16x1x32xf32, #tpu.memory_space<vmem>> -> memref<1x1x1x32xf32, #tpu.memory_space<vmem>>
        %dma_start3A_1768 = tpu.memref_squeeze %dma_start3A_1767 : memref<1x1x1x32xf32, #tpu.memory_space<vmem>> -> memref<1x32xf32, #tpu.memory_space<vmem>>
        %dma_start3A_1769 = arith.constant 0 : i32
        %dma_start3A_1770 = arith.constant 0 : i32
        %dma_start3A_1771 = tpu.memref_slice %arg4[%squeeze3A_1754, %dma_start3A_1769, %dma_start3A_1770] : memref<1000000x1x32xf32, #tpu.memory_space<hbm>> -> memref<1x1x32xf32, #tpu.memory_space<hbm>>
        %dma_start3A_1772 = tpu.memref_squeeze %dma_start3A_1771 : memref<1x1x32xf32, #tpu.memory_space<hbm>> -> memref<1x32xf32, #tpu.memory_space<hbm>>
        tpu.enqueue_dma source(%dma_start3A_1772 : memref<1x32xf32, #tpu.memory_space<hbm>>) target(%dma_start3A_1768 : memref<1x32xf32, #tpu.memory_space<vmem>>) target_semaphore(%arg12 : memref<!tpu.dma_semaphore, #tpu.memory_space<semaphore_mem>>)
        %slice3A_1773 = vector.extract_strided_slice %get3A_1152 {offsets = [15], sizes = [1], strides = [1]} : vector<16xi32> to vector<1xi32>
        %squeeze3A_1774 = vector.extract %slice3A_1773[0] : i32 from vector<1xi32>
        %dma_start3A_1775 = arith.constant 0 : i32
        %dma_start3A_1776 = arith.constant 15 : i32
        %dma_start3A_1777 = arith.constant 0 : i32
        %dma_start3A_1778 = arith.constant 0 : i32
        %dma_start3A_1779 = tpu.memref_slice %arg10[%dma_start3A_1775, %dma_start3A_1776, %dma_start3A_1777, %dma_start3A_1778] : memref<2x16x1x32xf32, #tpu.memory_space<vmem>> -> memref<1x1x1x32xf32, #tpu.memory_space<vmem>>
        %dma_start3A_1780 = tpu.memref_squeeze %dma_start3A_1779 : memref<1x1x1x32xf32, #tpu.memory_space<vmem>> -> memref<1x32xf32, #tpu.memory_space<vmem>>
        %dma_start3A_1781 = arith.constant 0 : i32
        %dma_start3A_1782 = arith.constant 0 : i32
        %dma_start3A_1783 = tpu.memref_slice %arg5[%squeeze3A_1774, %dma_start3A_1781, %dma_start3A_1782] : memref<1000000x1x32xf32, #tpu.memory_space<hbm>> -> memref<1x1x32xf32, #tpu.memory_space<hbm>>
        %dma_start3A_1784 = tpu.memref_squeeze %dma_start3A_1783 : memref<1x1x32xf32, #tpu.memory_space<hbm>> -> memref<1x32xf32, #tpu.memory_space<hbm>>
        %dma_start3A_1785 = arith.constant 0 : i32
        %dma_start3A_1786 = arith.constant 0 : i32
        %dma_start3A_1787 = tpu.memref_slice %arg10[%dma_start3A_1775, %dma_start3A_1776, %dma_start3A_1785, %dma_start3A_1786] : memref<2x16x1x32xf32, #tpu.memory_space<vmem>> -> memref<1x1x1x32xf32, #tpu.memory_space<vmem>>
        %dma_start3A_1788 = tpu.memref_squeeze %dma_start3A_1787 : memref<1x1x1x32xf32, #tpu.memory_space<vmem>> -> memref<1x32xf32, #tpu.memory_space<vmem>>
        %dma_start3A_1789 = arith.constant 0 : i32
        %dma_start3A_1790 = arith.constant 0 : i32
        %dma_start3A_1791 = tpu.memref_slice %arg5[%squeeze3A_1774, %dma_start3A_1789, %dma_start3A_1790] : memref<1000000x1x32xf32, #tpu.memory_space<hbm>> -> memref<1x1x32xf32, #tpu.memory_space<hbm>>
        %dma_start3A_1792 = tpu.memref_squeeze %dma_start3A_1791 : memref<1x1x32xf32, #tpu.memory_space<hbm>> -> memref<1x32xf32, #tpu.memory_space<hbm>>
        tpu.enqueue_dma source(%dma_start3A_1792 : memref<1x32xf32, #tpu.memory_space<hbm>>) target(%dma_start3A_1788 : memref<1x32xf32, #tpu.memory_space<vmem>>) target_semaphore(%arg14 : memref<!tpu.dma_semaphore, #tpu.memory_space<semaphore_mem>>)
      } else {
      }
      %dma_wait3A_903 = arith.constant 1 : i32
      %dma_wait3A_904 = arith.constant 0 : i32
      %dma_wait3A_905 = arith.constant 0 : i32
      %dma_wait3A_906 = arith.constant 0 : i32
      %dma_wait3A_907 = tpu.memref_slice %arg9[%dma_wait3A_903, %dma_wait3A_904, %dma_wait3A_905, %dma_wait3A_906] : memref<2x16x1x32xf32, #tpu.memory_space<vmem>> -> memref<1x16x1x32xf32, #tpu.memory_space<vmem>>
      %dma_wait3A_908 = tpu.memref_squeeze %dma_wait3A_907 : memref<1x16x1x32xf32, #tpu.memory_space<vmem>> -> memref<16x1x32xf32, #tpu.memory_space<vmem>>
      %dma_wait3A_909 = arith.constant 0 : i32
      %dma_wait3A_910 = arith.constant 0 : i32
      %dma_wait3A_911 = arith.constant 0 : i32
      %dma_wait3A_912 = tpu.memref_slice %arg4[%dma_wait3A_909, %dma_wait3A_910, %dma_wait3A_911] : memref<1000000x1x32xf32, #tpu.memory_space<hbm>> -> memref<16x1x32xf32, #tpu.memory_space<hbm>>
      %dma_wait3A_913 = arith.constant 0 : i32
      %dma_wait3A_914 = arith.constant 0 : i32
      %dma_wait3A_915 = arith.constant 0 : i32
      %dma_wait3A_916 = tpu.memref_slice %arg9[%dma_wait3A_903, %dma_wait3A_913, %dma_wait3A_914, %dma_wait3A_915] : memref<2x16x1x32xf32, #tpu.memory_space<vmem>> -> memref<1x16x1x32xf32, #tpu.memory_space<vmem>>
      %dma_wait3A_917 = tpu.memref_squeeze %dma_wait3A_916 : memref<1x16x1x32xf32, #tpu.memory_space<vmem>> -> memref<16x1x32xf32, #tpu.memory_space<vmem>>
      %dma_wait3A_918 = arith.constant 0 : i32
      %dma_wait3A_919 = arith.constant 0 : i32
      %dma_wait3A_920 = arith.constant 0 : i32
      %dma_wait3A_921 = tpu.memref_slice %arg4[%dma_wait3A_918, %dma_wait3A_919, %dma_wait3A_920] : memref<1000000x1x32xf32, #tpu.memory_space<hbm>> -> memref<16x1x32xf32, #tpu.memory_space<hbm>>
      tpu.wait_dma2 semaphore(%arg13 : memref<!tpu.dma_semaphore, #tpu.memory_space<semaphore_mem>>) src(%dma_wait3A_921 : memref<16x1x32xf32, #tpu.memory_space<hbm>>) dst(%dma_wait3A_917 : memref<16x1x32xf32, #tpu.memory_space<vmem>>)
      %dma_wait3A_922 = arith.constant 1 : i32
      %dma_wait3A_923 = arith.constant 0 : i32
      %dma_wait3A_924 = arith.constant 0 : i32
      %dma_wait3A_925 = arith.constant 0 : i32
      %dma_wait3A_926 = tpu.memref_slice %arg10[%dma_wait3A_922, %dma_wait3A_923, %dma_wait3A_924, %dma_wait3A_925] : memref<2x16x1x32xf32, #tpu.memory_space<vmem>> -> memref<1x16x1x32xf32, #tpu.memory_space<vmem>>
      %dma_wait3A_927 = tpu.memref_squeeze %dma_wait3A_926 : memref<1x16x1x32xf32, #tpu.memory_space<vmem>> -> memref<16x1x32xf32, #tpu.memory_space<vmem>>
      %dma_wait3A_928 = arith.constant 0 : i32
      %dma_wait3A_929 = arith.constant 0 : i32
      %dma_wait3A_930 = arith.constant 0 : i32
      %dma_wait3A_931 = tpu.memref_slice %arg5[%dma_wait3A_928, %dma_wait3A_929, %dma_wait3A_930] : memref<1000000x1x32xf32, #tpu.memory_space<hbm>> -> memref<16x1x32xf32, #tpu.memory_space<hbm>>
      %dma_wait3A_932 = arith.constant 0 : i32
      %dma_wait3A_933 = arith.constant 0 : i32
      %dma_wait3A_934 = arith.constant 0 : i32
      %dma_wait3A_935 = tpu.memref_slice %arg10[%dma_wait3A_922, %dma_wait3A_932, %dma_wait3A_933, %dma_wait3A_934] : memref<2x16x1x32xf32, #tpu.memory_space<vmem>> -> memref<1x16x1x32xf32, #tpu.memory_space<vmem>>
      %dma_wait3A_936 = tpu.memref_squeeze %dma_wait3A_935 : memref<1x16x1x32xf32, #tpu.memory_space<vmem>> -> memref<16x1x32xf32, #tpu.memory_space<vmem>>
      %dma_wait3A_937 = arith.constant 0 : i32
      %dma_wait3A_938 = arith.constant 0 : i32
      %dma_wait3A_939 = arith.constant 0 : i32
      %dma_wait3A_940 = tpu.memref_slice %arg5[%dma_wait3A_937, %dma_wait3A_938, %dma_wait3A_939] : memref<1000000x1x32xf32, #tpu.memory_space<hbm>> -> memref<16x1x32xf32, #tpu.memory_space<hbm>>
      tpu.wait_dma2 semaphore(%arg15 : memref<!tpu.dma_semaphore, #tpu.memory_space<semaphore_mem>>) src(%dma_wait3A_940 : memref<16x1x32xf32, #tpu.memory_space<hbm>>) dst(%dma_wait3A_936 : memref<16x1x32xf32, #tpu.memory_space<vmem>>)
      %broadcast_in_dim3A_941 = arith.constant 1 : i32
      %broadcast_in_dim3A_942 = vector.broadcast %broadcast_in_dim3A_941 : i32 to vector<16xi32>
      %broadcast_in_dim3A_943 = arith.constant 0 : i32
      %broadcast_in_dim3A_944 = vector.broadcast %broadcast_in_dim3A_943 : i32 to vector<16xi32>
      %broadcast_in_dim3A_945 = arith.constant 0.000000e+00 : f32
      %broadcast_in_dim3A_946 = vector.broadcast %broadcast_in_dim3A_945 : f32 to vector<16xf32>
      %broadcast_in_dim3A_947 = arith.constant 0 : i32
      %broadcast_in_dim3A_948 = vector.broadcast %broadcast_in_dim3A_947 : i32 to vector<16xi32>
      %gather3A_949 = tpu.vector_load_idx %arg9[%broadcast_in_dim3A_942, %iota3A, %broadcast_in_dim3A_944, %broadcast_in_dim3A_948] : memref<2x16x1x32xf32, #tpu.memory_space<vmem>>[vector<16xi32>, vector<16xi32>, vector<16xi32>, vector<16xi32>], vector<16xf32>,
      %gather3A_950 = tpu.vector_load_idx %arg10[%broadcast_in_dim3A_942, %iota3A, %broadcast_in_dim3A_944, %broadcast_in_dim3A_948] : memref<2x16x1x32xf32, #tpu.memory_space<vmem>>[vector<16xi32>, vector<16xi32>, vector<16xi32>, vector<16xi32>], vector<16xf32>,
      %mul3A_951 = arith.mulf %gather3A_949, %gather3A_950 : vector<16xf32>
      %add3A_952 = arith.addf %broadcast_in_dim3A_946, %mul3A_951 : vector<16xf32>
      %broadcast_in_dim3A_953 = arith.constant 1 : i32
      %broadcast_in_dim3A_954 = vector.broadcast %broadcast_in_dim3A_953 : i32 to vector<16xi32>
      %gather3A_955 = tpu.vector_load_idx %arg9[%broadcast_in_dim3A_942, %iota3A, %broadcast_in_dim3A_944, %broadcast_in_dim3A_954] : memref<2x16x1x32xf32, #tpu.memory_space<vmem>>[vector<16xi32>, vector<16xi32>, vector<16xi32>, vector<16xi32>], vector<16xf32>,
      %gather3A_956 = tpu.vector_load_idx %arg10[%broadcast_in_dim3A_942, %iota3A, %broadcast_in_dim3A_944, %broadcast_in_dim3A_954] : memref<2x16x1x32xf32, #tpu.memory_space<vmem>>[vector<16xi32>, vector<16xi32>, vector<16xi32>, vector<16xi32>], vector<16xf32>,
      %mul3A_957 = arith.mulf %gather3A_955, %gather3A_956 : vector<16xf32>
      %add3A_958 = arith.addf %add3A_952, %mul3A_957 : vector<16xf32>
      %broadcast_in_dim3A_959 = arith.constant 2 : i32
      %broadcast_in_dim3A_960 = vector.broadcast %broadcast_in_dim3A_959 : i32 to vector<16xi32>
      %gather3A_961 = tpu.vector_load_idx %arg9[%broadcast_in_dim3A_942, %iota3A, %broadcast_in_dim3A_944, %broadcast_in_dim3A_960] : memref<2x16x1x32xf32, #tpu.memory_space<vmem>>[vector<16xi32>, vector<16xi32>, vector<16xi32>, vector<16xi32>], vector<16xf32>,
      %gather3A_962 = tpu.vector_load_idx %arg10[%broadcast_in_dim3A_942, %iota3A, %broadcast_in_dim3A_944, %broadcast_in_dim3A_960] : memref<2x16x1x32xf32, #tpu.memory_space<vmem>>[vector<16xi32>, vector<16xi32>, vector<16xi32>, vector<16xi32>], vector<16xf32>,
      %mul3A_963 = arith.mulf %gather3A_961, %gather3A_962 : vector<16xf32>
      %add3A_964 = arith.addf %add3A_958, %mul3A_963 : vector<16xf32>
      %broadcast_in_dim3A_965 = arith.constant 3 : i32
      %broadcast_in_dim3A_966 = vector.broadcast %broadcast_in_dim3A_965 : i32 to vector<16xi32>
      %gather3A_967 = tpu.vector_load_idx %arg9[%broadcast_in_dim3A_942, %iota3A, %broadcast_in_dim3A_944, %broadcast_in_dim3A_966] : memref<2x16x1x32xf32, #tpu.memory_space<vmem>>[vector<16xi32>, vector<16xi32>, vector<16xi32>, vector<16xi32>], vector<16xf32>,
      %gather3A_968 = tpu.vector_load_idx %arg10[%broadcast_in_dim3A_942, %iota3A, %broadcast_in_dim3A_944, %broadcast_in_dim3A_966] : memref<2x16x1x32xf32, #tpu.memory_space<vmem>>[vector<16xi32>, vector<16xi32>, vector<16xi32>, vector<16xi32>], vector<16xf32>,
      %mul3A_969 = arith.mulf %gather3A_967, %gather3A_968 : vector<16xf32>
      %add3A_970 = arith.addf %add3A_964, %mul3A_969 : vector<16xf32>
      %broadcast_in_dim3A_971 = arith.constant 4 : i32
      %broadcast_in_dim3A_972 = vector.broadcast %broadcast_in_dim3A_971 : i32 to vector<16xi32>
      %gather3A_973 = tpu.vector_load_idx %arg9[%broadcast_in_dim3A_942, %iota3A, %broadcast_in_dim3A_944, %broadcast_in_dim3A_972] : memref<2x16x1x32xf32, #tpu.memory_space<vmem>>[vector<16xi32>, vector<16xi32>, vector<16xi32>, vector<16xi32>], vector<16xf32>,
      %gather3A_974 = tpu.vector_load_idx %arg10[%broadcast_in_dim3A_942, %iota3A, %broadcast_in_dim3A_944, %broadcast_in_dim3A_972] : memref<2x16x1x32xf32, #tpu.memory_space<vmem>>[vector<16xi32>, vector<16xi32>, vector<16xi32>, vector<16xi32>], vector<16xf32>,
      %mul3A_975 = arith.mulf %gather3A_973, %gather3A_974 : vector<16xf32>
      %add3A_976 = arith.addf %add3A_970, %mul3A_975 : vector<16xf32>
      %broadcast_in_dim3A_977 = arith.constant 5 : i32
      %broadcast_in_dim3A_978 = vector.broadcast %broadcast_in_dim3A_977 : i32 to vector<16xi32>
      %gather3A_979 = tpu.vector_load_idx %arg9[%broadcast_in_dim3A_942, %iota3A, %broadcast_in_dim3A_944, %broadcast_in_dim3A_978] : memref<2x16x1x32xf32, #tpu.memory_space<vmem>>[vector<16xi32>, vector<16xi32>, vector<16xi32>, vector<16xi32>], vector<16xf32>,
      %gather3A_980 = tpu.vector_load_idx %arg10[%broadcast_in_dim3A_942, %iota3A, %broadcast_in_dim3A_944, %broadcast_in_dim3A_978] : memref<2x16x1x32xf32, #tpu.memory_space<vmem>>[vector<16xi32>, vector<16xi32>, vector<16xi32>, vector<16xi32>], vector<16xf32>,
      %mul3A_981 = arith.mulf %gather3A_979, %gather3A_980 : vector<16xf32>
      %add3A_982 = arith.addf %add3A_976, %mul3A_981 : vector<16xf32>
      %broadcast_in_dim3A_983 = arith.constant 6 : i32
      %broadcast_in_dim3A_984 = vector.broadcast %broadcast_in_dim3A_983 : i32 to vector<16xi32>
      %gather3A_985 = tpu.vector_load_idx %arg9[%broadcast_in_dim3A_942, %iota3A, %broadcast_in_dim3A_944, %broadcast_in_dim3A_984] : memref<2x16x1x32xf32, #tpu.memory_space<vmem>>[vector<16xi32>, vector<16xi32>, vector<16xi32>, vector<16xi32>], vector<16xf32>,
      %gather3A_986 = tpu.vector_load_idx %arg10[%broadcast_in_dim3A_942, %iota3A, %broadcast_in_dim3A_944, %broadcast_in_dim3A_984] : memref<2x16x1x32xf32, #tpu.memory_space<vmem>>[vector<16xi32>, vector<16xi32>, vector<16xi32>, vector<16xi32>], vector<16xf32>,
      %mul3A_987 = arith.mulf %gather3A_985, %gather3A_986 : vector<16xf32>
      %add3A_988 = arith.addf %add3A_982, %mul3A_987 : vector<16xf32>
      %broadcast_in_dim3A_989 = arith.constant 7 : i32
      %broadcast_in_dim3A_990 = vector.broadcast %broadcast_in_dim3A_989 : i32 to vector<16xi32>
      %gather3A_991 = tpu.vector_load_idx %arg9[%broadcast_in_dim3A_942, %iota3A, %broadcast_in_dim3A_944, %broadcast_in_dim3A_990] : memref<2x16x1x32xf32, #tpu.memory_space<vmem>>[vector<16xi32>, vector<16xi32>, vector<16xi32>, vector<16xi32>], vector<16xf32>,
      %gather3A_992 = tpu.vector_load_idx %arg10[%broadcast_in_dim3A_942, %iota3A, %broadcast_in_dim3A_944, %broadcast_in_dim3A_990] : memref<2x16x1x32xf32, #tpu.memory_space<vmem>>[vector<16xi32>, vector<16xi32>, vector<16xi32>, vector<16xi32>], vector<16xf32>,
      %mul3A_993 = arith.mulf %gather3A_991, %gather3A_992 : vector<16xf32>
      %add3A_994 = arith.addf %add3A_988, %mul3A_993 : vector<16xf32>
      %broadcast_in_dim3A_995 = arith.constant 8 : i32
      %broadcast_in_dim3A_996 = vector.broadcast %broadcast_in_dim3A_995 : i32 to vector<16xi32>
      %gather3A_997 = tpu.vector_load_idx %arg9[%broadcast_in_dim3A_942, %iota3A, %broadcast_in_dim3A_944, %broadcast_in_dim3A_996] : memref<2x16x1x32xf32, #tpu.memory_space<vmem>>[vector<16xi32>, vector<16xi32>, vector<16xi32>, vector<16xi32>], vector<16xf32>,
      %gather3A_998 = tpu.vector_load_idx %arg10[%broadcast_in_dim3A_942, %iota3A, %broadcast_in_dim3A_944, %broadcast_in_dim3A_996] : memref<2x16x1x32xf32, #tpu.memory_space<vmem>>[vector<16xi32>, vector<16xi32>, vector<16xi32>, vector<16xi32>], vector<16xf32>,
      %mul3A_999 = arith.mulf %gather3A_997, %gather3A_998 : vector<16xf32>
      %add3A_1000 = arith.addf %add3A_994, %mul3A_999 : vector<16xf32>
      %broadcast_in_dim3A_1001 = arith.constant 9 : i32
      %broadcast_in_dim3A_1002 = vector.broadcast %broadcast_in_dim3A_1001 : i32 to vector<16xi32>
      %gather3A_1003 = tpu.vector_load_idx %arg9[%broadcast_in_dim3A_942, %iota3A, %broadcast_in_dim3A_944, %broadcast_in_dim3A_1002] : memref<2x16x1x32xf32, #tpu.memory_space<vmem>>[vector<16xi32>, vector<16xi32>, vector<16xi32>, vector<16xi32>], vector<16xf32>,
      %gather3A_1004 = tpu.vector_load_idx %arg10[%broadcast_in_dim3A_942, %iota3A, %broadcast_in_dim3A_944, %broadcast_in_dim3A_1002] : memref<2x16x1x32xf32, #tpu.memory_space<vmem>>[vector<16xi32>, vector<16xi32>, vector<16xi32>, vector<16xi32>], vector<16xf32>,
      %mul3A_1005 = arith.mulf %gather3A_1003, %gather3A_1004 : vector<16xf32>
      %add3A_1006 = arith.addf %add3A_1000, %mul3A_1005 : vector<16xf32>
      %broadcast_in_dim3A_1007 = arith.constant 10 : i32
      %broadcast_in_dim3A_1008 = vector.broadcast %broadcast_in_dim3A_1007 : i32 to vector<16xi32>
      %gather3A_1009 = tpu.vector_load_idx %arg9[%broadcast_in_dim3A_942, %iota3A, %broadcast_in_dim3A_944, %broadcast_in_dim3A_1008] : memref<2x16x1x32xf32, #tpu.memory_space<vmem>>[vector<16xi32>, vector<16xi32>, vector<16xi32>, vector<16xi32>], vector<16xf32>,
      %gather3A_1010 = tpu.vector_load_idx %arg10[%broadcast_in_dim3A_942, %iota3A, %broadcast_in_dim3A_944, %broadcast_in_dim3A_1008] : memref<2x16x1x32xf32, #tpu.memory_space<vmem>>[vector<16xi32>, vector<16xi32>, vector<16xi32>, vector<16xi32>], vector<16xf32>,
      %mul3A_1011 = arith.mulf %gather3A_1009, %gather3A_1010 : vector<16xf32>
      %add3A_1012 = arith.addf %add3A_1006, %mul3A_1011 : vector<16xf32>
      %broadcast_in_dim3A_1013 = arith.constant 11 : i32
      %broadcast_in_dim3A_1014 = vector.broadcast %broadcast_in_dim3A_1013 : i32 to vector<16xi32>
      %gather3A_1015 = tpu.vector_load_idx %arg9[%broadcast_in_dim3A_942, %iota3A, %broadcast_in_dim3A_944, %broadcast_in_dim3A_1014] : memref<2x16x1x32xf32, #tpu.memory_space<vmem>>[vector<16xi32>, vector<16xi32>, vector<16xi32>, vector<16xi32>], vector<16xf32>,
      %gather3A_1016 = tpu.vector_load_idx %arg10[%broadcast_in_dim3A_942, %iota3A, %broadcast_in_dim3A_944, %broadcast_in_dim3A_1014] : memref<2x16x1x32xf32, #tpu.memory_space<vmem>>[vector<16xi32>, vector<16xi32>, vector<16xi32>, vector<16xi32>], vector<16xf32>,
      %mul3A_1017 = arith.mulf %gather3A_1015, %gather3A_1016 : vector<16xf32>
      %add3A_1018 = arith.addf %add3A_1012, %mul3A_1017 : vector<16xf32>
      %broadcast_in_dim3A_1019 = arith.constant 12 : i32
      %broadcast_in_dim3A_1020 = vector.broadcast %broadcast_in_dim3A_1019 : i32 to vector<16xi32>
      %gather3A_1021 = tpu.vector_load_idx %arg9[%broadcast_in_dim3A_942, %iota3A, %broadcast_in_dim3A_944, %broadcast_in_dim3A_1020] : memref<2x16x1x32xf32, #tpu.memory_space<vmem>>[vector<16xi32>, vector<16xi32>, vector<16xi32>, vector<16xi32>], vector<16xf32>,
      %gather3A_1022 = tpu.vector_load_idx %arg10[%broadcast_in_dim3A_942, %iota3A, %broadcast_in_dim3A_944, %broadcast_in_dim3A_1020] : memref<2x16x1x32xf32, #tpu.memory_space<vmem>>[vector<16xi32>, vector<16xi32>, vector<16xi32>, vector<16xi32>], vector<16xf32>,
      %mul3A_1023 = arith.mulf %gather3A_1021, %gather3A_1022 : vector<16xf32>
      %add3A_1024 = arith.addf %add3A_1018, %mul3A_1023 : vector<16xf32>
      %broadcast_in_dim3A_1025 = arith.constant 13 : i32
      %broadcast_in_dim3A_1026 = vector.broadcast %broadcast_in_dim3A_1025 : i32 to vector<16xi32>
      %gather3A_1027 = tpu.vector_load_idx %arg9[%broadcast_in_dim3A_942, %iota3A, %broadcast_in_dim3A_944, %broadcast_in_dim3A_1026] : memref<2x16x1x32xf32, #tpu.memory_space<vmem>>[vector<16xi32>, vector<16xi32>, vector<16xi32>, vector<16xi32>], vector<16xf32>,
      %gather3A_1028 = tpu.vector_load_idx %arg10[%broadcast_in_dim3A_942, %iota3A, %broadcast_in_dim3A_944, %broadcast_in_dim3A_1026] : memref<2x16x1x32xf32, #tpu.memory_space<vmem>>[vector<16xi32>, vector<16xi32>, vector<16xi32>, vector<16xi32>], vector<16xf32>,
      %mul3A_1029 = arith.mulf %gather3A_1027, %gather3A_1028 : vector<16xf32>
      %add3A_1030 = arith.addf %add3A_1024, %mul3A_1029 : vector<16xf32>
      %broadcast_in_dim3A_1031 = arith.constant 14 : i32
      %broadcast_in_dim3A_1032 = vector.broadcast %broadcast_in_dim3A_1031 : i32 to vector<16xi32>
      %gather3A_1033 = tpu.vector_load_idx %arg9[%broadcast_in_dim3A_942, %iota3A, %broadcast_in_dim3A_944, %broadcast_in_dim3A_1032] : memref<2x16x1x32xf32, #tpu.memory_space<vmem>>[vector<16xi32>, vector<16xi32>, vector<16xi32>, vector<16xi32>], vector<16xf32>,
      %gather3A_1034 = tpu.vector_load_idx %arg10[%broadcast_in_dim3A_942, %iota3A, %broadcast_in_dim3A_944, %broadcast_in_dim3A_1032] : memref<2x16x1x32xf32, #tpu.memory_space<vmem>>[vector<16xi32>, vector<16xi32>, vector<16xi32>, vector<16xi32>], vector<16xf32>,
      %mul3A_1035 = arith.mulf %gather3A_1033, %gather3A_1034 : vector<16xf32>
      %add3A_1036 = arith.addf %add3A_1030, %mul3A_1035 : vector<16xf32>
      %broadcast_in_dim3A_1037 = arith.constant 15 : i32
      %broadcast_in_dim3A_1038 = vector.broadcast %broadcast_in_dim3A_1037 : i32 to vector<16xi32>
      %gather3A_1039 = tpu.vector_load_idx %arg9[%broadcast_in_dim3A_942, %iota3A, %broadcast_in_dim3A_944, %broadcast_in_dim3A_1038] : memref<2x16x1x32xf32, #tpu.memory_space<vmem>>[vector<16xi32>, vector<16xi32>, vector<16xi32>, vector<16xi32>], vector<16xf32>,
      %gather3A_1040 = tpu.vector_load_idx %arg10[%broadcast_in_dim3A_942, %iota3A, %broadcast_in_dim3A_944, %broadcast_in_dim3A_1038] : memref<2x16x1x32xf32, #tpu.memory_space<vmem>>[vector<16xi32>, vector<16xi32>, vector<16xi32>, vector<16xi32>], vector<16xf32>,
      %mul3A_1041 = arith.mulf %gather3A_1039, %gather3A_1040 : vector<16xf32>
      %add3A_1042 = arith.addf %add3A_1036, %mul3A_1041 : vector<16xf32>
      %broadcast_in_dim3A_1043 = arith.constant 16 : i32
      %broadcast_in_dim3A_1044 = vector.broadcast %broadcast_in_dim3A_1043 : i32 to vector<16xi32>
      %gather3A_1045 = tpu.vector_load_idx %arg9[%broadcast_in_dim3A_942, %iota3A, %broadcast_in_dim3A_944, %broadcast_in_dim3A_1044] : memref<2x16x1x32xf32, #tpu.memory_space<vmem>>[vector<16xi32>, vector<16xi32>, vector<16xi32>, vector<16xi32>], vector<16xf32>,
      %gather3A_1046 = tpu.vector_load_idx %arg10[%broadcast_in_dim3A_942, %iota3A, %broadcast_in_dim3A_944, %broadcast_in_dim3A_1044] : memref<2x16x1x32xf32, #tpu.memory_space<vmem>>[vector<16xi32>, vector<16xi32>, vector<16xi32>, vector<16xi32>], vector<16xf32>,
      %mul3A_1047 = arith.mulf %gather3A_1045, %gather3A_1046 : vector<16xf32>
      %add3A_1048 = arith.addf %add3A_1042, %mul3A_1047 : vector<16xf32>
      %broadcast_in_dim3A_1049 = arith.constant 17 : i32
      %broadcast_in_dim3A_1050 = vector.broadcast %broadcast_in_dim3A_1049 : i32 to vector<16xi32>
      %gather3A_1051 = tpu.vector_load_idx %arg9[%broadcast_in_dim3A_942, %iota3A, %broadcast_in_dim3A_944, %broadcast_in_dim3A_1050] : memref<2x16x1x32xf32, #tpu.memory_space<vmem>>[vector<16xi32>, vector<16xi32>, vector<16xi32>, vector<16xi32>], vector<16xf32>,
      %gather3A_1052 = tpu.vector_load_idx %arg10[%broadcast_in_dim3A_942, %iota3A, %broadcast_in_dim3A_944, %broadcast_in_dim3A_1050] : memref<2x16x1x32xf32, #tpu.memory_space<vmem>>[vector<16xi32>, vector<16xi32>, vector<16xi32>, vector<16xi32>], vector<16xf32>,
      %mul3A_1053 = arith.mulf %gather3A_1051, %gather3A_1052 : vector<16xf32>
      %add3A_1054 = arith.addf %add3A_1048, %mul3A_1053 : vector<16xf32>
      %broadcast_in_dim3A_1055 = arith.constant 18 : i32
      %broadcast_in_dim3A_1056 = vector.broadcast %broadcast_in_dim3A_1055 : i32 to vector<16xi32>
      %gather3A_1057 = tpu.vector_load_idx %arg9[%broadcast_in_dim3A_942, %iota3A, %broadcast_in_dim3A_944, %broadcast_in_dim3A_1056] : memref<2x16x1x32xf32, #tpu.memory_space<vmem>>[vector<16xi32>, vector<16xi32>, vector<16xi32>, vector<16xi32>], vector<16xf32>,
      %gather3A_1058 = tpu.vector_load_idx %arg10[%broadcast_in_dim3A_942, %iota3A, %broadcast_in_dim3A_944, %broadcast_in_dim3A_1056] : memref<2x16x1x32xf32, #tpu.memory_space<vmem>>[vector<16xi32>, vector<16xi32>, vector<16xi32>, vector<16xi32>], vector<16xf32>,
      %mul3A_1059 = arith.mulf %gather3A_1057, %gather3A_1058 : vector<16xf32>
      %add3A_1060 = arith.addf %add3A_1054, %mul3A_1059 : vector<16xf32>
      %broadcast_in_dim3A_1061 = arith.constant 19 : i32
      %broadcast_in_dim3A_1062 = vector.broadcast %broadcast_in_dim3A_1061 : i32 to vector<16xi32>
      %gather3A_1063 = tpu.vector_load_idx %arg9[%broadcast_in_dim3A_942, %iota3A, %broadcast_in_dim3A_944, %broadcast_in_dim3A_1062] : memref<2x16x1x32xf32, #tpu.memory_space<vmem>>[vector<16xi32>, vector<16xi32>, vector<16xi32>, vector<16xi32>], vector<16xf32>,
      %gather3A_1064 = tpu.vector_load_idx %arg10[%broadcast_in_dim3A_942, %iota3A, %broadcast_in_dim3A_944, %broadcast_in_dim3A_1062] : memref<2x16x1x32xf32, #tpu.memory_space<vmem>>[vector<16xi32>, vector<16xi32>, vector<16xi32>, vector<16xi32>], vector<16xf32>,
      %mul3A_1065 = arith.mulf %gather3A_1063, %gather3A_1064 : vector<16xf32>
      %add3A_1066 = arith.addf %add3A_1060, %mul3A_1065 : vector<16xf32>
      %broadcast_in_dim3A_1067 = arith.constant 20 : i32
      %broadcast_in_dim3A_1068 = vector.broadcast %broadcast_in_dim3A_1067 : i32 to vector<16xi32>
      %gather3A_1069 = tpu.vector_load_idx %arg9[%broadcast_in_dim3A_942, %iota3A, %broadcast_in_dim3A_944, %broadcast_in_dim3A_1068] : memref<2x16x1x32xf32, #tpu.memory_space<vmem>>[vector<16xi32>, vector<16xi32>, vector<16xi32>, vector<16xi32>], vector<16xf32>,
      %gather3A_1070 = tpu.vector_load_idx %arg10[%broadcast_in_dim3A_942, %iota3A, %broadcast_in_dim3A_944, %broadcast_in_dim3A_1068] : memref<2x16x1x32xf32, #tpu.memory_space<vmem>>[vector<16xi32>, vector<16xi32>, vector<16xi32>, vector<16xi32>], vector<16xf32>,
      %mul3A_1071 = arith.mulf %gather3A_1069, %gather3A_1070 : vector<16xf32>
      %add3A_1072 = arith.addf %add3A_1066, %mul3A_1071 : vector<16xf32>
      %broadcast_in_dim3A_1073 = arith.constant 21 : i32
      %broadcast_in_dim3A_1074 = vector.broadcast %broadcast_in_dim3A_1073 : i32 to vector<16xi32>
      %gather3A_1075 = tpu.vector_load_idx %arg9[%broadcast_in_dim3A_942, %iota3A, %broadcast_in_dim3A_944, %broadcast_in_dim3A_1074] : memref<2x16x1x32xf32, #tpu.memory_space<vmem>>[vector<16xi32>, vector<16xi32>, vector<16xi32>, vector<16xi32>], vector<16xf32>,
      %gather3A_1076 = tpu.vector_load_idx %arg10[%broadcast_in_dim3A_942, %iota3A, %broadcast_in_dim3A_944, %broadcast_in_dim3A_1074] : memref<2x16x1x32xf32, #tpu.memory_space<vmem>>[vector<16xi32>, vector<16xi32>, vector<16xi32>, vector<16xi32>], vector<16xf32>,
      %mul3A_1077 = arith.mulf %gather3A_1075, %gather3A_1076 : vector<16xf32>
      %add3A_1078 = arith.addf %add3A_1072, %mul3A_1077 : vector<16xf32>
      %broadcast_in_dim3A_1079 = arith.constant 22 : i32
      %broadcast_in_dim3A_1080 = vector.broadcast %broadcast_in_dim3A_1079 : i32 to vector<16xi32>
      %gather3A_1081 = tpu.vector_load_idx %arg9[%broadcast_in_dim3A_942, %iota3A, %broadcast_in_dim3A_944, %broadcast_in_dim3A_1080] : memref<2x16x1x32xf32, #tpu.memory_space<vmem>>[vector<16xi32>, vector<16xi32>, vector<16xi32>, vector<16xi32>], vector<16xf32>,
      %gather3A_1082 = tpu.vector_load_idx %arg10[%broadcast_in_dim3A_942, %iota3A, %broadcast_in_dim3A_944, %broadcast_in_dim3A_1080] : memref<2x16x1x32xf32, #tpu.memory_space<vmem>>[vector<16xi32>, vector<16xi32>, vector<16xi32>, vector<16xi32>], vector<16xf32>,
      %mul3A_1083 = arith.mulf %gather3A_1081, %gather3A_1082 : vector<16xf32>
      %add3A_1084 = arith.addf %add3A_1078, %mul3A_1083 : vector<16xf32>
      %broadcast_in_dim3A_1085 = arith.constant 23 : i32
      %broadcast_in_dim3A_1086 = vector.broadcast %broadcast_in_dim3A_1085 : i32 to vector<16xi32>
      %gather3A_1087 = tpu.vector_load_idx %arg9[%broadcast_in_dim3A_942, %iota3A, %broadcast_in_dim3A_944, %broadcast_in_dim3A_1086] : memref<2x16x1x32xf32, #tpu.memory_space<vmem>>[vector<16xi32>, vector<16xi32>, vector<16xi32>, vector<16xi32>], vector<16xf32>,
      %gather3A_1088 = tpu.vector_load_idx %arg10[%broadcast_in_dim3A_942, %iota3A, %broadcast_in_dim3A_944, %broadcast_in_dim3A_1086] : memref<2x16x1x32xf32, #tpu.memory_space<vmem>>[vector<16xi32>, vector<16xi32>, vector<16xi32>, vector<16xi32>], vector<16xf32>,
      %mul3A_1089 = arith.mulf %gather3A_1087, %gather3A_1088 : vector<16xf32>
      %add3A_1090 = arith.addf %add3A_1084, %mul3A_1089 : vector<16xf32>
      %broadcast_in_dim3A_1091 = arith.constant 24 : i32
      %broadcast_in_dim3A_1092 = vector.broadcast %broadcast_in_dim3A_1091 : i32 to vector<16xi32>
      %gather3A_1093 = tpu.vector_load_idx %arg9[%broadcast_in_dim3A_942, %iota3A, %broadcast_in_dim3A_944, %broadcast_in_dim3A_1092] : memref<2x16x1x32xf32, #tpu.memory_space<vmem>>[vector<16xi32>, vector<16xi32>, vector<16xi32>, vector<16xi32>], vector<16xf32>,
      %gather3A_1094 = tpu.vector_load_idx %arg10[%broadcast_in_dim3A_942, %iota3A, %broadcast_in_dim3A_944, %broadcast_in_dim3A_1092] : memref<2x16x1x32xf32, #tpu.memory_space<vmem>>[vector<16xi32>, vector<16xi32>, vector<16xi32>, vector<16xi32>], vector<16xf32>,
      %mul3A_1095 = arith.mulf %gather3A_1093, %gather3A_1094 : vector<16xf32>
      %add3A_1096 = arith.addf %add3A_1090, %mul3A_1095 : vector<16xf32>
      %broadcast_in_dim3A_1097 = arith.constant 25 : i32
      %broadcast_in_dim3A_1098 = vector.broadcast %broadcast_in_dim3A_1097 : i32 to vector<16xi32>
      %gather3A_1099 = tpu.vector_load_idx %arg9[%broadcast_in_dim3A_942, %iota3A, %broadcast_in_dim3A_944, %broadcast_in_dim3A_1098] : memref<2x16x1x32xf32, #tpu.memory_space<vmem>>[vector<16xi32>, vector<16xi32>, vector<16xi32>, vector<16xi32>], vector<16xf32>,
      %gather3A_1100 = tpu.vector_load_idx %arg10[%broadcast_in_dim3A_942, %iota3A, %broadcast_in_dim3A_944, %broadcast_in_dim3A_1098] : memref<2x16x1x32xf32, #tpu.memory_space<vmem>>[vector<16xi32>, vector<16xi32>, vector<16xi32>, vector<16xi32>], vector<16xf32>,
      %mul3A_1101 = arith.mulf %gather3A_1099, %gather3A_1100 : vector<16xf32>
      %add3A_1102 = arith.addf %add3A_1096, %mul3A_1101 : vector<16xf32>
      %broadcast_in_dim3A_1103 = arith.constant 26 : i32
      %broadcast_in_dim3A_1104 = vector.broadcast %broadcast_in_dim3A_1103 : i32 to vector<16xi32>
      %gather3A_1105 = tpu.vector_load_idx %arg9[%broadcast_in_dim3A_942, %iota3A, %broadcast_in_dim3A_944, %broadcast_in_dim3A_1104] : memref<2x16x1x32xf32, #tpu.memory_space<vmem>>[vector<16xi32>, vector<16xi32>, vector<16xi32>, vector<16xi32>], vector<16xf32>,
      %gather3A_1106 = tpu.vector_load_idx %arg10[%broadcast_in_dim3A_942, %iota3A, %broadcast_in_dim3A_944, %broadcast_in_dim3A_1104] : memref<2x16x1x32xf32, #tpu.memory_space<vmem>>[vector<16xi32>, vector<16xi32>, vector<16xi32>, vector<16xi32>], vector<16xf32>,
      %mul3A_1107 = arith.mulf %gather3A_1105, %gather3A_1106 : vector<16xf32>
      %add3A_1108 = arith.addf %add3A_1102, %mul3A_1107 : vector<16xf32>
      %broadcast_in_dim3A_1109 = arith.constant 27 : i32
      %broadcast_in_dim3A_1110 = vector.broadcast %broadcast_in_dim3A_1109 : i32 to vector<16xi32>
      %gather3A_1111 = tpu.vector_load_idx %arg9[%broadcast_in_dim3A_942, %iota3A, %broadcast_in_dim3A_944, %broadcast_in_dim3A_1110] : memref<2x16x1x32xf32, #tpu.memory_space<vmem>>[vector<16xi32>, vector<16xi32>, vector<16xi32>, vector<16xi32>], vector<16xf32>,
      %gather3A_1112 = tpu.vector_load_idx %arg10[%broadcast_in_dim3A_942, %iota3A, %broadcast_in_dim3A_944, %broadcast_in_dim3A_1110] : memref<2x16x1x32xf32, #tpu.memory_space<vmem>>[vector<16xi32>, vector<16xi32>, vector<16xi32>, vector<16xi32>], vector<16xf32>,
      %mul3A_1113 = arith.mulf %gather3A_1111, %gather3A_1112 : vector<16xf32>
      %add3A_1114 = arith.addf %add3A_1108, %mul3A_1113 : vector<16xf32>
      %broadcast_in_dim3A_1115 = arith.constant 28 : i32
      %broadcast_in_dim3A_1116 = vector.broadcast %broadcast_in_dim3A_1115 : i32 to vector<16xi32>
      %gather3A_1117 = tpu.vector_load_idx %arg9[%broadcast_in_dim3A_942, %iota3A, %broadcast_in_dim3A_944, %broadcast_in_dim3A_1116] : memref<2x16x1x32xf32, #tpu.memory_space<vmem>>[vector<16xi32>, vector<16xi32>, vector<16xi32>, vector<16xi32>], vector<16xf32>,
      %gather3A_1118 = tpu.vector_load_idx %arg10[%broadcast_in_dim3A_942, %iota3A, %broadcast_in_dim3A_944, %broadcast_in_dim3A_1116] : memref<2x16x1x32xf32, #tpu.memory_space<vmem>>[vector<16xi32>, vector<16xi32>, vector<16xi32>, vector<16xi32>], vector<16xf32>,
      %mul3A_1119 = arith.mulf %gather3A_1117, %gather3A_1118 : vector<16xf32>
      %add3A_1120 = arith.addf %add3A_1114, %mul3A_1119 : vector<16xf32>
      %broadcast_in_dim3A_1121 = arith.constant 29 : i32
      %broadcast_in_dim3A_1122 = vector.broadcast %broadcast_in_dim3A_1121 : i32 to vector<16xi32>
      %gather3A_1123 = tpu.vector_load_idx %arg9[%broadcast_in_dim3A_942, %iota3A, %broadcast_in_dim3A_944, %broadcast_in_dim3A_1122] : memref<2x16x1x32xf32, #tpu.memory_space<vmem>>[vector<16xi32>, vector<16xi32>, vector<16xi32>, vector<16xi32>], vector<16xf32>,
      %gather3A_1124 = tpu.vector_load_idx %arg10[%broadcast_in_dim3A_942, %iota3A, %broadcast_in_dim3A_944, %broadcast_in_dim3A_1122] : memref<2x16x1x32xf32, #tpu.memory_space<vmem>>[vector<16xi32>, vector<16xi32>, vector<16xi32>, vector<16xi32>], vector<16xf32>,
      %mul3A_1125 = arith.mulf %gather3A_1123, %gather3A_1124 : vector<16xf32>
      %add3A_1126 = arith.addf %add3A_1120, %mul3A_1125 : vector<16xf32>
      %broadcast_in_dim3A_1127 = arith.constant 30 : i32
      %broadcast_in_dim3A_1128 = vector.broadcast %broadcast_in_dim3A_1127 : i32 to vector<16xi32>
      %gather3A_1129 = tpu.vector_load_idx %arg9[%broadcast_in_dim3A_942, %iota3A, %broadcast_in_dim3A_944, %broadcast_in_dim3A_1128] : memref<2x16x1x32xf32, #tpu.memory_space<vmem>>[vector<16xi32>, vector<16xi32>, vector<16xi32>, vector<16xi32>], vector<16xf32>,
      %gather3A_1130 = tpu.vector_load_idx %arg10[%broadcast_in_dim3A_942, %iota3A, %broadcast_in_dim3A_944, %broadcast_in_dim3A_1128] : memref<2x16x1x32xf32, #tpu.memory_space<vmem>>[vector<16xi32>, vector<16xi32>, vector<16xi32>, vector<16xi32>], vector<16xf32>,
      %mul3A_1131 = arith.mulf %gather3A_1129, %gather3A_1130 : vector<16xf32>
      %add3A_1132 = arith.addf %add3A_1126, %mul3A_1131 : vector<16xf32>
      %broadcast_in_dim3A_1133 = arith.constant 31 : i32
      %broadcast_in_dim3A_1134 = vector.broadcast %broadcast_in_dim3A_1133 : i32 to vector<16xi32>
      %gather3A_1135 = tpu.vector_load_idx %arg9[%broadcast_in_dim3A_942, %iota3A, %broadcast_in_dim3A_944, %broadcast_in_dim3A_1134] : memref<2x16x1x32xf32, #tpu.memory_space<vmem>>[vector<16xi32>, vector<16xi32>, vector<16xi32>, vector<16xi32>], vector<16xf32>,
      %gather3A_1136 = tpu.vector_load_idx %arg10[%broadcast_in_dim3A_942, %iota3A, %broadcast_in_dim3A_944, %broadcast_in_dim3A_1134] : memref<2x16x1x32xf32, #tpu.memory_space<vmem>>[vector<16xi32>, vector<16xi32>, vector<16xi32>, vector<16xi32>], vector<16xf32>,
      %mul3A_1137 = arith.mulf %gather3A_1135, %gather3A_1136 : vector<16xf32>
      %add3A_1138 = arith.addf %add3A_1132, %mul3A_1137 : vector<16xf32>
      %mul3A_1139 = arith.constant 16 : i32
      %mul3A_1140 = arith.muli %add3A_895, %mul3A_1139 : i32
      %swap3A_1141 = arith.index_cast %mul3A_1140 : i32 to index
      %swap3A_1142 = tpu.vector_load %arg11[%swap3A_1141] {strides = array<i32>} : memref<512xf32, #tpu.memory_space<vmem>>, vector<16xf32>,
      tpu.vector_store %arg11[%swap3A_1141], %add3A_1138 {strides = array<i32>} : memref<512xf32, #tpu.memory_space<vmem>>, vector<16xf32>,
    }
    %scan3A_646 = arith.constant 16 : i32
    "tpu.region"() ({
      %run_scoped3A = tpu.sem_alloc : memref<!tpu.dma_semaphore, #tpu.memory_space<semaphore_mem>>
      %dma_start3A_647 = tpu.memref_slice %arg6[%mul3A_2] : memref<16384xf32, #tpu.memory_space<hbm>> -> memref<512xf32, #tpu.memory_space<hbm>>
      %dma_start3A_648 = tpu.memref_slice %arg6[%mul3A_2] : memref<16384xf32, #tpu.memory_space<hbm>> -> memref<512xf32, #tpu.memory_space<hbm>>
      tpu.enqueue_dma source(%arg11 : memref<512xf32, #tpu.memory_space<vmem>>) target(%dma_start3A_648 : memref<512xf32, #tpu.memory_space<hbm>>) target_semaphore(%run_scoped3A : memref<!tpu.dma_semaphore, #tpu.memory_space<semaphore_mem>>)
      %dma_wait3A = tpu.memref_slice %arg6[%mul3A_2] : memref<16384xf32, #tpu.memory_space<hbm>> -> memref<512xf32, #tpu.memory_space<hbm>>
      %dma_wait3A_649 = tpu.memref_slice %arg6[%mul3A_2] : memref<16384xf32, #tpu.memory_space<hbm>> -> memref<512xf32, #tpu.memory_space<hbm>>
      tpu.wait_dma2 semaphore(%run_scoped3A : memref<!tpu.dma_semaphore, #tpu.memory_space<semaphore_mem>>) src(%arg11 : memref<512xf32, #tpu.memory_space<vmem>>) dst(%dma_wait3A_649 : memref<512xf32, #tpu.memory_space<hbm>>)
      tpu.yield
    }) : () -> ()
    return
  }
}

module attributes {stable_mosaic.version = 14 : i64} {
  func.func @_tc_body(%arg0: memref<128x128xf32, #tpu.memory_space<vmem>>, %arg1: memref<128x128xf32, #tpu.memory_space<vmem>>, %arg2: memref<128x128xf32, #tpu.memory_space<vmem>>, %arg3: memref<1x1xf32, #tpu.memory_space<smem>>) attributes {dimension_semantics = [], scalar_prefetch = 0 : i64, scratch_operands = 0 : i64, tpu.core_type = #tpu.core_type<tc>} {
    %get3A = arith.constant 0 : index
    %get3A_0 = arith.constant 0 : index
    %get3A_1 = vector.load %arg0[%get3A, %get3A_0] : memref<128x128xf32, #tpu.memory_space<vmem>>, vector<128x128xf32>
    %logistic3A = arith.negf %get3A_1 : vector<128x128xf32>
    %logistic3A_2 = math.exp %logistic3A : vector<128x128xf32>
    %logistic3A_3 = arith.constant 1.000000e+00 : f32
    %logistic3A_4 = vector.broadcast %logistic3A_3 : f32 to vector<128x128xf32>
    %logistic3A_5 = arith.addf %logistic3A_4, %logistic3A_2 : vector<128x128xf32>
    %logistic3A_6 = arith.divf %logistic3A_4, %logistic3A_5 : vector<128x128xf32>
    %swap3A = arith.constant 0 : index
    %swap3A_7 = arith.constant 0 : index
    %swap3A_8 = vector.load %arg2[%swap3A, %swap3A_7] : memref<128x128xf32, #tpu.memory_space<vmem>>, vector<128x128xf32>
    tpu.vector_store %arg2[%swap3A, %swap3A_7], %logistic3A_6 {strides = array<i32>} : memref<128x128xf32, #tpu.memory_space<vmem>>, vector<128x128xf32>,
    %get3A_9 = arith.constant 0 : index
    %get3A_10 = arith.constant 0 : index
    %get3A_11 = vector.load %arg1[%get3A_9, %get3A_10] : memref<128x128xf32, #tpu.memory_space<vmem>>, vector<128x128xf32>
    %max3A = arith.constant 0.000000e+00 : f32
    %max3A_12 = vector.broadcast %max3A : f32 to vector<128x128xf32>
    %max3A_13 = arith.maximumf %logistic3A_6, %max3A_12 : vector<128x128xf32>
    %mul3A = arith.mulf %logistic3A_6, %get3A_11 : vector<128x128xf32>
    %sub3A = arith.subf %max3A_13, %mul3A : vector<128x128xf32>
    %abs3A = math.absf %logistic3A_6 : vector<128x128xf32>
    %neg3A = arith.constant 0.000000e+00 : f32
    %neg3A_14 = vector.broadcast %neg3A : f32 to vector<128x128xf32>
    %neg3A_15 = arith.subf %neg3A_14, %abs3A : vector<128x128xf32>
    %exp3A = math.exp %neg3A_15 : vector<128x128xf32>
    %log1p3A = math.log1p %exp3A : vector<128x128xf32>
    %add3A = arith.addf %sub3A, %log1p3A : vector<128x128xf32>
    %reduce_sum3A = vector.shape_cast %add3A : vector<128x128xf32> to vector<1x128x128xf32>
    %reduce_sum3A_16 = arith.constant dense<0.000000e+00> : vector<1xf32>
    %reduce_sum3A_17 = vector.multi_reduction <add>, %reduce_sum3A, %reduce_sum3A_16 [1, 2] : vector<1x128x128xf32> to vector<1xf32>
    %reduce_sum3A_18 = vector.shape_cast %reduce_sum3A_17 : vector<1xf32> to vector<1x1x1xf32>
    %reduce_sum3A_19 = vector.extract %reduce_sum3A_18[0, 0, 0] : f32 from vector<1x1x1xf32>
    %div3A = arith.constant 1.638400e+04 : f32
    %div3A_20 = arith.divf %reduce_sum3A_19, %div3A : f32
    %swap3A_21 = arith.constant 0 : index
    %swap3A_22 = arith.constant 0 : index
    %swap3A_23 = memref.load %arg3[%swap3A_21, %swap3A_22] : memref<1x1xf32, #tpu.memory_space<smem>>
    memref.store %div3A_20, %arg3[%swap3A_21, %swap3A_22] : memref<1x1xf32, #tpu.memory_space<smem>>
    return
  }
}

</mosaic_0001>

<sc_bundles>
// kernel: kernel.4.cloned.1.call-start
scs
__scs_entry_jumppad:
0x0: {  	(pc) =	sbr.rel $0x88, $3  }
0x1: {  	(tag) =	ssettag $0x0;
	lr =	simm.s32 $0x1  }
0x2: {  	[smem:$0x3F9C] =	sst lr;
	_ =	strace $0xD0000000  }
0x3: {  	_ = 	snop  }
0x4: {  	_ = 	snop  }
0x5: {  	_ = 	snop  }
0x6: {  	_ = 	snop  }
0x7: {  	_ = 	snop  }
__scs_overlays_trampoline_lowered:
0x8: {  	[smem:$0x3FAB] =	sst s0  }
0x9: {  	[smem:$0x3FAC] =	sst s1  }
0xa: {  	[smem:$0x3FAD] =	sst s2  }
0xb: {  	[smem:$0x3FAE] =	sst s3  }
0xc: {  	[smem:$0x3FAF] =	sst s4  }
0xd: {  	[smem:$0x3FB0] =	sst s5  }
0xe: {  	[smem:$0x3FB1] =	sst s6  }
0xf: {  	[smem:$0x3FB2] =	sst s7  }
0x10: {  	[smem:$0x3FB3] =	sst s8  }
0x11: {  	[smem:$0x3FB4] =	sst s9;
	s0 =	simm.s32 @!p0 $0x0  }
0x12: {  	s1 =	sld [smem:$0x3F9A];
	s0 =	simm.s32 @p0 $0x1  }
0x13: {  	[smem:$0x3FB5] =	sst s0;
	s0 =	simm.s32 @!p1 $0x0  }
0x14: {  	s2 =	sld [smem:$0x3F99];
	s0 =	simm.s32 @p1 $0x1  }
0x15: {  	[smem:$0x3FB6] =	sst s0;
	s0 =	simm.s32 @!p2 $0x0  }
0x16: {  	s3 =	sld [smem:$0x3FDB];
	s0 =	simm.s32 @p2 $0x1  }
0x17: {  	s4 =	simm.s32 $0x1BF5;
	[smem:$0x3FB8] =	sst s0  }
0x18: {  	s0 =	sld [smem:$0x3F9B];
	_ =	swait.ge [sflag:s4], $0x0  }
0x19: {  	s7 =	sld [smem:$0x3F9C]  }
0x1a: {  	s8 =	sadd.s32 $0xFFFFE003, lr  }
0x1b: {  	s9 =	sadd.s32 $0xFFFFFEF7, lr;
	s5 =	simm.s32 $0xFFFFFFFF;
	p2 =	slt.u32 s8, $0xFFFFF086  }
0x1c: {  	p1 =	slt.u32 s9, $0xF7A;
	s5 =	simm.s32 @!p2 $0x0  }
0x1d: {  	s5 =	simm.s32 @p1 $0x1;
	p0 =	seq.s32 s7, s2  }
0x1e: {  	s7 =	smul.u32 @!p0 $0xF7A, s2;
	p2 =	seq.s32 @!p0 s5, $0x0  }
0x1f: {  	s9 =	smul.u32 $0xF7A, s1;
	s8 =	simm.s32 @!p0 $0x1BF5;
	p2 =	por !p2, p0  }
0x20: {  	[sflag:s8] =	ssyncset.s32 @!p0 $0xFFFFF086;
	s6 =	sadd.s32 @!p0 s3, s7;
	s7 =	simm.s32 @!p0 $0x108  }
0x21: {  	s3 =	sadd.s32 s3, s9;
	s6 =	sadd.s32 @!p0 $0x88, s6;
	s7 =	simm.s32 @p2 $0x1082  }
0x22: {  	[simem:s7], [sflag:s8] =	dma.local @!p0 [hbm:s6], $0xF7A  }
0x23: {  	s9 =	sor.u32 $0xD0000000, s2;
	s6 =	simm.s32 $0x108;
	_ =	swait.ge @!p0 [sflag:s8], $0x0  }
0x24: {  	s3 =	sadd.s32 $0x88, s3;
	s6 =	simm.s32 @!p1 $0x1082;
	[sflag:s4] =	ssyncset.s32 $0xFFFFF086  }
0x25: {  	[simem:s6], [sflag:s4] =	dma.local [hbm:s3], $0xF7A  }
0x26: {  	[smem:$0x3F9C] =	sst s1;
	(tag) =	ssettag s2;
	_ =	strace s9  }
0x27: {  	s1 =	sld [smem:$0x3FAC]  }
0x28: {  	s2 =	sld [smem:$0x3FAD]  }
0x29: {  	s4 =	sld [smem:$0x3FAF]  }
0x2a: {  	p0 =	seq.s32 s5, $0x0;
	s5 =	sld [smem:$0x3FB0]  }
0x2b: {  	s6 =	sld [smem:$0x3FB1]  }
0x2c: {  	s7 =	sld [smem:$0x3FB2]  }
0x2d: {  	s3 =	simm.s32 $0x108;
	s8 =	sld [smem:$0x3FB3]  }
0x2e: {  	s3 =	simm.s32 @!p0 $0x1082;
	s9 =	sld [smem:$0x3FB4]  }
0x2f: {  	lr =	sadd.s32 s0, s3;
	s0 =	sld [smem:$0x3FAB]  }
0x30: {  	s3 =	sld [smem:$0x3FAE]  }
0x31: {  	[smem:$0x3FB7] =	sst s10  }
0x32: {  	s10 =	sld [smem:$0x3FB5];
	_ =	sdelay $0x3  }
0x33: {  	p0 =	seq.s32 s10, $0x1;
	s10 =	sld [smem:$0x3FB7];
	_ =	sdelay $0x3  }
0x34: {  	[smem:$0x3FB7] =	sst s10  }
0x35: {  	s10 =	sld [smem:$0x3FB6];
	_ =	sdelay $0x3  }
0x36: {  	p1 =	seq.s32 s10, $0x1;
	s10 =	sld [smem:$0x3FB7];
	_ =	sdelay $0x3  }
0x37: {  	[smem:$0x3FB7] =	sst s10  }
0x38: {  	s10 =	sld [smem:$0x3FB8]  }
0x39: {  	_ = 	snop;
	(pc) =	sbr.ind lr, $3  }
0x3a: {  	_ = 	snop  }
0x3b: {  	_ = 	snop  }
0x3c: {  	p2 =	seq.s32 s10, $0x1;
	s10 =	sld [smem:$0x3FB7]  }
0x3d: {  	_ =	shalt  }
0x3e: {  	_ =	shalt  }
0x3f: {  	_ =	shalt  }
0x40: {  	_ =	shalt  }
0x41: {  	_ =	shalt  }
0x42: {  	_ =	shalt  }
0x43: {  	_ =	shalt  }
0x44: {  	_ =	shalt  }
0x45: {  	_ =	shalt  }
0x46: {  	_ =	shalt  }
0x47: {  	_ =	shalt  }
0x48: {  	_ =	shalt  }
0x49: {  	_ =	shalt  }
0x4a: {  	_ =	shalt  }
0x4b: {  	_ =	shalt  }
0x4c: {  	_ =	shalt  }
0x4d: {  	_ =	shalt  }
0x4e: {  	_ =	shalt  }
0x4f: {  	_ =	shalt  }
0x50: {  	_ =	shalt  }
0x51: {  	_ =	shalt  }
0x52: {  	_ =	shalt  }
0x53: {  	_ =	shalt  }
0x54: {  	_ =	shalt  }
0x55: {  	_ =	shalt  }
0x56: {  	_ =	shalt  }
0x57: {  	_ =	shalt  }
0x58: {  	_ =	shalt  }
0x59: {  	_ =	shalt  }
0x5a: {  	_ =	shalt  }
0x5b: {  	_ =	shalt  }
0x5c: {  	_ =	shalt  }
0x5d: {  	_ =	shalt  }
0x5e: {  	_ =	shalt  }
0x5f: {  	_ =	shalt  }
0x60: {  	_ =	shalt  }
0x61: {  	_ =	shalt  }
0x62: {  	_ =	shalt  }
0x63: {  	_ =	shalt  }
0x64: {  	_ =	shalt  }
0x65: {  	_ =	shalt  }
0x66: {  	_ =	shalt  }
0x67: {  	_ =	shalt  }
0x68: {  	_ =	shalt  }
0x69: {  	_ =	shalt  }
0x6a: {  	_ =	shalt  }
0x6b: {  	_ =	shalt  }
0x6c: {  	_ =	shalt  }
0x6d: {  	_ =	shalt  }
0x6e: {  	_ =	shalt  }
0x6f: {  	_ =	shalt  }
0x70: {  	_ =	shalt  }
0x71: {  	_ =	shalt  }
0x72: {  	_ =	shalt  }
0x73: {  	_ =	shalt  }
0x74: {  	_ =	shalt  }
0x75: {  	_ =	shalt  }
0x76: {  	_ =	shalt  }
0x77: {  	_ =	shalt  }
0x78: {  	_ =	shalt  }
0x79: {  	_ =	shalt  }
0x7a: {  	_ =	shalt  }
0x7b: {  	_ =	shalt  }
0x7c: {  	_ =	shalt  }
0x7d: {  	_ =	shalt  }
0x7e: {  	_ =	shalt  }
0x7f: {  	_ =	shalt  }
0x80: {  	_ =	shalt  }
0x81: {  	_ =	shalt  }
0x82: {  	_ =	shalt  }
0x83: {  	_ =	shalt  }
0x84: {  	_ =	shalt  }
0x85: {  	_ =	shalt  }
0x86: {  	_ =	shalt  }
0x87: {  	_ =	shalt  }
.Lfunc_end0:
.L_simem_size_0:
called_computation_lowered:
.L_overlay_start_0:
0x88: {  	s2 =	sld [smem:$0x3FD9]  }
0x89: {  	s3 =	sld [smem:$0x3FFE];
	_ =	sdelay $0x1  }
0x8a: {  	s1 =	srdreg.scid  }
0x8b: {  	s0 =	sand.u32 $0x1, s1  }
0x8c: {  	s14 =	sshll.u32 s0, $0xA;
	s2 =	sadd.s32 s3, s2  }
0x8d: {  	s2 =	sadd.s32 s2, s14  }
0x8e: {  	[smem:$0x3FC3] =	sst s2  }
0x8f: {  	_ = 	snop  }
0x90: {  	s2 =	sld [smem:$0x3FD0];
	_ =	sdelay $0x1  }
0x91: {  	s15 =	sld [smem:$0x3FC9]  }
0x92: {  	s5 =	simm.s32 $0xA;
	s6 =	simm.s32 $0x10;
	s4 =	sld [smem:$0x3FC8]  }
0x93: {  	[smem:s6], [sflag:s5] =	dma.local [hbm:s2], $0x1  }
0x94: {  	_ =	swait.eq [sflag:s5], $0x1  }
0x95: {  	[sflag:s5] =	ssyncset.done $0x0  }
0x96: {  	[sflag:s5] =	ssyncadd.s32 $0xFFFFFFFF  }
0x97: {  	s16 =	sld [smem:$0x13];
	(tm) =	ssettm $0x1  }
0x98: {  	s17 =	sld [smem:$0x3FFB];
	_ =	sdelay $0x3  }
0x99: {  	_ =	strace s17  }
0x9a: {  	s5 =	sld [smem:$0x3FFC];
	_ =	sdelay $0x3  }
0x9b: {  	_ =	strace s5  }
0x9c: {  	s5 =	sld [smem:$0x3FFD];
	_ =	sdelay $0x3  }
0x9d: {  	_ =	strace s5  }
0x9e: {  	_ =	strace $0x8FFFFFFF  }
0x9f: {  	s18 =	sld [smem:$0x3FDB];
	_ =	sdelay $0x1  }
0xa0: {  	s19 =	simm.s32 $_scs_section_size  }
0xa1: {  	s7 =	simm.s32 $_size__tile_overlayer_lowered;
	s8 =	simm.s32 $_tile_overlayer_lowered  }
0xa2: {  	s22 =	simm.s32 $0x1BFF;
	s21 =	sshll.u32 s8, $0x1;
	s5 =	sadd.s32 s19, s18  }
0xa3: {  	s9 =	simm.s32 $0x0;
	s20 =	sshll.u32 s7, $0x1;
	s7 =	sadd.s32 s21, s5  }
0xa4: {  	[timem:s9], [sflag:s22] =	dma.local [hbm:s7], s20  }
0xa5: {  	_ =	swait.ge [sflag:s22], s20  }
0xa6: {  	s6 =	ssub.s32 $0x0, s20;
	[sflag:s22] =	ssyncset.done $0x0  }
0xa7: {  	[sflag:s22] =	ssyncadd.s32 s6;
	_ =	sdelay $0x1  }
0xa8: {  	s23 =	simm.s32 $0x1B8B  }
0xa9: {  	_ =	swait.ge [sflag:s23], $0x1  }
0xaa: {  	[sflag:s23] =	ssyncset.done $0x0  }
0xab: {  	s25 =	simm.s32 $0x1B8E;
	s24 =	sld [smem:$0x3FFE];
	[sflag:s23] =	ssyncadd.s32 $0xFFFFFFFF  }
0xac: {  	s26 =	simm.s32 $execute0_lowered;
	[smem:$0x3FD2] =	sst s25  }
0xad: {  	s7 =	sshll.u32 s26, $0x1;
	_ =	strace $0x80000046;
	[dreg:$0x1] =	wrdreg $0xFFFFFFFF  }
0xae: {  	s28 =	simm.s32 $_size_execute0_lowered;
	s5 =	sadd.s32 s5, s7;
	[dreg:$0x0] =	wrdreg $0x0  }
0xaf: {  	s7 =	sshll.u32 s28, $0x1;
	[dreg:$0x2] =	wrdreg s5  }
0xb0: {  	[dreg:$0x3] =	wrdreg s7  }
0xb1: {  	[dreg:$0x4] =	wrdreg $0xC0  }
0xb2: {  	_ =	task [dreg:s9], $0x5FFFF  }
0xb3: {  	[dreg:$0x1] =	wrdreg $0xFFFFFFFF  }
0xb4: {  	[dreg:$0x0] =	wrdreg $0x60  }
0xb5: {  	[dreg:$0x2] =	wrdreg s15  }
0xb6: {  	[dreg:$0x3] =	wrdreg s4  }
0xb7: {  	[dreg:$0x4] =	wrdreg s24  }
0xb8: {  	[dreg:$0x5] =	wrdreg s16  }
0xb9: {  	[dreg:$0x6] =	wrdreg $0x9  }
0xba: {  	_ =	task.clear_ibuf [dreg:s9], $0x7FFFF;
	_ =	strace $0x90000046  }
0xbb: {  	s29 =	simm.s32 $0x9;
	_ =	strace $0x80000048  }
0xbc: {  	_ =	swait.ge [sflag:s29], $0x1  }
0xbd: {  	[sflag:s29] =	ssyncadd.s32 $0xFFFFFFFF  }
0xbe: {  	_ =	strace $0x90000048  }
0xbf: {  	_ =	sfence  }
0xc0: {  	s30 =	sld [smem:$0x0];
	_ =	sdelay $0x2  }
0xc1: {  	s31 =	sshll.u32 s1, $0xD;
	s1 =	sshrl.u32 s1, $0x2  }
0xc2: {  	s3 =	sand.u32 $0x4000, s31;
	s1 =	sadd.s32 s1, s30  }
0xc3: {  	s0 =	sor.u32 s3, s0;
	s1 =	sshll.u32 s1, $0x11  }
0xc4: {  	s0 =	sor.u32 s1, s0  }
0xc5: {  	s0 =	sadd.s32 $0x8F2B, s0  }
0xc6: {  	[sflag:s0] =	ssyncadd.remote.s32 $0x1  }
0xc7: {  	_ =	sfence.sel $0xFFFF  }
0xc8: {  	[dreg:$0x0] =	wrdreg $0xFFFFFFFF;
	(pc) =	sbr.abs _section_cstart, $3  }
0xc9: {  	[dreg:$0x1] =	wrdreg $0xFFFFFFFF  }
0xca: {  	_ =	task.clear_ibuf [dreg:s9], $0x2FFFF;
	_ =	strace $0x9FFFFFFF  }
0xcb: {  	(tm) =	ssettm $0x7FFFFFFF  }
tec
execute0_lowered:
.L_overlay_start_1:
0x0: {  	(tag) =	ssettag $0x1  }
0x1: {  	v0 =	vlaneseq.u32  }
0x2: {  	v0 =	vmul.u32 $0x80, v0;
	_ =	sdelay $0x1  }
0x3: {  	s0 =	rddreg [dreg:$0x0];
	v1 =	vor.u32 $0x1, v0;
	v8 =	vor.u32 $0x8, v0  }
0x4: {  	s1 =	rddreg [dreg:$0x1];
	v9 =	vor.u32 $0x9, v0;
	v10 =	vor.u32 $0xA, v0;
	v11 =	vor.u32 $0xB, v0  }
0x5: {  	s4 =	rddreg [dreg:$0x2];
	v12 =	vor.u32 $0xC, v0;
	v13 =	vor.u32 $0xD, v0;
	v14 =	vor.u32 $0xE, v0  }
0x6: {  	s5 =	rddreg [dreg:$0x3];
	s2 =	simm.s32 $0x0;
	v15 =	vor.u32 $0xF, v0;
	v16 =	vor.u32 $0x10, v0;
	v17 =	vor.u32 $0x11, v0  }
0x7: {  	s3 =	srdreg.scid;
	s7 =	stileid.u32;
	s29 =	simm.s32 $0x5;
	v18 =	vor.u32 $0x12, v0;
	v19 =	vor.u32 $0x13, v0;
	v20 =	vor.u32 $0x14, v0  }
0x8: {  	s11 =	simm.s32 $0x400;
	s12 =	simm.s32 $0x1400;
	s31 =	simm.s32 $0xC00;
	v21 =	vor.u32 $0x15, v0;
	v22 =	vor.u32 $0x16, v0;
	v23 =	vor.u32 $0x17, v0  }
0x9: {  	s10 =	simm.s32 $0x1000;
	s13 =	simm.s32 $0x1180;
	s14 =	simm.s32 $0x2180;
	v24 =	vor.u32 $0x18, v0;
	v25 =	vor.u32 $0x19, v0;
	v26 =	vor.u32 $0x1A, v0  }
0xa: {  	s15 =	simm.s32 $0x1200;
	s16 =	simm.s32 $0x2200;
	s17 =	simm.s32 $0x1280;
	v27 =	vor.u32 $0x1B, v0;
	v28 =	vor.u32 $0x1C, v0;
	v29 =	vor.u32 $0x1D, v0  }
0xb: {  	s18 =	simm.s32 $0x2280;
	s19 =	simm.s32 $0x1300;
	s20 =	simm.s32 $0x2300;
	v30 =	vor.u32 $0x1E, v0;
	v31 =	vor.u32 $0x1F, v0;
	v32 =	vor.u32 $0x800, v0  }
0xc: {  	s21 =	simm.s32 $0x1380;
	s22 =	simm.s32 $0x2380;
	s23 =	simm.s32 $0x1;
	v33 =	vor.u32 $0x801, v0;
	v34 =	vor.u32 $0x802, v0;
	v35 =	vor.u32 $0x803, v0  }
0xd: {  	s24 =	simm.s32 $0x3;
	s25 =	simm.s32 $0x2;
	[smem:$0x7FF] =	sst s2;
	v36 =	vor.u32 $0x804, v0;
	v37 =	vor.u32 $0x805, v0;
	v38 =	vor.u32 $0x806, v0  }
0xe: {  	s3 =	sand.u32 $0x1, s3;
	s7 =	sshll.u32 s7, $0x7;
	_ =	strace $0x80000047;
	v39 =	vor.u32 $0x807, v0;
	v40 =	vor.u32 $0x808, v0;
	v41 =	vor.u32 $0x809, v0  }
0xf: {  	s6 =	ssub.s32 $0x2, s3;
	s8 =	sshll.u32 s3, $0x6;
	s3 =	sadd.s32 $0xA00, s4;
	v42 =	vor.u32 $0x80A, v0;
	v43 =	vor.u32 $0x80B, v0;
	v44 =	vor.u32 $0x80C, v0  }
0x10: {  	s4 =	sadd.s32 $0xF42E00, s4;
	s9 =	sshrl.u32 s6, $0x1;
	s7 =	sor.u32 s8, s7;
	v45 =	vor.u32 $0x80D, v0;
	v46 =	vor.u32 $0x80E, v0;
	[tilespmem:$0x1FF90] =	vst v1;
	v1 =	vor.u32 $0x2, v0  }
0x11: {  	s8 =	simm.s32 $0x1100;
	v47 =	vor.u32 $0x80F, v0;
	v48 =	vor.u32 $0x810, v0;
	s6 =	ssub.s32 s6, s9;
	s0 =	sadd.s32 s0, s7;
	[tilespmem:$0x1FFA0] =	vst v1;
	v1 =	vor.u32 $0x3, v0  }
.Ltmp0:
0x12: {  	v49 =	vor.u32 $0x811, v0;
	v50 =	vor.u32 $0x812, v0;
	s26 =	sadd.s32 s1, s7;
	s28 =	sadd.s32 s5, s7;
	[tilespmem:$0x1FFB0] =	vst v1;
	v1 =	vor.u32 $0x4, v0;
	(pc) =	sbr.rel .LBB2_1-.Ltmp0, $4  }
0x13: {  	v51 =	vor.u32 $0x813, v0;
	v52 =	vor.u32 $0x814, v0;
	s1 =	simm.s32 $0x1F80;
	s5 =	simm.s32 $0x2000;
	[dreg:$0x5] =	wrdreg s0;
	[tilespmem:$0x1FFC0] =	vst v1;
	v1 =	vor.u32 $0x5, v0  }
0x14: {  	v53 =	vor.u32 $0x815, v0;
	v54 =	vor.u32 $0x816, v0;
	s7 =	simm.s32 $0x2080;
	s9 =	simm.s32 $0x2100;
	[dreg:$0x6] =	wrdreg s26;
	[tilespmem:$0x1FFD0] =	vst v1;
	v1 =	vor.u32 $0x6, v0  }
0x15: {  	v55 =	vor.u32 $0x817, v0;
	v56 =	vor.u32 $0x818, v0;
	[dreg:$0x7] =	wrdreg s28;
	s30 =	smax.u32 s6, $0x1;
	s6 =	simm.s32 $0x1080;
	[tilespmem:$0x1FFE0] =	vst v1;
	v1 =	vor.u32 $0x7, v0  }
0x16: {  	v57 =	vor.u32 $0x819, v0;
	v58 =	vor.u32 $0x81A, v0;
	v59 =	vor.u32 $0x81B, v0;
	s26 =	simm.s32 $0x4;
	s0 =	simm.s32 $0x0;
	[dreg:$0x8] =	wrdreg s30;
	[tilespmem:$0x1FFF0] =	vst v1  }
.LBB2_5:
0x17: {  	s28 =	rddreg [dreg:$0x7];
	s0 =	simm.s32 $0x2400;
	s29 =	simm.s32 $0x5  }
0x18: {  	[hbm4b:s28+s2] =	stream.linear.scatter [tilespmem:s0], [sflag:$0x5], $0x200, $0x38;
	[tilespmem:$0x2600] =	vst v63  }
0x19: {  	_ =	swait.ge [sflag:s29], $0x200  }
0x1a: {  	s28 =	rddreg [dreg:$0x9]  }
0x1b: {  	s30 =	rddreg [dreg:$0x8];
	s0 =	sadd.s32 $0x1, s28  }
0x1c: {  	p0 =	sne.s32 s0, s30  }
.Ltmp1:
0x1d: {  	_ = 	snop;
	(pc) =	sbr.rel @!p0 .LBB2_6-.Ltmp1, $3  }
0x1e: {  	_ =	sdelay $0x1  }
0x1f: {  	[sflag:s29] =	ssyncset.done $0x0  }
0x20: {  	[sflag:s29] =	ssyncadd.s32 $0xFFFFFE00  }
.LBB2_1:
0x21: {  	[dreg:$0x9] =	wrdreg s0  }
0x22: {  	s28 =	rddreg [dreg:$0x5]  }
0x23: {  	[tilespmem:s2], [sflag:$0x5] =	stream.linear.gather [hbm4b:s28+s2], $0x200, $0x38;
	[tilespmem:$0x2600] =	vst v63  }
0x24: {  	_ =	swait.ge [sflag:s29], $0x200  }
0x25: {  	[sflag:s29] =	ssyncset.done $0x0  }
0x26: {  	s30 =	simm.s32 $0x200;
	s28 =	rddreg [dreg:$0x6];
	[sflag:s29] =	ssyncadd.s32 $0xFFFFFE00  }
0x27: {  	[tilespmem:s30], [sflag:$0x5] =	stream.linear.gather [hbm4b:s28+s2], $0x200, $0x38;
	[tilespmem:$0x2600] =	vst v63  }
0x28: {  	_ =	swait.ge [sflag:s29], $0x200  }
0x29: {  	[sflag:s29] =	ssyncset.done $0x0  }
0x2a: {  	[sflag:s29] =	ssyncadd.s32 $0xFFFFFE00  }
0x2b: {  	v60 =	vld [tilespmem:$0x0];
	_ =	sdelay $0x3  }
0x2c: {  	v62 =	vld [tilespmem:$0x200]  }
0x2d: {  	v61 =	vshll.u32 v60, $0x4  }
0x2e: {  	(v2sf) =	vpush v61, $0x0;
	_ =	sdelay $0x2  }
0x2f: {  	v5 =	vshll.u32 v62, $0x4  }
0x30: {  	(v2sf) =	vpush v5, $0x0;
	_ =	sdelay $0x3  }
0x31: {  	(v2sf) =	vpush v61, $0x1;
	_ =	sdelay $0x3  }
0x32: {  	(v2sf) =	vpush v5, $0x1;
	_ =	sdelay $0x2  }
0x33: {  	s28 =	spop (v2sf)  }
0x34: {  	(v2sf) =	vpush v61, $0x2;
	s28 =	sand.u32 $0x1FFFFFF0, s28  }
0x35: {  	s28 =	sadd.s32 s3, s28  }
0x36: {  	[tilespmem:s11], [sflag:$0x1] =	stream.linear.gather [hbm4b:s28+s2], $0x80, $0x38;
	[tilespmem:$0x2600] =	vst v63  }
0x37: {  	s28 =	spop (v2sf)  }
0x38: {  	(v2sf) =	vpush v5, $0x2;
	s28 =	sand.u32 $0x1FFFFFF0, s28  }
0x39: {  	s28 =	sadd.s32 s4, s28  }
0x3a: {  	[tilespmem:s12], [sflag:$0x3] =	stream.linear.gather [hbm4b:s28+s2], $0x80, $0x38;
	[tilespmem:$0x2600] =	vst v63  }
0x3b: {  	s28 =	spop (v2sf)  }
0x3c: {  	(v2sf) =	vpush v61, $0x3;
	s28 =	sand.u32 $0x1FFFFFF0, s28  }
0x3d: {  	s0 =	simm.s32 $0x480;
	s28 =	sadd.s32 s3, s28  }
0x3e: {  	[tilespmem:s0], [sflag:$0x1] =	stream.linear.gather [hbm4b:s28+s2], $0x80, $0x38;
	[tilespmem:$0x2600] =	vst v63  }
0x3f: {  	s28 =	spop (v2sf)  }
0x40: {  	(v2sf) =	vpush v5, $0x3;
	s28 =	sand.u32 $0x1FFFFFF0, s28  }
0x41: {  	s30 =	simm.s32 $0x1480;
	s28 =	sadd.s32 s4, s28  }
0x42: {  	[tilespmem:s30], [sflag:$0x3] =	stream.linear.gather [hbm4b:s28+s2], $0x80, $0x38;
	[tilespmem:$0x2600] =	vst v63  }
0x43: {  	s28 =	spop (v2sf)  }
0x44: {  	(v2sf) =	vpush v61, $0x4;
	s28 =	sand.u32 $0x1FFFFFF0, s28  }
0x45: {  	s0 =	simm.s32 $0x500;
	s28 =	sadd.s32 s3, s28  }
0x46: {  	[tilespmem:s0], [sflag:$0x1] =	stream.linear.gather [hbm4b:s28+s2], $0x80, $0x38;
	[tilespmem:$0x2600] =	vst v63  }
0x47: {  	s28 =	spop (v2sf)  }
0x48: {  	(v2sf) =	vpush v5, $0x4;
	s28 =	sand.u32 $0x1FFFFFF0, s28  }
0x49: {  	s30 =	simm.s32 $0x1500;
	s28 =	sadd.s32 s4, s28  }
0x4a: {  	[tilespmem:s30], [sflag:$0x3] =	stream.linear.gather [hbm4b:s28+s2], $0x80, $0x38;
	[tilespmem:$0x2600] =	vst v63  }
0x4b: {  	s28 =	spop (v2sf)  }
0x4c: {  	(v2sf) =	vpush v61, $0x5;
	s28 =	sand.u32 $0x1FFFFFF0, s28  }
0x4d: {  	s0 =	simm.s32 $0x580;
	s28 =	sadd.s32 s3, s28  }
0x4e: {  	[tilespmem:s0], [sflag:$0x1] =	stream.linear.gather [hbm4b:s28+s2], $0x80, $0x38;
	[tilespmem:$0x2600] =	vst v63  }
0x4f: {  	s28 =	spop (v2sf)  }
0x50: {  	(v2sf) =	vpush v5, $0x5;
	s28 =	sand.u32 $0x1FFFFFF0, s28  }
0x51: {  	s30 =	simm.s32 $0x1580;
	s28 =	sadd.s32 s4, s28  }
0x52: {  	[tilespmem:s30], [sflag:$0x3] =	stream.linear.gather [hbm4b:s28+s2], $0x80, $0x38;
	[tilespmem:$0x2600] =	vst v63  }
0x53: {  	s28 =	spop (v2sf)  }
0x54: {  	(v2sf) =	vpush v61, $0x6;
	s28 =	sand.u32 $0x1FFFFFF0, s28  }
0x55: {  	s0 =	simm.s32 $0x600;
	s28 =	sadd.s32 s3, s28  }
0x56: {  	[tilespmem:s0], [sflag:$0x1] =	stream.linear.gather [hbm4b:s28+s2], $0x80, $0x38;
	[tilespmem:$0x2600] =	vst v63  }
0x57: {  	s28 =	spop (v2sf)  }
0x58: {  	(v2sf) =	vpush v5, $0x6;
	s28 =	sand.u32 $0x1FFFFFF0, s28  }
0x59: {  	s30 =	simm.s32 $0x1600;
	s28 =	sadd.s32 s4, s28  }
0x5a: {  	[tilespmem:s30], [sflag:$0x3] =	stream.linear.gather [hbm4b:s28+s2], $0x80, $0x38;
	[tilespmem:$0x2600] =	vst v63  }
0x5b: {  	s28 =	spop (v2sf)  }
0x5c: {  	(v2sf) =	vpush v61, $0x7;
	s28 =	sand.u32 $0x1FFFFFF0, s28  }
0x5d: {  	s0 =	simm.s32 $0x680;
	s28 =	sadd.s32 s3, s28  }
0x5e: {  	[tilespmem:s0], [sflag:$0x1] =	stream.linear.gather [hbm4b:s28+s2], $0x80, $0x38;
	[tilespmem:$0x2600] =	vst v63  }
0x5f: {  	s28 =	spop (v2sf)  }
0x60: {  	(v2sf) =	vpush v5, $0x7;
	s28 =	sand.u32 $0x1FFFFFF0, s28  }
0x61: {  	s30 =	simm.s32 $0x1680;
	s28 =	sadd.s32 s4, s28  }
0x62: {  	[tilespmem:s30], [sflag:$0x3] =	stream.linear.gather [hbm4b:s28+s2], $0x80, $0x38;
	[tilespmem:$0x2600] =	vst v63  }
0x63: {  	s28 =	spop (v2sf)  }
0x64: {  	(v2sf) =	vpush v61, $0x8;
	s28 =	sand.u32 $0x1FFFFFF0, s28  }
0x65: {  	s0 =	simm.s32 $0x700;
	s28 =	sadd.s32 s3, s28  }
0x66: {  	[tilespmem:s0], [sflag:$0x1] =	stream.linear.gather [hbm4b:s28+s2], $0x80, $0x38;
	[tilespmem:$0x2600] =	vst v63  }
0x67: {  	s28 =	spop (v2sf)  }
0x68: {  	(v2sf) =	vpush v5, $0x8;
	s28 =	sand.u32 $0x1FFFFFF0, s28  }
0x69: {  	s30 =	simm.s32 $0x1700;
	s28 =	sadd.s32 s4, s28  }
0x6a: {  	[tilespmem:s30], [sflag:$0x3] =	stream.linear.gather [hbm4b:s28+s2], $0x80, $0x38;
	[tilespmem:$0x2600] =	vst v63  }
0x6b: {  	s28 =	spop (v2sf)  }
0x6c: {  	(v2sf) =	vpush v61, $0x9;
	s28 =	sand.u32 $0x1FFFFFF0, s28  }
0x6d: {  	s0 =	simm.s32 $0x780;
	s28 =	sadd.s32 s3, s28  }
0x6e: {  	[tilespmem:s0], [sflag:$0x1] =	stream.linear.gather [hbm4b:s28+s2], $0x80, $0x38;
	[tilespmem:$0x2600] =	vst v63  }
0x6f: {  	s28 =	spop (v2sf)  }
0x70: {  	(v2sf) =	vpush v5, $0x9;
	s28 =	sand.u32 $0x1FFFFFF0, s28  }
0x71: {  	s30 =	simm.s32 $0x1780;
	s28 =	sadd.s32 s4, s28  }
0x72: {  	[tilespmem:s30], [sflag:$0x3] =	stream.linear.gather [hbm4b:s28+s2], $0x80, $0x38;
	[tilespmem:$0x2600] =	vst v63  }
0x73: {  	s28 =	spop (v2sf)  }
0x74: {  	(v2sf) =	vpush v61, $0xA;
	s28 =	sand.u32 $0x1FFFFFF0, s28  }
0x75: {  	s0 =	simm.s32 $0x800;
	s28 =	sadd.s32 s3, s28  }
0x76: {  	[tilespmem:s0], [sflag:$0x1] =	stream.linear.gather [hbm4b:s28+s2], $0x80, $0x38;
	[tilespmem:$0x2600] =	vst v63  }
0x77: {  	s28 =	spop (v2sf)  }
0x78: {  	(v2sf) =	vpush v5, $0xA;
	s28 =	sand.u32 $0x1FFFFFF0, s28  }
0x79: {  	s30 =	simm.s32 $0x1800;
	s28 =	sadd.s32 s4, s28  }
0x7a: {  	[tilespmem:s30], [sflag:$0x3] =	stream.linear.gather [hbm4b:s28+s2], $0x80, $0x38;
	[tilespmem:$0x2600] =	vst v63  }
0x7b: {  	s28 =	spop (v2sf)  }
0x7c: {  	(v2sf) =	vpush v61, $0xB;
	s28 =	sand.u32 $0x1FFFFFF0, s28  }
0x7d: {  	s0 =	simm.s32 $0x880;
	s28 =	sadd.s32 s3, s28  }
0x7e: {  	[tilespmem:s0], [sflag:$0x1] =	stream.linear.gather [hbm4b:s28+s2], $0x80, $0x38;
	[tilespmem:$0x2600] =	vst v63  }
0x7f: {  	s28 =	spop (v2sf)  }
0x80: {  	(v2sf) =	vpush v5, $0xB;
	s28 =	sand.u32 $0x1FFFFFF0, s28  }
0x81: {  	s30 =	simm.s32 $0x1880;
	s28 =	sadd.s32 s4, s28  }
0x82: {  	[tilespmem:s30], [sflag:$0x3] =	stream.linear.gather [hbm4b:s28+s2], $0x80, $0x38;
	[tilespmem:$0x2600] =	vst v63  }
0x83: {  	s28 =	spop (v2sf)  }
0x84: {  	(v2sf) =	vpush v61, $0xC;
	s28 =	sand.u32 $0x1FFFFFF0, s28  }
0x85: {  	s0 =	simm.s32 $0x900;
	s28 =	sadd.s32 s3, s28  }
0x86: {  	[tilespmem:s0], [sflag:$0x1] =	stream.linear.gather [hbm4b:s28+s2], $0x80, $0x38;
	[tilespmem:$0x2600] =	vst v63  }
0x87: {  	s28 =	spop (v2sf)  }
0x88: {  	(v2sf) =	vpush v5, $0xC;
	s28 =	sand.u32 $0x1FFFFFF0, s28  }
0x89: {  	s30 =	simm.s32 $0x1900;
	s28 =	sadd.s32 s4, s28  }
0x8a: {  	[tilespmem:s30], [sflag:$0x3] =	stream.linear.gather [hbm4b:s28+s2], $0x80, $0x38;
	[tilespmem:$0x2600] =	vst v63  }
0x8b: {  	s28 =	spop (v2sf)  }
0x8c: {  	(v2sf) =	vpush v61, $0xD;
	s28 =	sand.u32 $0x1FFFFFF0, s28  }
0x8d: {  	s0 =	simm.s32 $0x980;
	s28 =	sadd.s32 s3, s28  }
0x8e: {  	[tilespmem:s0], [sflag:$0x1] =	stream.linear.gather [hbm4b:s28+s2], $0x80, $0x38;
	[tilespmem:$0x2600] =	vst v63  }
0x8f: {  	s28 =	spop (v2sf)  }
0x90: {  	(v2sf) =	vpush v5, $0xD;
	s28 =	sand.u32 $0x1FFFFFF0, s28  }
0x91: {  	s30 =	simm.s32 $0x1980;
	s28 =	sadd.s32 s4, s28  }
0x92: {  	[tilespmem:s30], [sflag:$0x3] =	stream.linear.gather [hbm4b:s28+s2], $0x80, $0x38;
	[tilespmem:$0x2600] =	vst v63  }
0x93: {  	s28 =	spop (v2sf)  }
0x94: {  	(v2sf) =	vpush v61, $0xE;
	s28 =	sand.u32 $0x1FFFFFF0, s28  }
0x95: {  	s0 =	simm.s32 $0xA00;
	s28 =	sadd.s32 s3, s28  }
0x96: {  	[tilespmem:s0], [sflag:$0x1] =	stream.linear.gather [hbm4b:s28+s2], $0x80, $0x38;
	[tilespmem:$0x2600] =	vst v63  }
0x97: {  	s28 =	spop (v2sf)  }
0x98: {  	(v2sf) =	vpush v5, $0xE;
	s28 =	sand.u32 $0x1FFFFFF0, s28  }
0x99: {  	s30 =	simm.s32 $0x1A00;
	s28 =	sadd.s32 s4, s28  }
0x9a: {  	[tilespmem:s30], [sflag:$0x3] =	stream.linear.gather [hbm4b:s28+s2], $0x80, $0x38;
	[tilespmem:$0x2600] =	vst v63  }
0x9b: {  	s28 =	spop (v2sf)  }
0x9c: {  	(v2sf) =	vpush v61, $0xF;
	s28 =	sand.u32 $0x1FFFFFF0, s28  }
0x9d: {  	s0 =	simm.s32 $0xA80;
	s28 =	sadd.s32 s3, s28  }
0x9e: {  	[tilespmem:s0], [sflag:$0x1] =	stream.linear.gather [hbm4b:s28+s2], $0x80, $0x38;
	[tilespmem:$0x2600] =	vst v63  }
0x9f: {  	s28 =	spop (v2sf)  }
0xa0: {  	(v2sf) =	vpush v5, $0xF;
	s28 =	sand.u32 $0x1FFFFFF0, s28  }
0xa1: {  	s30 =	simm.s32 $0x1A80;
	s28 =	sadd.s32 s4, s28  }
0xa2: {  	[tilespmem:s30], [sflag:$0x3] =	stream.linear.gather [hbm4b:s28+s2], $0x80, $0x38;
	[tilespmem:$0x2600] =	vst v63  }
0xa3: {  	s28 =	spop (v2sf)  }
0xa4: {  	s28 =	sand.u32 $0x1FFFFFF0, s28  }
0xa5: {  	s0 =	simm.s32 $0xB00;
	s28 =	sadd.s32 s3, s28  }
0xa6: {  	[tilespmem:s0], [sflag:$0x1] =	stream.linear.gather [hbm4b:s28+s2], $0x80, $0x38;
	[tilespmem:$0x2600] =	vst v63  }
0xa7: {  	s28 =	spop (v2sf)  }
0xa8: {  	s28 =	sand.u32 $0x1FFFFFF0, s28  }
0xa9: {  	s30 =	simm.s32 $0x1B00;
	s28 =	sadd.s32 s4, s28  }
0xaa: {  	[tilespmem:s30], [sflag:$0x3] =	stream.linear.gather [hbm4b:s28+s2], $0x80, $0x38;
	[tilespmem:$0x2600] =	vst v63  }
0xab: {  	s28 =	spop (v2sf)  }
0xac: {  	s28 =	sand.u32 $0x1FFFFFF0, s28  }
0xad: {  	s0 =	simm.s32 $0xB80;
	s28 =	sadd.s32 s3, s28  }
0xae: {  	[tilespmem:s0], [sflag:$0x1] =	stream.linear.gather [hbm4b:s28+s2], $0x80, $0x38;
	[tilespmem:$0x2600] =	vst v63  }
.Ltmp2:
0xaf: {  	s28 =	spop (v2sf);
	(pc) =	sbr.rel .LBB2_2-.Ltmp2, $4  }
0xb0: {  	s28 =	sand.u32 $0x1FFFFFF0, s28  }
0xb1: {  	s30 =	simm.s32 $0x1B80;
	s28 =	sadd.s32 s4, s28  }
0xb2: {  	[tilespmem:s30], [sflag:$0x3] =	stream.linear.gather [hbm4b:s28+s2], $0x80, $0x38;
	[tilespmem:$0x2600] =	vst v63  }
0xb3: {  	s28 =	simm.s32 $0x0  }
.LBB2_4:
0xb4: {  	_ =	swait.ge [sflag:s25], $0x800  }
0xb5: {  	[sflag:s25] =	ssyncset.done $0x0  }
0xb6: {  	[sflag:s25] =	ssyncadd.s32 $0xFFFFF800  }
0xb7: {  	_ =	swait.ge [sflag:s26], $0x800  }
0xb8: {  	[sflag:s26] =	ssyncset.done $0x0  }
0xb9: {  	[sflag:s26] =	ssyncadd.s32 $0xFFFFF800  }
0xba: {  	v1 =	vld.idx.msk [tilespmem:v32+s11+$0x0], $0xffff  }
0xbb: {  	v2 =	vld.idx.msk [tilespmem:v32+s12+$0x0], $0xffff  }
0xbc: {  	v3 =	vld.idx.msk [tilespmem:v33+s11+$0x0], $0xffff  }
0xbd: {  	v4 =	vld.idx.msk [tilespmem:v33+s12+$0x0], $0xffff  }
0xbe: {  	v60 =	vld.idx.msk [tilespmem:v34+s11+$0x0], $0xffff  }
0xbf: {  	v61 =	vld.idx.msk [tilespmem:v34+s12+$0x0], $0xffff  }
0xc0: {  	v62 =	vld.idx.msk [tilespmem:v35+s12+$0x0], $0xffff;
	v1 =	vmul.f32 v2, v1  }
0xc1: {  	v2 =	vld.idx.msk [tilespmem:v35+s11+$0x0], $0xffff  }
0xc2: {  	v63 =	vld.idx.msk [tilespmem:v36+s12+$0x0], $0xffff;
	v3 =	vmul.f32 v4, v3;
	v1 =	vadd.f32 $0.0e+00, v1  }
0xc3: {  	v4 =	vld.idx.msk [tilespmem:v36+s11+$0x0], $0xffff  }
0xc4: {  	v1 =	vadd.f32 v3, v1;
	v3 =	vmul.f32 v61, v60;
	v60 =	vld.idx.msk [tilespmem:v37+s11+$0x0], $0xffff  }
0xc5: {  	v61 =	vld.idx.msk [tilespmem:v37+s12+$0x0], $0xffff  }
0xc6: {  	v2 =	vmul.f32 v62, v2;
	v62 =	vld.idx.msk [tilespmem:v38+s12+$0x0], $0xffff;
	v1 =	vadd.f32 v3, v1  }
0xc7: {  	v3 =	vld.idx.msk [tilespmem:v38+s11+$0x0], $0xffff  }
0xc8: {  	v1 =	vadd.f32 v2, v1;
	v2 =	vmul.f32 v63, v4;
	v4 =	vld.idx.msk [tilespmem:v39+s11+$0x0], $0xffff  }
0xc9: {  	v63 =	vld.idx.msk [tilespmem:v39+s12+$0x0], $0xffff  }
0xca: {  	v1 =	vadd.f32 v2, v1;
	v2 =	vmul.f32 v61, v60;
	v60 =	vld.idx.msk [tilespmem:v40+s11+$0x0], $0xffff  }
0xcb: {  	v61 =	vld.idx.msk [tilespmem:v40+s12+$0x0], $0xffff  }
0xcc: {  	v1 =	vadd.f32 v2, v1;
	v2 =	vmul.f32 v62, v3;
	v3 =	vld.idx.msk [tilespmem:v41+s11+$0x0], $0xffff  }
0xcd: {  	v62 =	vld.idx.msk [tilespmem:v41+s12+$0x0], $0xffff  }
0xce: {  	v1 =	vadd.f32 v2, v1;
	v2 =	vmul.f32 v63, v4;
	v4 =	vld.idx.msk [tilespmem:v42+s11+$0x0], $0xffff  }
0xcf: {  	v63 =	vld.idx.msk [tilespmem:v42+s12+$0x0], $0xffff  }
0xd0: {  	v1 =	vadd.f32 v2, v1;
	v2 =	vmul.f32 v61, v60;
	v60 =	vld.idx.msk [tilespmem:v43+s11+$0x0], $0xffff  }
0xd1: {  	v61 =	vld.idx.msk [tilespmem:v43+s12+$0x0], $0xffff  }
0xd2: {  	v1 =	vadd.f32 v2, v1;
	v2 =	vmul.f32 v62, v3;
	v3 =	vld.idx.msk [tilespmem:v44+s11+$0x0], $0xffff  }
0xd3: {  	v62 =	vld.idx.msk [tilespmem:v44+s12+$0x0], $0xffff  }
0xd4: {  	v1 =	vadd.f32 v2, v1;
	v2 =	vmul.f32 v63, v4;
	v4 =	vld.idx.msk [tilespmem:v45+s11+$0x0], $0xffff  }
0xd5: {  	v63 =	vld.idx.msk [tilespmem:v45+s12+$0x0], $0xffff  }
0xd6: {  	v1 =	vadd.f32 v2, v1;
	v2 =	vmul.f32 v61, v60;
	v60 =	vld.idx.msk [tilespmem:v46+s11+$0x0], $0xffff  }
0xd7: {  	v61 =	vld.idx.msk [tilespmem:v46+s12+$0x0], $0xffff  }
0xd8: {  	v1 =	vadd.f32 v2, v1;
	v2 =	vmul.f32 v62, v3;
	v3 =	vld.idx.msk [tilespmem:v47+s11+$0x0], $0xffff  }
0xd9: {  	v62 =	vld.idx.msk [tilespmem:v47+s12+$0x0], $0xffff  }
0xda: {  	v1 =	vadd.f32 v2, v1;
	v2 =	vmul.f32 v63, v4;
	v4 =	vld.idx.msk [tilespmem:v48+s11+$0x0], $0xffff  }
0xdb: {  	v63 =	vld.idx.msk [tilespmem:v48+s12+$0x0], $0xffff  }
0xdc: {  	v1 =	vadd.f32 v2, v1;
	v2 =	vmul.f32 v61, v60;
	v60 =	vld.idx.msk [tilespmem:v49+s11+$0x0], $0xffff  }
0xdd: {  	v61 =	vld.idx.msk [tilespmem:v49+s12+$0x0], $0xffff  }
0xde: {  	v1 =	vadd.f32 v2, v1;
	v2 =	vmul.f32 v62, v3;
	v3 =	vld.idx.msk [tilespmem:v50+s11+$0x0], $0xffff  }
0xdf: {  	v62 =	vld.idx.msk [tilespmem:v50+s12+$0x0], $0xffff  }
0xe0: {  	v1 =	vadd.f32 v2, v1;
	v2 =	vmul.f32 v63, v4;
	v4 =	vld.idx.msk [tilespmem:v51+s11+$0x0], $0xffff  }
0xe1: {  	v63 =	vld.idx.msk [tilespmem:v51+s12+$0x0], $0xffff  }
0xe2: {  	v1 =	vadd.f32 v2, v1;
	v2 =	vmul.f32 v61, v60;
	v60 =	vld.idx.msk [tilespmem:v52+s11+$0x0], $0xffff  }
0xe3: {  	v61 =	vld.idx.msk [tilespmem:v52+s12+$0x0], $0xffff  }
0xe4: {  	v1 =	vadd.f32 v2, v1;
	v2 =	vmul.f32 v62, v3;
	v3 =	vld.idx.msk [tilespmem:v53+s11+$0x0], $0xffff  }
0xe5: {  	v62 =	vld.idx.msk [tilespmem:v53+s12+$0x0], $0xffff  }
0xe6: {  	v1 =	vadd.f32 v2, v1;
	v2 =	vmul.f32 v63, v4;
	v4 =	vld.idx.msk [tilespmem:v54+s11+$0x0], $0xffff  }
0xe7: {  	v63 =	vld.idx.msk [tilespmem:v54+s12+$0x0], $0xffff  }
0xe8: {  	v1 =	vadd.f32 v2, v1;
	v2 =	vmul.f32 v61, v60;
	v60 =	vld.idx.msk [tilespmem:v55+s11+$0x0], $0xffff  }
0xe9: {  	v61 =	vld.idx.msk [tilespmem:v55+s12+$0x0], $0xffff  }
0xea: {  	v1 =	vadd.f32 v2, v1;
	v2 =	vmul.f32 v62, v3;
	v3 =	vld.idx.msk [tilespmem:v56+s11+$0x0], $0xffff  }
0xeb: {  	v62 =	vld.idx.msk [tilespmem:v56+s12+$0x0], $0xffff  }
0xec: {  	v1 =	vadd.f32 v2, v1;
	v2 =	vmul.f32 v63, v4;
	v4 =	vld.idx.msk [tilespmem:v57+s11+$0x0], $0xffff  }
0xed: {  	v5 =	vor.u32 $0x81C, v0;
	v63 =	vld.idx.msk [tilespmem:v57+s12+$0x0], $0xffff  }
0xee: {  	v1 =	vadd.f32 v2, v1;
	v2 =	vmul.f32 v61, v60;
	v60 =	vld.idx.msk [tilespmem:v58+s11+$0x0], $0xffff  }
0xef: {  	v6 =	vor.u32 $0x81D, v0;
	v61 =	vld.idx.msk [tilespmem:v58+s12+$0x0], $0xffff  }
0xf0: {  	v1 =	vadd.f32 v2, v1;
	v2 =	vmul.f32 v62, v3;
	v3 =	vld.idx.msk [tilespmem:v59+s11+$0x0], $0xffff  }
0xf1: {  	v7 =	vor.u32 $0x81E, v0;
	v62 =	vld.idx.msk [tilespmem:v59+s12+$0x0], $0xffff  }
0xf2: {  	v1 =	vadd.f32 v2, v1;
	v2 =	vmul.f32 v63, v4;
	v4 =	vld.idx.msk [tilespmem:v5+s11+$0x0], $0xffff  }
0xf3: {  	v5 =	vld.idx.msk [tilespmem:v5+s12+$0x0], $0xffff;
	v63 =	vor.u32 $0x81F, v0  }
0xf4: {  	v1 =	vadd.f32 v2, v1;
	v2 =	vmul.f32 v61, v60;
	v60 =	vld.idx.msk [tilespmem:v6+s11+$0x0], $0xffff  }
0xf5: {  	v6 =	vld.idx.msk [tilespmem:v6+s12+$0x0], $0xffff  }
0xf6: {  	v1 =	vadd.f32 v2, v1;
	v2 =	vmul.f32 v62, v3;
	v3 =	vld.idx.msk [tilespmem:v7+s11+$0x0], $0xffff  }
0xf7: {  	v7 =	vld.idx.msk [tilespmem:v7+s12+$0x0], $0xffff  }
0xf8: {  	v62 =	vld.idx.msk [tilespmem:v63+s11+$0x0], $0xffff;
	v1 =	vadd.f32 v2, v1;
	v2 =	vmul.f32 v5, v4  }
0xf9: {  	v63 =	vld.idx.msk [tilespmem:v63+s12+$0x0], $0xffff  }
0xfa: {  	v1 =	vadd.f32 v2, v1;
	v2 =	vmul.f32 v6, v60;
	_ =	sdelay $0x1  }
0xfb: {  	s28 =	sadd.s32 $0x80, s28;
	v1 =	vadd.f32 v2, v1;
	v2 =	vmul.f32 v7, v3  }
0xfc: {  	p0 =	sne.s32 s28, $0x800  }
.Ltmp3:
0xfd: {  	v1 =	vadd.f32 v2, v1;
	v2 =	vmul.f32 v63, v62;
	(pc) =	sbr.rel @!p0 .LBB2_5-.Ltmp3, $3  }
0xfe: {  	_ = 	snop  }
0xff: {  	v1 =	vadd.f32 v2, v1;
	_ =	sdelay $0x1  }
0x100: {  	[tilespmem:s29+$0x2410] =	vst v1  }
.LBB2_2:
0x101: {  	s29 =	sshra.s32 s28, $0x2  }
0x102: {  	v60 =	vld [tilespmem:s29+$0x10];
	_ =	sdelay $0x1  }
0x103: {  	v62 =	vld [tilespmem:s29+$0x210];
	_ =	sdelay $0x2  }
0x104: {  	v61 =	vshll.u32 v60, $0x4  }
0x105: {  	(v2sf) =	vpush v61, $0x0  }
0x106: {  	v5 =	vshll.u32 v62, $0x4  }
0x107: {  	(v2sf) =	vpush v5, $0x0;
	_ =	sdelay $0x4  }
0x108: {  	(v2sf) =	vpush v61, $0x1;
	_ =	sdelay $0x3  }
0x109: {  	(v2sf) =	vpush v5, $0x1;
	_ =	sdelay $0x3  }
0x10a: {  	s30 =	spop (v2sf);
	(v2sf) =	vpush v61, $0x2  }
0x10b: {  	s30 =	sand.u32 $0x1FFFFFF0, s30  }
0x10c: {  	s0 =	spop (v2sf);
	s30 =	sadd.s32 s3, s30  }
0x10d: {  	[tilespmem:s31], [sflag:$0x2] =	stream.linear.gather [hbm4b:s30+s2], $0x80, $0x38;
	[tilespmem:$0x2600] =	vst v63  }
0x10e: {  	(v2sf) =	vpush v5, $0x2;
	s30 =	sand.u32 $0x1FFFFFF0, s0  }
0x10f: {  	s0 =	simm.s32 $0x1C00;
	s30 =	sadd.s32 s4, s30  }
0x110: {  	[tilespmem:s0], [sflag:$0x4] =	stream.linear.gather [hbm4b:s30+s2], $0x80, $0x38;
	[tilespmem:$0x2600] =	vst v63  }
0x111: {  	s0 =	spop (v2sf)  }
0x112: {  	(v2sf) =	vpush v61, $0x3;
	s30 =	sand.u32 $0x1FFFFFF0, s0  }
0x113: {  	s0 =	simm.s32 $0xC80;
	s30 =	sadd.s32 s3, s30  }
0x114: {  	[tilespmem:s0], [sflag:$0x2] =	stream.linear.gather [hbm4b:s30+s2], $0x80, $0x38;
	[tilespmem:$0x2600] =	vst v63  }
0x115: {  	s0 =	spop (v2sf)  }
0x116: {  	(v2sf) =	vpush v5, $0x3;
	s30 =	sand.u32 $0x1FFFFFF0, s0  }
0x117: {  	s0 =	simm.s32 $0x1C80;
	s30 =	sadd.s32 s4, s30  }
0x118: {  	[tilespmem:s0], [sflag:$0x4] =	stream.linear.gather [hbm4b:s30+s2], $0x80, $0x38;
	[tilespmem:$0x2600] =	vst v63  }
0x119: {  	s0 =	spop (v2sf)  }
0x11a: {  	(v2sf) =	vpush v61, $0x4;
	s30 =	sand.u32 $0x1FFFFFF0, s0  }
0x11b: {  	s0 =	simm.s32 $0xD00;
	s30 =	sadd.s32 s3, s30  }
0x11c: {  	[tilespmem:s0], [sflag:$0x2] =	stream.linear.gather [hbm4b:s30+s2], $0x80, $0x38;
	[tilespmem:$0x2600] =	vst v63  }
0x11d: {  	s0 =	spop (v2sf)  }
0x11e: {  	(v2sf) =	vpush v5, $0x4;
	s30 =	sand.u32 $0x1FFFFFF0, s0  }
0x11f: {  	s0 =	simm.s32 $0x1D00;
	s30 =	sadd.s32 s4, s30  }
0x120: {  	[tilespmem:s0], [sflag:$0x4] =	stream.linear.gather [hbm4b:s30+s2], $0x80, $0x38;
	[tilespmem:$0x2600] =	vst v63  }
0x121: {  	s0 =	spop (v2sf)  }
0x122: {  	(v2sf) =	vpush v61, $0x5;
	s30 =	sand.u32 $0x1FFFFFF0, s0  }
0x123: {  	s0 =	simm.s32 $0xD80;
	s30 =	sadd.s32 s3, s30  }
0x124: {  	[tilespmem:s0], [sflag:$0x2] =	stream.linear.gather [hbm4b:s30+s2], $0x80, $0x38;
	[tilespmem:$0x2600] =	vst v63  }
0x125: {  	s0 =	spop (v2sf)  }
0x126: {  	(v2sf) =	vpush v5, $0x5;
	s30 =	sand.u32 $0x1FFFFFF0, s0  }
0x127: {  	s0 =	simm.s32 $0x1D80;
	s30 =	sadd.s32 s4, s30  }
0x128: {  	[tilespmem:s0], [sflag:$0x4] =	stream.linear.gather [hbm4b:s30+s2], $0x80, $0x38;
	[tilespmem:$0x2600] =	vst v63  }
0x129: {  	s0 =	spop (v2sf)  }
0x12a: {  	(v2sf) =	vpush v61, $0x6;
	s30 =	sand.u32 $0x1FFFFFF0, s0  }
0x12b: {  	s0 =	simm.s32 $0xE00;
	s30 =	sadd.s32 s3, s30  }
0x12c: {  	[tilespmem:s0], [sflag:$0x2] =	stream.linear.gather [hbm4b:s30+s2], $0x80, $0x38;
	[tilespmem:$0x2600] =	vst v63  }
0x12d: {  	s0 =	spop (v2sf)  }
0x12e: {  	(v2sf) =	vpush v5, $0x6;
	s30 =	sand.u32 $0x1FFFFFF0, s0  }
0x12f: {  	s0 =	simm.s32 $0x1E00;
	s30 =	sadd.s32 s4, s30  }
0x130: {  	[tilespmem:s0], [sflag:$0x4] =	stream.linear.gather [hbm4b:s30+s2], $0x80, $0x38;
	[tilespmem:$0x2600] =	vst v63  }
0x131: {  	s0 =	spop (v2sf)  }
0x132: {  	(v2sf) =	vpush v61, $0x7;
	s30 =	sand.u32 $0x1FFFFFF0, s0  }
0x133: {  	s0 =	simm.s32 $0xE80;
	s30 =	sadd.s32 s3, s30  }
0x134: {  	[tilespmem:s0], [sflag:$0x2] =	stream.linear.gather [hbm4b:s30+s2], $0x80, $0x38;
	[tilespmem:$0x2600] =	vst v63  }
0x135: {  	s0 =	spop (v2sf)  }
0x136: {  	(v2sf) =	vpush v5, $0x7;
	s30 =	sand.u32 $0x1FFFFFF0, s0  }
0x137: {  	s0 =	simm.s32 $0x1E80;
	s30 =	sadd.s32 s4, s30  }
0x138: {  	[tilespmem:s0], [sflag:$0x4] =	stream.linear.gather [hbm4b:s30+s2], $0x80, $0x38;
	[tilespmem:$0x2600] =	vst v63  }
0x139: {  	s0 =	spop (v2sf)  }
0x13a: {  	(v2sf) =	vpush v61, $0x8;
	s30 =	sand.u32 $0x1FFFFFF0, s0  }
0x13b: {  	s0 =	simm.s32 $0xF00;
	s30 =	sadd.s32 s3, s30  }
0x13c: {  	[tilespmem:s0], [sflag:$0x2] =	stream.linear.gather [hbm4b:s30+s2], $0x80, $0x38;
	[tilespmem:$0x2600] =	vst v63  }
0x13d: {  	s0 =	spop (v2sf)  }
0x13e: {  	(v2sf) =	vpush v5, $0x8;
	s30 =	sand.u32 $0x1FFFFFF0, s0  }
0x13f: {  	s0 =	simm.s32 $0x1F00;
	s30 =	sadd.s32 s4, s30  }
0x140: {  	[tilespmem:s0], [sflag:$0x4] =	stream.linear.gather [hbm4b:s30+s2], $0x80, $0x38;
	[tilespmem:$0x2600] =	vst v63  }
0x141: {  	s0 =	spop (v2sf)  }
0x142: {  	(v2sf) =	vpush v61, $0x9;
	s30 =	sand.u32 $0x1FFFFFF0, s0  }
0x143: {  	s0 =	simm.s32 $0xF80;
	s30 =	sadd.s32 s3, s30  }
0x144: {  	[tilespmem:s0], [sflag:$0x2] =	stream.linear.gather [hbm4b:s30+s2], $0x80, $0x38;
	[tilespmem:$0x2600] =	vst v63  }
0x145: {  	s0 =	spop (v2sf)  }
0x146: {  	(v2sf) =	vpush v5, $0x9;
	s30 =	sand.u32 $0x1FFFFFF0, s0  }
0x147: {  	s30 =	sadd.s32 s4, s30  }
0x148: {  	[tilespmem:s1], [sflag:$0x4] =	stream.linear.gather [hbm4b:s30+s2], $0x80, $0x38;
	[tilespmem:$0x2600] =	vst v63  }
0x149: {  	s0 =	spop (v2sf)  }
0x14a: {  	(v2sf) =	vpush v61, $0xA;
	s30 =	sand.u32 $0x1FFFFFF0, s0  }
0x14b: {  	s30 =	sadd.s32 s3, s30  }
0x14c: {  	[tilespmem:s10], [sflag:$0x2] =	stream.linear.gather [hbm4b:s30+s2], $0x80, $0x38;
	[tilespmem:$0x2600] =	vst v63  }
0x14d: {  	s0 =	spop (v2sf)  }
0x14e: {  	(v2sf) =	vpush v5, $0xA;
	s30 =	sand.u32 $0x1FFFFFF0, s0  }
0x14f: {  	s30 =	sadd.s32 s4, s30  }
0x150: {  	[tilespmem:s5], [sflag:$0x4] =	stream.linear.gather [hbm4b:s30+s2], $0x80, $0x38;
	[tilespmem:$0x2600] =	vst v63  }
0x151: {  	s0 =	spop (v2sf)  }
0x152: {  	(v2sf) =	vpush v61, $0xB;
	s30 =	sand.u32 $0x1FFFFFF0, s0  }
0x153: {  	s30 =	sadd.s32 s3, s30  }
0x154: {  	[tilespmem:s6], [sflag:$0x2] =	stream.linear.gather [hbm4b:s30+s2], $0x80, $0x38;
	[tilespmem:$0x2600] =	vst v63  }
0x155: {  	s0 =	spop (v2sf)  }
0x156: {  	(v2sf) =	vpush v5, $0xB;
	s30 =	sand.u32 $0x1FFFFFF0, s0  }
0x157: {  	s30 =	sadd.s32 s4, s30  }
0x158: {  	[tilespmem:s7], [sflag:$0x4] =	stream.linear.gather [hbm4b:s30+s2], $0x80, $0x38;
	[tilespmem:$0x2600] =	vst v63  }
0x159: {  	s0 =	spop (v2sf)  }
0x15a: {  	(v2sf) =	vpush v61, $0xC;
	s30 =	sand.u32 $0x1FFFFFF0, s0  }
0x15b: {  	s30 =	sadd.s32 s3, s30  }
0x15c: {  	[tilespmem:s8], [sflag:$0x2] =	stream.linear.gather [hbm4b:s30+s2], $0x80, $0x38;
	[tilespmem:$0x2600] =	vst v63  }
0x15d: {  	s0 =	spop (v2sf)  }
0x15e: {  	(v2sf) =	vpush v5, $0xC;
	s30 =	sand.u32 $0x1FFFFFF0, s0  }
0x15f: {  	s30 =	sadd.s32 s4, s30  }
0x160: {  	[tilespmem:s9], [sflag:$0x4] =	stream.linear.gather [hbm4b:s30+s2], $0x80, $0x38;
	[tilespmem:$0x2600] =	vst v63  }
0x161: {  	s0 =	spop (v2sf)  }
0x162: {  	(v2sf) =	vpush v61, $0xD;
	s30 =	sand.u32 $0x1FFFFFF0, s0  }
0x163: {  	s30 =	sadd.s32 s3, s30  }
0x164: {  	[tilespmem:s13], [sflag:$0x2] =	stream.linear.gather [hbm4b:s30+s2], $0x80, $0x38;
	[tilespmem:$0x2600] =	vst v63  }
0x165: {  	s0 =	spop (v2sf)  }
0x166: {  	(v2sf) =	vpush v5, $0xD;
	s30 =	sand.u32 $0x1FFFFFF0, s0  }
0x167: {  	s30 =	sadd.s32 s4, s30  }
0x168: {  	[tilespmem:s14], [sflag:$0x4] =	stream.linear.gather [hbm4b:s30+s2], $0x80, $0x38;
	[tilespmem:$0x2600] =	vst v63  }
0x169: {  	s0 =	spop (v2sf)  }
0x16a: {  	(v2sf) =	vpush v61, $0xE;
	s30 =	sand.u32 $0x1FFFFFF0, s0  }
0x16b: {  	s30 =	sadd.s32 s3, s30  }
0x16c: {  	[tilespmem:s15], [sflag:$0x2] =	stream.linear.gather [hbm4b:s30+s2], $0x80, $0x38;
	[tilespmem:$0x2600] =	vst v63  }
0x16d: {  	s0 =	spop (v2sf)  }
0x16e: {  	(v2sf) =	vpush v5, $0xE;
	s30 =	sand.u32 $0x1FFFFFF0, s0  }
0x16f: {  	s30 =	sadd.s32 s4, s30  }
0x170: {  	[tilespmem:s16], [sflag:$0x4] =	stream.linear.gather [hbm4b:s30+s2], $0x80, $0x38;
	[tilespmem:$0x2600] =	vst v63  }
0x171: {  	s0 =	spop (v2sf)  }
0x172: {  	(v2sf) =	vpush v61, $0xF;
	s30 =	sand.u32 $0x1FFFFFF0, s0  }
0x173: {  	s30 =	sadd.s32 s3, s30  }
0x174: {  	[tilespmem:s17], [sflag:$0x2] =	stream.linear.gather [hbm4b:s30+s2], $0x80, $0x38;
	[tilespmem:$0x2600] =	vst v63  }
0x175: {  	s0 =	spop (v2sf)  }
0x176: {  	(v2sf) =	vpush v5, $0xF;
	s30 =	sand.u32 $0x1FFFFFF0, s0  }
0x177: {  	s30 =	sadd.s32 s4, s30  }
0x178: {  	[tilespmem:s18], [sflag:$0x4] =	stream.linear.gather [hbm4b:s30+s2], $0x80, $0x38;
	[tilespmem:$0x2600] =	vst v63  }
0x179: {  	s0 =	spop (v2sf)  }
0x17a: {  	s30 =	sand.u32 $0x1FFFFFF0, s0  }
0x17b: {  	s30 =	sadd.s32 s3, s30  }
0x17c: {  	[tilespmem:s19], [sflag:$0x2] =	stream.linear.gather [hbm4b:s30+s2], $0x80, $0x38;
	[tilespmem:$0x2600] =	vst v63  }
0x17d: {  	s0 =	spop (v2sf)  }
0x17e: {  	s30 =	sand.u32 $0x1FFFFFF0, s0  }
0x17f: {  	s30 =	sadd.s32 s4, s30  }
0x180: {  	[tilespmem:s20], [sflag:$0x4] =	stream.linear.gather [hbm4b:s30+s2], $0x80, $0x38;
	[tilespmem:$0x2600] =	vst v63  }
0x181: {  	s0 =	spop (v2sf)  }
0x182: {  	s30 =	sand.u32 $0x1FFFFFF0, s0  }
0x183: {  	s30 =	sadd.s32 s3, s30  }
0x184: {  	[tilespmem:s21], [sflag:$0x2] =	stream.linear.gather [hbm4b:s30+s2], $0x80, $0x38;
	[tilespmem:$0x2600] =	vst v63  }
0x185: {  	s0 =	spop (v2sf)  }
0x186: {  	s30 =	sand.u32 $0x1FFFFFF0, s0  }
0x187: {  	s30 =	sadd.s32 s4, s30  }
0x188: {  	[tilespmem:s22], [sflag:$0x4] =	stream.linear.gather [hbm4b:s30+s2], $0x80, $0x38;
	[tilespmem:$0x2600] =	vst v63  }
0x189: {  	_ =	swait.ge [sflag:s23], $0x800  }
0x18a: {  	[sflag:s23] =	ssyncset.done $0x0  }
0x18b: {  	[sflag:s23] =	ssyncadd.s32 $0xFFFFF800  }
0x18c: {  	_ =	swait.ge [sflag:s24], $0x800  }
0x18d: {  	[sflag:s24] =	ssyncset.done $0x0  }
0x18e: {  	v1 =	vld [tilespmem:$0x1FF90];
	[sflag:s24] =	ssyncadd.s32 $0xFFFFF800  }
0x18f: {  	v4 =	vld.idx.msk [tilespmem:v0+s11+$0x0], $0xffff  }
0x190: {  	v5 =	vld.idx.msk [tilespmem:v0+s12+$0x0], $0xffff  }
0x191: {  	v2 =	vld [tilespmem:$0x1FFA0];
	_ =	sdelay $0x1  }
0x192: {  	v3 =	vld [tilespmem:$0x1FFB0];
	_ =	sdelay $0x1  }
0x193: {  	v60 =	vmul.f32 v5, v4;
	v4 =	vld [tilespmem:$0x1FFC0]  }
0x194: {  	v5 =	vld [tilespmem:$0x1FFD0]  }
0x195: {  	v62 =	vld.idx.msk [tilespmem:v1+s11+$0x0], $0xffff  }
0x196: {  	v63 =	vld.idx.msk [tilespmem:v1+s12+$0x0], $0xffff  }
0x197: {  	v1 =	vld.idx.msk [tilespmem:v2+s11+$0x0], $0xffff  }
0x198: {  	v2 =	vld.idx.msk [tilespmem:v2+s12+$0x0], $0xffff  }
0x199: {  	v61 =	vld.idx.msk [tilespmem:v3+s11+$0x0], $0xffff  }
0x19a: {  	v3 =	vld.idx.msk [tilespmem:v3+s12+$0x0], $0xffff  }
0x19b: {  	v60 =	vadd.f32 $0.0e+00, v60;
	v62 =	vmul.f32 v63, v62;
	v63 =	vld.idx.msk [tilespmem:v4+s11+$0x0], $0xffff  }
0x19c: {  	v4 =	vld.idx.msk [tilespmem:v4+s12+$0x0], $0xffff  }
0x19d: {  	v1 =	vmul.f32 v2, v1;
	v60 =	vadd.f32 v62, v60;
	v2 =	vld.idx.msk [tilespmem:v5+s11+$0x0], $0xffff  }
0x19e: {  	v62 =	vld.idx.msk [tilespmem:v5+s12+$0x0], $0xffff  }
0x19f: {  	v3 =	vmul.f32 v3, v61;
	v5 =	vld [tilespmem:$0x1FFE0];
	v1 =	vadd.f32 v1, v60;
	_ =	sdelay $0x1  }
0x1a0: {  	v1 =	vadd.f32 v3, v1;
	v3 =	vmul.f32 v4, v63;
	v63 =	vld [tilespmem:$0x1FFF0];
	_ =	sdelay $0x5  }
0x1a1: {  	v60 =	vld.idx.msk [tilespmem:v5+s11+$0x0], $0xffff  }
0x1a2: {  	v61 =	vld.idx.msk [tilespmem:v5+s12+$0x0], $0xffff  }
0x1a3: {  	v4 =	vld.idx.msk [tilespmem:v63+s11+$0x0], $0xffff  }
0x1a4: {  	v63 =	vld.idx.msk [tilespmem:v63+s12+$0x0], $0xffff  }
0x1a5: {  	v2 =	vmul.f32 v62, v2;
	v62 =	vld.idx.msk [tilespmem:v8+s12+$0x0], $0xffff;
	v1 =	vadd.f32 v3, v1  }
0x1a6: {  	v3 =	vld.idx.msk [tilespmem:v8+s11+$0x0], $0xffff  }
0x1a7: {  	v1 =	vadd.f32 v2, v1;
	v2 =	vmul.f32 v61, v60;
	v60 =	vld.idx.msk [tilespmem:v9+s11+$0x0], $0xffff  }
0x1a8: {  	v61 =	vld.idx.msk [tilespmem:v9+s12+$0x0], $0xffff  }
0x1a9: {  	v1 =	vadd.f32 v2, v1;
	v2 =	vmul.f32 v63, v4;
	v4 =	vld.idx.msk [tilespmem:v10+s11+$0x0], $0xffff  }
0x1aa: {  	v63 =	vld.idx.msk [tilespmem:v10+s12+$0x0], $0xffff  }
0x1ab: {  	v1 =	vadd.f32 v2, v1;
	v2 =	vmul.f32 v62, v3;
	v3 =	vld.idx.msk [tilespmem:v11+s11+$0x0], $0xffff  }
0x1ac: {  	v62 =	vld.idx.msk [tilespmem:v11+s12+$0x0], $0xffff  }
0x1ad: {  	v1 =	vadd.f32 v2, v1;
	v2 =	vmul.f32 v61, v60;
	v60 =	vld.idx.msk [tilespmem:v12+s11+$0x0], $0xffff  }
0x1ae: {  	v61 =	vld.idx.msk [tilespmem:v12+s12+$0x0], $0xffff  }
0x1af: {  	v1 =	vadd.f32 v2, v1;
	v2 =	vmul.f32 v63, v4;
	v4 =	vld.idx.msk [tilespmem:v13+s11+$0x0], $0xffff  }
0x1b0: {  	v63 =	vld.idx.msk [tilespmem:v13+s12+$0x0], $0xffff  }
0x1b1: {  	v1 =	vadd.f32 v2, v1;
	v2 =	vmul.f32 v62, v3;
	v3 =	vld.idx.msk [tilespmem:v14+s11+$0x0], $0xffff  }
0x1b2: {  	v62 =	vld.idx.msk [tilespmem:v14+s12+$0x0], $0xffff  }
0x1b3: {  	v1 =	vadd.f32 v2, v1;
	v2 =	vmul.f32 v61, v60;
	v60 =	vld.idx.msk [tilespmem:v15+s11+$0x0], $0xffff  }
0x1b4: {  	v61 =	vld.idx.msk [tilespmem:v15+s12+$0x0], $0xffff  }
0x1b5: {  	v1 =	vadd.f32 v2, v1;
	v2 =	vmul.f32 v63, v4;
	v4 =	vld.idx.msk [tilespmem:v16+s11+$0x0], $0xffff  }
0x1b6: {  	v63 =	vld.idx.msk [tilespmem:v16+s12+$0x0], $0xffff  }
0x1b7: {  	v1 =	vadd.f32 v2, v1;
	v2 =	vmul.f32 v62, v3;
	v3 =	vld.idx.msk [tilespmem:v17+s11+$0x0], $0xffff  }
0x1b8: {  	v62 =	vld.idx.msk [tilespmem:v17+s12+$0x0], $0xffff  }
0x1b9: {  	v1 =	vadd.f32 v2, v1;
	v2 =	vmul.f32 v61, v60;
	v60 =	vld.idx.msk [tilespmem:v18+s11+$0x0], $0xffff  }
0x1ba: {  	v61 =	vld.idx.msk [tilespmem:v18+s12+$0x0], $0xffff  }
0x1bb: {  	v1 =	vadd.f32 v2, v1;
	v2 =	vmul.f32 v63, v4;
	v4 =	vld.idx.msk [tilespmem:v19+s11+$0x0], $0xffff  }
0x1bc: {  	v63 =	vld.idx.msk [tilespmem:v19+s12+$0x0], $0xffff  }
0x1bd: {  	v1 =	vadd.f32 v2, v1;
	v2 =	vmul.f32 v62, v3;
	v3 =	vld.idx.msk [tilespmem:v20+s11+$0x0], $0xffff  }
0x1be: {  	v62 =	vld.idx.msk [tilespmem:v20+s12+$0x0], $0xffff  }
0x1bf: {  	v1 =	vadd.f32 v2, v1;
	v2 =	vmul.f32 v61, v60;
	v60 =	vld.idx.msk [tilespmem:v21+s11+$0x0], $0xffff  }
0x1c0: {  	v61 =	vld.idx.msk [tilespmem:v21+s12+$0x0], $0xffff  }
0x1c1: {  	v1 =	vadd.f32 v2, v1;
	v2 =	vmul.f32 v63, v4;
	v4 =	vld.idx.msk [tilespmem:v22+s11+$0x0], $0xffff  }
0x1c2: {  	v63 =	vld.idx.msk [tilespmem:v22+s12+$0x0], $0xffff  }
0x1c3: {  	v1 =	vadd.f32 v2, v1;
	v2 =	vmul.f32 v62, v3;
	v3 =	vld.idx.msk [tilespmem:v23+s11+$0x0], $0xffff  }
0x1c4: {  	v62 =	vld.idx.msk [tilespmem:v23+s12+$0x0], $0xffff  }
0x1c5: {  	v1 =	vadd.f32 v2, v1;
	v2 =	vmul.f32 v61, v60;
	v60 =	vld.idx.msk [tilespmem:v24+s11+$0x0], $0xffff  }
0x1c6: {  	v61 =	vld.idx.msk [tilespmem:v24+s12+$0x0], $0xffff  }
0x1c7: {  	v1 =	vadd.f32 v2, v1;
	v2 =	vmul.f32 v63, v4;
	v4 =	vld.idx.msk [tilespmem:v25+s11+$0x0], $0xffff  }
0x1c8: {  	v63 =	vld.idx.msk [tilespmem:v25+s12+$0x0], $0xffff  }
0x1c9: {  	v1 =	vadd.f32 v2, v1;
	v2 =	vmul.f32 v62, v3;
	v3 =	vld.idx.msk [tilespmem:v26+s11+$0x0], $0xffff  }
0x1ca: {  	v62 =	vld.idx.msk [tilespmem:v26+s12+$0x0], $0xffff  }
0x1cb: {  	v1 =	vadd.f32 v2, v1;
	v2 =	vmul.f32 v61, v60;
	v60 =	vld.idx.msk [tilespmem:v27+s11+$0x0], $0xffff  }
0x1cc: {  	v61 =	vld.idx.msk [tilespmem:v27+s12+$0x0], $0xffff  }
0x1cd: {  	v1 =	vadd.f32 v2, v1;
	v2 =	vmul.f32 v63, v4;
	v4 =	vld.idx.msk [tilespmem:v28+s11+$0x0], $0xffff  }
0x1ce: {  	v63 =	vld.idx.msk [tilespmem:v28+s12+$0x0], $0xffff  }
0x1cf: {  	v1 =	vadd.f32 v2, v1;
	v2 =	vmul.f32 v62, v3;
	v3 =	vld.idx.msk [tilespmem:v29+s11+$0x0], $0xffff  }
0x1d0: {  	v62 =	vld.idx.msk [tilespmem:v29+s12+$0x0], $0xffff  }
0x1d1: {  	v1 =	vadd.f32 v2, v1;
	v2 =	vmul.f32 v61, v60;
	v60 =	vld.idx.msk [tilespmem:v30+s11+$0x0], $0xffff  }
0x1d2: {  	v61 =	vld.idx.msk [tilespmem:v30+s12+$0x0], $0xffff  }
0x1d3: {  	v5 =	vld.idx.msk [tilespmem:v31+s12+$0x0], $0xffff;
	v1 =	vadd.f32 v2, v1;
	v2 =	vmul.f32 v63, v4  }
0x1d4: {  	v4 =	vld.idx.msk [tilespmem:v31+s11+$0x0], $0xffff  }
0x1d5: {  	v1 =	vadd.f32 v2, v1;
	v2 =	vmul.f32 v62, v3;
	_ =	sdelay $0x1  }
0x1d6: {  	v1 =	vadd.f32 v2, v1;
	v2 =	vmul.f32 v61, v60  }
0x1d7: {  	p0 =	seq.s32 s28, $0x780  }
.Ltmp4:
0x1d8: {  	v1 =	vadd.f32 v2, v1;
	v2 =	vmul.f32 v5, v4;
	(pc) =	sbr.rel @p0 .LBB2_4-.Ltmp4, $3  }
0x1d9: {  	_ = 	snop  }
0x1da: {  	v1 =	vadd.f32 v2, v1;
	_ =	sdelay $0x1  }
0x1db: {  	[tilespmem:s29+$0x2400] =	vst v1  }
0x1dc: {  	v1 =	vld [tilespmem:s29+$0x20];
	_ =	sdelay $0x1  }
0x1dd: {  	v2 =	vld [tilespmem:s29+$0x220];
	_ =	sdelay $0x2  }
0x1de: {  	v61 =	vshll.u32 v1, $0x4  }
0x1df: {  	(v2sf) =	vpush v61, $0x0  }
0x1e0: {  	v60 =	vshll.u32 v2, $0x4  }
0x1e1: {  	(v2sf) =	vpush v60, $0x0;
	_ =	sdelay $0x2  }
0x1e2: {  	(v2sf) =	vpush v61, $0x1;
	_ =	sdelay $0x4  }
0x1e3: {  	(v2sf) =	vpush v60, $0x1;
	_ =	sdelay $0x4  }
0x1e4: {  	s30 =	spop (v2sf);
	(v2sf) =	vpush v61, $0x2;
	_ =	sdelay $0x1  }
0x1e5: {  	s30 =	sand.u32 $0x1FFFFFF0, s30;
	s0 =	spop (v2sf);
	(v2sf) =	vpush v60, $0x2  }
0x1e6: {  	s30 =	sadd.s32 s3, s30  }
0x1e7: {  	[tilespmem:s11], [sflag:$0x1] =	stream.linear.gather [hbm4b:s30+s2], $0x80, $0x38;
	[tilespmem:$0x2600] =	vst v63  }
0x1e8: {  	s30 =	sand.u32 $0x1FFFFFF0, s0;
	s0 =	spop (v2sf);
	(v2sf) =	vpush v61, $0x3;
	_ =	sdelay $0x2  }
0x1e9: {  	s30 =	sadd.s32 s4, s30  }
0x1ea: {  	[tilespmem:s12], [sflag:$0x3] =	stream.linear.gather [hbm4b:s30+s2], $0x80, $0x38;
	[tilespmem:$0x2600] =	vst v63  }
0x1eb: {  	s30 =	sand.u32 $0x1FFFFFF0, s0;
	s0 =	spop (v2sf);
	(v2sf) =	vpush v60, $0x3;
	_ =	sdelay $0x1  }
0x1ec: {  	s31 =	simm.s32 $0x480;
	s30 =	sadd.s32 s3, s30  }
0x1ed: {  	[tilespmem:s31], [sflag:$0x1] =	stream.linear.gather [hbm4b:s30+s2], $0x80, $0x38;
	[tilespmem:$0x2600] =	vst v63  }
0x1ee: {  	s30 =	sand.u32 $0x1FFFFFF0, s0  }
0x1ef: {  	s31 =	simm.s32 $0x1480;
	s30 =	sadd.s32 s4, s30;
	s0 =	spop (v2sf);
	(v2sf) =	vpush v61, $0x4  }
0x1f0: {  	[tilespmem:s31], [sflag:$0x3] =	stream.linear.gather [hbm4b:s30+s2], $0x80, $0x38;
	[tilespmem:$0x2600] =	vst v63  }
0x1f1: {  	s30 =	sand.u32 $0x1FFFFFF0, s0;
	s0 =	spop (v2sf);
	(v2sf) =	vpush v60, $0x4  }
0x1f2: {  	s31 =	simm.s32 $0x500;
	s30 =	sadd.s32 s3, s30  }
0x1f3: {  	[tilespmem:s31], [sflag:$0x1] =	stream.linear.gather [hbm4b:s30+s2], $0x80, $0x38;
	[tilespmem:$0x2600] =	vst v63  }
0x1f4: {  	s30 =	sand.u32 $0x1FFFFFF0, s0;
	s0 =	spop (v2sf);
	(v2sf) =	vpush v61, $0x5;
	_ =	sdelay $0x2  }
0x1f5: {  	s31 =	simm.s32 $0x1500;
	s30 =	sadd.s32 s4, s30  }
0x1f6: {  	[tilespmem:s31], [sflag:$0x3] =	stream.linear.gather [hbm4b:s30+s2], $0x80, $0x38;
	[tilespmem:$0x2600] =	vst v63  }
0x1f7: {  	s30 =	sand.u32 $0x1FFFFFF0, s0;
	s0 =	spop (v2sf);
	(v2sf) =	vpush v60, $0x5;
	_ =	sdelay $0x1  }
0x1f8: {  	s31 =	simm.s32 $0x580;
	s30 =	sadd.s32 s3, s30  }
0x1f9: {  	[tilespmem:s31], [sflag:$0x1] =	stream.linear.gather [hbm4b:s30+s2], $0x80, $0x38;
	[tilespmem:$0x2600] =	vst v63  }
0x1fa: {  	s30 =	sand.u32 $0x1FFFFFF0, s0  }
0x1fb: {  	s31 =	simm.s32 $0x1580;
	s30 =	sadd.s32 s4, s30;
	s0 =	spop (v2sf);
	(v2sf) =	vpush v61, $0x6  }
0x1fc: {  	[tilespmem:s31], [sflag:$0x3] =	stream.linear.gather [hbm4b:s30+s2], $0x80, $0x38;
	[tilespmem:$0x2600] =	vst v63  }
0x1fd: {  	s30 =	sand.u32 $0x1FFFFFF0, s0;
	s0 =	spop (v2sf);
	(v2sf) =	vpush v60, $0x6  }
0x1fe: {  	s31 =	simm.s32 $0x600;
	s30 =	sadd.s32 s3, s30  }
0x1ff: {  	[tilespmem:s31], [sflag:$0x1] =	stream.linear.gather [hbm4b:s30+s2], $0x80, $0x38;
	[tilespmem:$0x2600] =	vst v63  }
0x200: {  	s30 =	sand.u32 $0x1FFFFFF0, s0;
	s0 =	spop (v2sf);
	(v2sf) =	vpush v61, $0x7;
	_ =	sdelay $0x2  }
0x201: {  	s31 =	simm.s32 $0x1600;
	s30 =	sadd.s32 s4, s30  }
0x202: {  	[tilespmem:s31], [sflag:$0x3] =	stream.linear.gather [hbm4b:s30+s2], $0x80, $0x38;
	[tilespmem:$0x2600] =	vst v63  }
0x203: {  	s30 =	sand.u32 $0x1FFFFFF0, s0;
	s0 =	spop (v2sf);
	(v2sf) =	vpush v60, $0x7;
	_ =	sdelay $0x1  }
0x204: {  	s31 =	simm.s32 $0x680;
	s30 =	sadd.s32 s3, s30  }
0x205: {  	[tilespmem:s31], [sflag:$0x1] =	stream.linear.gather [hbm4b:s30+s2], $0x80, $0x38;
	[tilespmem:$0x2600] =	vst v63  }
0x206: {  	s30 =	sand.u32 $0x1FFFFFF0, s0  }
0x207: {  	s31 =	simm.s32 $0x1680;
	s30 =	sadd.s32 s4, s30;
	s0 =	spop (v2sf);
	(v2sf) =	vpush v61, $0x8  }
0x208: {  	[tilespmem:s31], [sflag:$0x3] =	stream.linear.gather [hbm4b:s30+s2], $0x80, $0x38;
	[tilespmem:$0x2600] =	vst v63  }
0x209: {  	s30 =	sand.u32 $0x1FFFFFF0, s0;
	s0 =	spop (v2sf);
	(v2sf) =	vpush v60, $0x8  }
0x20a: {  	s31 =	simm.s32 $0x700;
	s30 =	sadd.s32 s3, s30  }
0x20b: {  	[tilespmem:s31], [sflag:$0x1] =	stream.linear.gather [hbm4b:s30+s2], $0x80, $0x38;
	[tilespmem:$0x2600] =	vst v63  }
0x20c: {  	s30 =	sand.u32 $0x1FFFFFF0, s0;
	s0 =	spop (v2sf);
	(v2sf) =	vpush v61, $0x9;
	_ =	sdelay $0x2  }
0x20d: {  	s31 =	simm.s32 $0x1700;
	s30 =	sadd.s32 s4, s30  }
0x20e: {  	[tilespmem:s31], [sflag:$0x3] =	stream.linear.gather [hbm4b:s30+s2], $0x80, $0x38;
	[tilespmem:$0x2600] =	vst v63  }
0x20f: {  	s30 =	sand.u32 $0x1FFFFFF0, s0;
	s0 =	spop (v2sf);
	(v2sf) =	vpush v60, $0x9;
	_ =	sdelay $0x1  }
0x210: {  	s31 =	simm.s32 $0x780;
	s30 =	sadd.s32 s3, s30  }
0x211: {  	[tilespmem:s31], [sflag:$0x1] =	stream.linear.gather [hbm4b:s30+s2], $0x80, $0x38;
	[tilespmem:$0x2600] =	vst v63  }
0x212: {  	s30 =	sand.u32 $0x1FFFFFF0, s0  }
0x213: {  	s31 =	simm.s32 $0x1780;
	s30 =	sadd.s32 s4, s30;
	s0 =	spop (v2sf);
	(v2sf) =	vpush v61, $0xA  }
0x214: {  	[tilespmem:s31], [sflag:$0x3] =	stream.linear.gather [hbm4b:s30+s2], $0x80, $0x38;
	[tilespmem:$0x2600] =	vst v63  }
0x215: {  	s30 =	sand.u32 $0x1FFFFFF0, s0;
	s0 =	spop (v2sf);
	(v2sf) =	vpush v60, $0xA  }
0x216: {  	s31 =	simm.s32 $0x800;
	s30 =	sadd.s32 s3, s30  }
0x217: {  	[tilespmem:s31], [sflag:$0x1] =	stream.linear.gather [hbm4b:s30+s2], $0x80, $0x38;
	[tilespmem:$0x2600] =	vst v63  }
0x218: {  	s30 =	sand.u32 $0x1FFFFFF0, s0;
	s0 =	spop (v2sf);
	(v2sf) =	vpush v61, $0xB;
	_ =	sdelay $0x2  }
0x219: {  	s31 =	simm.s32 $0x1800;
	s30 =	sadd.s32 s4, s30  }
0x21a: {  	[tilespmem:s31], [sflag:$0x3] =	stream.linear.gather [hbm4b:s30+s2], $0x80, $0x38;
	[tilespmem:$0x2600] =	vst v63  }
0x21b: {  	s30 =	sand.u32 $0x1FFFFFF0, s0;
	s0 =	spop (v2sf);
	(v2sf) =	vpush v60, $0xB;
	_ =	sdelay $0x1  }
0x21c: {  	s31 =	simm.s32 $0x880;
	s30 =	sadd.s32 s3, s30  }
0x21d: {  	[tilespmem:s31], [sflag:$0x1] =	stream.linear.gather [hbm4b:s30+s2], $0x80, $0x38;
	[tilespmem:$0x2600] =	vst v63  }
0x21e: {  	s30 =	sand.u32 $0x1FFFFFF0, s0  }
0x21f: {  	s31 =	simm.s32 $0x1880;
	s30 =	sadd.s32 s4, s30;
	s0 =	spop (v2sf);
	(v2sf) =	vpush v61, $0xC  }
0x220: {  	[tilespmem:s31], [sflag:$0x3] =	stream.linear.gather [hbm4b:s30+s2], $0x80, $0x38;
	[tilespmem:$0x2600] =	vst v63  }
0x221: {  	s30 =	sand.u32 $0x1FFFFFF0, s0;
	s0 =	spop (v2sf);
	(v2sf) =	vpush v60, $0xC  }
0x222: {  	s31 =	simm.s32 $0x900;
	s30 =	sadd.s32 s3, s30  }
0x223: {  	[tilespmem:s31], [sflag:$0x1] =	stream.linear.gather [hbm4b:s30+s2], $0x80, $0x38;
	[tilespmem:$0x2600] =	vst v63  }
0x224: {  	s30 =	sand.u32 $0x1FFFFFF0, s0;
	s0 =	spop (v2sf);
	(v2sf) =	vpush v61, $0xD;
	_ =	sdelay $0x2  }
0x225: {  	s31 =	simm.s32 $0x1900;
	s30 =	sadd.s32 s4, s30  }
0x226: {  	[tilespmem:s31], [sflag:$0x3] =	stream.linear.gather [hbm4b:s30+s2], $0x80, $0x38;
	[tilespmem:$0x2600] =	vst v63  }
0x227: {  	s30 =	sand.u32 $0x1FFFFFF0, s0;
	s0 =	spop (v2sf);
	(v2sf) =	vpush v60, $0xD;
	_ =	sdelay $0x1  }
0x228: {  	s31 =	simm.s32 $0x980;
	s30 =	sadd.s32 s3, s30  }
0x229: {  	[tilespmem:s31], [sflag:$0x1] =	stream.linear.gather [hbm4b:s30+s2], $0x80, $0x38;
	[tilespmem:$0x2600] =	vst v63  }
0x22a: {  	s30 =	sand.u32 $0x1FFFFFF0, s0  }
0x22b: {  	s31 =	simm.s32 $0x1980;
	s30 =	sadd.s32 s4, s30;
	s0 =	spop (v2sf);
	(v2sf) =	vpush v61, $0xE  }
0x22c: {  	[tilespmem:s31], [sflag:$0x3] =	stream.linear.gather [hbm4b:s30+s2], $0x80, $0x38;
	[tilespmem:$0x2600] =	vst v63  }
0x22d: {  	s30 =	sand.u32 $0x1FFFFFF0, s0;
	s0 =	spop (v2sf);
	(v2sf) =	vpush v60, $0xE  }
0x22e: {  	s31 =	simm.s32 $0xA00;
	s30 =	sadd.s32 s3, s30  }
0x22f: {  	[tilespmem:s31], [sflag:$0x1] =	stream.linear.gather [hbm4b:s30+s2], $0x80, $0x38;
	[tilespmem:$0x2600] =	vst v63  }
0x230: {  	s30 =	sand.u32 $0x1FFFFFF0, s0;
	s0 =	spop (v2sf);
	(v2sf) =	vpush v61, $0xF;
	_ =	sdelay $0x1  }
0x231: {  	s31 =	simm.s32 $0x1A00;
	s30 =	sadd.s32 s4, s30  }
0x232: {  	[tilespmem:s31], [sflag:$0x3] =	stream.linear.gather [hbm4b:s30+s2], $0x80, $0x38;
	[tilespmem:$0x2600] =	vst v63  }
0x233: {  	s30 =	sand.u32 $0x1FFFFFF0, s0  }
0x234: {  	s31 =	simm.s32 $0xA80;
	s0 =	spop (v2sf);
	(v2sf) =	vpush v60, $0xF;
	s30 =	sadd.s32 s3, s30  }
0x235: {  	[tilespmem:s31], [sflag:$0x1] =	stream.linear.gather [hbm4b:s30+s2], $0x80, $0x38;
	[tilespmem:$0x2600] =	vst v63  }
0x236: {  	s30 =	sand.u32 $0x1FFFFFF0, s0  }
0x237: {  	s31 =	simm.s32 $0x1A80;
	s30 =	sadd.s32 s4, s30  }
0x238: {  	[tilespmem:s31], [sflag:$0x3] =	stream.linear.gather [hbm4b:s30+s2], $0x80, $0x38;
	[tilespmem:$0x2600] =	vst v63  }
0x239: {  	s0 =	spop (v2sf)  }
0x23a: {  	s30 =	sand.u32 $0x1FFFFFF0, s0  }
0x23b: {  	s31 =	simm.s32 $0xB00;
	s0 =	spop (v2sf);
	s30 =	sadd.s32 s3, s30  }
0x23c: {  	[tilespmem:s31], [sflag:$0x1] =	stream.linear.gather [hbm4b:s30+s2], $0x80, $0x38;
	[tilespmem:$0x2600] =	vst v63  }
0x23d: {  	s30 =	sand.u32 $0x1FFFFFF0, s0  }
0x23e: {  	s31 =	simm.s32 $0x1B00;
	s0 =	spop (v2sf);
	s30 =	sadd.s32 s4, s30  }
0x23f: {  	[tilespmem:s31], [sflag:$0x3] =	stream.linear.gather [hbm4b:s30+s2], $0x80, $0x38;
	[tilespmem:$0x2600] =	vst v63  }
0x240: {  	s30 =	sand.u32 $0x1FFFFFF0, s0  }
0x241: {  	s31 =	simm.s32 $0xB80;
	s30 =	sadd.s32 s3, s30  }
0x242: {  	[tilespmem:s31], [sflag:$0x1] =	stream.linear.gather [hbm4b:s30+s2], $0x80, $0x38;
	[tilespmem:$0x2600] =	vst v63  }
.Ltmp5:
0x243: {  	s0 =	spop (v2sf);
	(pc) =	sbr.rel .LBB2_4-.Ltmp5, $4  }
0x244: {  	s30 =	sand.u32 $0x1FFFFFF0, s0  }
0x245: {  	s31 =	simm.s32 $0x1B80;
	s30 =	sadd.s32 s4, s30  }
0x246: {  	[tilespmem:s31], [sflag:$0x3] =	stream.linear.gather [hbm4b:s30+s2], $0x80, $0x38;
	[tilespmem:$0x2600] =	vst v63  }
0x247: {  	s31 =	simm.s32 $0xC00  }
.LBB2_6:
0x248: {  	_ =	sfence.sel $0x180000  }
0x249: {  	[bflag:$0x0] =	sbarrier.arrive $0xFFFF  }
0x24a: {  	_ =	strace $0x90000047  }
0x24b: {  	s0 =	stileid.u32;
	[bflag:$0x2] =	sbarrier.arrive $0xFFFF  }
0x24c: {  	p0 =	sne.s32 s0, $0x0;
	s0 =	rddreg [dreg:$0x4]  }
0x24d: {  	s0 =	sadd.s32 @!p0 $0x100000, s0  }
0x24e: {  	[sflag:s0] =	ssyncadd.tile.s32 @!p0 $0x1;
	_ =	shalt  }
.Lfunc_end2:
_tile_overlayer_lowered:
.L_overlay_start_2:
0x24f: {  	(tag) =	ssettag $0x2  }
0x250: {  	s0 =	rddreg [dreg:$0x0];
	s2 =	stileid.u32  }
0x251: {  	s1 =	rddreg [dreg:$0x1];
	p0 =	sne.s32 s2, $0x0  }
0x252: {  	s3 =	rddreg [dreg:$0x2];
	[bflag:$0x3] =	sbarrier.arrive $0xFFFF;
	s2 =	simm.s32 @!p0 $0x1C05  }
0x253: {  	[timem:s3], [sflag:s2] =	dma.local @!p0 [hbm:s0], s1  }
0x254: {  	s0 =	simm.s32 @!p0 $0x5  }
0x255: {  	_ =	swait.ge @!p0 [sflag:s0], s1  }
0x256: {  	s1 =	ssub.s32 @!p0 $0x0, s1;
	[sflag:s0] =	ssyncset.done @!p0 $0x0  }
0x257: {  	[sflag:s0] =	ssyncadd.s32 @!p0 s1  }
0x258: {  	[bflag:$0x3] =	sbarrier.arrive $0xFFFF  }
0x259: {  	_ =	shalt  }

</sc_bundles>
